<compile_context>
chip_gen: v7x
topology: tpu7x:2x2x1
jax: 0.10.2.dev20260603
libtpu: 0.0.44.dev20260713+nightly
codegen_flags: <defaults>
</compile_context>

<pallas_src>
import functools

import jax
import jax.numpy as jnp
from jax import lax
from jax.experimental import pallas as pl
from jax.experimental.pallas import tpu as pltpu
from jax.experimental.pallas import tpu_sc as plsc

LANES = 16
CH = 8192


@functools.cache
def _build(batch, dim, rows):
    info = plsc.get_sparse_core_info()
    nc, ns = info.num_cores, info.num_subcores
    assert nc == 2 and ns == 16 and dim == LANES
    nfull = rows // CH
    tail = rows - nfull * CH
    tailc = (tail // 128) * 128
    trem = tail - tailc
    nb = nfull + (1 if tail else 0)
    nbpad = ((nb + LANES - 1) // LANES) * LANES
    scap = batch + nb * LANES
    scap = ((scap + LANES - 1) // LANES) * LANES
    groups = batch // LANES
    ppw = batch // ns

    mesh = plsc.VectorSubcoreMesh(core_axis_name="c", subcore_axis_name="s")

    @functools.partial(
        pl.kernel,
        mesh=mesh,
        compiler_params=pltpu.CompilerParams(needs_layout_passes=False),
        out_type=jax.ShapeDtypeStruct((nc * batch,), jnp.float32),
        scratch_types=[
            pltpu.VMEM((batch,), jnp.int32),
            pltpu.VMEM((batch,), jnp.int32),
            pltpu.VMEM((scap,), jnp.int32),
            pltpu.VMEM((nbpad * LANES,), jnp.int32),
            pltpu.VMEM((nbpad * LANES,), jnp.int32),
            pltpu.VMEM((2 * CH,), jnp.float32),
            pltpu.VMEM((2, ppw), jnp.int32),
            pltpu.VMEM((2, ppw), jnp.int32),
            pltpu.VMEM((ppw,), jnp.float32),
            pltpu.VMEM((max(trem, 1) * LANES,), jnp.float32),
            pltpu.VMEM((max(trem, 1) * LANES,), jnp.float32),
            pltpu.VMEM_SHARED((ns * batch,), jnp.int32),
            pltpu.SemaphoreType.DMA,
            pltpu.SemaphoreType.DMA,
        ],
    )
    def mf(user_hbm, item_hbm, utab_hbm, itab_hbm, utail_hbm, itail_hbm,
           out_hbm, idx_v, idxi_v, sort_v, cnt_v, off_v, buf_v, su_v, sv_v,
           red_v, tail_v, taili_v, shared, sem0, sem1):
        c = lax.axis_index("c")
        s = lax.axis_index("s")
        tab = s // 8
        f = c * 8 + s % 8
        lane = lax.iota(jnp.int32, LANES)

        pltpu.sync_copy(user_hbm, idx_v)
        pltpu.sync_copy(item_hbm, idxi_v)
        is_item = jnp.full((LANES,), tab, jnp.int32) > 0
        if trem:
            pltpu.sync_copy(utail_hbm, tail_v)
            pltpu.sync_copy(itail_hbm, taili_v)

        def zero(i, _):
            cnt_v[pl.ds(i * LANES, LANES)] = jnp.zeros((LANES,), jnp.int32)
            return _

        lax.fori_loop(0, nbpad, zero, None)

        def count(g, _):
            sl = pl.ds(g * LANES, LANES)
            idx = jnp.where(is_item, idxi_v[sl], idx_v[sl])
            key = (idx // CH) * LANES + lane
            plsc.addupdate_scatter(cnt_v, [key], jnp.ones((LANES,), jnp.int32))
            return _

        lax.fori_loop(0, groups, count, None)

        def prefix(b, run):
            blk = cnt_v[pl.ds(b * LANES, LANES)]
            excl = plsc.cumsum(blk) - blk
            off_v[pl.ds(b * LANES, LANES)] = excl + run
            tot = jnp.sum(blk)
            return run + ((tot + LANES - 1) // LANES) * LANES

        lax.fori_loop(0, nb, prefix, jnp.int32(0))

        def scat(g, _):
            sl = pl.ds(g * LANES, LANES)
            idx = jnp.where(is_item, idxi_v[sl], idx_v[sl])
            key = (idx // CH) * LANES + lane
            slot = plsc.load_gather(off_v, [key])
            plsc.store_scatter(off_v, [key], slot + 1)
            packed = (idx % CH) * (batch) + (g * LANES + lane)
            plsc.store_scatter(sort_v, [slot], packed)
            return _

        lax.fori_loop(0, groups, scat, None)

        def wait_chunk(par, n, sem):
            pltpu.make_async_copy(
                utab_hbm.at[0, pl.ds(0, n)],
                buf_v.at[pl.ds(par * CH, n)], sem).wait()

        def extract(b, par, run):
            blk = cnt_v[pl.ds(b * LANES, LANES)]
            cnt = jnp.sum(blk)
            ng = (cnt + LANES - 1) // LANES
            bb = par * CH

            def inner(j, _):
                ent = sort_v[pl.ds(run + j * LANES, LANES)]
                valid = (j * LANES + lane) < cnt
                cc = ent // batch
                pos = ent % batch
                vals = plsc.load_gather(buf_v, [cc + bb], mask=valid)
                plsc.store_scatter(idx_v, [pos], plsc.bitcast(vals, jnp.int32),
                                   mask=valid)
                return _

            lax.fori_loop(0, ng, inner, None)
            return run + ng * LANES

        npairs = nfull // 2

        def run_sweep(tab_hbm):
            def start_chunk(b, par, n, sem):
                h = n // 2
                if h % 128:
                    pltpu.async_copy(tab_hbm.at[f, pl.ds(b * CH, n)],
                                     buf_v.at[pl.ds(par * CH, n)], sem)
                else:
                    pltpu.async_copy(tab_hbm.at[f, pl.ds(b * CH, h)],
                                     buf_v.at[pl.ds(par * CH, h)], sem)
                    pltpu.async_copy(tab_hbm.at[f, pl.ds(b * CH + h, h)],
                                     buf_v.at[pl.ds(par * CH + h, h)], sem)

            start_chunk(0, 0, CH, sem0)
            start_chunk(1, 1, CH, sem1)

            def sweep(t, run):
                b0 = 2 * t
                wait_chunk(0, CH, sem0)
                run = extract(b0, 0, run)

                @pl.when(b0 + 2 < nfull)
                def _():
                    start_chunk(b0 + 2, 0, CH, sem0)

                if tailc:
                    @pl.when(b0 + 2 == nfull)
                    def _():
                        start_chunk(nfull, 0, tailc, sem0)

                wait_chunk(1, CH, sem1)
                run = extract(b0 + 1, 1, run)

                @pl.when(b0 + 3 < nfull)
                def _():
                    start_chunk(b0 + 3, 1, CH, sem1)

                return run

            run = lax.fori_loop(0, npairs, sweep, jnp.int32(0))
            if tail:
                if tailc:
                    wait_chunk(0, tailc, sem0)
                blk = cnt_v[pl.ds(nfull * LANES, LANES)]
                cnt = jnp.sum(blk)
                ng = (cnt + LANES - 1) // LANES

                def tinner(j, _):
                    ent = sort_v[pl.ds(run + j * LANES, LANES)]
                    valid = (j * LANES + lane) < cnt
                    cc = ent // batch
                    pos = ent % batch
                    in_chunk = valid & (cc < tailc)
                    in_rem = valid & (cc >= tailc)
                    v1 = plsc.load_gather(buf_v, [cc], mask=in_chunk)
                    v2u = plsc.load_gather(
                        tail_v, [(cc - tailc) * LANES + f], mask=in_rem)
                    v2i = plsc.load_gather(
                        taili_v, [(cc - tailc) * LANES + f], mask=in_rem)
                    v2 = jnp.where(is_item, v2i, v2u)
                    vals = jnp.where(cc < tailc, v1, v2)
                    plsc.store_scatter(idx_v, [pos],
                                       plsc.bitcast(vals, jnp.int32),
                                       mask=valid)
                    return _

                lax.fori_loop(0, ng, tinner, None)

        @pl.when(s < 8)
        def _():
            run_sweep(utab_hbm)

        @pl.when(s >= 8)
        def _():
            run_sweep(itab_hbm)

        pltpu.sync_copy(idx_v, shared.at[pl.ds(s * batch, batch)])
        plsc.subcore_barrier()

        base = s * ppw

        def zred(i, _):
            red_v[pl.ds(i * LANES, LANES)] = jnp.zeros((LANES,), jnp.float32)
            return _

        lax.fori_loop(0, ppw // LANES, zred, None)

        def stage(j, par):
            pltpu.async_copy(
                shared.at[pl.ds(j * batch + base, ppw)], su_v.at[par], sem0)
            pltpu.async_copy(
                shared.at[pl.ds((j + 8) * batch + base, ppw)], sv_v.at[par],
                sem1)

        def drain(par):
            pltpu.make_async_copy(
                shared.at[pl.ds(base, ppw)], su_v.at[par], sem0).wait()
            pltpu.make_async_copy(
                shared.at[pl.ds(base, ppw)], sv_v.at[par], sem1).wait()

        stage(0, 0)
        for j in range(8):
            if j + 1 < 8:
                stage(j + 1, (j + 1) % 2)
            drain(j % 2)

            def fma(i, _):
                sl = pl.ds(i * LANES, LANES)
                u = plsc.bitcast(su_v[j % 2, sl], jnp.float32)
                v = plsc.bitcast(sv_v[j % 2, sl], jnp.float32)
                red_v[sl] = red_v[sl] + u * v
                return _

            lax.fori_loop(0, ppw // LANES, fma, None)

        pltpu.sync_copy(red_v, out_hbm.at[pl.ds(c * batch + base, ppw)])

    return mf


def kernel(user, item, user_table, item_table):
    batch = user.shape[0]
    rows, dim = user_table.shape
    mf = _build(batch, dim, rows)
    cut = rows - (rows % 128 if rows % CH else 0)
    utail = user_table[cut:].reshape(-1)
    itail = item_table[cut:].reshape(-1)
    parts = mf(user.astype(jnp.int32), item.astype(jnp.int32),
               user_table.T, item_table.T, utail, itail)
    return (parts[:batch] + parts[batch:])[:, None]

# --- scband reference (transcript-rebuilt; emitter-appended) ---
"""Pipeline reference for scband-news-mf-52209622450209 (READ-ONLY COPY).

The authoritative reference and input builder live on the scoring server;
editing this copy changes nothing except your own understanding.
"""

import jax, jax.numpy as jnp
import numpy as np

NUM_USERS = 1000000
NUM_ITEMS = 1000000
DIM = 16
BATCH = 16384

def setup_inputs(seed: int = 0) -> dict:
    key = jax.random.key(seed)
    k_u, k_i, k_ut, k_it = jax.random.split(key, 4)
    user = jax.random.randint(k_u, (BATCH,), 0, NUM_USERS, dtype=jnp.int64 if jax.config.jax_enable_x64 else jnp.int32)
    item = jax.random.randint(k_i, (BATCH,), 0, NUM_ITEMS, dtype=jnp.int64 if jax.config.jax_enable_x64 else jnp.int32)
    user_table = jax.random.normal(k_ut, (NUM_USERS, DIM), dtype=jnp.float32)
    item_table = jax.random.normal(k_it, (NUM_ITEMS, DIM), dtype=jnp.float32)
    return {"user": user, "item": item, "user_table": user_table, "item_table": item_table}

def reference(user, item, user_table, item_table):
    uservec = jnp.take(user_table, user, axis=0)
    itemvec = jnp.take(item_table, item, axis=0)
    score = (uservec * itemvec).sum(-1)[..., None]
    return score

if __name__ == "__main__":
    import jax
    _d = setup_inputs()
    print(jax.jit(kernel)(*tuple(_d.values())))

</pallas_src>

<mosaic_0001>
#map = affine_map<(d0, d1) -> (0)>
#map1 = affine_map<(d0, d1) -> (0, 0)>
module attributes {stable_mosaic.version = 14 : i64} {
  func.func @mf(%arg0: i32, %arg1: i32, %arg2: memref<16384xi32, #tpu.memory_space<hbm>>, %arg3: memref<16384xi32, #tpu.memory_space<hbm>>, %arg4: memref<16x1000000xf32, #tpu.memory_space<hbm>>, %arg5: memref<16x1000000xf32, #tpu.memory_space<hbm>>, %arg6: memref<1024xf32, #tpu.memory_space<hbm>>, %arg7: memref<1024xf32, #tpu.memory_space<hbm>>, %arg8: memref<32768xf32, #tpu.memory_space<hbm>>, %arg9: memref<16384xi32, #tpu.memory_space<vmem>>, %arg10: memref<16384xi32, #tpu.memory_space<vmem>>, %arg11: memref<18352xi32, #tpu.memory_space<vmem>>, %arg12: memref<2048xi32, #tpu.memory_space<vmem>>, %arg13: memref<2048xi32, #tpu.memory_space<vmem>>, %arg14: memref<16384xf32, #tpu.memory_space<vmem>>, %arg15: memref<2x1024xi32, #tpu.memory_space<vmem>>, %arg16: memref<2x1024xi32, #tpu.memory_space<vmem>>, %arg17: memref<1024xf32, #tpu.memory_space<vmem>>, %arg18: memref<1024xf32, #tpu.memory_space<vmem>>, %arg19: memref<1024xf32, #tpu.memory_space<vmem>>, %arg20: memref<262144xi32, #tpu.memory_space<vmem_shared>>, %arg21: memref<!tpu.dma_semaphore, #tpu.memory_space<semaphore_mem>>, %arg22: memref<!tpu.dma_semaphore, #tpu.memory_space<semaphore_mem>>) attributes {dimension_semantics = [#tpu.dimension_semantics<core_parallel>, #tpu.dimension_semantics<subcore_parallel>], iteration_bounds = array<i64: 2, 16>, scalar_prefetch = 0 : i64, scratch_operands = 14 : i64, tpu.core_type = #tpu.core_type<sc_vector_subcore>, window_params = [{transform_indices = #map}, {transform_indices = #map}, {transform_indices = #map1}, {transform_indices = #map1}, {transform_indices = #map}, {transform_indices = #map}, {transform_indices = #map}]} {
    %jit3A = arith.constant 8 : i32
    %div3A = arith.divsi %arg1, %jit3A : i32
    %sign3A = arith.constant 0 : i32
    %sign3A_0 = arith.cmpi sgt, %arg1, %sign3A : i32
    %sign3A_1 = arith.extui %sign3A_0 : i1 to i32
    %sign3A_2 = arith.constant 0 : i32
    %sign3A_3 = arith.cmpi slt, %arg1, %sign3A_2 : i32
    %sign3A_4 = arith.extui %sign3A_3 : i1 to i32
    %sign3A_5 = arith.subi %sign3A_1, %sign3A_4 : i32
    %sign3A_6 = arith.constant 0 : i32
    %sign3A_7 = arith.cmpi sgt, %jit3A, %sign3A_6 : i32
    %sign3A_8 = arith.extui %sign3A_7 : i1 to i32
    %sign3A_9 = arith.constant 0 : i32
    %sign3A_10 = arith.cmpi slt, %jit3A, %sign3A_9 : i32
    %sign3A_11 = arith.extui %sign3A_10 : i1 to i32
    %sign3A_12 = arith.subi %sign3A_8, %sign3A_11 : i32
    %ne3A = arith.cmpi ne, %sign3A_5, %sign3A_12 : i32
    %rem3A = arith.remsi %arg1, %jit3A : i32
    %ne3A_13 = arith.constant 0 : i32
    %ne3A_14 = arith.cmpi ne, %rem3A, %ne3A_13 : i32
    %and3A = arith.andi %ne3A, %ne3A_14 : i1
    %sub3A = arith.constant 1 : i32
    %sub3A_15 = arith.subi %div3A, %sub3A : i32
    %select_n3A = arith.select %and3A, %sub3A_15, %div3A : i32
    %mul3A = arith.constant 8 : i32
    %mul3A_16 = arith.muli %arg0, %mul3A : i32
    %jit3A_17 = arith.constant 8 : i32
    %eq3A = arith.constant 0 : i32
    %eq3A_18 = arith.cmpi eq, %jit3A_17, %eq3A : i32
    %jit3A_19 = arith.constant 1 : i32
    %select_n3A_20 = arith.select %eq3A_18, %jit3A_19, %jit3A_17 : i32
    %rem3A_21 = arith.remsi %arg1, %select_n3A_20 : i32
    %ne3A_22 = arith.constant 0 : i32
    %ne3A_23 = arith.cmpi ne, %rem3A_21, %ne3A_22 : i32
    %lt3A = arith.constant 0 : i32
    %lt3A_24 = arith.cmpi slt, %rem3A_21, %lt3A : i32
    %lt3A_25 = arith.constant 0 : i32
    %lt3A_26 = arith.cmpi slt, %select_n3A_20, %lt3A_25 : i32
    %ne3A_27 = arith.xori %lt3A_24, %lt3A_26 : i1
    %and3A_28 = arith.andi %ne3A_27, %ne3A_23 : i1
    %add3A = arith.addi %rem3A_21, %select_n3A_20 : i32
    %select_n3A_29 = arith.select %and3A_28, %add3A, %rem3A_21 : i32
    %add3A_30 = arith.addi %mul3A_16, %select_n3A_29 : i32
    %iota3A = tpu.iota {dimensions = array<i32: 0>} : vector<16xi32>
    "tpu.region"() ({
      %run_scoped3A = tpu.sem_alloc : memref<!tpu.dma_semaphore, #tpu.memory_space<semaphore_mem>>
      tpu.enqueue_dma source(%arg2 : memref<16384xi32, #tpu.memory_space<hbm>>) target(%arg9 : memref<16384xi32, #tpu.memory_space<vmem>>) target_semaphore(%run_scoped3A : memref<!tpu.dma_semaphore, #tpu.memory_space<semaphore_mem>>)
      tpu.wait_dma2 semaphore(%run_scoped3A : memref<!tpu.dma_semaphore, #tpu.memory_space<semaphore_mem>>) src(%arg2 : memref<16384xi32, #tpu.memory_space<hbm>>) dst(%arg9 : memref<16384xi32, #tpu.memory_space<vmem>>)
      tpu.yield
    }) : () -> ()
    "tpu.region"() ({
      %run_scoped3A = tpu.sem_alloc : memref<!tpu.dma_semaphore, #tpu.memory_space<semaphore_mem>>
      tpu.enqueue_dma source(%arg3 : memref<16384xi32, #tpu.memory_space<hbm>>) target(%arg10 : memref<16384xi32, #tpu.memory_space<vmem>>) target_semaphore(%run_scoped3A : memref<!tpu.dma_semaphore, #tpu.memory_space<semaphore_mem>>)
      tpu.wait_dma2 semaphore(%run_scoped3A : memref<!tpu.dma_semaphore, #tpu.memory_space<semaphore_mem>>) src(%arg3 : memref<16384xi32, #tpu.memory_space<hbm>>) dst(%arg10 : memref<16384xi32, #tpu.memory_space<vmem>>)
      tpu.yield
    }) : () -> ()
    %broadcast_in_dim3A = vector.broadcast %select_n3A : i32 to vector<16xi32>
    %gt3A = arith.constant 0 : i32
    %gt3A_31 = vector.broadcast %gt3A : i32 to vector<16xi32>
    %gt3A_32 = arith.cmpi sgt, %broadcast_in_dim3A, %gt3A_31 : vector<16xi32>
    "tpu.region"() ({
      %run_scoped3A = tpu.sem_alloc : memref<!tpu.dma_semaphore, #tpu.memory_space<semaphore_mem>>
      tpu.enqueue_dma source(%arg6 : memref<1024xf32, #tpu.memory_space<hbm>>) target(%arg18 : memref<1024xf32, #tpu.memory_space<vmem>>) target_semaphore(%run_scoped3A : memref<!tpu.dma_semaphore, #tpu.memory_space<semaphore_mem>>)
      tpu.wait_dma2 semaphore(%run_scoped3A : memref<!tpu.dma_semaphore, #tpu.memory_space<semaphore_mem>>) src(%arg6 : memref<1024xf32, #tpu.memory_space<hbm>>) dst(%arg18 : memref<1024xf32, #tpu.memory_space<vmem>>)
      tpu.yield
    }) : () -> ()
    "tpu.region"() ({
      %run_scoped3A = tpu.sem_alloc : memref<!tpu.dma_semaphore, #tpu.memory_space<semaphore_mem>>
      tpu.enqueue_dma source(%arg7 : memref<1024xf32, #tpu.memory_space<hbm>>) target(%arg19 : memref<1024xf32, #tpu.memory_space<vmem>>) target_semaphore(%run_scoped3A : memref<!tpu.dma_semaphore, #tpu.memory_space<semaphore_mem>>)
      tpu.wait_dma2 semaphore(%run_scoped3A : memref<!tpu.dma_semaphore, #tpu.memory_space<semaphore_mem>>) src(%arg7 : memref<1024xf32, #tpu.memory_space<hbm>>) dst(%arg19 : memref<1024xf32, #tpu.memory_space<vmem>>)
      tpu.yield
    }) : () -> ()
    %scan3A = arith.constant 0 : i32
    %scan3A_33 = arith.constant 128 : i32
    %scan3A_34 = arith.addi %scan3A, %scan3A_33 : i32
    %scan3A_35 = arith.constant 1 : i32
    scf.for %scan3A_431 = %scan3A to %scan3A_34 step %scan3A_35  : i32 {
      %broadcast_in_dim3A_432 = arith.constant 0 : i32
      %broadcast_in_dim3A_433 = vector.broadcast %broadcast_in_dim3A_432 : i32 to vector<16xi32>
      %mul3A_434 = arith.constant 16 : i32
      %mul3A_435 = arith.muli %scan3A_431, %mul3A_434 : i32
      %swap3A = arith.index_cast %mul3A_435 : i32 to index
      %swap3A_436 = tpu.vector_load %arg12[%swap3A] {strides = array<i32>} : memref<2048xi32, #tpu.memory_space<vmem>>, vector<16xi32>,
      tpu.vector_store %arg12[%swap3A], %broadcast_in_dim3A_433 {strides = array<i32>} : memref<2048xi32, #tpu.memory_space<vmem>>, vector<16xi32>,
    }
    %scan3A_36 = arith.constant 128 : i32
    %scan3A_37 = arith.constant 0 : i32
    %scan3A_38 = arith.constant 1024 : i32
    %scan3A_39 = arith.addi %scan3A_37, %scan3A_38 : i32
    %scan3A_40 = arith.constant 1 : i32
    scf.for %scan3A_431 = %scan3A_37 to %scan3A_39 step %scan3A_40  : i32 {
      %mul3A_432 = arith.constant 16 : i32
      %mul3A_433 = arith.muli %scan3A_431, %mul3A_432 : i32
      %get3A = arith.index_cast %mul3A_433 : i32 to index
      %get3A_434 = tpu.vector_load %arg10[%get3A] {strides = array<i32>} : memref<16384xi32, #tpu.memory_space<vmem>>, vector<16xi32>,
      %get3A_435 = arith.index_cast %mul3A_433 : i32 to index
      %get3A_436 = tpu.vector_load %arg9[%get3A_435] {strides = array<i32>} : memref<16384xi32, #tpu.memory_space<vmem>>, vector<16xi32>,
      %select_n3A_437 = arith.select %gt3A_32, %get3A_434, %get3A_436 : vector<16xi1>, vector<16xi32>
      %jit3A_438 = arith.constant 8192 : i32
      %div3A_439 = vector.broadcast %jit3A_438 : i32 to vector<16xi32>
      %div3A_440 = arith.divsi %select_n3A_437, %div3A_439 : vector<16xi32>
      %sign3A_441 = arith.constant 0 : i32
      %sign3A_442 = vector.broadcast %sign3A_441 : i32 to vector<16xi32>
      %sign3A_443 = arith.cmpi sgt, %select_n3A_437, %sign3A_442 : vector<16xi32>
      %sign3A_444 = arith.extui %sign3A_443 : vector<16xi1> to vector<16xi32>
      %sign3A_445 = arith.constant 0 : i32
      %sign3A_446 = vector.broadcast %sign3A_445 : i32 to vector<16xi32>
      %sign3A_447 = arith.cmpi slt, %select_n3A_437, %sign3A_446 : vector<16xi32>
      %sign3A_448 = arith.extui %sign3A_447 : vector<16xi1> to vector<16xi32>
      %sign3A_449 = arith.subi %sign3A_444, %sign3A_448 : vector<16xi32>
      %sign3A_450 = arith.constant 0 : i32
      %sign3A_451 = arith.cmpi sgt, %jit3A_438, %sign3A_450 : i32
      %sign3A_452 = arith.extui %sign3A_451 : i1 to i32
      %sign3A_453 = arith.constant 0 : i32
      %sign3A_454 = arith.cmpi slt, %jit3A_438, %sign3A_453 : i32
      %sign3A_455 = arith.extui %sign3A_454 : i1 to i32
      %sign3A_456 = arith.subi %sign3A_452, %sign3A_455 : i32
      %ne3A_457 = vector.broadcast %sign3A_456 : i32 to vector<16xi32>
      %ne3A_458 = arith.cmpi ne, %sign3A_449, %ne3A_457 : vector<16xi32>
      %rem3A_459 = vector.broadcast %jit3A_438 : i32 to vector<16xi32>
      %rem3A_460 = arith.remsi %select_n3A_437, %rem3A_459 : vector<16xi32>
      %ne3A_461 = arith.constant 0 : i32
      %ne3A_462 = vector.broadcast %ne3A_461 : i32 to vector<16xi32>
      %ne3A_463 = arith.cmpi ne, %rem3A_460, %ne3A_462 : vector<16xi32>
      %and3A_464 = arith.andi %ne3A_458, %ne3A_463 : vector<16xi1>
      %sub3A_465 = arith.constant 1 : i32
      %sub3A_466 = vector.broadcast %sub3A_465 : i32 to vector<16xi32>
      %sub3A_467 = arith.subi %div3A_440, %sub3A_466 : vector<16xi32>
      %select_n3A_468 = arith.select %and3A_464, %sub3A_467, %div3A_440 : vector<16xi1>, vector<16xi32>
      %mul3A_469 = arith.constant 16 : i32
      %mul3A_470 = vector.broadcast %mul3A_469 : i32 to vector<16xi32>
      %mul3A_471 = arith.muli %select_n3A_468, %mul3A_470 : vector<16xi32>
      %add3A_472 = arith.addi %mul3A_471, %iota3A : vector<16xi32>
      %broadcast_in_dim3A_473 = arith.constant 1 : i32
      %broadcast_in_dim3A_474 = vector.broadcast %broadcast_in_dim3A_473 : i32 to vector<16xi32>
      tpu.vector_store_idx %arg12[%add3A_472], %broadcast_in_dim3A_474 {add = true} : memref<2048xi32, #tpu.memory_space<vmem>>[vector<16xi32>], vector<16xi32>,
    }
    %scan3A_41 = arith.constant 1024 : i32
    %scan3A_42 = arith.constant 0 : i32
    %scan3A_43 = arith.constant 0 : i32
    %scan3A_44 = arith.constant 123 : i32
    %scan3A_45 = arith.addi %scan3A_43, %scan3A_44 : i32
    %scan3A_46 = arith.constant 1 : i32
    %scan3A_47 = scf.for %scan3A_431 = %scan3A_43 to %scan3A_45 step %scan3A_46 iter_args(%scan3A_432 = %scan3A_42) -> (i32)  : i32 {
      %mul3A_433 = arith.constant 16 : i32
      %mul3A_434 = arith.muli %scan3A_431, %mul3A_433 : i32
      %get3A = arith.index_cast %mul3A_434 : i32 to index
      %get3A_435 = tpu.vector_load %arg12[%get3A] {strides = array<i32>} : memref<2048xi32, #tpu.memory_space<vmem>>, vector<16xi32>,
      %broadcast_in_dim3A_436 = arith.constant true
      %broadcast_in_dim3A_437 = vector.broadcast %broadcast_in_dim3A_436 : i1 to vector<16xi1>
      %masked_cumsum3A = tpu.scan <sum>, %get3A_435 masked %broadcast_in_dim3A_437 : vector<16xi32>, vector<16xi1> -> vector<16xi32>
      %sub3A_438 = arith.subi %masked_cumsum3A, %get3A_435 : vector<16xi32>
      %add3A_439 = vector.broadcast %scan3A_432 : i32 to vector<16xi32>
      %add3A_440 = arith.addi %sub3A_438, %add3A_439 : vector<16xi32>
      %mul3A_441 = arith.constant 16 : i32
      %mul3A_442 = arith.muli %scan3A_431, %mul3A_441 : i32
      %swap3A = arith.index_cast %mul3A_442 : i32 to index
      %swap3A_443 = tpu.vector_load %arg13[%swap3A] {strides = array<i32>} : memref<2048xi32, #tpu.memory_space<vmem>>, vector<16xi32>,
      tpu.vector_store %arg13[%swap3A], %add3A_440 {strides = array<i32>} : memref<2048xi32, #tpu.memory_space<vmem>>, vector<16xi32>,
      %reduce_sum3A = arith.constant true
      %reduce_sum3A_444 = vector.broadcast %reduce_sum3A : i1 to vector<16xi1>
      %reduce_sum3A_445 = tpu.scan <sum>, %get3A_435 masked %reduce_sum3A_444 : vector<16xi32>, vector<16xi1> -> vector<16xi32>
      %reduce_sum3A_446 = vector.extract %reduce_sum3A_445[15] : i32 from vector<16xi32>
      %add3A_447 = arith.constant 16 : i32
      %add3A_448 = arith.addi %reduce_sum3A_446, %add3A_447 : i32
      %sub3A_449 = arith.constant 1 : i32
      %sub3A_450 = arith.subi %add3A_448, %sub3A_449 : i32
      %jit3A_451 = arith.constant 16 : i32
      %div3A_452 = arith.divsi %sub3A_450, %jit3A_451 : i32
      %sign3A_453 = arith.constant 0 : i32
      %sign3A_454 = arith.cmpi sgt, %sub3A_450, %sign3A_453 : i32
      %sign3A_455 = arith.extui %sign3A_454 : i1 to i32
      %sign3A_456 = arith.constant 0 : i32
      %sign3A_457 = arith.cmpi slt, %sub3A_450, %sign3A_456 : i32
      %sign3A_458 = arith.extui %sign3A_457 : i1 to i32
      %sign3A_459 = arith.subi %sign3A_455, %sign3A_458 : i32
      %sign3A_460 = arith.constant 0 : i32
      %sign3A_461 = arith.cmpi sgt, %jit3A_451, %sign3A_460 : i32
      %sign3A_462 = arith.extui %sign3A_461 : i1 to i32
      %sign3A_463 = arith.constant 0 : i32
      %sign3A_464 = arith.cmpi slt, %jit3A_451, %sign3A_463 : i32
      %sign3A_465 = arith.extui %sign3A_464 : i1 to i32
      %sign3A_466 = arith.subi %sign3A_462, %sign3A_465 : i32
      %ne3A_467 = arith.cmpi ne, %sign3A_459, %sign3A_466 : i32
      %rem3A_468 = arith.remsi %sub3A_450, %jit3A_451 : i32
      %ne3A_469 = arith.constant 0 : i32
      %ne3A_470 = arith.cmpi ne, %rem3A_468, %ne3A_469 : i32
      %and3A_471 = arith.andi %ne3A_467, %ne3A_470 : i1
      %sub3A_472 = arith.constant 1 : i32
      %sub3A_473 = arith.subi %div3A_452, %sub3A_472 : i32
      %select_n3A_474 = arith.select %and3A_471, %sub3A_473, %div3A_452 : i32
      %mul3A_475 = arith.constant 16 : i32
      %mul3A_476 = arith.muli %select_n3A_474, %mul3A_475 : i32
      %add3A_477 = arith.addi %scan3A_432, %mul3A_476 : i32
      scf.yield %add3A_477 : i32
    }
    %scan3A_48 = arith.constant 123 : i32
    %scan3A_49 = arith.constant 0 : i32
    %scan3A_50 = arith.constant 1024 : i32
    %scan3A_51 = arith.addi %scan3A_49, %scan3A_50 : i32
    %scan3A_52 = arith.constant 1 : i32
    scf.for %scan3A_431 = %scan3A_49 to %scan3A_51 step %scan3A_52  : i32 {
      %mul3A_432 = arith.constant 16 : i32
      %mul3A_433 = arith.muli %scan3A_431, %mul3A_432 : i32
      %get3A = arith.index_cast %mul3A_433 : i32 to index
      %get3A_434 = tpu.vector_load %arg10[%get3A] {strides = array<i32>} : memref<16384xi32, #tpu.memory_space<vmem>>, vector<16xi32>,
      %get3A_435 = arith.index_cast %mul3A_433 : i32 to index
      %get3A_436 = tpu.vector_load %arg9[%get3A_435] {strides = array<i32>} : memref<16384xi32, #tpu.memory_space<vmem>>, vector<16xi32>,
      %select_n3A_437 = arith.select %gt3A_32, %get3A_434, %get3A_436 : vector<16xi1>, vector<16xi32>
      %jit3A_438 = arith.constant 8192 : i32
      %div3A_439 = vector.broadcast %jit3A_438 : i32 to vector<16xi32>
      %div3A_440 = arith.divsi %select_n3A_437, %div3A_439 : vector<16xi32>
      %sign3A_441 = arith.constant 0 : i32
      %sign3A_442 = vector.broadcast %sign3A_441 : i32 to vector<16xi32>
      %sign3A_443 = arith.cmpi sgt, %select_n3A_437, %sign3A_442 : vector<16xi32>
      %sign3A_444 = arith.extui %sign3A_443 : vector<16xi1> to vector<16xi32>
      %sign3A_445 = arith.constant 0 : i32
      %sign3A_446 = vector.broadcast %sign3A_445 : i32 to vector<16xi32>
      %sign3A_447 = arith.cmpi slt, %select_n3A_437, %sign3A_446 : vector<16xi32>
      %sign3A_448 = arith.extui %sign3A_447 : vector<16xi1> to vector<16xi32>
      %sign3A_449 = arith.subi %sign3A_444, %sign3A_448 : vector<16xi32>
      %sign3A_450 = arith.constant 0 : i32
      %sign3A_451 = arith.cmpi sgt, %jit3A_438, %sign3A_450 : i32
      %sign3A_452 = arith.extui %sign3A_451 : i1 to i32
      %sign3A_453 = arith.constant 0 : i32
      %sign3A_454 = arith.cmpi slt, %jit3A_438, %sign3A_453 : i32
      %sign3A_455 = arith.extui %sign3A_454 : i1 to i32
      %sign3A_456 = arith.subi %sign3A_452, %sign3A_455 : i32
      %ne3A_457 = vector.broadcast %sign3A_456 : i32 to vector<16xi32>
      %ne3A_458 = arith.cmpi ne, %sign3A_449, %ne3A_457 : vector<16xi32>
      %rem3A_459 = vector.broadcast %jit3A_438 : i32 to vector<16xi32>
      %rem3A_460 = arith.remsi %select_n3A_437, %rem3A_459 : vector<16xi32>
      %ne3A_461 = arith.constant 0 : i32
      %ne3A_462 = vector.broadcast %ne3A_461 : i32 to vector<16xi32>
      %ne3A_463 = arith.cmpi ne, %rem3A_460, %ne3A_462 : vector<16xi32>
      %and3A_464 = arith.andi %ne3A_458, %ne3A_463 : vector<16xi1>
      %sub3A_465 = arith.constant 1 : i32
      %sub3A_466 = vector.broadcast %sub3A_465 : i32 to vector<16xi32>
      %sub3A_467 = arith.subi %div3A_440, %sub3A_466 : vector<16xi32>
      %select_n3A_468 = arith.select %and3A_464, %sub3A_467, %div3A_440 : vector<16xi1>, vector<16xi32>
      %mul3A_469 = arith.constant 16 : i32
      %mul3A_470 = vector.broadcast %mul3A_469 : i32 to vector<16xi32>
      %mul3A_471 = arith.muli %select_n3A_468, %mul3A_470 : vector<16xi32>
      %add3A_472 = arith.addi %mul3A_471, %iota3A : vector<16xi32>
      %gather3A = tpu.vector_load_idx %arg13[%add3A_472] : memref<2048xi32, #tpu.memory_space<vmem>>[vector<16xi32>], vector<16xi32>,
      %add3A_473 = arith.constant 1 : i32
      %add3A_474 = vector.broadcast %add3A_473 : i32 to vector<16xi32>
      %add3A_475 = arith.addi %gather3A, %add3A_474 : vector<16xi32>
      tpu.vector_store_idx %arg13[%add3A_472], %add3A_475 : memref<2048xi32, #tpu.memory_space<vmem>>[vector<16xi32>], vector<16xi32>,
      %jit3A_476 = arith.constant 8192 : i32
      %eq3A_477 = arith.constant 0 : i32
      %eq3A_478 = arith.cmpi eq, %jit3A_476, %eq3A_477 : i32
      %jit3A_479 = arith.constant 1 : i32
      %select_n3A_480 = arith.select %eq3A_478, %jit3A_479, %jit3A_476 : i32
      %rem3A_481 = vector.broadcast %select_n3A_480 : i32 to vector<16xi32>
      %rem3A_482 = arith.remsi %select_n3A_437, %rem3A_481 : vector<16xi32>
      %ne3A_483 = arith.constant 0 : i32
      %ne3A_484 = vector.broadcast %ne3A_483 : i32 to vector<16xi32>
      %ne3A_485 = arith.cmpi ne, %rem3A_482, %ne3A_484 : vector<16xi32>
      %lt3A_486 = arith.constant 0 : i32
      %lt3A_487 = vector.broadcast %lt3A_486 : i32 to vector<16xi32>
      %lt3A_488 = arith.cmpi slt, %rem3A_482, %lt3A_487 : vector<16xi32>
      %lt3A_489 = arith.constant 0 : i32
      %lt3A_490 = arith.cmpi slt, %select_n3A_480, %lt3A_489 : i32
      %ne3A_491 = vector.broadcast %lt3A_490 : i1 to vector<16xi1>
      %ne3A_492 = vector.broadcast %ne3A_491 : vector<16xi1> to vector<16xi1>
      %ne3A_493 = arith.xori %lt3A_488, %ne3A_492 : vector<16xi1>
      %and3A_494 = arith.andi %ne3A_493, %ne3A_485 : vector<16xi1>
      %add3A_495 = vector.broadcast %select_n3A_480 : i32 to vector<16xi32>
      %add3A_496 = arith.addi %rem3A_482, %add3A_495 : vector<16xi32>
      %select_n3A_497 = arith.select %and3A_494, %add3A_496, %rem3A_482 : vector<16xi1>, vector<16xi32>
      %mul3A_498 = arith.constant 16384 : i32
      %mul3A_499 = vector.broadcast %mul3A_498 : i32 to vector<16xi32>
      %mul3A_500 = arith.muli %select_n3A_497, %mul3A_499 : vector<16xi32>
      %mul3A_501 = arith.constant 16 : i32
      %mul3A_502 = arith.muli %scan3A_431, %mul3A_501 : i32
      %add3A_503 = vector.broadcast %mul3A_502 : i32 to vector<16xi32>
      %add3A_504 = arith.addi %add3A_503, %iota3A : vector<16xi32>
      %add3A_505 = arith.addi %mul3A_500, %add3A_504 : vector<16xi32>
      tpu.vector_store_idx %arg11[%gather3A], %add3A_505 : memref<18352xi32, #tpu.memory_space<vmem>>[vector<16xi32>], vector<16xi32>,
    }
    %scan3A_53 = arith.constant 1024 : i32
    %lt3A_54 = arith.constant 8 : i32
    %lt3A_55 = arith.cmpi slt, %arg1, %lt3A_54 : i32
    %convert_element_type3A = arith.extui %lt3A_55 : i1 to i32
    %cond3A = arith.constant 0 : i32
    %cond3A_56 = arith.cmpi ne, %convert_element_type3A, %cond3A : i32
    scf.if %cond3A_56 {
      %dma_start3A_431 = arith.constant 0 : i32
      %dma_start3A_432 = tpu.memref_slice %arg14[%dma_start3A_431] : memref<16384xf32, #tpu.memory_space<vmem>> -> memref<4096xf32, #tpu.memory_space<vmem>>
      %dma_start3A_433 = arith.constant 0 : i32
      %dma_start3A_434 = tpu.memref_slice %arg4[%add3A_30, %dma_start3A_433] : memref<16x1000000xf32, #tpu.memory_space<hbm>> -> memref<1x4096xf32, #tpu.memory_space<hbm>>
      %dma_start3A_435 = tpu.memref_squeeze %dma_start3A_434 : memref<1x4096xf32, #tpu.memory_space<hbm>> -> memref<4096xf32, #tpu.memory_space<hbm>>
      %dma_start3A_436 = arith.constant 0 : i32
      %dma_start3A_437 = tpu.memref_slice %arg14[%dma_start3A_436] : memref<16384xf32, #tpu.memory_space<vmem>> -> memref<4096xf32, #tpu.memory_space<vmem>>
      %dma_start3A_438 = arith.constant 0 : i32
      %dma_start3A_439 = tpu.memref_slice %arg4[%add3A_30, %dma_start3A_438] : memref<16x1000000xf32, #tpu.memory_space<hbm>> -> memref<1x4096xf32, #tpu.memory_space<hbm>>
      %dma_start3A_440 = tpu.memref_squeeze %dma_start3A_439 : memref<1x4096xf32, #tpu.memory_space<hbm>> -> memref<4096xf32, #tpu.memory_space<hbm>>
      tpu.enqueue_dma source(%dma_start3A_440 : memref<4096xf32, #tpu.memory_space<hbm>>) target(%dma_start3A_437 : memref<4096xf32, #tpu.memory_space<vmem>>) target_semaphore(%arg21 : memref<!tpu.dma_semaphore, #tpu.memory_space<semaphore_mem>>)
      %dma_start3A_441 = arith.constant 4096 : i32
      %dma_start3A_442 = tpu.memref_slice %arg14[%dma_start3A_441] : memref<16384xf32, #tpu.memory_space<vmem>> -> memref<4096xf32, #tpu.memory_space<vmem>>
      %dma_start3A_443 = arith.constant 4096 : i32
      %dma_start3A_444 = tpu.memref_slice %arg4[%add3A_30, %dma_start3A_443] : memref<16x1000000xf32, #tpu.memory_space<hbm>> -> memref<1x4096xf32, #tpu.memory_space<hbm>>
      %dma_start3A_445 = tpu.memref_squeeze %dma_start3A_444 : memref<1x4096xf32, #tpu.memory_space<hbm>> -> memref<4096xf32, #tpu.memory_space<hbm>>
      %dma_start3A_446 = arith.constant 4096 : i32
      %dma_start3A_447 = tpu.memref_slice %arg14[%dma_start3A_446] : memref<16384xf32, #tpu.memory_space<vmem>> -> memref<4096xf32, #tpu.memory_space<vmem>>
      %dma_start3A_448 = arith.constant 4096 : i32
      %dma_start3A_449 = tpu.memref_slice %arg4[%add3A_30, %dma_start3A_448] : memref<16x1000000xf32, #tpu.memory_space<hbm>> -> memref<1x4096xf32, #tpu.memory_space<hbm>>
      %dma_start3A_450 = tpu.memref_squeeze %dma_start3A_449 : memref<1x4096xf32, #tpu.memory_space<hbm>> -> memref<4096xf32, #tpu.memory_space<hbm>>
      tpu.enqueue_dma source(%dma_start3A_450 : memref<4096xf32, #tpu.memory_space<hbm>>) target(%dma_start3A_447 : memref<4096xf32, #tpu.memory_space<vmem>>) target_semaphore(%arg21 : memref<!tpu.dma_semaphore, #tpu.memory_space<semaphore_mem>>)
      %dma_start3A_451 = arith.constant 8192 : i32
      %dma_start3A_452 = tpu.memref_slice %arg14[%dma_start3A_451] : memref<16384xf32, #tpu.memory_space<vmem>> -> memref<4096xf32, #tpu.memory_space<vmem>>
      %dma_start3A_453 = arith.constant 8192 : i32
      %dma_start3A_454 = tpu.memref_slice %arg4[%add3A_30, %dma_start3A_453] : memref<16x1000000xf32, #tpu.memory_space<hbm>> -> memref<1x4096xf32, #tpu.memory_space<hbm>>
      %dma_start3A_455 = tpu.memref_squeeze %dma_start3A_454 : memref<1x4096xf32, #tpu.memory_space<hbm>> -> memref<4096xf32, #tpu.memory_space<hbm>>
      %dma_start3A_456 = arith.constant 8192 : i32
      %dma_start3A_457 = tpu.memref_slice %arg14[%dma_start3A_456] : memref<16384xf32, #tpu.memory_space<vmem>> -> memref<4096xf32, #tpu.memory_space<vmem>>
      %dma_start3A_458 = arith.constant 8192 : i32
      %dma_start3A_459 = tpu.memref_slice %arg4[%add3A_30, %dma_start3A_458] : memref<16x1000000xf32, #tpu.memory_space<hbm>> -> memref<1x4096xf32, #tpu.memory_space<hbm>>
      %dma_start3A_460 = tpu.memref_squeeze %dma_start3A_459 : memref<1x4096xf32, #tpu.memory_space<hbm>> -> memref<4096xf32, #tpu.memory_space<hbm>>
      tpu.enqueue_dma source(%dma_start3A_460 : memref<4096xf32, #tpu.memory_space<hbm>>) target(%dma_start3A_457 : memref<4096xf32, #tpu.memory_space<vmem>>) target_semaphore(%arg22 : memref<!tpu.dma_semaphore, #tpu.memory_space<semaphore_mem>>)
      %dma_start3A_461 = arith.constant 12288 : i32
      %dma_start3A_462 = tpu.memref_slice %arg14[%dma_start3A_461] : memref<16384xf32, #tpu.memory_space<vmem>> -> memref<4096xf32, #tpu.memory_space<vmem>>
      %dma_start3A_463 = arith.constant 12288 : i32
      %dma_start3A_464 = tpu.memref_slice %arg4[%add3A_30, %dma_start3A_463] : memref<16x1000000xf32, #tpu.memory_space<hbm>> -> memref<1x4096xf32, #tpu.memory_space<hbm>>
      %dma_start3A_465 = tpu.memref_squeeze %dma_start3A_464 : memref<1x4096xf32, #tpu.memory_space<hbm>> -> memref<4096xf32, #tpu.memory_space<hbm>>
      %dma_start3A_466 = arith.constant 12288 : i32
      %dma_start3A_467 = tpu.memref_slice %arg14[%dma_start3A_466] : memref<16384xf32, #tpu.memory_space<vmem>> -> memref<4096xf32, #tpu.memory_space<vmem>>
      %dma_start3A_468 = arith.constant 12288 : i32
      %dma_start3A_469 = tpu.memref_slice %arg4[%add3A_30, %dma_start3A_468] : memref<16x1000000xf32, #tpu.memory_space<hbm>> -> memref<1x4096xf32, #tpu.memory_space<hbm>>
      %dma_start3A_470 = tpu.memref_squeeze %dma_start3A_469 : memref<1x4096xf32, #tpu.memory_space<hbm>> -> memref<4096xf32, #tpu.memory_space<hbm>>
      tpu.enqueue_dma source(%dma_start3A_470 : memref<4096xf32, #tpu.memory_space<hbm>>) target(%dma_start3A_467 : memref<4096xf32, #tpu.memory_space<vmem>>) target_semaphore(%arg22 : memref<!tpu.dma_semaphore, #tpu.memory_space<semaphore_mem>>)
      %scan3A_471 = arith.constant 0 : i32
      %scan3A_472 = arith.constant 0 : i32
      %scan3A_473 = arith.constant 61 : i32
      %scan3A_474 = arith.addi %scan3A_472, %scan3A_473 : i32
      %scan3A_475 = arith.constant 1 : i32
      %scan3A_476 = scf.for %scan3A_529 = %scan3A_472 to %scan3A_474 step %scan3A_475 iter_args(%scan3A_530 = %scan3A_471) -> (i32)  : i32 {
        %mul3A_531 = arith.constant 2 : i32
        %mul3A_532 = arith.muli %mul3A_531, %scan3A_529 : i32
        %dma_wait3A_533 = arith.constant 0 : i32
        %dma_wait3A_534 = arith.constant 0 : i32
        %dma_wait3A_535 = tpu.memref_slice %arg14[%dma_wait3A_534] : memref<16384xf32, #tpu.memory_space<vmem>> -> memref<8192xf32, #tpu.memory_space<vmem>>
        %dma_wait3A_536 = arith.constant 0 : i32
        %dma_wait3A_537 = tpu.memref_slice %arg4[%dma_wait3A_533, %dma_wait3A_536] : memref<16x1000000xf32, #tpu.memory_space<hbm>> -> memref<1x8192xf32, #tpu.memory_space<hbm>>
        %dma_wait3A_538 = tpu.memref_squeeze %dma_wait3A_537 : memref<1x8192xf32, #tpu.memory_space<hbm>> -> memref<8192xf32, #tpu.memory_space<hbm>>
        %dma_wait3A_539 = arith.constant 0 : i32
        %dma_wait3A_540 = tpu.memref_slice %arg14[%dma_wait3A_539] : memref<16384xf32, #tpu.memory_space<vmem>> -> memref<8192xf32, #tpu.memory_space<vmem>>
        %dma_wait3A_541 = arith.constant 0 : i32
        %dma_wait3A_542 = tpu.memref_slice %arg4[%dma_wait3A_533, %dma_wait3A_541] : memref<16x1000000xf32, #tpu.memory_space<hbm>> -> memref<1x8192xf32, #tpu.memory_space<hbm>>
        %dma_wait3A_543 = tpu.memref_squeeze %dma_wait3A_542 : memref<1x8192xf32, #tpu.memory_space<hbm>> -> memref<8192xf32, #tpu.memory_space<hbm>>
        tpu.wait_dma2 semaphore(%arg21 : memref<!tpu.dma_semaphore, #tpu.memory_space<semaphore_mem>>) src(%dma_wait3A_543 : memref<8192xf32, #tpu.memory_space<hbm>>) dst(%dma_wait3A_540 : memref<8192xf32, #tpu.memory_space<vmem>>)
        %mul3A_544 = arith.constant 16 : i32
        %mul3A_545 = arith.muli %mul3A_532, %mul3A_544 : i32
        %get3A_546 = arith.index_cast %mul3A_545 : i32 to index
        %get3A_547 = tpu.vector_load %arg12[%get3A_546] {strides = array<i32>} : memref<2048xi32, #tpu.memory_space<vmem>>, vector<16xi32>,
        %reduce_sum3A_548 = arith.constant true
        %reduce_sum3A_549 = vector.broadcast %reduce_sum3A_548 : i1 to vector<16xi1>
        %reduce_sum3A_550 = tpu.scan <sum>, %get3A_547 masked %reduce_sum3A_549 : vector<16xi32>, vector<16xi1> -> vector<16xi32>
        %reduce_sum3A_551 = vector.extract %reduce_sum3A_550[15] : i32 from vector<16xi32>
        %add3A_552 = arith.constant 16 : i32
        %add3A_553 = arith.addi %reduce_sum3A_551, %add3A_552 : i32
        %sub3A_554 = arith.constant 1 : i32
        %sub3A_555 = arith.subi %add3A_553, %sub3A_554 : i32
        %jit3A_556 = arith.constant 16 : i32
        %div3A_557 = arith.divsi %sub3A_555, %jit3A_556 : i32
        %sign3A_558 = arith.constant 0 : i32
        %sign3A_559 = arith.cmpi sgt, %sub3A_555, %sign3A_558 : i32
        %sign3A_560 = arith.extui %sign3A_559 : i1 to i32
        %sign3A_561 = arith.constant 0 : i32
        %sign3A_562 = arith.cmpi slt, %sub3A_555, %sign3A_561 : i32
        %sign3A_563 = arith.extui %sign3A_562 : i1 to i32
        %sign3A_564 = arith.subi %sign3A_560, %sign3A_563 : i32
        %sign3A_565 = arith.constant 0 : i32
        %sign3A_566 = arith.cmpi sgt, %jit3A_556, %sign3A_565 : i32
        %sign3A_567 = arith.extui %sign3A_566 : i1 to i32
        %sign3A_568 = arith.constant 0 : i32
        %sign3A_569 = arith.cmpi slt, %jit3A_556, %sign3A_568 : i32
        %sign3A_570 = arith.extui %sign3A_569 : i1 to i32
        %sign3A_571 = arith.subi %sign3A_567, %sign3A_570 : i32
        %ne3A_572 = arith.cmpi ne, %sign3A_564, %sign3A_571 : i32
        %rem3A_573 = arith.remsi %sub3A_555, %jit3A_556 : i32
        %ne3A_574 = arith.constant 0 : i32
        %ne3A_575 = arith.cmpi ne, %rem3A_573, %ne3A_574 : i32
        %and3A_576 = arith.andi %ne3A_572, %ne3A_575 : i1
        %sub3A_577 = arith.constant 1 : i32
        %sub3A_578 = arith.subi %div3A_557, %sub3A_577 : i32
        %select_n3A_579 = arith.select %and3A_576, %sub3A_578, %div3A_557 : i32
        %while3A_580 = arith.constant 0 : i32
        %while3A_581 = arith.subi %select_n3A_579, %while3A_580 : i32
        %while3A_582 = arith.addi %while3A_580, %while3A_581 : i32
        %while3A_583 = arith.constant 1 : i32
        %while3A_584 = arith.divsi %while3A_581, %while3A_583 : i32
        %while3A_585 = arith.muli %while3A_584, %while3A_583 : i32
        %while3A_586 = arith.addi %while3A_580, %while3A_585 : i32
        %while3A_587 = arith.constant 1 : i32
        scf.for %while3A_674 = %while3A_580 to %while3A_586 step %while3A_587  : i32 {
          %mul3A_675 = arith.constant 16 : i32
          %mul3A_676 = arith.muli %while3A_674, %mul3A_675 : i32
          %add3A_677 = arith.addi %scan3A_530, %mul3A_676 : i32
          %get3A_678 = arith.index_cast %add3A_677 : i32 to index
          %get3A_679 = tpu.vector_load %arg11[%get3A_678] {strides = array<i32>} : memref<18352xi32, #tpu.memory_space<vmem>>, vector<16xi32>,
          %mul3A_680 = arith.constant 16 : i32
          %mul3A_681 = arith.muli %while3A_674, %mul3A_680 : i32
          %add3A_682 = vector.broadcast %mul3A_681 : i32 to vector<16xi32>
          %add3A_683 = arith.addi %add3A_682, %iota3A : vector<16xi32>
          %lt3A_684 = vector.broadcast %reduce_sum3A_551 : i32 to vector<16xi32>
          %lt3A_685 = arith.cmpi slt, %add3A_683, %lt3A_684 : vector<16xi32>
          %jit3A_686 = arith.constant 16384 : i32
          %div3A_687 = vector.broadcast %jit3A_686 : i32 to vector<16xi32>
          %div3A_688 = arith.divsi %get3A_679, %div3A_687 : vector<16xi32>
          %sign3A_689 = arith.constant 0 : i32
          %sign3A_690 = vector.broadcast %sign3A_689 : i32 to vector<16xi32>
          %sign3A_691 = arith.cmpi sgt, %get3A_679, %sign3A_690 : vector<16xi32>
          %sign3A_692 = arith.extui %sign3A_691 : vector<16xi1> to vector<16xi32>
          %sign3A_693 = arith.constant 0 : i32
          %sign3A_694 = vector.broadcast %sign3A_693 : i32 to vector<16xi32>
          %sign3A_695 = arith.cmpi slt, %get3A_679, %sign3A_694 : vector<16xi32>
          %sign3A_696 = arith.extui %sign3A_695 : vector<16xi1> to vector<16xi32>
          %sign3A_697 = arith.subi %sign3A_692, %sign3A_696 : vector<16xi32>
          %sign3A_698 = arith.constant 0 : i32
          %sign3A_699 = arith.cmpi sgt, %jit3A_686, %sign3A_698 : i32
          %sign3A_700 = arith.extui %sign3A_699 : i1 to i32
          %sign3A_701 = arith.constant 0 : i32
          %sign3A_702 = arith.cmpi slt, %jit3A_686, %sign3A_701 : i32
          %sign3A_703 = arith.extui %sign3A_702 : i1 to i32
          %sign3A_704 = arith.subi %sign3A_700, %sign3A_703 : i32
          %ne3A_705 = vector.broadcast %sign3A_704 : i32 to vector<16xi32>
          %ne3A_706 = arith.cmpi ne, %sign3A_697, %ne3A_705 : vector<16xi32>
          %rem3A_707 = vector.broadcast %jit3A_686 : i32 to vector<16xi32>
          %rem3A_708 = arith.remsi %get3A_679, %rem3A_707 : vector<16xi32>
          %ne3A_709 = arith.constant 0 : i32
          %ne3A_710 = vector.broadcast %ne3A_709 : i32 to vector<16xi32>
          %ne3A_711 = arith.cmpi ne, %rem3A_708, %ne3A_710 : vector<16xi32>
          %and3A_712 = arith.andi %ne3A_706, %ne3A_711 : vector<16xi1>
          %sub3A_713 = arith.constant 1 : i32
          %sub3A_714 = vector.broadcast %sub3A_713 : i32 to vector<16xi32>
          %sub3A_715 = arith.subi %div3A_688, %sub3A_714 : vector<16xi32>
          %select_n3A_716 = arith.select %and3A_712, %sub3A_715, %div3A_688 : vector<16xi1>, vector<16xi32>
          %jit3A_717 = arith.constant 16384 : i32
          %eq3A_718 = arith.constant 0 : i32
          %eq3A_719 = arith.cmpi eq, %jit3A_717, %eq3A_718 : i32
          %jit3A_720 = arith.constant 1 : i32
          %select_n3A_721 = arith.select %eq3A_719, %jit3A_720, %jit3A_717 : i32
          %rem3A_722 = vector.broadcast %select_n3A_721 : i32 to vector<16xi32>
          %rem3A_723 = arith.remsi %get3A_679, %rem3A_722 : vector<16xi32>
          %ne3A_724 = arith.constant 0 : i32
          %ne3A_725 = vector.broadcast %ne3A_724 : i32 to vector<16xi32>
          %ne3A_726 = arith.cmpi ne, %rem3A_723, %ne3A_725 : vector<16xi32>
          %lt3A_727 = arith.constant 0 : i32
          %lt3A_728 = vector.broadcast %lt3A_727 : i32 to vector<16xi32>
          %lt3A_729 = arith.cmpi slt, %rem3A_723, %lt3A_728 : vector<16xi32>
          %lt3A_730 = arith.constant 0 : i32
          %lt3A_731 = arith.cmpi slt, %select_n3A_721, %lt3A_730 : i32
          %ne3A_732 = vector.broadcast %lt3A_731 : i1 to vector<16xi1>
          %ne3A_733 = vector.broadcast %ne3A_732 : vector<16xi1> to vector<16xi1>
          %ne3A_734 = arith.xori %lt3A_729, %ne3A_733 : vector<16xi1>
          %and3A_735 = arith.andi %ne3A_734, %ne3A_726 : vector<16xi1>
          %add3A_736 = vector.broadcast %select_n3A_721 : i32 to vector<16xi32>
          %add3A_737 = arith.addi %rem3A_723, %add3A_736 : vector<16xi32>
          %select_n3A_738 = arith.select %and3A_735, %add3A_737, %rem3A_723 : vector<16xi1>, vector<16xi32>
          %add3A_739 = arith.constant 0 : i32
          %add3A_740 = vector.broadcast %add3A_739 : i32 to vector<16xi32>
          %add3A_741 = arith.addi %select_n3A_716, %add3A_740 : vector<16xi32>
          %gather3A = tpu.vector_load_idx %arg14[%add3A_741] masked %lt3A_685 : memref<16384xf32, #tpu.memory_space<vmem>>[vector<16xi32>], vector<16xf32>, vector<16xi1>
          %bitcast3A = vector.bitcast %gather3A : vector<16xf32> to vector<16xi32>
          tpu.vector_store_idx %arg9[%select_n3A_738], %bitcast3A masked %lt3A_685 : memref<16384xi32, #tpu.memory_space<vmem>>[vector<16xi32>], vector<16xi32>, vector<16xi1>
        }
        %while3A_588 = arith.constant 1 : i32
        scf.for %while3A_674 = %while3A_586 to %while3A_582 step %while3A_588  : i32 {
          %mul3A_675 = arith.constant 16 : i32
          %mul3A_676 = arith.muli %while3A_674, %mul3A_675 : i32
          %add3A_677 = arith.addi %scan3A_530, %mul3A_676 : i32
          %get3A_678 = arith.index_cast %add3A_677 : i32 to index
          %get3A_679 = tpu.vector_load %arg11[%get3A_678] {strides = array<i32>} : memref<18352xi32, #tpu.memory_space<vmem>>, vector<16xi32>,
          %mul3A_680 = arith.constant 16 : i32
          %mul3A_681 = arith.muli %while3A_674, %mul3A_680 : i32
          %add3A_682 = vector.broadcast %mul3A_681 : i32 to vector<16xi32>
          %add3A_683 = arith.addi %add3A_682, %iota3A : vector<16xi32>
          %lt3A_684 = vector.broadcast %reduce_sum3A_551 : i32 to vector<16xi32>
          %lt3A_685 = arith.cmpi slt, %add3A_683, %lt3A_684 : vector<16xi32>
          %jit3A_686 = arith.constant 16384 : i32
          %div3A_687 = vector.broadcast %jit3A_686 : i32 to vector<16xi32>
          %div3A_688 = arith.divsi %get3A_679, %div3A_687 : vector<16xi32>
          %sign3A_689 = arith.constant 0 : i32
          %sign3A_690 = vector.broadcast %sign3A_689 : i32 to vector<16xi32>
          %sign3A_691 = arith.cmpi sgt, %get3A_679, %sign3A_690 : vector<16xi32>
          %sign3A_692 = arith.extui %sign3A_691 : vector<16xi1> to vector<16xi32>
          %sign3A_693 = arith.constant 0 : i32
          %sign3A_694 = vector.broadcast %sign3A_693 : i32 to vector<16xi32>
          %sign3A_695 = arith.cmpi slt, %get3A_679, %sign3A_694 : vector<16xi32>
          %sign3A_696 = arith.extui %sign3A_695 : vector<16xi1> to vector<16xi32>
          %sign3A_697 = arith.subi %sign3A_692, %sign3A_696 : vector<16xi32>
          %sign3A_698 = arith.constant 0 : i32
          %sign3A_699 = arith.cmpi sgt, %jit3A_686, %sign3A_698 : i32
          %sign3A_700 = arith.extui %sign3A_699 : i1 to i32
          %sign3A_701 = arith.constant 0 : i32
          %sign3A_702 = arith.cmpi slt, %jit3A_686, %sign3A_701 : i32
          %sign3A_703 = arith.extui %sign3A_702 : i1 to i32
          %sign3A_704 = arith.subi %sign3A_700, %sign3A_703 : i32
          %ne3A_705 = vector.broadcast %sign3A_704 : i32 to vector<16xi32>
          %ne3A_706 = arith.cmpi ne, %sign3A_697, %ne3A_705 : vector<16xi32>
          %rem3A_707 = vector.broadcast %jit3A_686 : i32 to vector<16xi32>
          %rem3A_708 = arith.remsi %get3A_679, %rem3A_707 : vector<16xi32>
          %ne3A_709 = arith.constant 0 : i32
          %ne3A_710 = vector.broadcast %ne3A_709 : i32 to vector<16xi32>
          %ne3A_711 = arith.cmpi ne, %rem3A_708, %ne3A_710 : vector<16xi32>
          %and3A_712 = arith.andi %ne3A_706, %ne3A_711 : vector<16xi1>
          %sub3A_713 = arith.constant 1 : i32
          %sub3A_714 = vector.broadcast %sub3A_713 : i32 to vector<16xi32>
          %sub3A_715 = arith.subi %div3A_688, %sub3A_714 : vector<16xi32>
          %select_n3A_716 = arith.select %and3A_712, %sub3A_715, %div3A_688 : vector<16xi1>, vector<16xi32>
          %jit3A_717 = arith.constant 16384 : i32
          %eq3A_718 = arith.constant 0 : i32
          %eq3A_719 = arith.cmpi eq, %jit3A_717, %eq3A_718 : i32
          %jit3A_720 = arith.constant 1 : i32
          %select_n3A_721 = arith.select %eq3A_719, %jit3A_720, %jit3A_717 : i32
          %rem3A_722 = vector.broadcast %select_n3A_721 : i32 to vector<16xi32>
          %rem3A_723 = arith.remsi %get3A_679, %rem3A_722 : vector<16xi32>
          %ne3A_724 = arith.constant 0 : i32
          %ne3A_725 = vector.broadcast %ne3A_724 : i32 to vector<16xi32>
          %ne3A_726 = arith.cmpi ne, %rem3A_723, %ne3A_725 : vector<16xi32>
          %lt3A_727 = arith.constant 0 : i32
          %lt3A_728 = vector.broadcast %lt3A_727 : i32 to vector<16xi32>
          %lt3A_729 = arith.cmpi slt, %rem3A_723, %lt3A_728 : vector<16xi32>
          %lt3A_730 = arith.constant 0 : i32
          %lt3A_731 = arith.cmpi slt, %select_n3A_721, %lt3A_730 : i32
          %ne3A_732 = vector.broadcast %lt3A_731 : i1 to vector<16xi1>
          %ne3A_733 = vector.broadcast %ne3A_732 : vector<16xi1> to vector<16xi1>
          %ne3A_734 = arith.xori %lt3A_729, %ne3A_733 : vector<16xi1>
          %and3A_735 = arith.andi %ne3A_734, %ne3A_726 : vector<16xi1>
          %add3A_736 = vector.broadcast %select_n3A_721 : i32 to vector<16xi32>
          %add3A_737 = arith.addi %rem3A_723, %add3A_736 : vector<16xi32>
          %select_n3A_738 = arith.select %and3A_735, %add3A_737, %rem3A_723 : vector<16xi1>, vector<16xi32>
          %add3A_739 = arith.constant 0 : i32
          %add3A_740 = vector.broadcast %add3A_739 : i32 to vector<16xi32>
          %add3A_741 = arith.addi %select_n3A_716, %add3A_740 : vector<16xi32>
          %gather3A = tpu.vector_load_idx %arg14[%add3A_741] masked %lt3A_685 : memref<16384xf32, #tpu.memory_space<vmem>>[vector<16xi32>], vector<16xf32>, vector<16xi1>
          %bitcast3A = vector.bitcast %gather3A : vector<16xf32> to vector<16xi32>
          tpu.vector_store_idx %arg9[%select_n3A_738], %bitcast3A masked %lt3A_685 : memref<16384xi32, #tpu.memory_space<vmem>>[vector<16xi32>], vector<16xi32>, vector<16xi1>
        }
        %mul3A_589 = arith.constant 16 : i32
        %mul3A_590 = arith.muli %select_n3A_579, %mul3A_589 : i32
        %add3A_591 = arith.addi %scan3A_530, %mul3A_590 : i32
        %add3A_592 = arith.constant 2 : i32
        %add3A_593 = arith.addi %mul3A_532, %add3A_592 : i32
        %lt3A_594 = arith.constant 122 : i32
        %lt3A_595 = arith.cmpi slt, %add3A_593, %lt3A_594 : i32
        %convert_element_type3A_596 = arith.extui %lt3A_595 : i1 to i32
        %cond3A_597 = arith.constant 0 : i32
        %cond3A_598 = arith.cmpi ne, %convert_element_type3A_596, %cond3A_597 : i32
        scf.if %cond3A_598 {
          %add3A_674 = arith.constant 2 : i32
          %add3A_675 = arith.addi %mul3A_532, %add3A_674 : i32
          %mul3A_676 = arith.constant 8192 : i32
          %mul3A_677 = arith.muli %add3A_675, %mul3A_676 : i32
          %dma_start3A_678 = arith.constant 0 : i32
          %dma_start3A_679 = tpu.memref_slice %arg14[%dma_start3A_678] : memref<16384xf32, #tpu.memory_space<vmem>> -> memref<4096xf32, #tpu.memory_space<vmem>>
          %dma_start3A_680 = tpu.memref_slice %arg4[%add3A_30, %mul3A_677] : memref<16x1000000xf32, #tpu.memory_space<hbm>> -> memref<1x4096xf32, #tpu.memory_space<hbm>>
          %dma_start3A_681 = tpu.memref_squeeze %dma_start3A_680 : memref<1x4096xf32, #tpu.memory_space<hbm>> -> memref<4096xf32, #tpu.memory_space<hbm>>
          %dma_start3A_682 = arith.constant 0 : i32
          %dma_start3A_683 = tpu.memref_slice %arg14[%dma_start3A_682] : memref<16384xf32, #tpu.memory_space<vmem>> -> memref<4096xf32, #tpu.memory_space<vmem>>
          %dma_start3A_684 = tpu.memref_slice %arg4[%add3A_30, %mul3A_677] : memref<16x1000000xf32, #tpu.memory_space<hbm>> -> memref<1x4096xf32, #tpu.memory_space<hbm>>
          %dma_start3A_685 = tpu.memref_squeeze %dma_start3A_684 : memref<1x4096xf32, #tpu.memory_space<hbm>> -> memref<4096xf32, #tpu.memory_space<hbm>>
          tpu.enqueue_dma source(%dma_start3A_685 : memref<4096xf32, #tpu.memory_space<hbm>>) target(%dma_start3A_683 : memref<4096xf32, #tpu.memory_space<vmem>>) target_semaphore(%arg21 : memref<!tpu.dma_semaphore, #tpu.memory_space<semaphore_mem>>)
          %mul3A_686 = arith.constant 8192 : i32
          %mul3A_687 = arith.muli %add3A_675, %mul3A_686 : i32
          %add3A_688 = arith.constant 4096 : i32
          %add3A_689 = arith.addi %mul3A_687, %add3A_688 : i32
          %dma_start3A_690 = arith.constant 4096 : i32
          %dma_start3A_691 = tpu.memref_slice %arg14[%dma_start3A_690] : memref<16384xf32, #tpu.memory_space<vmem>> -> memref<4096xf32, #tpu.memory_space<vmem>>
          %dma_start3A_692 = tpu.memref_slice %arg4[%add3A_30, %add3A_689] : memref<16x1000000xf32, #tpu.memory_space<hbm>> -> memref<1x4096xf32, #tpu.memory_space<hbm>>
          %dma_start3A_693 = tpu.memref_squeeze %dma_start3A_692 : memref<1x4096xf32, #tpu.memory_space<hbm>> -> memref<4096xf32, #tpu.memory_space<hbm>>
          %dma_start3A_694 = arith.constant 4096 : i32
          %dma_start3A_695 = tpu.memref_slice %arg14[%dma_start3A_694] : memref<16384xf32, #tpu.memory_space<vmem>> -> memref<4096xf32, #tpu.memory_space<vmem>>
          %dma_start3A_696 = tpu.memref_slice %arg4[%add3A_30, %add3A_689] : memref<16x1000000xf32, #tpu.memory_space<hbm>> -> memref<1x4096xf32, #tpu.memory_space<hbm>>
          %dma_start3A_697 = tpu.memref_squeeze %dma_start3A_696 : memref<1x4096xf32, #tpu.memory_space<hbm>> -> memref<4096xf32, #tpu.memory_space<hbm>>
          tpu.enqueue_dma source(%dma_start3A_697 : memref<4096xf32, #tpu.memory_space<hbm>>) target(%dma_start3A_695 : memref<4096xf32, #tpu.memory_space<vmem>>) target_semaphore(%arg21 : memref<!tpu.dma_semaphore, #tpu.memory_space<semaphore_mem>>)
        } else {
        }
        %add3A_599 = arith.constant 2 : i32
        %add3A_600 = arith.addi %mul3A_532, %add3A_599 : i32
        %eq3A_601 = arith.constant 122 : i32
        %eq3A_602 = arith.cmpi eq, %add3A_600, %eq3A_601 : i32
        %convert_element_type3A_603 = arith.extui %eq3A_602 : i1 to i32
        %cond3A_604 = arith.constant 0 : i32
        %cond3A_605 = arith.cmpi ne, %convert_element_type3A_603, %cond3A_604 : i32
        scf.if %cond3A_605 {
          %dma_start3A_674 = arith.constant 0 : i32
          %dma_start3A_675 = tpu.memref_slice %arg14[%dma_start3A_674] : memref<16384xf32, #tpu.memory_space<vmem>> -> memref<256xf32, #tpu.memory_space<vmem>>
          %dma_start3A_676 = arith.constant 999424 : i32
          %dma_start3A_677 = tpu.memref_slice %arg4[%add3A_30, %dma_start3A_676] : memref<16x1000000xf32, #tpu.memory_space<hbm>> -> memref<1x256xf32, #tpu.memory_space<hbm>>
          %dma_start3A_678 = tpu.memref_squeeze %dma_start3A_677 : memref<1x256xf32, #tpu.memory_space<hbm>> -> memref<256xf32, #tpu.memory_space<hbm>>
          %dma_start3A_679 = arith.constant 0 : i32
          %dma_start3A_680 = tpu.memref_slice %arg14[%dma_start3A_679] : memref<16384xf32, #tpu.memory_space<vmem>> -> memref<256xf32, #tpu.memory_space<vmem>>
          %dma_start3A_681 = arith.constant 999424 : i32
          %dma_start3A_682 = tpu.memref_slice %arg4[%add3A_30, %dma_start3A_681] : memref<16x1000000xf32, #tpu.memory_space<hbm>> -> memref<1x256xf32, #tpu.memory_space<hbm>>
          %dma_start3A_683 = tpu.memref_squeeze %dma_start3A_682 : memref<1x256xf32, #tpu.memory_space<hbm>> -> memref<256xf32, #tpu.memory_space<hbm>>
          tpu.enqueue_dma source(%dma_start3A_683 : memref<256xf32, #tpu.memory_space<hbm>>) target(%dma_start3A_680 : memref<256xf32, #tpu.memory_space<vmem>>) target_semaphore(%arg21 : memref<!tpu.dma_semaphore, #tpu.memory_space<semaphore_mem>>)
          %dma_start3A_684 = arith.constant 256 : i32
          %dma_start3A_685 = tpu.memref_slice %arg14[%dma_start3A_684] : memref<16384xf32, #tpu.memory_space<vmem>> -> memref<256xf32, #tpu.memory_space<vmem>>
          %dma_start3A_686 = arith.constant 999680 : i32
          %dma_start3A_687 = tpu.memref_slice %arg4[%add3A_30, %dma_start3A_686] : memref<16x1000000xf32, #tpu.memory_space<hbm>> -> memref<1x256xf32, #tpu.memory_space<hbm>>
          %dma_start3A_688 = tpu.memref_squeeze %dma_start3A_687 : memref<1x256xf32, #tpu.memory_space<hbm>> -> memref<256xf32, #tpu.memory_space<hbm>>
          %dma_start3A_689 = arith.constant 256 : i32
          %dma_start3A_690 = tpu.memref_slice %arg14[%dma_start3A_689] : memref<16384xf32, #tpu.memory_space<vmem>> -> memref<256xf32, #tpu.memory_space<vmem>>
          %dma_start3A_691 = arith.constant 999680 : i32
          %dma_start3A_692 = tpu.memref_slice %arg4[%add3A_30, %dma_start3A_691] : memref<16x1000000xf32, #tpu.memory_space<hbm>> -> memref<1x256xf32, #tpu.memory_space<hbm>>
          %dma_start3A_693 = tpu.memref_squeeze %dma_start3A_692 : memref<1x256xf32, #tpu.memory_space<hbm>> -> memref<256xf32, #tpu.memory_space<hbm>>
          tpu.enqueue_dma source(%dma_start3A_693 : memref<256xf32, #tpu.memory_space<hbm>>) target(%dma_start3A_690 : memref<256xf32, #tpu.memory_space<vmem>>) target_semaphore(%arg21 : memref<!tpu.dma_semaphore, #tpu.memory_space<semaphore_mem>>)
        } else {
        }
        %dma_wait3A_606 = arith.constant 0 : i32
        %dma_wait3A_607 = arith.constant 8192 : i32
        %dma_wait3A_608 = tpu.memref_slice %arg14[%dma_wait3A_607] : memref<16384xf32, #tpu.memory_space<vmem>> -> memref<8192xf32, #tpu.memory_space<vmem>>
        %dma_wait3A_609 = arith.constant 0 : i32
        %dma_wait3A_610 = tpu.memref_slice %arg4[%dma_wait3A_606, %dma_wait3A_609] : memref<16x1000000xf32, #tpu.memory_space<hbm>> -> memref<1x8192xf32, #tpu.memory_space<hbm>>
        %dma_wait3A_611 = tpu.memref_squeeze %dma_wait3A_610 : memref<1x8192xf32, #tpu.memory_space<hbm>> -> memref<8192xf32, #tpu.memory_space<hbm>>
        %dma_wait3A_612 = arith.constant 8192 : i32
        %dma_wait3A_613 = tpu.memref_slice %arg14[%dma_wait3A_612] : memref<16384xf32, #tpu.memory_space<vmem>> -> memref<8192xf32, #tpu.memory_space<vmem>>
        %dma_wait3A_614 = arith.constant 0 : i32
        %dma_wait3A_615 = tpu.memref_slice %arg4[%dma_wait3A_606, %dma_wait3A_614] : memref<16x1000000xf32, #tpu.memory_space<hbm>> -> memref<1x8192xf32, #tpu.memory_space<hbm>>
        %dma_wait3A_616 = tpu.memref_squeeze %dma_wait3A_615 : memref<1x8192xf32, #tpu.memory_space<hbm>> -> memref<8192xf32, #tpu.memory_space<hbm>>
        tpu.wait_dma2 semaphore(%arg22 : memref<!tpu.dma_semaphore, #tpu.memory_space<semaphore_mem>>) src(%dma_wait3A_616 : memref<8192xf32, #tpu.memory_space<hbm>>) dst(%dma_wait3A_613 : memref<8192xf32, #tpu.memory_space<vmem>>)
        %add3A_617 = arith.constant 1 : i32
        %add3A_618 = arith.addi %mul3A_532, %add3A_617 : i32
        %mul3A_619 = arith.constant 16 : i32
        %mul3A_620 = arith.muli %add3A_618, %mul3A_619 : i32
        %get3A_621 = arith.index_cast %mul3A_620 : i32 to index
        %get3A_622 = tpu.vector_load %arg12[%get3A_621] {strides = array<i32>} : memref<2048xi32, #tpu.memory_space<vmem>>, vector<16xi32>,
        %reduce_sum3A_623 = arith.constant true
        %reduce_sum3A_624 = vector.broadcast %reduce_sum3A_623 : i1 to vector<16xi1>
        %reduce_sum3A_625 = tpu.scan <sum>, %get3A_622 masked %reduce_sum3A_624 : vector<16xi32>, vector<16xi1> -> vector<16xi32>
        %reduce_sum3A_626 = vector.extract %reduce_sum3A_625[15] : i32 from vector<16xi32>
        %add3A_627 = arith.constant 16 : i32
        %add3A_628 = arith.addi %reduce_sum3A_626, %add3A_627 : i32
        %sub3A_629 = arith.constant 1 : i32
        %sub3A_630 = arith.subi %add3A_628, %sub3A_629 : i32
        %jit3A_631 = arith.constant 16 : i32
        %div3A_632 = arith.divsi %sub3A_630, %jit3A_631 : i32
        %sign3A_633 = arith.constant 0 : i32
        %sign3A_634 = arith.cmpi sgt, %sub3A_630, %sign3A_633 : i32
        %sign3A_635 = arith.extui %sign3A_634 : i1 to i32
        %sign3A_636 = arith.constant 0 : i32
        %sign3A_637 = arith.cmpi slt, %sub3A_630, %sign3A_636 : i32
        %sign3A_638 = arith.extui %sign3A_637 : i1 to i32
        %sign3A_639 = arith.subi %sign3A_635, %sign3A_638 : i32
        %sign3A_640 = arith.constant 0 : i32
        %sign3A_641 = arith.cmpi sgt, %jit3A_631, %sign3A_640 : i32
        %sign3A_642 = arith.extui %sign3A_641 : i1 to i32
        %sign3A_643 = arith.constant 0 : i32
        %sign3A_644 = arith.cmpi slt, %jit3A_631, %sign3A_643 : i32
        %sign3A_645 = arith.extui %sign3A_644 : i1 to i32
        %sign3A_646 = arith.subi %sign3A_642, %sign3A_645 : i32
        %ne3A_647 = arith.cmpi ne, %sign3A_639, %sign3A_646 : i32
        %rem3A_648 = arith.remsi %sub3A_630, %jit3A_631 : i32
        %ne3A_649 = arith.constant 0 : i32
        %ne3A_650 = arith.cmpi ne, %rem3A_648, %ne3A_649 : i32
        %and3A_651 = arith.andi %ne3A_647, %ne3A_650 : i1
        %sub3A_652 = arith.constant 1 : i32
        %sub3A_653 = arith.subi %div3A_632, %sub3A_652 : i32
        %select_n3A_654 = arith.select %and3A_651, %sub3A_653, %div3A_632 : i32
        %while3A_655 = arith.constant 0 : i32
        %while3A_656 = arith.subi %select_n3A_654, %while3A_655 : i32
        %while3A_657 = arith.addi %while3A_655, %while3A_656 : i32
        %while3A_658 = arith.constant 1 : i32
        %while3A_659 = arith.divsi %while3A_656, %while3A_658 : i32
        %while3A_660 = arith.muli %while3A_659, %while3A_658 : i32
        %while3A_661 = arith.addi %while3A_655, %while3A_660 : i32
        %while3A_662 = arith.constant 1 : i32
        scf.for %while3A_674 = %while3A_655 to %while3A_661 step %while3A_662  : i32 {
          %mul3A_675 = arith.constant 16 : i32
          %mul3A_676 = arith.muli %while3A_674, %mul3A_675 : i32
          %add3A_677 = arith.addi %add3A_591, %mul3A_676 : i32
          %get3A_678 = arith.index_cast %add3A_677 : i32 to index
          %get3A_679 = tpu.vector_load %arg11[%get3A_678] {strides = array<i32>} : memref<18352xi32, #tpu.memory_space<vmem>>, vector<16xi32>,
          %mul3A_680 = arith.constant 16 : i32
          %mul3A_681 = arith.muli %while3A_674, %mul3A_680 : i32
          %add3A_682 = vector.broadcast %mul3A_681 : i32 to vector<16xi32>
          %add3A_683 = arith.addi %add3A_682, %iota3A : vector<16xi32>
          %lt3A_684 = vector.broadcast %reduce_sum3A_626 : i32 to vector<16xi32>
          %lt3A_685 = arith.cmpi slt, %add3A_683, %lt3A_684 : vector<16xi32>
          %jit3A_686 = arith.constant 16384 : i32
          %div3A_687 = vector.broadcast %jit3A_686 : i32 to vector<16xi32>
          %div3A_688 = arith.divsi %get3A_679, %div3A_687 : vector<16xi32>
          %sign3A_689 = arith.constant 0 : i32
          %sign3A_690 = vector.broadcast %sign3A_689 : i32 to vector<16xi32>
          %sign3A_691 = arith.cmpi sgt, %get3A_679, %sign3A_690 : vector<16xi32>
          %sign3A_692 = arith.extui %sign3A_691 : vector<16xi1> to vector<16xi32>
          %sign3A_693 = arith.constant 0 : i32
          %sign3A_694 = vector.broadcast %sign3A_693 : i32 to vector<16xi32>
          %sign3A_695 = arith.cmpi slt, %get3A_679, %sign3A_694 : vector<16xi32>
          %sign3A_696 = arith.extui %sign3A_695 : vector<16xi1> to vector<16xi32>
          %sign3A_697 = arith.subi %sign3A_692, %sign3A_696 : vector<16xi32>
          %sign3A_698 = arith.constant 0 : i32
          %sign3A_699 = arith.cmpi sgt, %jit3A_686, %sign3A_698 : i32
          %sign3A_700 = arith.extui %sign3A_699 : i1 to i32
          %sign3A_701 = arith.constant 0 : i32
          %sign3A_702 = arith.cmpi slt, %jit3A_686, %sign3A_701 : i32
          %sign3A_703 = arith.extui %sign3A_702 : i1 to i32
          %sign3A_704 = arith.subi %sign3A_700, %sign3A_703 : i32
          %ne3A_705 = vector.broadcast %sign3A_704 : i32 to vector<16xi32>
          %ne3A_706 = arith.cmpi ne, %sign3A_697, %ne3A_705 : vector<16xi32>
          %rem3A_707 = vector.broadcast %jit3A_686 : i32 to vector<16xi32>
          %rem3A_708 = arith.remsi %get3A_679, %rem3A_707 : vector<16xi32>
          %ne3A_709 = arith.constant 0 : i32
          %ne3A_710 = vector.broadcast %ne3A_709 : i32 to vector<16xi32>
          %ne3A_711 = arith.cmpi ne, %rem3A_708, %ne3A_710 : vector<16xi32>
          %and3A_712 = arith.andi %ne3A_706, %ne3A_711 : vector<16xi1>
          %sub3A_713 = arith.constant 1 : i32
          %sub3A_714 = vector.broadcast %sub3A_713 : i32 to vector<16xi32>
          %sub3A_715 = arith.subi %div3A_688, %sub3A_714 : vector<16xi32>
          %select_n3A_716 = arith.select %and3A_712, %sub3A_715, %div3A_688 : vector<16xi1>, vector<16xi32>
          %jit3A_717 = arith.constant 16384 : i32
          %eq3A_718 = arith.constant 0 : i32
          %eq3A_719 = arith.cmpi eq, %jit3A_717, %eq3A_718 : i32
          %jit3A_720 = arith.constant 1 : i32
          %select_n3A_721 = arith.select %eq3A_719, %jit3A_720, %jit3A_717 : i32
          %rem3A_722 = vector.broadcast %select_n3A_721 : i32 to vector<16xi32>
          %rem3A_723 = arith.remsi %get3A_679, %rem3A_722 : vector<16xi32>
          %ne3A_724 = arith.constant 0 : i32
          %ne3A_725 = vector.broadcast %ne3A_724 : i32 to vector<16xi32>
          %ne3A_726 = arith.cmpi ne, %rem3A_723, %ne3A_725 : vector<16xi32>
          %lt3A_727 = arith.constant 0 : i32
          %lt3A_728 = vector.broadcast %lt3A_727 : i32 to vector<16xi32>
          %lt3A_729 = arith.cmpi slt, %rem3A_723, %lt3A_728 : vector<16xi32>
          %lt3A_730 = arith.constant 0 : i32
          %lt3A_731 = arith.cmpi slt, %select_n3A_721, %lt3A_730 : i32
          %ne3A_732 = vector.broadcast %lt3A_731 : i1 to vector<16xi1>
          %ne3A_733 = vector.broadcast %ne3A_732 : vector<16xi1> to vector<16xi1>
          %ne3A_734 = arith.xori %lt3A_729, %ne3A_733 : vector<16xi1>
          %and3A_735 = arith.andi %ne3A_734, %ne3A_726 : vector<16xi1>
          %add3A_736 = vector.broadcast %select_n3A_721 : i32 to vector<16xi32>
          %add3A_737 = arith.addi %rem3A_723, %add3A_736 : vector<16xi32>
          %select_n3A_738 = arith.select %and3A_735, %add3A_737, %rem3A_723 : vector<16xi1>, vector<16xi32>
          %add3A_739 = arith.constant 8192 : i32
          %add3A_740 = vector.broadcast %add3A_739 : i32 to vector<16xi32>
          %add3A_741 = arith.addi %select_n3A_716, %add3A_740 : vector<16xi32>
          %gather3A = tpu.vector_load_idx %arg14[%add3A_741] masked %lt3A_685 : memref<16384xf32, #tpu.memory_space<vmem>>[vector<16xi32>], vector<16xf32>, vector<16xi1>
          %bitcast3A = vector.bitcast %gather3A : vector<16xf32> to vector<16xi32>
          tpu.vector_store_idx %arg9[%select_n3A_738], %bitcast3A masked %lt3A_685 : memref<16384xi32, #tpu.memory_space<vmem>>[vector<16xi32>], vector<16xi32>, vector<16xi1>
        }
        %while3A_663 = arith.constant 1 : i32
        scf.for %while3A_674 = %while3A_661 to %while3A_657 step %while3A_663  : i32 {
          %mul3A_675 = arith.constant 16 : i32
          %mul3A_676 = arith.muli %while3A_674, %mul3A_675 : i32
          %add3A_677 = arith.addi %add3A_591, %mul3A_676 : i32
          %get3A_678 = arith.index_cast %add3A_677 : i32 to index
          %get3A_679 = tpu.vector_load %arg11[%get3A_678] {strides = array<i32>} : memref<18352xi32, #tpu.memory_space<vmem>>, vector<16xi32>,
          %mul3A_680 = arith.constant 16 : i32
          %mul3A_681 = arith.muli %while3A_674, %mul3A_680 : i32
          %add3A_682 = vector.broadcast %mul3A_681 : i32 to vector<16xi32>
          %add3A_683 = arith.addi %add3A_682, %iota3A : vector<16xi32>
          %lt3A_684 = vector.broadcast %reduce_sum3A_626 : i32 to vector<16xi32>
          %lt3A_685 = arith.cmpi slt, %add3A_683, %lt3A_684 : vector<16xi32>
          %jit3A_686 = arith.constant 16384 : i32
          %div3A_687 = vector.broadcast %jit3A_686 : i32 to vector<16xi32>
          %div3A_688 = arith.divsi %get3A_679, %div3A_687 : vector<16xi32>
          %sign3A_689 = arith.constant 0 : i32
          %sign3A_690 = vector.broadcast %sign3A_689 : i32 to vector<16xi32>
          %sign3A_691 = arith.cmpi sgt, %get3A_679, %sign3A_690 : vector<16xi32>
          %sign3A_692 = arith.extui %sign3A_691 : vector<16xi1> to vector<16xi32>
          %sign3A_693 = arith.constant 0 : i32
          %sign3A_694 = vector.broadcast %sign3A_693 : i32 to vector<16xi32>
          %sign3A_695 = arith.cmpi slt, %get3A_679, %sign3A_694 : vector<16xi32>
          %sign3A_696 = arith.extui %sign3A_695 : vector<16xi1> to vector<16xi32>
          %sign3A_697 = arith.subi %sign3A_692, %sign3A_696 : vector<16xi32>
          %sign3A_698 = arith.constant 0 : i32
          %sign3A_699 = arith.cmpi sgt, %jit3A_686, %sign3A_698 : i32
          %sign3A_700 = arith.extui %sign3A_699 : i1 to i32
          %sign3A_701 = arith.constant 0 : i32
          %sign3A_702 = arith.cmpi slt, %jit3A_686, %sign3A_701 : i32
          %sign3A_703 = arith.extui %sign3A_702 : i1 to i32
          %sign3A_704 = arith.subi %sign3A_700, %sign3A_703 : i32
          %ne3A_705 = vector.broadcast %sign3A_704 : i32 to vector<16xi32>
          %ne3A_706 = arith.cmpi ne, %sign3A_697, %ne3A_705 : vector<16xi32>
          %rem3A_707 = vector.broadcast %jit3A_686 : i32 to vector<16xi32>
          %rem3A_708 = arith.remsi %get3A_679, %rem3A_707 : vector<16xi32>
          %ne3A_709 = arith.constant 0 : i32
          %ne3A_710 = vector.broadcast %ne3A_709 : i32 to vector<16xi32>
          %ne3A_711 = arith.cmpi ne, %rem3A_708, %ne3A_710 : vector<16xi32>
          %and3A_712 = arith.andi %ne3A_706, %ne3A_711 : vector<16xi1>
          %sub3A_713 = arith.constant 1 : i32
          %sub3A_714 = vector.broadcast %sub3A_713 : i32 to vector<16xi32>
          %sub3A_715 = arith.subi %div3A_688, %sub3A_714 : vector<16xi32>
          %select_n3A_716 = arith.select %and3A_712, %sub3A_715, %div3A_688 : vector<16xi1>, vector<16xi32>
          %jit3A_717 = arith.constant 16384 : i32
          %eq3A_718 = arith.constant 0 : i32
          %eq3A_719 = arith.cmpi eq, %jit3A_717, %eq3A_718 : i32
          %jit3A_720 = arith.constant 1 : i32
          %select_n3A_721 = arith.select %eq3A_719, %jit3A_720, %jit3A_717 : i32
          %rem3A_722 = vector.broadcast %select_n3A_721 : i32 to vector<16xi32>
          %rem3A_723 = arith.remsi %get3A_679, %rem3A_722 : vector<16xi32>
          %ne3A_724 = arith.constant 0 : i32
          %ne3A_725 = vector.broadcast %ne3A_724 : i32 to vector<16xi32>
          %ne3A_726 = arith.cmpi ne, %rem3A_723, %ne3A_725 : vector<16xi32>
          %lt3A_727 = arith.constant 0 : i32
          %lt3A_728 = vector.broadcast %lt3A_727 : i32 to vector<16xi32>
          %lt3A_729 = arith.cmpi slt, %rem3A_723, %lt3A_728 : vector<16xi32>
          %lt3A_730 = arith.constant 0 : i32
          %lt3A_731 = arith.cmpi slt, %select_n3A_721, %lt3A_730 : i32
          %ne3A_732 = vector.broadcast %lt3A_731 : i1 to vector<16xi1>
          %ne3A_733 = vector.broadcast %ne3A_732 : vector<16xi1> to vector<16xi1>
          %ne3A_734 = arith.xori %lt3A_729, %ne3A_733 : vector<16xi1>
          %and3A_735 = arith.andi %ne3A_734, %ne3A_726 : vector<16xi1>
          %add3A_736 = vector.broadcast %select_n3A_721 : i32 to vector<16xi32>
          %add3A_737 = arith.addi %rem3A_723, %add3A_736 : vector<16xi32>
          %select_n3A_738 = arith.select %and3A_735, %add3A_737, %rem3A_723 : vector<16xi1>, vector<16xi32>
          %add3A_739 = arith.constant 8192 : i32
          %add3A_740 = vector.broadcast %add3A_739 : i32 to vector<16xi32>
          %add3A_741 = arith.addi %select_n3A_716, %add3A_740 : vector<16xi32>
          %gather3A = tpu.vector_load_idx %arg14[%add3A_741] masked %lt3A_685 : memref<16384xf32, #tpu.memory_space<vmem>>[vector<16xi32>], vector<16xf32>, vector<16xi1>
          %bitcast3A = vector.bitcast %gather3A : vector<16xf32> to vector<16xi32>
          tpu.vector_store_idx %arg9[%select_n3A_738], %bitcast3A masked %lt3A_685 : memref<16384xi32, #tpu.memory_space<vmem>>[vector<16xi32>], vector<16xi32>, vector<16xi1>
        }
        %mul3A_664 = arith.constant 16 : i32
        %mul3A_665 = arith.muli %select_n3A_654, %mul3A_664 : i32
        %add3A_666 = arith.addi %add3A_591, %mul3A_665 : i32
        %add3A_667 = arith.constant 3 : i32
        %add3A_668 = arith.addi %mul3A_532, %add3A_667 : i32
        %lt3A_669 = arith.constant 122 : i32
        %lt3A_670 = arith.cmpi slt, %add3A_668, %lt3A_669 : i32
        %convert_element_type3A_671 = arith.extui %lt3A_670 : i1 to i32
        %cond3A_672 = arith.constant 0 : i32
        %cond3A_673 = arith.cmpi ne, %convert_element_type3A_671, %cond3A_672 : i32
        scf.if %cond3A_673 {
          %add3A_674 = arith.constant 3 : i32
          %add3A_675 = arith.addi %mul3A_532, %add3A_674 : i32
          %mul3A_676 = arith.constant 8192 : i32
          %mul3A_677 = arith.muli %add3A_675, %mul3A_676 : i32
          %dma_start3A_678 = arith.constant 8192 : i32
          %dma_start3A_679 = tpu.memref_slice %arg14[%dma_start3A_678] : memref<16384xf32, #tpu.memory_space<vmem>> -> memref<4096xf32, #tpu.memory_space<vmem>>
          %dma_start3A_680 = tpu.memref_slice %arg4[%add3A_30, %mul3A_677] : memref<16x1000000xf32, #tpu.memory_space<hbm>> -> memref<1x4096xf32, #tpu.memory_space<hbm>>
          %dma_start3A_681 = tpu.memref_squeeze %dma_start3A_680 : memref<1x4096xf32, #tpu.memory_space<hbm>> -> memref<4096xf32, #tpu.memory_space<hbm>>
          %dma_start3A_682 = arith.constant 8192 : i32
          %dma_start3A_683 = tpu.memref_slice %arg14[%dma_start3A_682] : memref<16384xf32, #tpu.memory_space<vmem>> -> memref<4096xf32, #tpu.memory_space<vmem>>
          %dma_start3A_684 = tpu.memref_slice %arg4[%add3A_30, %mul3A_677] : memref<16x1000000xf32, #tpu.memory_space<hbm>> -> memref<1x4096xf32, #tpu.memory_space<hbm>>
          %dma_start3A_685 = tpu.memref_squeeze %dma_start3A_684 : memref<1x4096xf32, #tpu.memory_space<hbm>> -> memref<4096xf32, #tpu.memory_space<hbm>>
          tpu.enqueue_dma source(%dma_start3A_685 : memref<4096xf32, #tpu.memory_space<hbm>>) target(%dma_start3A_683 : memref<4096xf32, #tpu.memory_space<vmem>>) target_semaphore(%arg22 : memref<!tpu.dma_semaphore, #tpu.memory_space<semaphore_mem>>)
          %mul3A_686 = arith.constant 8192 : i32
          %mul3A_687 = arith.muli %add3A_675, %mul3A_686 : i32
          %add3A_688 = arith.constant 4096 : i32
          %add3A_689 = arith.addi %mul3A_687, %add3A_688 : i32
          %dma_start3A_690 = arith.constant 12288 : i32
          %dma_start3A_691 = tpu.memref_slice %arg14[%dma_start3A_690] : memref<16384xf32, #tpu.memory_space<vmem>> -> memref<4096xf32, #tpu.memory_space<vmem>>
          %dma_start3A_692 = tpu.memref_slice %arg4[%add3A_30, %add3A_689] : memref<16x1000000xf32, #tpu.memory_space<hbm>> -> memref<1x4096xf32, #tpu.memory_space<hbm>>
          %dma_start3A_693 = tpu.memref_squeeze %dma_start3A_692 : memref<1x4096xf32, #tpu.memory_space<hbm>> -> memref<4096xf32, #tpu.memory_space<hbm>>
          %dma_start3A_694 = arith.constant 12288 : i32
          %dma_start3A_695 = tpu.memref_slice %arg14[%dma_start3A_694] : memref<16384xf32, #tpu.memory_space<vmem>> -> memref<4096xf32, #tpu.memory_space<vmem>>
          %dma_start3A_696 = tpu.memref_slice %arg4[%add3A_30, %add3A_689] : memref<16x1000000xf32, #tpu.memory_space<hbm>> -> memref<1x4096xf32, #tpu.memory_space<hbm>>
          %dma_start3A_697 = tpu.memref_squeeze %dma_start3A_696 : memref<1x4096xf32, #tpu.memory_space<hbm>> -> memref<4096xf32, #tpu.memory_space<hbm>>
          tpu.enqueue_dma source(%dma_start3A_697 : memref<4096xf32, #tpu.memory_space<hbm>>) target(%dma_start3A_695 : memref<4096xf32, #tpu.memory_space<vmem>>) target_semaphore(%arg22 : memref<!tpu.dma_semaphore, #tpu.memory_space<semaphore_mem>>)
        } else {
        }
        scf.yield %add3A_666 : i32
      }
      %scan3A_477 = arith.constant 61 : i32
      %dma_wait3A_478 = arith.constant 0 : i32
      %dma_wait3A_479 = arith.constant 0 : i32
      %dma_wait3A_480 = tpu.memref_slice %arg14[%dma_wait3A_479] : memref<16384xf32, #tpu.memory_space<vmem>> -> memref<512xf32, #tpu.memory_space<vmem>>
      %dma_wait3A_481 = arith.constant 0 : i32
      %dma_wait3A_482 = tpu.memref_slice %arg4[%dma_wait3A_478, %dma_wait3A_481] : memref<16x1000000xf32, #tpu.memory_space<hbm>> -> memref<1x512xf32, #tpu.memory_space<hbm>>
      %dma_wait3A_483 = tpu.memref_squeeze %dma_wait3A_482 : memref<1x512xf32, #tpu.memory_space<hbm>> -> memref<512xf32, #tpu.memory_space<hbm>>
      %dma_wait3A_484 = arith.constant 0 : i32
      %dma_wait3A_485 = tpu.memref_slice %arg14[%dma_wait3A_484] : memref<16384xf32, #tpu.memory_space<vmem>> -> memref<512xf32, #tpu.memory_space<vmem>>
      %dma_wait3A_486 = arith.constant 0 : i32
      %dma_wait3A_487 = tpu.memref_slice %arg4[%dma_wait3A_478, %dma_wait3A_486] : memref<16x1000000xf32, #tpu.memory_space<hbm>> -> memref<1x512xf32, #tpu.memory_space<hbm>>
      %dma_wait3A_488 = tpu.memref_squeeze %dma_wait3A_487 : memref<1x512xf32, #tpu.memory_space<hbm>> -> memref<512xf32, #tpu.memory_space<hbm>>
      tpu.wait_dma2 semaphore(%arg21 : memref<!tpu.dma_semaphore, #tpu.memory_space<semaphore_mem>>) src(%dma_wait3A_488 : memref<512xf32, #tpu.memory_space<hbm>>) dst(%dma_wait3A_485 : memref<512xf32, #tpu.memory_space<vmem>>)
      %get3A = arith.constant 1952 : index
      %get3A_489 = tpu.vector_load %arg12[%get3A] {strides = array<i32>} : memref<2048xi32, #tpu.memory_space<vmem>>, vector<16xi32>,
      %reduce_sum3A = arith.constant true
      %reduce_sum3A_490 = vector.broadcast %reduce_sum3A : i1 to vector<16xi1>
      %reduce_sum3A_491 = tpu.scan <sum>, %get3A_489 masked %reduce_sum3A_490 : vector<16xi32>, vector<16xi1> -> vector<16xi32>
      %reduce_sum3A_492 = vector.extract %reduce_sum3A_491[15] : i32 from vector<16xi32>
      %add3A_493 = arith.constant 16 : i32
      %add3A_494 = arith.addi %reduce_sum3A_492, %add3A_493 : i32
      %sub3A_495 = arith.constant 1 : i32
      %sub3A_496 = arith.subi %add3A_494, %sub3A_495 : i32
      %jit3A_497 = arith.constant 16 : i32
      %div3A_498 = arith.divsi %sub3A_496, %jit3A_497 : i32
      %sign3A_499 = arith.constant 0 : i32
      %sign3A_500 = arith.cmpi sgt, %sub3A_496, %sign3A_499 : i32
      %sign3A_501 = arith.extui %sign3A_500 : i1 to i32
      %sign3A_502 = arith.constant 0 : i32
      %sign3A_503 = arith.cmpi slt, %sub3A_496, %sign3A_502 : i32
      %sign3A_504 = arith.extui %sign3A_503 : i1 to i32
      %sign3A_505 = arith.subi %sign3A_501, %sign3A_504 : i32
      %sign3A_506 = arith.constant 0 : i32
      %sign3A_507 = arith.cmpi sgt, %jit3A_497, %sign3A_506 : i32
      %sign3A_508 = arith.extui %sign3A_507 : i1 to i32
      %sign3A_509 = arith.constant 0 : i32
      %sign3A_510 = arith.cmpi slt, %jit3A_497, %sign3A_509 : i32
      %sign3A_511 = arith.extui %sign3A_510 : i1 to i32
      %sign3A_512 = arith.subi %sign3A_508, %sign3A_511 : i32
      %ne3A_513 = arith.cmpi ne, %sign3A_505, %sign3A_512 : i32
      %rem3A_514 = arith.remsi %sub3A_496, %jit3A_497 : i32
      %ne3A_515 = arith.constant 0 : i32
      %ne3A_516 = arith.cmpi ne, %rem3A_514, %ne3A_515 : i32
      %and3A_517 = arith.andi %ne3A_513, %ne3A_516 : i1
      %sub3A_518 = arith.constant 1 : i32
      %sub3A_519 = arith.subi %div3A_498, %sub3A_518 : i32
      %select_n3A_520 = arith.select %and3A_517, %sub3A_519, %div3A_498 : i32
      %while3A = arith.constant 0 : i32
      %while3A_521 = arith.subi %select_n3A_520, %while3A : i32
      %while3A_522 = arith.addi %while3A, %while3A_521 : i32
      %while3A_523 = arith.constant 1 : i32
      %while3A_524 = arith.divsi %while3A_521, %while3A_523 : i32
      %while3A_525 = arith.muli %while3A_524, %while3A_523 : i32
      %while3A_526 = arith.addi %while3A, %while3A_525 : i32
      %while3A_527 = arith.constant 1 : i32
      scf.for %while3A_529 = %while3A to %while3A_526 step %while3A_527  : i32 {
        %mul3A_530 = arith.constant 16 : i32
        %mul3A_531 = arith.muli %while3A_529, %mul3A_530 : i32
        %add3A_532 = arith.addi %scan3A_476, %mul3A_531 : i32
        %get3A_533 = arith.index_cast %add3A_532 : i32 to index
        %get3A_534 = tpu.vector_load %arg11[%get3A_533] {strides = array<i32>} : memref<18352xi32, #tpu.memory_space<vmem>>, vector<16xi32>,
        %mul3A_535 = arith.constant 16 : i32
        %mul3A_536 = arith.muli %while3A_529, %mul3A_535 : i32
        %add3A_537 = vector.broadcast %mul3A_536 : i32 to vector<16xi32>
        %add3A_538 = arith.addi %add3A_537, %iota3A : vector<16xi32>
        %lt3A_539 = vector.broadcast %reduce_sum3A_492 : i32 to vector<16xi32>
        %lt3A_540 = arith.cmpi slt, %add3A_538, %lt3A_539 : vector<16xi32>
        %jit3A_541 = arith.constant 16384 : i32
        %div3A_542 = vector.broadcast %jit3A_541 : i32 to vector<16xi32>
        %div3A_543 = arith.divsi %get3A_534, %div3A_542 : vector<16xi32>
        %sign3A_544 = arith.constant 0 : i32
        %sign3A_545 = vector.broadcast %sign3A_544 : i32 to vector<16xi32>
        %sign3A_546 = arith.cmpi sgt, %get3A_534, %sign3A_545 : vector<16xi32>
        %sign3A_547 = arith.extui %sign3A_546 : vector<16xi1> to vector<16xi32>
        %sign3A_548 = arith.constant 0 : i32
        %sign3A_549 = vector.broadcast %sign3A_548 : i32 to vector<16xi32>
        %sign3A_550 = arith.cmpi slt, %get3A_534, %sign3A_549 : vector<16xi32>
        %sign3A_551 = arith.extui %sign3A_550 : vector<16xi1> to vector<16xi32>
        %sign3A_552 = arith.subi %sign3A_547, %sign3A_551 : vector<16xi32>
        %sign3A_553 = arith.constant 0 : i32
        %sign3A_554 = arith.cmpi sgt, %jit3A_541, %sign3A_553 : i32
        %sign3A_555 = arith.extui %sign3A_554 : i1 to i32
        %sign3A_556 = arith.constant 0 : i32
        %sign3A_557 = arith.cmpi slt, %jit3A_541, %sign3A_556 : i32
        %sign3A_558 = arith.extui %sign3A_557 : i1 to i32
        %sign3A_559 = arith.subi %sign3A_555, %sign3A_558 : i32
        %ne3A_560 = vector.broadcast %sign3A_559 : i32 to vector<16xi32>
        %ne3A_561 = arith.cmpi ne, %sign3A_552, %ne3A_560 : vector<16xi32>
        %rem3A_562 = vector.broadcast %jit3A_541 : i32 to vector<16xi32>
        %rem3A_563 = arith.remsi %get3A_534, %rem3A_562 : vector<16xi32>
        %ne3A_564 = arith.constant 0 : i32
        %ne3A_565 = vector.broadcast %ne3A_564 : i32 to vector<16xi32>
        %ne3A_566 = arith.cmpi ne, %rem3A_563, %ne3A_565 : vector<16xi32>
        %and3A_567 = arith.andi %ne3A_561, %ne3A_566 : vector<16xi1>
        %sub3A_568 = arith.constant 1 : i32
        %sub3A_569 = vector.broadcast %sub3A_568 : i32 to vector<16xi32>
        %sub3A_570 = arith.subi %div3A_543, %sub3A_569 : vector<16xi32>
        %select_n3A_571 = arith.select %and3A_567, %sub3A_570, %div3A_543 : vector<16xi1>, vector<16xi32>
        %jit3A_572 = arith.constant 16384 : i32
        %eq3A_573 = arith.constant 0 : i32
        %eq3A_574 = arith.cmpi eq, %jit3A_572, %eq3A_573 : i32
        %jit3A_575 = arith.constant 1 : i32
        %select_n3A_576 = arith.select %eq3A_574, %jit3A_575, %jit3A_572 : i32
        %rem3A_577 = vector.broadcast %select_n3A_576 : i32 to vector<16xi32>
        %rem3A_578 = arith.remsi %get3A_534, %rem3A_577 : vector<16xi32>
        %ne3A_579 = arith.constant 0 : i32
        %ne3A_580 = vector.broadcast %ne3A_579 : i32 to vector<16xi32>
        %ne3A_581 = arith.cmpi ne, %rem3A_578, %ne3A_580 : vector<16xi32>
        %lt3A_582 = arith.constant 0 : i32
        %lt3A_583 = vector.broadcast %lt3A_582 : i32 to vector<16xi32>
        %lt3A_584 = arith.cmpi slt, %rem3A_578, %lt3A_583 : vector<16xi32>
        %lt3A_585 = arith.constant 0 : i32
        %lt3A_586 = arith.cmpi slt, %select_n3A_576, %lt3A_585 : i32
        %ne3A_587 = vector.broadcast %lt3A_586 : i1 to vector<16xi1>
        %ne3A_588 = vector.broadcast %ne3A_587 : vector<16xi1> to vector<16xi1>
        %ne3A_589 = arith.xori %lt3A_584, %ne3A_588 : vector<16xi1>
        %and3A_590 = arith.andi %ne3A_589, %ne3A_581 : vector<16xi1>
        %add3A_591 = vector.broadcast %select_n3A_576 : i32 to vector<16xi32>
        %add3A_592 = arith.addi %rem3A_578, %add3A_591 : vector<16xi32>
        %select_n3A_593 = arith.select %and3A_590, %add3A_592, %rem3A_578 : vector<16xi1>, vector<16xi32>
        %lt3A_594 = arith.constant 512 : i32
        %lt3A_595 = vector.broadcast %lt3A_594 : i32 to vector<16xi32>
        %lt3A_596 = arith.cmpi slt, %select_n3A_571, %lt3A_595 : vector<16xi32>
        %and3A_597 = arith.andi %lt3A_540, %lt3A_596 : vector<16xi1>
        %ge3A_598 = arith.constant 512 : i32
        %ge3A_599 = vector.broadcast %ge3A_598 : i32 to vector<16xi32>
        %ge3A_600 = arith.cmpi sge, %select_n3A_571, %ge3A_599 : vector<16xi32>
        %and3A_601 = arith.andi %lt3A_540, %ge3A_600 : vector<16xi1>
        %gather3A = tpu.vector_load_idx %arg14[%select_n3A_571] masked %and3A_597 : memref<16384xf32, #tpu.memory_space<vmem>>[vector<16xi32>], vector<16xf32>, vector<16xi1>
        %sub3A_602 = arith.constant 512 : i32
        %sub3A_603 = vector.broadcast %sub3A_602 : i32 to vector<16xi32>
        %sub3A_604 = arith.subi %select_n3A_571, %sub3A_603 : vector<16xi32>
        %mul3A_605 = arith.constant 16 : i32
        %mul3A_606 = vector.broadcast %mul3A_605 : i32 to vector<16xi32>
        %mul3A_607 = arith.muli %sub3A_604, %mul3A_606 : vector<16xi32>
        %add3A_608 = vector.broadcast %add3A_30 : i32 to vector<16xi32>
        %add3A_609 = arith.addi %mul3A_607, %add3A_608 : vector<16xi32>
        %gather3A_610 = tpu.vector_load_idx %arg18[%add3A_609] masked %and3A_601 : memref<1024xf32, #tpu.memory_space<vmem>>[vector<16xi32>], vector<16xf32>, vector<16xi1>
        %sub3A_611 = arith.constant 512 : i32
        %sub3A_612 = vector.broadcast %sub3A_611 : i32 to vector<16xi32>
        %sub3A_613 = arith.subi %select_n3A_571, %sub3A_612 : vector<16xi32>
        %mul3A_614 = arith.constant 16 : i32
        %mul3A_615 = vector.broadcast %mul3A_614 : i32 to vector<16xi32>
        %mul3A_616 = arith.muli %sub3A_613, %mul3A_615 : vector<16xi32>
        %add3A_617 = vector.broadcast %add3A_30 : i32 to vector<16xi32>
        %add3A_618 = arith.addi %mul3A_616, %add3A_617 : vector<16xi32>
        %gather3A_619 = tpu.vector_load_idx %arg19[%add3A_618] masked %and3A_601 : memref<1024xf32, #tpu.memory_space<vmem>>[vector<16xi32>], vector<16xf32>, vector<16xi1>
        %select_n3A_620 = arith.select %gt3A_32, %gather3A_619, %gather3A_610 : vector<16xi1>, vector<16xf32>
        %lt3A_621 = arith.constant 512 : i32
        %lt3A_622 = vector.broadcast %lt3A_621 : i32 to vector<16xi32>
        %lt3A_623 = arith.cmpi slt, %select_n3A_571, %lt3A_622 : vector<16xi32>
        %select_n3A_624 = arith.select %lt3A_623, %gather3A, %select_n3A_620 : vector<16xi1>, vector<16xf32>
        %bitcast3A = vector.bitcast %select_n3A_624 : vector<16xf32> to vector<16xi32>
        tpu.vector_store_idx %arg9[%select_n3A_593], %bitcast3A masked %lt3A_540 : memref<16384xi32, #tpu.memory_space<vmem>>[vector<16xi32>], vector<16xi32>, vector<16xi1>
      }
      %while3A_528 = arith.constant 1 : i32
      scf.for %while3A_529 = %while3A_526 to %while3A_522 step %while3A_528  : i32 {
        %mul3A_530 = arith.constant 16 : i32
        %mul3A_531 = arith.muli %while3A_529, %mul3A_530 : i32
        %add3A_532 = arith.addi %scan3A_476, %mul3A_531 : i32
        %get3A_533 = arith.index_cast %add3A_532 : i32 to index
        %get3A_534 = tpu.vector_load %arg11[%get3A_533] {strides = array<i32>} : memref<18352xi32, #tpu.memory_space<vmem>>, vector<16xi32>,
        %mul3A_535 = arith.constant 16 : i32
        %mul3A_536 = arith.muli %while3A_529, %mul3A_535 : i32
        %add3A_537 = vector.broadcast %mul3A_536 : i32 to vector<16xi32>
        %add3A_538 = arith.addi %add3A_537, %iota3A : vector<16xi32>
        %lt3A_539 = vector.broadcast %reduce_sum3A_492 : i32 to vector<16xi32>
        %lt3A_540 = arith.cmpi slt, %add3A_538, %lt3A_539 : vector<16xi32>
        %jit3A_541 = arith.constant 16384 : i32
        %div3A_542 = vector.broadcast %jit3A_541 : i32 to vector<16xi32>
        %div3A_543 = arith.divsi %get3A_534, %div3A_542 : vector<16xi32>
        %sign3A_544 = arith.constant 0 : i32
        %sign3A_545 = vector.broadcast %sign3A_544 : i32 to vector<16xi32>
        %sign3A_546 = arith.cmpi sgt, %get3A_534, %sign3A_545 : vector<16xi32>
        %sign3A_547 = arith.extui %sign3A_546 : vector<16xi1> to vector<16xi32>
        %sign3A_548 = arith.constant 0 : i32
        %sign3A_549 = vector.broadcast %sign3A_548 : i32 to vector<16xi32>
        %sign3A_550 = arith.cmpi slt, %get3A_534, %sign3A_549 : vector<16xi32>
        %sign3A_551 = arith.extui %sign3A_550 : vector<16xi1> to vector<16xi32>
        %sign3A_552 = arith.subi %sign3A_547, %sign3A_551 : vector<16xi32>
        %sign3A_553 = arith.constant 0 : i32
        %sign3A_554 = arith.cmpi sgt, %jit3A_541, %sign3A_553 : i32
        %sign3A_555 = arith.extui %sign3A_554 : i1 to i32
        %sign3A_556 = arith.constant 0 : i32
        %sign3A_557 = arith.cmpi slt, %jit3A_541, %sign3A_556 : i32
        %sign3A_558 = arith.extui %sign3A_557 : i1 to i32
        %sign3A_559 = arith.subi %sign3A_555, %sign3A_558 : i32
        %ne3A_560 = vector.broadcast %sign3A_559 : i32 to vector<16xi32>
        %ne3A_561 = arith.cmpi ne, %sign3A_552, %ne3A_560 : vector<16xi32>
        %rem3A_562 = vector.broadcast %jit3A_541 : i32 to vector<16xi32>
        %rem3A_563 = arith.remsi %get3A_534, %rem3A_562 : vector<16xi32>
        %ne3A_564 = arith.constant 0 : i32
        %ne3A_565 = vector.broadcast %ne3A_564 : i32 to vector<16xi32>
        %ne3A_566 = arith.cmpi ne, %rem3A_563, %ne3A_565 : vector<16xi32>
        %and3A_567 = arith.andi %ne3A_561, %ne3A_566 : vector<16xi1>
        %sub3A_568 = arith.constant 1 : i32
        %sub3A_569 = vector.broadcast %sub3A_568 : i32 to vector<16xi32>
        %sub3A_570 = arith.subi %div3A_543, %sub3A_569 : vector<16xi32>
        %select_n3A_571 = arith.select %and3A_567, %sub3A_570, %div3A_543 : vector<16xi1>, vector<16xi32>
        %jit3A_572 = arith.constant 16384 : i32
        %eq3A_573 = arith.constant 0 : i32
        %eq3A_574 = arith.cmpi eq, %jit3A_572, %eq3A_573 : i32
        %jit3A_575 = arith.constant 1 : i32
        %select_n3A_576 = arith.select %eq3A_574, %jit3A_575, %jit3A_572 : i32
        %rem3A_577 = vector.broadcast %select_n3A_576 : i32 to vector<16xi32>
        %rem3A_578 = arith.remsi %get3A_534, %rem3A_577 : vector<16xi32>
        %ne3A_579 = arith.constant 0 : i32
        %ne3A_580 = vector.broadcast %ne3A_579 : i32 to vector<16xi32>
        %ne3A_581 = arith.cmpi ne, %rem3A_578, %ne3A_580 : vector<16xi32>
        %lt3A_582 = arith.constant 0 : i32
        %lt3A_583 = vector.broadcast %lt3A_582 : i32 to vector<16xi32>
        %lt3A_584 = arith.cmpi slt, %rem3A_578, %lt3A_583 : vector<16xi32>
        %lt3A_585 = arith.constant 0 : i32
        %lt3A_586 = arith.cmpi slt, %select_n3A_576, %lt3A_585 : i32
        %ne3A_587 = vector.broadcast %lt3A_586 : i1 to vector<16xi1>
        %ne3A_588 = vector.broadcast %ne3A_587 : vector<16xi1> to vector<16xi1>
        %ne3A_589 = arith.xori %lt3A_584, %ne3A_588 : vector<16xi1>
        %and3A_590 = arith.andi %ne3A_589, %ne3A_581 : vector<16xi1>
        %add3A_591 = vector.broadcast %select_n3A_576 : i32 to vector<16xi32>
        %add3A_592 = arith.addi %rem3A_578, %add3A_591 : vector<16xi32>
        %select_n3A_593 = arith.select %and3A_590, %add3A_592, %rem3A_578 : vector<16xi1>, vector<16xi32>
        %lt3A_594 = arith.constant 512 : i32
        %lt3A_595 = vector.broadcast %lt3A_594 : i32 to vector<16xi32>
        %lt3A_596 = arith.cmpi slt, %select_n3A_571, %lt3A_595 : vector<16xi32>
        %and3A_597 = arith.andi %lt3A_540, %lt3A_596 : vector<16xi1>
        %ge3A_598 = arith.constant 512 : i32
        %ge3A_599 = vector.broadcast %ge3A_598 : i32 to vector<16xi32>
        %ge3A_600 = arith.cmpi sge, %select_n3A_571, %ge3A_599 : vector<16xi32>
        %and3A_601 = arith.andi %lt3A_540, %ge3A_600 : vector<16xi1>
        %gather3A = tpu.vector_load_idx %arg14[%select_n3A_571] masked %and3A_597 : memref<16384xf32, #tpu.memory_space<vmem>>[vector<16xi32>], vector<16xf32>, vector<16xi1>
        %sub3A_602 = arith.constant 512 : i32
        %sub3A_603 = vector.broadcast %sub3A_602 : i32 to vector<16xi32>
        %sub3A_604 = arith.subi %select_n3A_571, %sub3A_603 : vector<16xi32>
        %mul3A_605 = arith.constant 16 : i32
        %mul3A_606 = vector.broadcast %mul3A_605 : i32 to vector<16xi32>
        %mul3A_607 = arith.muli %sub3A_604, %mul3A_606 : vector<16xi32>
        %add3A_608 = vector.broadcast %add3A_30 : i32 to vector<16xi32>
        %add3A_609 = arith.addi %mul3A_607, %add3A_608 : vector<16xi32>
        %gather3A_610 = tpu.vector_load_idx %arg18[%add3A_609] masked %and3A_601 : memref<1024xf32, #tpu.memory_space<vmem>>[vector<16xi32>], vector<16xf32>, vector<16xi1>
        %sub3A_611 = arith.constant 512 : i32
        %sub3A_612 = vector.broadcast %sub3A_611 : i32 to vector<16xi32>
        %sub3A_613 = arith.subi %select_n3A_571, %sub3A_612 : vector<16xi32>
        %mul3A_614 = arith.constant 16 : i32
        %mul3A_615 = vector.broadcast %mul3A_614 : i32 to vector<16xi32>
        %mul3A_616 = arith.muli %sub3A_613, %mul3A_615 : vector<16xi32>
        %add3A_617 = vector.broadcast %add3A_30 : i32 to vector<16xi32>
        %add3A_618 = arith.addi %mul3A_616, %add3A_617 : vector<16xi32>
        %gather3A_619 = tpu.vector_load_idx %arg19[%add3A_618] masked %and3A_601 : memref<1024xf32, #tpu.memory_space<vmem>>[vector<16xi32>], vector<16xf32>, vector<16xi1>
        %select_n3A_620 = arith.select %gt3A_32, %gather3A_619, %gather3A_610 : vector<16xi1>, vector<16xf32>
        %lt3A_621 = arith.constant 512 : i32
        %lt3A_622 = vector.broadcast %lt3A_621 : i32 to vector<16xi32>
        %lt3A_623 = arith.cmpi slt, %select_n3A_571, %lt3A_622 : vector<16xi32>
        %select_n3A_624 = arith.select %lt3A_623, %gather3A, %select_n3A_620 : vector<16xi1>, vector<16xf32>
        %bitcast3A = vector.bitcast %select_n3A_624 : vector<16xf32> to vector<16xi32>
        tpu.vector_store_idx %arg9[%select_n3A_593], %bitcast3A masked %lt3A_540 : memref<16384xi32, #tpu.memory_space<vmem>>[vector<16xi32>], vector<16xi32>, vector<16xi1>
      }
    } else {
    }
    %ge3A = arith.constant 8 : i32
    %ge3A_57 = arith.cmpi sge, %arg1, %ge3A : i32
    %convert_element_type3A_58 = arith.extui %ge3A_57 : i1 to i32
    %cond3A_59 = arith.constant 0 : i32
    %cond3A_60 = arith.cmpi ne, %convert_element_type3A_58, %cond3A_59 : i32
    scf.if %cond3A_60 {
      %dma_start3A_431 = arith.constant 0 : i32
      %dma_start3A_432 = tpu.memref_slice %arg14[%dma_start3A_431] : memref<16384xf32, #tpu.memory_space<vmem>> -> memref<4096xf32, #tpu.memory_space<vmem>>
      %dma_start3A_433 = arith.constant 0 : i32
      %dma_start3A_434 = tpu.memref_slice %arg5[%add3A_30, %dma_start3A_433] : memref<16x1000000xf32, #tpu.memory_space<hbm>> -> memref<1x4096xf32, #tpu.memory_space<hbm>>
      %dma_start3A_435 = tpu.memref_squeeze %dma_start3A_434 : memref<1x4096xf32, #tpu.memory_space<hbm>> -> memref<4096xf32, #tpu.memory_space<hbm>>
      %dma_start3A_436 = arith.constant 0 : i32
      %dma_start3A_437 = tpu.memref_slice %arg14[%dma_start3A_436] : memref<16384xf32, #tpu.memory_space<vmem>> -> memref<4096xf32, #tpu.memory_space<vmem>>
      %dma_start3A_438 = arith.constant 0 : i32
      %dma_start3A_439 = tpu.memref_slice %arg5[%add3A_30, %dma_start3A_438] : memref<16x1000000xf32, #tpu.memory_space<hbm>> -> memref<1x4096xf32, #tpu.memory_space<hbm>>
      %dma_start3A_440 = tpu.memref_squeeze %dma_start3A_439 : memref<1x4096xf32, #tpu.memory_space<hbm>> -> memref<4096xf32, #tpu.memory_space<hbm>>
      tpu.enqueue_dma source(%dma_start3A_440 : memref<4096xf32, #tpu.memory_space<hbm>>) target(%dma_start3A_437 : memref<4096xf32, #tpu.memory_space<vmem>>) target_semaphore(%arg21 : memref<!tpu.dma_semaphore, #tpu.memory_space<semaphore_mem>>)
      %dma_start3A_441 = arith.constant 4096 : i32
      %dma_start3A_442 = tpu.memref_slice %arg14[%dma_start3A_441] : memref<16384xf32, #tpu.memory_space<vmem>> -> memref<4096xf32, #tpu.memory_space<vmem>>
      %dma_start3A_443 = arith.constant 4096 : i32
      %dma_start3A_444 = tpu.memref_slice %arg5[%add3A_30, %dma_start3A_443] : memref<16x1000000xf32, #tpu.memory_space<hbm>> -> memref<1x4096xf32, #tpu.memory_space<hbm>>
      %dma_start3A_445 = tpu.memref_squeeze %dma_start3A_444 : memref<1x4096xf32, #tpu.memory_space<hbm>> -> memref<4096xf32, #tpu.memory_space<hbm>>
      %dma_start3A_446 = arith.constant 4096 : i32
      %dma_start3A_447 = tpu.memref_slice %arg14[%dma_start3A_446] : memref<16384xf32, #tpu.memory_space<vmem>> -> memref<4096xf32, #tpu.memory_space<vmem>>
      %dma_start3A_448 = arith.constant 4096 : i32
      %dma_start3A_449 = tpu.memref_slice %arg5[%add3A_30, %dma_start3A_448] : memref<16x1000000xf32, #tpu.memory_space<hbm>> -> memref<1x4096xf32, #tpu.memory_space<hbm>>
      %dma_start3A_450 = tpu.memref_squeeze %dma_start3A_449 : memref<1x4096xf32, #tpu.memory_space<hbm>> -> memref<4096xf32, #tpu.memory_space<hbm>>
      tpu.enqueue_dma source(%dma_start3A_450 : memref<4096xf32, #tpu.memory_space<hbm>>) target(%dma_start3A_447 : memref<4096xf32, #tpu.memory_space<vmem>>) target_semaphore(%arg21 : memref<!tpu.dma_semaphore, #tpu.memory_space<semaphore_mem>>)
      %dma_start3A_451 = arith.constant 8192 : i32
      %dma_start3A_452 = tpu.memref_slice %arg14[%dma_start3A_451] : memref<16384xf32, #tpu.memory_space<vmem>> -> memref<4096xf32, #tpu.memory_space<vmem>>
      %dma_start3A_453 = arith.constant 8192 : i32
      %dma_start3A_454 = tpu.memref_slice %arg5[%add3A_30, %dma_start3A_453] : memref<16x1000000xf32, #tpu.memory_space<hbm>> -> memref<1x4096xf32, #tpu.memory_space<hbm>>
      %dma_start3A_455 = tpu.memref_squeeze %dma_start3A_454 : memref<1x4096xf32, #tpu.memory_space<hbm>> -> memref<4096xf32, #tpu.memory_space<hbm>>
      %dma_start3A_456 = arith.constant 8192 : i32
      %dma_start3A_457 = tpu.memref_slice %arg14[%dma_start3A_456] : memref<16384xf32, #tpu.memory_space<vmem>> -> memref<4096xf32, #tpu.memory_space<vmem>>
      %dma_start3A_458 = arith.constant 8192 : i32
      %dma_start3A_459 = tpu.memref_slice %arg5[%add3A_30, %dma_start3A_458] : memref<16x1000000xf32, #tpu.memory_space<hbm>> -> memref<1x4096xf32, #tpu.memory_space<hbm>>
      %dma_start3A_460 = tpu.memref_squeeze %dma_start3A_459 : memref<1x4096xf32, #tpu.memory_space<hbm>> -> memref<4096xf32, #tpu.memory_space<hbm>>
      tpu.enqueue_dma source(%dma_start3A_460 : memref<4096xf32, #tpu.memory_space<hbm>>) target(%dma_start3A_457 : memref<4096xf32, #tpu.memory_space<vmem>>) target_semaphore(%arg22 : memref<!tpu.dma_semaphore, #tpu.memory_space<semaphore_mem>>)
      %dma_start3A_461 = arith.constant 12288 : i32
      %dma_start3A_462 = tpu.memref_slice %arg14[%dma_start3A_461] : memref<16384xf32, #tpu.memory_space<vmem>> -> memref<4096xf32, #tpu.memory_space<vmem>>
      %dma_start3A_463 = arith.constant 12288 : i32
      %dma_start3A_464 = tpu.memref_slice %arg5[%add3A_30, %dma_start3A_463] : memref<16x1000000xf32, #tpu.memory_space<hbm>> -> memref<1x4096xf32, #tpu.memory_space<hbm>>
      %dma_start3A_465 = tpu.memref_squeeze %dma_start3A_464 : memref<1x4096xf32, #tpu.memory_space<hbm>> -> memref<4096xf32, #tpu.memory_space<hbm>>
      %dma_start3A_466 = arith.constant 12288 : i32
      %dma_start3A_467 = tpu.memref_slice %arg14[%dma_start3A_466] : memref<16384xf32, #tpu.memory_space<vmem>> -> memref<4096xf32, #tpu.memory_space<vmem>>
      %dma_start3A_468 = arith.constant 12288 : i32
      %dma_start3A_469 = tpu.memref_slice %arg5[%add3A_30, %dma_start3A_468] : memref<16x1000000xf32, #tpu.memory_space<hbm>> -> memref<1x4096xf32, #tpu.memory_space<hbm>>
      %dma_start3A_470 = tpu.memref_squeeze %dma_start3A_469 : memref<1x4096xf32, #tpu.memory_space<hbm>> -> memref<4096xf32, #tpu.memory_space<hbm>>
      tpu.enqueue_dma source(%dma_start3A_470 : memref<4096xf32, #tpu.memory_space<hbm>>) target(%dma_start3A_467 : memref<4096xf32, #tpu.memory_space<vmem>>) target_semaphore(%arg22 : memref<!tpu.dma_semaphore, #tpu.memory_space<semaphore_mem>>)
      %scan3A_471 = arith.constant 0 : i32
      %scan3A_472 = arith.constant 0 : i32
      %scan3A_473 = arith.constant 61 : i32
      %scan3A_474 = arith.addi %scan3A_472, %scan3A_473 : i32
      %scan3A_475 = arith.constant 1 : i32
      %scan3A_476 = scf.for %scan3A_529 = %scan3A_472 to %scan3A_474 step %scan3A_475 iter_args(%scan3A_530 = %scan3A_471) -> (i32)  : i32 {
        %mul3A_531 = arith.constant 2 : i32
        %mul3A_532 = arith.muli %mul3A_531, %scan3A_529 : i32
        %dma_wait3A_533 = arith.constant 0 : i32
        %dma_wait3A_534 = arith.constant 0 : i32
        %dma_wait3A_535 = tpu.memref_slice %arg14[%dma_wait3A_534] : memref<16384xf32, #tpu.memory_space<vmem>> -> memref<8192xf32, #tpu.memory_space<vmem>>
        %dma_wait3A_536 = arith.constant 0 : i32
        %dma_wait3A_537 = tpu.memref_slice %arg4[%dma_wait3A_533, %dma_wait3A_536] : memref<16x1000000xf32, #tpu.memory_space<hbm>> -> memref<1x8192xf32, #tpu.memory_space<hbm>>
        %dma_wait3A_538 = tpu.memref_squeeze %dma_wait3A_537 : memref<1x8192xf32, #tpu.memory_space<hbm>> -> memref<8192xf32, #tpu.memory_space<hbm>>
        %dma_wait3A_539 = arith.constant 0 : i32
        %dma_wait3A_540 = tpu.memref_slice %arg14[%dma_wait3A_539] : memref<16384xf32, #tpu.memory_space<vmem>> -> memref<8192xf32, #tpu.memory_space<vmem>>
        %dma_wait3A_541 = arith.constant 0 : i32
        %dma_wait3A_542 = tpu.memref_slice %arg4[%dma_wait3A_533, %dma_wait3A_541] : memref<16x1000000xf32, #tpu.memory_space<hbm>> -> memref<1x8192xf32, #tpu.memory_space<hbm>>
        %dma_wait3A_543 = tpu.memref_squeeze %dma_wait3A_542 : memref<1x8192xf32, #tpu.memory_space<hbm>> -> memref<8192xf32, #tpu.memory_space<hbm>>
        tpu.wait_dma2 semaphore(%arg21 : memref<!tpu.dma_semaphore, #tpu.memory_space<semaphore_mem>>) src(%dma_wait3A_543 : memref<8192xf32, #tpu.memory_space<hbm>>) dst(%dma_wait3A_540 : memref<8192xf32, #tpu.memory_space<vmem>>)
        %mul3A_544 = arith.constant 16 : i32
        %mul3A_545 = arith.muli %mul3A_532, %mul3A_544 : i32
        %get3A_546 = arith.index_cast %mul3A_545 : i32 to index
        %get3A_547 = tpu.vector_load %arg12[%get3A_546] {strides = array<i32>} : memref<2048xi32, #tpu.memory_space<vmem>>, vector<16xi32>,
        %reduce_sum3A_548 = arith.constant true
        %reduce_sum3A_549 = vector.broadcast %reduce_sum3A_548 : i1 to vector<16xi1>
        %reduce_sum3A_550 = tpu.scan <sum>, %get3A_547 masked %reduce_sum3A_549 : vector<16xi32>, vector<16xi1> -> vector<16xi32>
        %reduce_sum3A_551 = vector.extract %reduce_sum3A_550[15] : i32 from vector<16xi32>
        %add3A_552 = arith.constant 16 : i32
        %add3A_553 = arith.addi %reduce_sum3A_551, %add3A_552 : i32
        %sub3A_554 = arith.constant 1 : i32
        %sub3A_555 = arith.subi %add3A_553, %sub3A_554 : i32
        %jit3A_556 = arith.constant 16 : i32
        %div3A_557 = arith.divsi %sub3A_555, %jit3A_556 : i32
        %sign3A_558 = arith.constant 0 : i32
        %sign3A_559 = arith.cmpi sgt, %sub3A_555, %sign3A_558 : i32
        %sign3A_560 = arith.extui %sign3A_559 : i1 to i32
        %sign3A_561 = arith.constant 0 : i32
        %sign3A_562 = arith.cmpi slt, %sub3A_555, %sign3A_561 : i32
        %sign3A_563 = arith.extui %sign3A_562 : i1 to i32
        %sign3A_564 = arith.subi %sign3A_560, %sign3A_563 : i32
        %sign3A_565 = arith.constant 0 : i32
        %sign3A_566 = arith.cmpi sgt, %jit3A_556, %sign3A_565 : i32
        %sign3A_567 = arith.extui %sign3A_566 : i1 to i32
        %sign3A_568 = arith.constant 0 : i32
        %sign3A_569 = arith.cmpi slt, %jit3A_556, %sign3A_568 : i32
        %sign3A_570 = arith.extui %sign3A_569 : i1 to i32
        %sign3A_571 = arith.subi %sign3A_567, %sign3A_570 : i32
        %ne3A_572 = arith.cmpi ne, %sign3A_564, %sign3A_571 : i32
        %rem3A_573 = arith.remsi %sub3A_555, %jit3A_556 : i32
        %ne3A_574 = arith.constant 0 : i32
        %ne3A_575 = arith.cmpi ne, %rem3A_573, %ne3A_574 : i32
        %and3A_576 = arith.andi %ne3A_572, %ne3A_575 : i1
        %sub3A_577 = arith.constant 1 : i32
        %sub3A_578 = arith.subi %div3A_557, %sub3A_577 : i32
        %select_n3A_579 = arith.select %and3A_576, %sub3A_578, %div3A_557 : i32
        %while3A_580 = arith.constant 0 : i32
        %while3A_581 = arith.subi %select_n3A_579, %while3A_580 : i32
        %while3A_582 = arith.addi %while3A_580, %while3A_581 : i32
        %while3A_583 = arith.constant 1 : i32
        %while3A_584 = arith.divsi %while3A_581, %while3A_583 : i32
        %while3A_585 = arith.muli %while3A_584, %while3A_583 : i32
        %while3A_586 = arith.addi %while3A_580, %while3A_585 : i32
        %while3A_587 = arith.constant 1 : i32
        scf.for %while3A_674 = %while3A_580 to %while3A_586 step %while3A_587  : i32 {
          %mul3A_675 = arith.constant 16 : i32
          %mul3A_676 = arith.muli %while3A_674, %mul3A_675 : i32
          %add3A_677 = arith.addi %scan3A_530, %mul3A_676 : i32
          %get3A_678 = arith.index_cast %add3A_677 : i32 to index
          %get3A_679 = tpu.vector_load %arg11[%get3A_678] {strides = array<i32>} : memref<18352xi32, #tpu.memory_space<vmem>>, vector<16xi32>,
          %mul3A_680 = arith.constant 16 : i32
          %mul3A_681 = arith.muli %while3A_674, %mul3A_680 : i32
          %add3A_682 = vector.broadcast %mul3A_681 : i32 to vector<16xi32>
          %add3A_683 = arith.addi %add3A_682, %iota3A : vector<16xi32>
          %lt3A_684 = vector.broadcast %reduce_sum3A_551 : i32 to vector<16xi32>
          %lt3A_685 = arith.cmpi slt, %add3A_683, %lt3A_684 : vector<16xi32>
          %jit3A_686 = arith.constant 16384 : i32
          %div3A_687 = vector.broadcast %jit3A_686 : i32 to vector<16xi32>
          %div3A_688 = arith.divsi %get3A_679, %div3A_687 : vector<16xi32>
          %sign3A_689 = arith.constant 0 : i32
          %sign3A_690 = vector.broadcast %sign3A_689 : i32 to vector<16xi32>
          %sign3A_691 = arith.cmpi sgt, %get3A_679, %sign3A_690 : vector<16xi32>
          %sign3A_692 = arith.extui %sign3A_691 : vector<16xi1> to vector<16xi32>
          %sign3A_693 = arith.constant 0 : i32
          %sign3A_694 = vector.broadcast %sign3A_693 : i32 to vector<16xi32>
          %sign3A_695 = arith.cmpi slt, %get3A_679, %sign3A_694 : vector<16xi32>
          %sign3A_696 = arith.extui %sign3A_695 : vector<16xi1> to vector<16xi32>
          %sign3A_697 = arith.subi %sign3A_692, %sign3A_696 : vector<16xi32>
          %sign3A_698 = arith.constant 0 : i32
          %sign3A_699 = arith.cmpi sgt, %jit3A_686, %sign3A_698 : i32
          %sign3A_700 = arith.extui %sign3A_699 : i1 to i32
          %sign3A_701 = arith.constant 0 : i32
          %sign3A_702 = arith.cmpi slt, %jit3A_686, %sign3A_701 : i32
          %sign3A_703 = arith.extui %sign3A_702 : i1 to i32
          %sign3A_704 = arith.subi %sign3A_700, %sign3A_703 : i32
          %ne3A_705 = vector.broadcast %sign3A_704 : i32 to vector<16xi32>
          %ne3A_706 = arith.cmpi ne, %sign3A_697, %ne3A_705 : vector<16xi32>
          %rem3A_707 = vector.broadcast %jit3A_686 : i32 to vector<16xi32>
          %rem3A_708 = arith.remsi %get3A_679, %rem3A_707 : vector<16xi32>
          %ne3A_709 = arith.constant 0 : i32
          %ne3A_710 = vector.broadcast %ne3A_709 : i32 to vector<16xi32>
          %ne3A_711 = arith.cmpi ne, %rem3A_708, %ne3A_710 : vector<16xi32>
          %and3A_712 = arith.andi %ne3A_706, %ne3A_711 : vector<16xi1>
          %sub3A_713 = arith.constant 1 : i32
          %sub3A_714 = vector.broadcast %sub3A_713 : i32 to vector<16xi32>
          %sub3A_715 = arith.subi %div3A_688, %sub3A_714 : vector<16xi32>
          %select_n3A_716 = arith.select %and3A_712, %sub3A_715, %div3A_688 : vector<16xi1>, vector<16xi32>
          %jit3A_717 = arith.constant 16384 : i32
          %eq3A_718 = arith.constant 0 : i32
          %eq3A_719 = arith.cmpi eq, %jit3A_717, %eq3A_718 : i32
          %jit3A_720 = arith.constant 1 : i32
          %select_n3A_721 = arith.select %eq3A_719, %jit3A_720, %jit3A_717 : i32
          %rem3A_722 = vector.broadcast %select_n3A_721 : i32 to vector<16xi32>
          %rem3A_723 = arith.remsi %get3A_679, %rem3A_722 : vector<16xi32>
          %ne3A_724 = arith.constant 0 : i32
          %ne3A_725 = vector.broadcast %ne3A_724 : i32 to vector<16xi32>
          %ne3A_726 = arith.cmpi ne, %rem3A_723, %ne3A_725 : vector<16xi32>
          %lt3A_727 = arith.constant 0 : i32
          %lt3A_728 = vector.broadcast %lt3A_727 : i32 to vector<16xi32>
          %lt3A_729 = arith.cmpi slt, %rem3A_723, %lt3A_728 : vector<16xi32>
          %lt3A_730 = arith.constant 0 : i32
          %lt3A_731 = arith.cmpi slt, %select_n3A_721, %lt3A_730 : i32
          %ne3A_732 = vector.broadcast %lt3A_731 : i1 to vector<16xi1>
          %ne3A_733 = vector.broadcast %ne3A_732 : vector<16xi1> to vector<16xi1>
          %ne3A_734 = arith.xori %lt3A_729, %ne3A_733 : vector<16xi1>
          %and3A_735 = arith.andi %ne3A_734, %ne3A_726 : vector<16xi1>
          %add3A_736 = vector.broadcast %select_n3A_721 : i32 to vector<16xi32>
          %add3A_737 = arith.addi %rem3A_723, %add3A_736 : vector<16xi32>
          %select_n3A_738 = arith.select %and3A_735, %add3A_737, %rem3A_723 : vector<16xi1>, vector<16xi32>
          %add3A_739 = arith.constant 0 : i32
          %add3A_740 = vector.broadcast %add3A_739 : i32 to vector<16xi32>
          %add3A_741 = arith.addi %select_n3A_716, %add3A_740 : vector<16xi32>
          %gather3A = tpu.vector_load_idx %arg14[%add3A_741] masked %lt3A_685 : memref<16384xf32, #tpu.memory_space<vmem>>[vector<16xi32>], vector<16xf32>, vector<16xi1>
          %bitcast3A = vector.bitcast %gather3A : vector<16xf32> to vector<16xi32>
          tpu.vector_store_idx %arg9[%select_n3A_738], %bitcast3A masked %lt3A_685 : memref<16384xi32, #tpu.memory_space<vmem>>[vector<16xi32>], vector<16xi32>, vector<16xi1>
        }
        %while3A_588 = arith.constant 1 : i32
        scf.for %while3A_674 = %while3A_586 to %while3A_582 step %while3A_588  : i32 {
          %mul3A_675 = arith.constant 16 : i32
          %mul3A_676 = arith.muli %while3A_674, %mul3A_675 : i32
          %add3A_677 = arith.addi %scan3A_530, %mul3A_676 : i32
          %get3A_678 = arith.index_cast %add3A_677 : i32 to index
          %get3A_679 = tpu.vector_load %arg11[%get3A_678] {strides = array<i32>} : memref<18352xi32, #tpu.memory_space<vmem>>, vector<16xi32>,
          %mul3A_680 = arith.constant 16 : i32
          %mul3A_681 = arith.muli %while3A_674, %mul3A_680 : i32
          %add3A_682 = vector.broadcast %mul3A_681 : i32 to vector<16xi32>
          %add3A_683 = arith.addi %add3A_682, %iota3A : vector<16xi32>
          %lt3A_684 = vector.broadcast %reduce_sum3A_551 : i32 to vector<16xi32>
          %lt3A_685 = arith.cmpi slt, %add3A_683, %lt3A_684 : vector<16xi32>
          %jit3A_686 = arith.constant 16384 : i32
          %div3A_687 = vector.broadcast %jit3A_686 : i32 to vector<16xi32>
          %div3A_688 = arith.divsi %get3A_679, %div3A_687 : vector<16xi32>
          %sign3A_689 = arith.constant 0 : i32
          %sign3A_690 = vector.broadcast %sign3A_689 : i32 to vector<16xi32>
          %sign3A_691 = arith.cmpi sgt, %get3A_679, %sign3A_690 : vector<16xi32>
          %sign3A_692 = arith.extui %sign3A_691 : vector<16xi1> to vector<16xi32>
          %sign3A_693 = arith.constant 0 : i32
          %sign3A_694 = vector.broadcast %sign3A_693 : i32 to vector<16xi32>
          %sign3A_695 = arith.cmpi slt, %get3A_679, %sign3A_694 : vector<16xi32>
          %sign3A_696 = arith.extui %sign3A_695 : vector<16xi1> to vector<16xi32>
          %sign3A_697 = arith.subi %sign3A_692, %sign3A_696 : vector<16xi32>
          %sign3A_698 = arith.constant 0 : i32
          %sign3A_699 = arith.cmpi sgt, %jit3A_686, %sign3A_698 : i32
          %sign3A_700 = arith.extui %sign3A_699 : i1 to i32
          %sign3A_701 = arith.constant 0 : i32
          %sign3A_702 = arith.cmpi slt, %jit3A_686, %sign3A_701 : i32
          %sign3A_703 = arith.extui %sign3A_702 : i1 to i32
          %sign3A_704 = arith.subi %sign3A_700, %sign3A_703 : i32
          %ne3A_705 = vector.broadcast %sign3A_704 : i32 to vector<16xi32>
          %ne3A_706 = arith.cmpi ne, %sign3A_697, %ne3A_705 : vector<16xi32>
          %rem3A_707 = vector.broadcast %jit3A_686 : i32 to vector<16xi32>
          %rem3A_708 = arith.remsi %get3A_679, %rem3A_707 : vector<16xi32>
          %ne3A_709 = arith.constant 0 : i32
          %ne3A_710 = vector.broadcast %ne3A_709 : i32 to vector<16xi32>
          %ne3A_711 = arith.cmpi ne, %rem3A_708, %ne3A_710 : vector<16xi32>
          %and3A_712 = arith.andi %ne3A_706, %ne3A_711 : vector<16xi1>
          %sub3A_713 = arith.constant 1 : i32
          %sub3A_714 = vector.broadcast %sub3A_713 : i32 to vector<16xi32>
          %sub3A_715 = arith.subi %div3A_688, %sub3A_714 : vector<16xi32>
          %select_n3A_716 = arith.select %and3A_712, %sub3A_715, %div3A_688 : vector<16xi1>, vector<16xi32>
          %jit3A_717 = arith.constant 16384 : i32
          %eq3A_718 = arith.constant 0 : i32
          %eq3A_719 = arith.cmpi eq, %jit3A_717, %eq3A_718 : i32
          %jit3A_720 = arith.constant 1 : i32
          %select_n3A_721 = arith.select %eq3A_719, %jit3A_720, %jit3A_717 : i32
          %rem3A_722 = vector.broadcast %select_n3A_721 : i32 to vector<16xi32>
          %rem3A_723 = arith.remsi %get3A_679, %rem3A_722 : vector<16xi32>
          %ne3A_724 = arith.constant 0 : i32
          %ne3A_725 = vector.broadcast %ne3A_724 : i32 to vector<16xi32>
          %ne3A_726 = arith.cmpi ne, %rem3A_723, %ne3A_725 : vector<16xi32>
          %lt3A_727 = arith.constant 0 : i32
          %lt3A_728 = vector.broadcast %lt3A_727 : i32 to vector<16xi32>
          %lt3A_729 = arith.cmpi slt, %rem3A_723, %lt3A_728 : vector<16xi32>
          %lt3A_730 = arith.constant 0 : i32
          %lt3A_731 = arith.cmpi slt, %select_n3A_721, %lt3A_730 : i32
          %ne3A_732 = vector.broadcast %lt3A_731 : i1 to vector<16xi1>
          %ne3A_733 = vector.broadcast %ne3A_732 : vector<16xi1> to vector<16xi1>
          %ne3A_734 = arith.xori %lt3A_729, %ne3A_733 : vector<16xi1>
          %and3A_735 = arith.andi %ne3A_734, %ne3A_726 : vector<16xi1>
          %add3A_736 = vector.broadcast %select_n3A_721 : i32 to vector<16xi32>
          %add3A_737 = arith.addi %rem3A_723, %add3A_736 : vector<16xi32>
          %select_n3A_738 = arith.select %and3A_735, %add3A_737, %rem3A_723 : vector<16xi1>, vector<16xi32>
          %add3A_739 = arith.constant 0 : i32
          %add3A_740 = vector.broadcast %add3A_739 : i32 to vector<16xi32>
          %add3A_741 = arith.addi %select_n3A_716, %add3A_740 : vector<16xi32>
          %gather3A = tpu.vector_load_idx %arg14[%add3A_741] masked %lt3A_685 : memref<16384xf32, #tpu.memory_space<vmem>>[vector<16xi32>], vector<16xf32>, vector<16xi1>
          %bitcast3A = vector.bitcast %gather3A : vector<16xf32> to vector<16xi32>
          tpu.vector_store_idx %arg9[%select_n3A_738], %bitcast3A masked %lt3A_685 : memref<16384xi32, #tpu.memory_space<vmem>>[vector<16xi32>], vector<16xi32>, vector<16xi1>
        }
        %mul3A_589 = arith.constant 16 : i32
        %mul3A_590 = arith.muli %select_n3A_579, %mul3A_589 : i32
        %add3A_591 = arith.addi %scan3A_530, %mul3A_590 : i32
        %add3A_592 = arith.constant 2 : i32
        %add3A_593 = arith.addi %mul3A_532, %add3A_592 : i32
        %lt3A_594 = arith.constant 122 : i32
        %lt3A_595 = arith.cmpi slt, %add3A_593, %lt3A_594 : i32
        %convert_element_type3A_596 = arith.extui %lt3A_595 : i1 to i32
        %cond3A_597 = arith.constant 0 : i32
        %cond3A_598 = arith.cmpi ne, %convert_element_type3A_596, %cond3A_597 : i32
        scf.if %cond3A_598 {
          %add3A_674 = arith.constant 2 : i32
          %add3A_675 = arith.addi %mul3A_532, %add3A_674 : i32
          %mul3A_676 = arith.constant 8192 : i32
          %mul3A_677 = arith.muli %add3A_675, %mul3A_676 : i32
          %dma_start3A_678 = arith.constant 0 : i32
          %dma_start3A_679 = tpu.memref_slice %arg14[%dma_start3A_678] : memref<16384xf32, #tpu.memory_space<vmem>> -> memref<4096xf32, #tpu.memory_space<vmem>>
          %dma_start3A_680 = tpu.memref_slice %arg5[%add3A_30, %mul3A_677] : memref<16x1000000xf32, #tpu.memory_space<hbm>> -> memref<1x4096xf32, #tpu.memory_space<hbm>>
          %dma_start3A_681 = tpu.memref_squeeze %dma_start3A_680 : memref<1x4096xf32, #tpu.memory_space<hbm>> -> memref<4096xf32, #tpu.memory_space<hbm>>
          %dma_start3A_682 = arith.constant 0 : i32
          %dma_start3A_683 = tpu.memref_slice %arg14[%dma_start3A_682] : memref<16384xf32, #tpu.memory_space<vmem>> -> memref<4096xf32, #tpu.memory_space<vmem>>
          %dma_start3A_684 = tpu.memref_slice %arg5[%add3A_30, %mul3A_677] : memref<16x1000000xf32, #tpu.memory_space<hbm>> -> memref<1x4096xf32, #tpu.memory_space<hbm>>
          %dma_start3A_685 = tpu.memref_squeeze %dma_start3A_684 : memref<1x4096xf32, #tpu.memory_space<hbm>> -> memref<4096xf32, #tpu.memory_space<hbm>>
          tpu.enqueue_dma source(%dma_start3A_685 : memref<4096xf32, #tpu.memory_space<hbm>>) target(%dma_start3A_683 : memref<4096xf32, #tpu.memory_space<vmem>>) target_semaphore(%arg21 : memref<!tpu.dma_semaphore, #tpu.memory_space<semaphore_mem>>)
          %mul3A_686 = arith.constant 8192 : i32
          %mul3A_687 = arith.muli %add3A_675, %mul3A_686 : i32
          %add3A_688 = arith.constant 4096 : i32
          %add3A_689 = arith.addi %mul3A_687, %add3A_688 : i32
          %dma_start3A_690 = arith.constant 4096 : i32
          %dma_start3A_691 = tpu.memref_slice %arg14[%dma_start3A_690] : memref<16384xf32, #tpu.memory_space<vmem>> -> memref<4096xf32, #tpu.memory_space<vmem>>
          %dma_start3A_692 = tpu.memref_slice %arg5[%add3A_30, %add3A_689] : memref<16x1000000xf32, #tpu.memory_space<hbm>> -> memref<1x4096xf32, #tpu.memory_space<hbm>>
          %dma_start3A_693 = tpu.memref_squeeze %dma_start3A_692 : memref<1x4096xf32, #tpu.memory_space<hbm>> -> memref<4096xf32, #tpu.memory_space<hbm>>
          %dma_start3A_694 = arith.constant 4096 : i32
          %dma_start3A_695 = tpu.memref_slice %arg14[%dma_start3A_694] : memref<16384xf32, #tpu.memory_space<vmem>> -> memref<4096xf32, #tpu.memory_space<vmem>>
          %dma_start3A_696 = tpu.memref_slice %arg5[%add3A_30, %add3A_689] : memref<16x1000000xf32, #tpu.memory_space<hbm>> -> memref<1x4096xf32, #tpu.memory_space<hbm>>
          %dma_start3A_697 = tpu.memref_squeeze %dma_start3A_696 : memref<1x4096xf32, #tpu.memory_space<hbm>> -> memref<4096xf32, #tpu.memory_space<hbm>>
          tpu.enqueue_dma source(%dma_start3A_697 : memref<4096xf32, #tpu.memory_space<hbm>>) target(%dma_start3A_695 : memref<4096xf32, #tpu.memory_space<vmem>>) target_semaphore(%arg21 : memref<!tpu.dma_semaphore, #tpu.memory_space<semaphore_mem>>)
        } else {
        }
        %add3A_599 = arith.constant 2 : i32
        %add3A_600 = arith.addi %mul3A_532, %add3A_599 : i32
        %eq3A_601 = arith.constant 122 : i32
        %eq3A_602 = arith.cmpi eq, %add3A_600, %eq3A_601 : i32
        %convert_element_type3A_603 = arith.extui %eq3A_602 : i1 to i32
        %cond3A_604 = arith.constant 0 : i32
        %cond3A_605 = arith.cmpi ne, %convert_element_type3A_603, %cond3A_604 : i32
        scf.if %cond3A_605 {
          %dma_start3A_674 = arith.constant 0 : i32
          %dma_start3A_675 = tpu.memref_slice %arg14[%dma_start3A_674] : memref<16384xf32, #tpu.memory_space<vmem>> -> memref<256xf32, #tpu.memory_space<vmem>>
          %dma_start3A_676 = arith.constant 999424 : i32
          %dma_start3A_677 = tpu.memref_slice %arg5[%add3A_30, %dma_start3A_676] : memref<16x1000000xf32, #tpu.memory_space<hbm>> -> memref<1x256xf32, #tpu.memory_space<hbm>>
          %dma_start3A_678 = tpu.memref_squeeze %dma_start3A_677 : memref<1x256xf32, #tpu.memory_space<hbm>> -> memref<256xf32, #tpu.memory_space<hbm>>
          %dma_start3A_679 = arith.constant 0 : i32
          %dma_start3A_680 = tpu.memref_slice %arg14[%dma_start3A_679] : memref<16384xf32, #tpu.memory_space<vmem>> -> memref<256xf32, #tpu.memory_space<vmem>>
          %dma_start3A_681 = arith.constant 999424 : i32
          %dma_start3A_682 = tpu.memref_slice %arg5[%add3A_30, %dma_start3A_681] : memref<16x1000000xf32, #tpu.memory_space<hbm>> -> memref<1x256xf32, #tpu.memory_space<hbm>>
          %dma_start3A_683 = tpu.memref_squeeze %dma_start3A_682 : memref<1x256xf32, #tpu.memory_space<hbm>> -> memref<256xf32, #tpu.memory_space<hbm>>
          tpu.enqueue_dma source(%dma_start3A_683 : memref<256xf32, #tpu.memory_space<hbm>>) target(%dma_start3A_680 : memref<256xf32, #tpu.memory_space<vmem>>) target_semaphore(%arg21 : memref<!tpu.dma_semaphore, #tpu.memory_space<semaphore_mem>>)
          %dma_start3A_684 = arith.constant 256 : i32
          %dma_start3A_685 = tpu.memref_slice %arg14[%dma_start3A_684] : memref<16384xf32, #tpu.memory_space<vmem>> -> memref<256xf32, #tpu.memory_space<vmem>>
          %dma_start3A_686 = arith.constant 999680 : i32
          %dma_start3A_687 = tpu.memref_slice %arg5[%add3A_30, %dma_start3A_686] : memref<16x1000000xf32, #tpu.memory_space<hbm>> -> memref<1x256xf32, #tpu.memory_space<hbm>>
          %dma_start3A_688 = tpu.memref_squeeze %dma_start3A_687 : memref<1x256xf32, #tpu.memory_space<hbm>> -> memref<256xf32, #tpu.memory_space<hbm>>
          %dma_start3A_689 = arith.constant 256 : i32
          %dma_start3A_690 = tpu.memref_slice %arg14[%dma_start3A_689] : memref<16384xf32, #tpu.memory_space<vmem>> -> memref<256xf32, #tpu.memory_space<vmem>>
          %dma_start3A_691 = arith.constant 999680 : i32
          %dma_start3A_692 = tpu.memref_slice %arg5[%add3A_30, %dma_start3A_691] : memref<16x1000000xf32, #tpu.memory_space<hbm>> -> memref<1x256xf32, #tpu.memory_space<hbm>>
          %dma_start3A_693 = tpu.memref_squeeze %dma_start3A_692 : memref<1x256xf32, #tpu.memory_space<hbm>> -> memref<256xf32, #tpu.memory_space<hbm>>
          tpu.enqueue_dma source(%dma_start3A_693 : memref<256xf32, #tpu.memory_space<hbm>>) target(%dma_start3A_690 : memref<256xf32, #tpu.memory_space<vmem>>) target_semaphore(%arg21 : memref<!tpu.dma_semaphore, #tpu.memory_space<semaphore_mem>>)
        } else {
        }
        %dma_wait3A_606 = arith.constant 0 : i32
        %dma_wait3A_607 = arith.constant 8192 : i32
        %dma_wait3A_608 = tpu.memref_slice %arg14[%dma_wait3A_607] : memref<16384xf32, #tpu.memory_space<vmem>> -> memref<8192xf32, #tpu.memory_space<vmem>>
        %dma_wait3A_609 = arith.constant 0 : i32
        %dma_wait3A_610 = tpu.memref_slice %arg4[%dma_wait3A_606, %dma_wait3A_609] : memref<16x1000000xf32, #tpu.memory_space<hbm>> -> memref<1x8192xf32, #tpu.memory_space<hbm>>
        %dma_wait3A_611 = tpu.memref_squeeze %dma_wait3A_610 : memref<1x8192xf32, #tpu.memory_space<hbm>> -> memref<8192xf32, #tpu.memory_space<hbm>>
        %dma_wait3A_612 = arith.constant 8192 : i32
        %dma_wait3A_613 = tpu.memref_slice %arg14[%dma_wait3A_612] : memref<16384xf32, #tpu.memory_space<vmem>> -> memref<8192xf32, #tpu.memory_space<vmem>>
        %dma_wait3A_614 = arith.constant 0 : i32
        %dma_wait3A_615 = tpu.memref_slice %arg4[%dma_wait3A_606, %dma_wait3A_614] : memref<16x1000000xf32, #tpu.memory_space<hbm>> -> memref<1x8192xf32, #tpu.memory_space<hbm>>
        %dma_wait3A_616 = tpu.memref_squeeze %dma_wait3A_615 : memref<1x8192xf32, #tpu.memory_space<hbm>> -> memref<8192xf32, #tpu.memory_space<hbm>>
        tpu.wait_dma2 semaphore(%arg22 : memref<!tpu.dma_semaphore, #tpu.memory_space<semaphore_mem>>) src(%dma_wait3A_616 : memref<8192xf32, #tpu.memory_space<hbm>>) dst(%dma_wait3A_613 : memref<8192xf32, #tpu.memory_space<vmem>>)
        %add3A_617 = arith.constant 1 : i32
        %add3A_618 = arith.addi %mul3A_532, %add3A_617 : i32
        %mul3A_619 = arith.constant 16 : i32
        %mul3A_620 = arith.muli %add3A_618, %mul3A_619 : i32
        %get3A_621 = arith.index_cast %mul3A_620 : i32 to index
        %get3A_622 = tpu.vector_load %arg12[%get3A_621] {strides = array<i32>} : memref<2048xi32, #tpu.memory_space<vmem>>, vector<16xi32>,
        %reduce_sum3A_623 = arith.constant true
        %reduce_sum3A_624 = vector.broadcast %reduce_sum3A_623 : i1 to vector<16xi1>
        %reduce_sum3A_625 = tpu.scan <sum>, %get3A_622 masked %reduce_sum3A_624 : vector<16xi32>, vector<16xi1> -> vector<16xi32>
        %reduce_sum3A_626 = vector.extract %reduce_sum3A_625[15] : i32 from vector<16xi32>
        %add3A_627 = arith.constant 16 : i32
        %add3A_628 = arith.addi %reduce_sum3A_626, %add3A_627 : i32
        %sub3A_629 = arith.constant 1 : i32
        %sub3A_630 = arith.subi %add3A_628, %sub3A_629 : i32
        %jit3A_631 = arith.constant 16 : i32
        %div3A_632 = arith.divsi %sub3A_630, %jit3A_631 : i32
        %sign3A_633 = arith.constant 0 : i32
        %sign3A_634 = arith.cmpi sgt, %sub3A_630, %sign3A_633 : i32
        %sign3A_635 = arith.extui %sign3A_634 : i1 to i32
        %sign3A_636 = arith.constant 0 : i32
        %sign3A_637 = arith.cmpi slt, %sub3A_630, %sign3A_636 : i32
        %sign3A_638 = arith.extui %sign3A_637 : i1 to i32
        %sign3A_639 = arith.subi %sign3A_635, %sign3A_638 : i32
        %sign3A_640 = arith.constant 0 : i32
        %sign3A_641 = arith.cmpi sgt, %jit3A_631, %sign3A_640 : i32
        %sign3A_642 = arith.extui %sign3A_641 : i1 to i32
        %sign3A_643 = arith.constant 0 : i32
        %sign3A_644 = arith.cmpi slt, %jit3A_631, %sign3A_643 : i32
        %sign3A_645 = arith.extui %sign3A_644 : i1 to i32
        %sign3A_646 = arith.subi %sign3A_642, %sign3A_645 : i32
        %ne3A_647 = arith.cmpi ne, %sign3A_639, %sign3A_646 : i32
        %rem3A_648 = arith.remsi %sub3A_630, %jit3A_631 : i32
        %ne3A_649 = arith.constant 0 : i32
        %ne3A_650 = arith.cmpi ne, %rem3A_648, %ne3A_649 : i32
        %and3A_651 = arith.andi %ne3A_647, %ne3A_650 : i1
        %sub3A_652 = arith.constant 1 : i32
        %sub3A_653 = arith.subi %div3A_632, %sub3A_652 : i32
        %select_n3A_654 = arith.select %and3A_651, %sub3A_653, %div3A_632 : i32
        %while3A_655 = arith.constant 0 : i32
        %while3A_656 = arith.subi %select_n3A_654, %while3A_655 : i32
        %while3A_657 = arith.addi %while3A_655, %while3A_656 : i32
        %while3A_658 = arith.constant 1 : i32
        %while3A_659 = arith.divsi %while3A_656, %while3A_658 : i32
        %while3A_660 = arith.muli %while3A_659, %while3A_658 : i32
        %while3A_661 = arith.addi %while3A_655, %while3A_660 : i32
        %while3A_662 = arith.constant 1 : i32
        scf.for %while3A_674 = %while3A_655 to %while3A_661 step %while3A_662  : i32 {
          %mul3A_675 = arith.constant 16 : i32
          %mul3A_676 = arith.muli %while3A_674, %mul3A_675 : i32
          %add3A_677 = arith.addi %add3A_591, %mul3A_676 : i32
          %get3A_678 = arith.index_cast %add3A_677 : i32 to index
          %get3A_679 = tpu.vector_load %arg11[%get3A_678] {strides = array<i32>} : memref<18352xi32, #tpu.memory_space<vmem>>, vector<16xi32>,
          %mul3A_680 = arith.constant 16 : i32
          %mul3A_681 = arith.muli %while3A_674, %mul3A_680 : i32
          %add3A_682 = vector.broadcast %mul3A_681 : i32 to vector<16xi32>
          %add3A_683 = arith.addi %add3A_682, %iota3A : vector<16xi32>
          %lt3A_684 = vector.broadcast %reduce_sum3A_626 : i32 to vector<16xi32>
          %lt3A_685 = arith.cmpi slt, %add3A_683, %lt3A_684 : vector<16xi32>
          %jit3A_686 = arith.constant 16384 : i32
          %div3A_687 = vector.broadcast %jit3A_686 : i32 to vector<16xi32>
          %div3A_688 = arith.divsi %get3A_679, %div3A_687 : vector<16xi32>
          %sign3A_689 = arith.constant 0 : i32
          %sign3A_690 = vector.broadcast %sign3A_689 : i32 to vector<16xi32>
          %sign3A_691 = arith.cmpi sgt, %get3A_679, %sign3A_690 : vector<16xi32>
          %sign3A_692 = arith.extui %sign3A_691 : vector<16xi1> to vector<16xi32>
          %sign3A_693 = arith.constant 0 : i32
          %sign3A_694 = vector.broadcast %sign3A_693 : i32 to vector<16xi32>
          %sign3A_695 = arith.cmpi slt, %get3A_679, %sign3A_694 : vector<16xi32>
          %sign3A_696 = arith.extui %sign3A_695 : vector<16xi1> to vector<16xi32>
          %sign3A_697 = arith.subi %sign3A_692, %sign3A_696 : vector<16xi32>
          %sign3A_698 = arith.constant 0 : i32
          %sign3A_699 = arith.cmpi sgt, %jit3A_686, %sign3A_698 : i32
          %sign3A_700 = arith.extui %sign3A_699 : i1 to i32
          %sign3A_701 = arith.constant 0 : i32
          %sign3A_702 = arith.cmpi slt, %jit3A_686, %sign3A_701 : i32
          %sign3A_703 = arith.extui %sign3A_702 : i1 to i32
          %sign3A_704 = arith.subi %sign3A_700, %sign3A_703 : i32
          %ne3A_705 = vector.broadcast %sign3A_704 : i32 to vector<16xi32>
          %ne3A_706 = arith.cmpi ne, %sign3A_697, %ne3A_705 : vector<16xi32>
          %rem3A_707 = vector.broadcast %jit3A_686 : i32 to vector<16xi32>
          %rem3A_708 = arith.remsi %get3A_679, %rem3A_707 : vector<16xi32>
          %ne3A_709 = arith.constant 0 : i32
          %ne3A_710 = vector.broadcast %ne3A_709 : i32 to vector<16xi32>
          %ne3A_711 = arith.cmpi ne, %rem3A_708, %ne3A_710 : vector<16xi32>
          %and3A_712 = arith.andi %ne3A_706, %ne3A_711 : vector<16xi1>
          %sub3A_713 = arith.constant 1 : i32
          %sub3A_714 = vector.broadcast %sub3A_713 : i32 to vector<16xi32>
          %sub3A_715 = arith.subi %div3A_688, %sub3A_714 : vector<16xi32>
          %select_n3A_716 = arith.select %and3A_712, %sub3A_715, %div3A_688 : vector<16xi1>, vector<16xi32>
          %jit3A_717 = arith.constant 16384 : i32
          %eq3A_718 = arith.constant 0 : i32
          %eq3A_719 = arith.cmpi eq, %jit3A_717, %eq3A_718 : i32
          %jit3A_720 = arith.constant 1 : i32
          %select_n3A_721 = arith.select %eq3A_719, %jit3A_720, %jit3A_717 : i32
          %rem3A_722 = vector.broadcast %select_n3A_721 : i32 to vector<16xi32>
          %rem3A_723 = arith.remsi %get3A_679, %rem3A_722 : vector<16xi32>
          %ne3A_724 = arith.constant 0 : i32
          %ne3A_725 = vector.broadcast %ne3A_724 : i32 to vector<16xi32>
          %ne3A_726 = arith.cmpi ne, %rem3A_723, %ne3A_725 : vector<16xi32>
          %lt3A_727 = arith.constant 0 : i32
          %lt3A_728 = vector.broadcast %lt3A_727 : i32 to vector<16xi32>
          %lt3A_729 = arith.cmpi slt, %rem3A_723, %lt3A_728 : vector<16xi32>
          %lt3A_730 = arith.constant 0 : i32
          %lt3A_731 = arith.cmpi slt, %select_n3A_721, %lt3A_730 : i32
          %ne3A_732 = vector.broadcast %lt3A_731 : i1 to vector<16xi1>
          %ne3A_733 = vector.broadcast %ne3A_732 : vector<16xi1> to vector<16xi1>
          %ne3A_734 = arith.xori %lt3A_729, %ne3A_733 : vector<16xi1>
          %and3A_735 = arith.andi %ne3A_734, %ne3A_726 : vector<16xi1>
          %add3A_736 = vector.broadcast %select_n3A_721 : i32 to vector<16xi32>
          %add3A_737 = arith.addi %rem3A_723, %add3A_736 : vector<16xi32>
          %select_n3A_738 = arith.select %and3A_735, %add3A_737, %rem3A_723 : vector<16xi1>, vector<16xi32>
          %add3A_739 = arith.constant 8192 : i32
          %add3A_740 = vector.broadcast %add3A_739 : i32 to vector<16xi32>
          %add3A_741 = arith.addi %select_n3A_716, %add3A_740 : vector<16xi32>
          %gather3A = tpu.vector_load_idx %arg14[%add3A_741] masked %lt3A_685 : memref<16384xf32, #tpu.memory_space<vmem>>[vector<16xi32>], vector<16xf32>, vector<16xi1>
          %bitcast3A = vector.bitcast %gather3A : vector<16xf32> to vector<16xi32>
          tpu.vector_store_idx %arg9[%select_n3A_738], %bitcast3A masked %lt3A_685 : memref<16384xi32, #tpu.memory_space<vmem>>[vector<16xi32>], vector<16xi32>, vector<16xi1>
        }
        %while3A_663 = arith.constant 1 : i32
        scf.for %while3A_674 = %while3A_661 to %while3A_657 step %while3A_663  : i32 {
          %mul3A_675 = arith.constant 16 : i32
          %mul3A_676 = arith.muli %while3A_674, %mul3A_675 : i32
          %add3A_677 = arith.addi %add3A_591, %mul3A_676 : i32
          %get3A_678 = arith.index_cast %add3A_677 : i32 to index
          %get3A_679 = tpu.vector_load %arg11[%get3A_678] {strides = array<i32>} : memref<18352xi32, #tpu.memory_space<vmem>>, vector<16xi32>,
          %mul3A_680 = arith.constant 16 : i32
          %mul3A_681 = arith.muli %while3A_674, %mul3A_680 : i32
          %add3A_682 = vector.broadcast %mul3A_681 : i32 to vector<16xi32>
          %add3A_683 = arith.addi %add3A_682, %iota3A : vector<16xi32>
          %lt3A_684 = vector.broadcast %reduce_sum3A_626 : i32 to vector<16xi32>
          %lt3A_685 = arith.cmpi slt, %add3A_683, %lt3A_684 : vector<16xi32>
          %jit3A_686 = arith.constant 16384 : i32
          %div3A_687 = vector.broadcast %jit3A_686 : i32 to vector<16xi32>
          %div3A_688 = arith.divsi %get3A_679, %div3A_687 : vector<16xi32>
          %sign3A_689 = arith.constant 0 : i32
          %sign3A_690 = vector.broadcast %sign3A_689 : i32 to vector<16xi32>
          %sign3A_691 = arith.cmpi sgt, %get3A_679, %sign3A_690 : vector<16xi32>
          %sign3A_692 = arith.extui %sign3A_691 : vector<16xi1> to vector<16xi32>
          %sign3A_693 = arith.constant 0 : i32
          %sign3A_694 = vector.broadcast %sign3A_693 : i32 to vector<16xi32>
          %sign3A_695 = arith.cmpi slt, %get3A_679, %sign3A_694 : vector<16xi32>
          %sign3A_696 = arith.extui %sign3A_695 : vector<16xi1> to vector<16xi32>
          %sign3A_697 = arith.subi %sign3A_692, %sign3A_696 : vector<16xi32>
          %sign3A_698 = arith.constant 0 : i32
          %sign3A_699 = arith.cmpi sgt, %jit3A_686, %sign3A_698 : i32
          %sign3A_700 = arith.extui %sign3A_699 : i1 to i32
          %sign3A_701 = arith.constant 0 : i32
          %sign3A_702 = arith.cmpi slt, %jit3A_686, %sign3A_701 : i32
          %sign3A_703 = arith.extui %sign3A_702 : i1 to i32
          %sign3A_704 = arith.subi %sign3A_700, %sign3A_703 : i32
          %ne3A_705 = vector.broadcast %sign3A_704 : i32 to vector<16xi32>
          %ne3A_706 = arith.cmpi ne, %sign3A_697, %ne3A_705 : vector<16xi32>
          %rem3A_707 = vector.broadcast %jit3A_686 : i32 to vector<16xi32>
          %rem3A_708 = arith.remsi %get3A_679, %rem3A_707 : vector<16xi32>
          %ne3A_709 = arith.constant 0 : i32
          %ne3A_710 = vector.broadcast %ne3A_709 : i32 to vector<16xi32>
          %ne3A_711 = arith.cmpi ne, %rem3A_708, %ne3A_710 : vector<16xi32>
          %and3A_712 = arith.andi %ne3A_706, %ne3A_711 : vector<16xi1>
          %sub3A_713 = arith.constant 1 : i32
          %sub3A_714 = vector.broadcast %sub3A_713 : i32 to vector<16xi32>
          %sub3A_715 = arith.subi %div3A_688, %sub3A_714 : vector<16xi32>
          %select_n3A_716 = arith.select %and3A_712, %sub3A_715, %div3A_688 : vector<16xi1>, vector<16xi32>
          %jit3A_717 = arith.constant 16384 : i32
          %eq3A_718 = arith.constant 0 : i32
          %eq3A_719 = arith.cmpi eq, %jit3A_717, %eq3A_718 : i32
          %jit3A_720 = arith.constant 1 : i32
          %select_n3A_721 = arith.select %eq3A_719, %jit3A_720, %jit3A_717 : i32
          %rem3A_722 = vector.broadcast %select_n3A_721 : i32 to vector<16xi32>
          %rem3A_723 = arith.remsi %get3A_679, %rem3A_722 : vector<16xi32>
          %ne3A_724 = arith.constant 0 : i32
          %ne3A_725 = vector.broadcast %ne3A_724 : i32 to vector<16xi32>
          %ne3A_726 = arith.cmpi ne, %rem3A_723, %ne3A_725 : vector<16xi32>
          %lt3A_727 = arith.constant 0 : i32
          %lt3A_728 = vector.broadcast %lt3A_727 : i32 to vector<16xi32>
          %lt3A_729 = arith.cmpi slt, %rem3A_723, %lt3A_728 : vector<16xi32>
          %lt3A_730 = arith.constant 0 : i32
          %lt3A_731 = arith.cmpi slt, %select_n3A_721, %lt3A_730 : i32
          %ne3A_732 = vector.broadcast %lt3A_731 : i1 to vector<16xi1>
          %ne3A_733 = vector.broadcast %ne3A_732 : vector<16xi1> to vector<16xi1>
          %ne3A_734 = arith.xori %lt3A_729, %ne3A_733 : vector<16xi1>
          %and3A_735 = arith.andi %ne3A_734, %ne3A_726 : vector<16xi1>
          %add3A_736 = vector.broadcast %select_n3A_721 : i32 to vector<16xi32>
          %add3A_737 = arith.addi %rem3A_723, %add3A_736 : vector<16xi32>
          %select_n3A_738 = arith.select %and3A_735, %add3A_737, %rem3A_723 : vector<16xi1>, vector<16xi32>
          %add3A_739 = arith.constant 8192 : i32
          %add3A_740 = vector.broadcast %add3A_739 : i32 to vector<16xi32>
          %add3A_741 = arith.addi %select_n3A_716, %add3A_740 : vector<16xi32>
          %gather3A = tpu.vector_load_idx %arg14[%add3A_741] masked %lt3A_685 : memref<16384xf32, #tpu.memory_space<vmem>>[vector<16xi32>], vector<16xf32>, vector<16xi1>
          %bitcast3A = vector.bitcast %gather3A : vector<16xf32> to vector<16xi32>
          tpu.vector_store_idx %arg9[%select_n3A_738], %bitcast3A masked %lt3A_685 : memref<16384xi32, #tpu.memory_space<vmem>>[vector<16xi32>], vector<16xi32>, vector<16xi1>
        }
        %mul3A_664 = arith.constant 16 : i32
        %mul3A_665 = arith.muli %select_n3A_654, %mul3A_664 : i32
        %add3A_666 = arith.addi %add3A_591, %mul3A_665 : i32
        %add3A_667 = arith.constant 3 : i32
        %add3A_668 = arith.addi %mul3A_532, %add3A_667 : i32
        %lt3A_669 = arith.constant 122 : i32
        %lt3A_670 = arith.cmpi slt, %add3A_668, %lt3A_669 : i32
        %convert_element_type3A_671 = arith.extui %lt3A_670 : i1 to i32
        %cond3A_672 = arith.constant 0 : i32
        %cond3A_673 = arith.cmpi ne, %convert_element_type3A_671, %cond3A_672 : i32
        scf.if %cond3A_673 {
          %add3A_674 = arith.constant 3 : i32
          %add3A_675 = arith.addi %mul3A_532, %add3A_674 : i32
          %mul3A_676 = arith.constant 8192 : i32
          %mul3A_677 = arith.muli %add3A_675, %mul3A_676 : i32
          %dma_start3A_678 = arith.constant 8192 : i32
          %dma_start3A_679 = tpu.memref_slice %arg14[%dma_start3A_678] : memref<16384xf32, #tpu.memory_space<vmem>> -> memref<4096xf32, #tpu.memory_space<vmem>>
          %dma_start3A_680 = tpu.memref_slice %arg5[%add3A_30, %mul3A_677] : memref<16x1000000xf32, #tpu.memory_space<hbm>> -> memref<1x4096xf32, #tpu.memory_space<hbm>>
          %dma_start3A_681 = tpu.memref_squeeze %dma_start3A_680 : memref<1x4096xf32, #tpu.memory_space<hbm>> -> memref<4096xf32, #tpu.memory_space<hbm>>
          %dma_start3A_682 = arith.constant 8192 : i32
          %dma_start3A_683 = tpu.memref_slice %arg14[%dma_start3A_682] : memref<16384xf32, #tpu.memory_space<vmem>> -> memref<4096xf32, #tpu.memory_space<vmem>>
          %dma_start3A_684 = tpu.memref_slice %arg5[%add3A_30, %mul3A_677] : memref<16x1000000xf32, #tpu.memory_space<hbm>> -> memref<1x4096xf32, #tpu.memory_space<hbm>>
          %dma_start3A_685 = tpu.memref_squeeze %dma_start3A_684 : memref<1x4096xf32, #tpu.memory_space<hbm>> -> memref<4096xf32, #tpu.memory_space<hbm>>
          tpu.enqueue_dma source(%dma_start3A_685 : memref<4096xf32, #tpu.memory_space<hbm>>) target(%dma_start3A_683 : memref<4096xf32, #tpu.memory_space<vmem>>) target_semaphore(%arg22 : memref<!tpu.dma_semaphore, #tpu.memory_space<semaphore_mem>>)
          %mul3A_686 = arith.constant 8192 : i32
          %mul3A_687 = arith.muli %add3A_675, %mul3A_686 : i32
          %add3A_688 = arith.constant 4096 : i32
          %add3A_689 = arith.addi %mul3A_687, %add3A_688 : i32
          %dma_start3A_690 = arith.constant 12288 : i32
          %dma_start3A_691 = tpu.memref_slice %arg14[%dma_start3A_690] : memref<16384xf32, #tpu.memory_space<vmem>> -> memref<4096xf32, #tpu.memory_space<vmem>>
          %dma_start3A_692 = tpu.memref_slice %arg5[%add3A_30, %add3A_689] : memref<16x1000000xf32, #tpu.memory_space<hbm>> -> memref<1x4096xf32, #tpu.memory_space<hbm>>
          %dma_start3A_693 = tpu.memref_squeeze %dma_start3A_692 : memref<1x4096xf32, #tpu.memory_space<hbm>> -> memref<4096xf32, #tpu.memory_space<hbm>>
          %dma_start3A_694 = arith.constant 12288 : i32
          %dma_start3A_695 = tpu.memref_slice %arg14[%dma_start3A_694] : memref<16384xf32, #tpu.memory_space<vmem>> -> memref<4096xf32, #tpu.memory_space<vmem>>
          %dma_start3A_696 = tpu.memref_slice %arg5[%add3A_30, %add3A_689] : memref<16x1000000xf32, #tpu.memory_space<hbm>> -> memref<1x4096xf32, #tpu.memory_space<hbm>>
          %dma_start3A_697 = tpu.memref_squeeze %dma_start3A_696 : memref<1x4096xf32, #tpu.memory_space<hbm>> -> memref<4096xf32, #tpu.memory_space<hbm>>
          tpu.enqueue_dma source(%dma_start3A_697 : memref<4096xf32, #tpu.memory_space<hbm>>) target(%dma_start3A_695 : memref<4096xf32, #tpu.memory_space<vmem>>) target_semaphore(%arg22 : memref<!tpu.dma_semaphore, #tpu.memory_space<semaphore_mem>>)
        } else {
        }
        scf.yield %add3A_666 : i32
      }
      %scan3A_477 = arith.constant 61 : i32
      %dma_wait3A_478 = arith.constant 0 : i32
      %dma_wait3A_479 = arith.constant 0 : i32
      %dma_wait3A_480 = tpu.memref_slice %arg14[%dma_wait3A_479] : memref<16384xf32, #tpu.memory_space<vmem>> -> memref<512xf32, #tpu.memory_space<vmem>>
      %dma_wait3A_481 = arith.constant 0 : i32
      %dma_wait3A_482 = tpu.memref_slice %arg4[%dma_wait3A_478, %dma_wait3A_481] : memref<16x1000000xf32, #tpu.memory_space<hbm>> -> memref<1x512xf32, #tpu.memory_space<hbm>>
      %dma_wait3A_483 = tpu.memref_squeeze %dma_wait3A_482 : memref<1x512xf32, #tpu.memory_space<hbm>> -> memref<512xf32, #tpu.memory_space<hbm>>
      %dma_wait3A_484 = arith.constant 0 : i32
      %dma_wait3A_485 = tpu.memref_slice %arg14[%dma_wait3A_484] : memref<16384xf32, #tpu.memory_space<vmem>> -> memref<512xf32, #tpu.memory_space<vmem>>
      %dma_wait3A_486 = arith.constant 0 : i32
      %dma_wait3A_487 = tpu.memref_slice %arg4[%dma_wait3A_478, %dma_wait3A_486] : memref<16x1000000xf32, #tpu.memory_space<hbm>> -> memref<1x512xf32, #tpu.memory_space<hbm>>
      %dma_wait3A_488 = tpu.memref_squeeze %dma_wait3A_487 : memref<1x512xf32, #tpu.memory_space<hbm>> -> memref<512xf32, #tpu.memory_space<hbm>>
      tpu.wait_dma2 semaphore(%arg21 : memref<!tpu.dma_semaphore, #tpu.memory_space<semaphore_mem>>) src(%dma_wait3A_488 : memref<512xf32, #tpu.memory_space<hbm>>) dst(%dma_wait3A_485 : memref<512xf32, #tpu.memory_space<vmem>>)
      %get3A = arith.constant 1952 : index
      %get3A_489 = tpu.vector_load %arg12[%get3A] {strides = array<i32>} : memref<2048xi32, #tpu.memory_space<vmem>>, vector<16xi32>,
      %reduce_sum3A = arith.constant true
      %reduce_sum3A_490 = vector.broadcast %reduce_sum3A : i1 to vector<16xi1>
      %reduce_sum3A_491 = tpu.scan <sum>, %get3A_489 masked %reduce_sum3A_490 : vector<16xi32>, vector<16xi1> -> vector<16xi32>
      %reduce_sum3A_492 = vector.extract %reduce_sum3A_491[15] : i32 from vector<16xi32>
      %add3A_493 = arith.constant 16 : i32
      %add3A_494 = arith.addi %reduce_sum3A_492, %add3A_493 : i32
      %sub3A_495 = arith.constant 1 : i32
      %sub3A_496 = arith.subi %add3A_494, %sub3A_495 : i32
      %jit3A_497 = arith.constant 16 : i32
      %div3A_498 = arith.divsi %sub3A_496, %jit3A_497 : i32
      %sign3A_499 = arith.constant 0 : i32
      %sign3A_500 = arith.cmpi sgt, %sub3A_496, %sign3A_499 : i32
      %sign3A_501 = arith.extui %sign3A_500 : i1 to i32
      %sign3A_502 = arith.constant 0 : i32
      %sign3A_503 = arith.cmpi slt, %sub3A_496, %sign3A_502 : i32
      %sign3A_504 = arith.extui %sign3A_503 : i1 to i32
      %sign3A_505 = arith.subi %sign3A_501, %sign3A_504 : i32
      %sign3A_506 = arith.constant 0 : i32
      %sign3A_507 = arith.cmpi sgt, %jit3A_497, %sign3A_506 : i32
      %sign3A_508 = arith.extui %sign3A_507 : i1 to i32
      %sign3A_509 = arith.constant 0 : i32
      %sign3A_510 = arith.cmpi slt, %jit3A_497, %sign3A_509 : i32
      %sign3A_511 = arith.extui %sign3A_510 : i1 to i32
      %sign3A_512 = arith.subi %sign3A_508, %sign3A_511 : i32
      %ne3A_513 = arith.cmpi ne, %sign3A_505, %sign3A_512 : i32
      %rem3A_514 = arith.remsi %sub3A_496, %jit3A_497 : i32
      %ne3A_515 = arith.constant 0 : i32
      %ne3A_516 = arith.cmpi ne, %rem3A_514, %ne3A_515 : i32
      %and3A_517 = arith.andi %ne3A_513, %ne3A_516 : i1
      %sub3A_518 = arith.constant 1 : i32
      %sub3A_519 = arith.subi %div3A_498, %sub3A_518 : i32
      %select_n3A_520 = arith.select %and3A_517, %sub3A_519, %div3A_498 : i32
      %while3A = arith.constant 0 : i32
      %while3A_521 = arith.subi %select_n3A_520, %while3A : i32
      %while3A_522 = arith.addi %while3A, %while3A_521 : i32
      %while3A_523 = arith.constant 1 : i32
      %while3A_524 = arith.divsi %while3A_521, %while3A_523 : i32
      %while3A_525 = arith.muli %while3A_524, %while3A_523 : i32
      %while3A_526 = arith.addi %while3A, %while3A_525 : i32
      %while3A_527 = arith.constant 1 : i32
      scf.for %while3A_529 = %while3A to %while3A_526 step %while3A_527  : i32 {
        %mul3A_530 = arith.constant 16 : i32
        %mul3A_531 = arith.muli %while3A_529, %mul3A_530 : i32
        %add3A_532 = arith.addi %scan3A_476, %mul3A_531 : i32
        %get3A_533 = arith.index_cast %add3A_532 : i32 to index
        %get3A_534 = tpu.vector_load %arg11[%get3A_533] {strides = array<i32>} : memref<18352xi32, #tpu.memory_space<vmem>>, vector<16xi32>,
        %mul3A_535 = arith.constant 16 : i32
        %mul3A_536 = arith.muli %while3A_529, %mul3A_535 : i32
        %add3A_537 = vector.broadcast %mul3A_536 : i32 to vector<16xi32>
        %add3A_538 = arith.addi %add3A_537, %iota3A : vector<16xi32>
        %lt3A_539 = vector.broadcast %reduce_sum3A_492 : i32 to vector<16xi32>
        %lt3A_540 = arith.cmpi slt, %add3A_538, %lt3A_539 : vector<16xi32>
        %jit3A_541 = arith.constant 16384 : i32
        %div3A_542 = vector.broadcast %jit3A_541 : i32 to vector<16xi32>
        %div3A_543 = arith.divsi %get3A_534, %div3A_542 : vector<16xi32>
        %sign3A_544 = arith.constant 0 : i32
        %sign3A_545 = vector.broadcast %sign3A_544 : i32 to vector<16xi32>
        %sign3A_546 = arith.cmpi sgt, %get3A_534, %sign3A_545 : vector<16xi32>
        %sign3A_547 = arith.extui %sign3A_546 : vector<16xi1> to vector<16xi32>
        %sign3A_548 = arith.constant 0 : i32
        %sign3A_549 = vector.broadcast %sign3A_548 : i32 to vector<16xi32>
        %sign3A_550 = arith.cmpi slt, %get3A_534, %sign3A_549 : vector<16xi32>
        %sign3A_551 = arith.extui %sign3A_550 : vector<16xi1> to vector<16xi32>
        %sign3A_552 = arith.subi %sign3A_547, %sign3A_551 : vector<16xi32>
        %sign3A_553 = arith.constant 0 : i32
        %sign3A_554 = arith.cmpi sgt, %jit3A_541, %sign3A_553 : i32
        %sign3A_555 = arith.extui %sign3A_554 : i1 to i32
        %sign3A_556 = arith.constant 0 : i32
        %sign3A_557 = arith.cmpi slt, %jit3A_541, %sign3A_556 : i32
        %sign3A_558 = arith.extui %sign3A_557 : i1 to i32
        %sign3A_559 = arith.subi %sign3A_555, %sign3A_558 : i32
        %ne3A_560 = vector.broadcast %sign3A_559 : i32 to vector<16xi32>
        %ne3A_561 = arith.cmpi ne, %sign3A_552, %ne3A_560 : vector<16xi32>
        %rem3A_562 = vector.broadcast %jit3A_541 : i32 to vector<16xi32>
        %rem3A_563 = arith.remsi %get3A_534, %rem3A_562 : vector<16xi32>
        %ne3A_564 = arith.constant 0 : i32
        %ne3A_565 = vector.broadcast %ne3A_564 : i32 to vector<16xi32>
        %ne3A_566 = arith.cmpi ne, %rem3A_563, %ne3A_565 : vector<16xi32>
        %and3A_567 = arith.andi %ne3A_561, %ne3A_566 : vector<16xi1>
        %sub3A_568 = arith.constant 1 : i32
        %sub3A_569 = vector.broadcast %sub3A_568 : i32 to vector<16xi32>
        %sub3A_570 = arith.subi %div3A_543, %sub3A_569 : vector<16xi32>
        %select_n3A_571 = arith.select %and3A_567, %sub3A_570, %div3A_543 : vector<16xi1>, vector<16xi32>
        %jit3A_572 = arith.constant 16384 : i32
        %eq3A_573 = arith.constant 0 : i32
        %eq3A_574 = arith.cmpi eq, %jit3A_572, %eq3A_573 : i32
        %jit3A_575 = arith.constant 1 : i32
        %select_n3A_576 = arith.select %eq3A_574, %jit3A_575, %jit3A_572 : i32
        %rem3A_577 = vector.broadcast %select_n3A_576 : i32 to vector<16xi32>
        %rem3A_578 = arith.remsi %get3A_534, %rem3A_577 : vector<16xi32>
        %ne3A_579 = arith.constant 0 : i32
        %ne3A_580 = vector.broadcast %ne3A_579 : i32 to vector<16xi32>
        %ne3A_581 = arith.cmpi ne, %rem3A_578, %ne3A_580 : vector<16xi32>
        %lt3A_582 = arith.constant 0 : i32
        %lt3A_583 = vector.broadcast %lt3A_582 : i32 to vector<16xi32>
        %lt3A_584 = arith.cmpi slt, %rem3A_578, %lt3A_583 : vector<16xi32>
        %lt3A_585 = arith.constant 0 : i32
        %lt3A_586 = arith.cmpi slt, %select_n3A_576, %lt3A_585 : i32
        %ne3A_587 = vector.broadcast %lt3A_586 : i1 to vector<16xi1>
        %ne3A_588 = vector.broadcast %ne3A_587 : vector<16xi1> to vector<16xi1>
        %ne3A_589 = arith.xori %lt3A_584, %ne3A_588 : vector<16xi1>
        %and3A_590 = arith.andi %ne3A_589, %ne3A_581 : vector<16xi1>
        %add3A_591 = vector.broadcast %select_n3A_576 : i32 to vector<16xi32>
        %add3A_592 = arith.addi %rem3A_578, %add3A_591 : vector<16xi32>
        %select_n3A_593 = arith.select %and3A_590, %add3A_592, %rem3A_578 : vector<16xi1>, vector<16xi32>
        %lt3A_594 = arith.constant 512 : i32
        %lt3A_595 = vector.broadcast %lt3A_594 : i32 to vector<16xi32>
        %lt3A_596 = arith.cmpi slt, %select_n3A_571, %lt3A_595 : vector<16xi32>
        %and3A_597 = arith.andi %lt3A_540, %lt3A_596 : vector<16xi1>
        %ge3A_598 = arith.constant 512 : i32
        %ge3A_599 = vector.broadcast %ge3A_598 : i32 to vector<16xi32>
        %ge3A_600 = arith.cmpi sge, %select_n3A_571, %ge3A_599 : vector<16xi32>
        %and3A_601 = arith.andi %lt3A_540, %ge3A_600 : vector<16xi1>
        %gather3A = tpu.vector_load_idx %arg14[%select_n3A_571] masked %and3A_597 : memref<16384xf32, #tpu.memory_space<vmem>>[vector<16xi32>], vector<16xf32>, vector<16xi1>
        %sub3A_602 = arith.constant 512 : i32
        %sub3A_603 = vector.broadcast %sub3A_602 : i32 to vector<16xi32>
        %sub3A_604 = arith.subi %select_n3A_571, %sub3A_603 : vector<16xi32>
        %mul3A_605 = arith.constant 16 : i32
        %mul3A_606 = vector.broadcast %mul3A_605 : i32 to vector<16xi32>
        %mul3A_607 = arith.muli %sub3A_604, %mul3A_606 : vector<16xi32>
        %add3A_608 = vector.broadcast %add3A_30 : i32 to vector<16xi32>
        %add3A_609 = arith.addi %mul3A_607, %add3A_608 : vector<16xi32>
        %gather3A_610 = tpu.vector_load_idx %arg18[%add3A_609] masked %and3A_601 : memref<1024xf32, #tpu.memory_space<vmem>>[vector<16xi32>], vector<16xf32>, vector<16xi1>
        %sub3A_611 = arith.constant 512 : i32
        %sub3A_612 = vector.broadcast %sub3A_611 : i32 to vector<16xi32>
        %sub3A_613 = arith.subi %select_n3A_571, %sub3A_612 : vector<16xi32>
        %mul3A_614 = arith.constant 16 : i32
        %mul3A_615 = vector.broadcast %mul3A_614 : i32 to vector<16xi32>
        %mul3A_616 = arith.muli %sub3A_613, %mul3A_615 : vector<16xi32>
        %add3A_617 = vector.broadcast %add3A_30 : i32 to vector<16xi32>
        %add3A_618 = arith.addi %mul3A_616, %add3A_617 : vector<16xi32>
        %gather3A_619 = tpu.vector_load_idx %arg19[%add3A_618] masked %and3A_601 : memref<1024xf32, #tpu.memory_space<vmem>>[vector<16xi32>], vector<16xf32>, vector<16xi1>
        %select_n3A_620 = arith.select %gt3A_32, %gather3A_619, %gather3A_610 : vector<16xi1>, vector<16xf32>
        %lt3A_621 = arith.constant 512 : i32
        %lt3A_622 = vector.broadcast %lt3A_621 : i32 to vector<16xi32>
        %lt3A_623 = arith.cmpi slt, %select_n3A_571, %lt3A_622 : vector<16xi32>
        %select_n3A_624 = arith.select %lt3A_623, %gather3A, %select_n3A_620 : vector<16xi1>, vector<16xf32>
        %bitcast3A = vector.bitcast %select_n3A_624 : vector<16xf32> to vector<16xi32>
        tpu.vector_store_idx %arg9[%select_n3A_593], %bitcast3A masked %lt3A_540 : memref<16384xi32, #tpu.memory_space<vmem>>[vector<16xi32>], vector<16xi32>, vector<16xi1>
      }
      %while3A_528 = arith.constant 1 : i32
      scf.for %while3A_529 = %while3A_526 to %while3A_522 step %while3A_528  : i32 {
        %mul3A_530 = arith.constant 16 : i32
        %mul3A_531 = arith.muli %while3A_529, %mul3A_530 : i32
        %add3A_532 = arith.addi %scan3A_476, %mul3A_531 : i32
        %get3A_533 = arith.index_cast %add3A_532 : i32 to index
        %get3A_534 = tpu.vector_load %arg11[%get3A_533] {strides = array<i32>} : memref<18352xi32, #tpu.memory_space<vmem>>, vector<16xi32>,
        %mul3A_535 = arith.constant 16 : i32
        %mul3A_536 = arith.muli %while3A_529, %mul3A_535 : i32
        %add3A_537 = vector.broadcast %mul3A_536 : i32 to vector<16xi32>
        %add3A_538 = arith.addi %add3A_537, %iota3A : vector<16xi32>
        %lt3A_539 = vector.broadcast %reduce_sum3A_492 : i32 to vector<16xi32>
        %lt3A_540 = arith.cmpi slt, %add3A_538, %lt3A_539 : vector<16xi32>
        %jit3A_541 = arith.constant 16384 : i32
        %div3A_542 = vector.broadcast %jit3A_541 : i32 to vector<16xi32>
        %div3A_543 = arith.divsi %get3A_534, %div3A_542 : vector<16xi32>
        %sign3A_544 = arith.constant 0 : i32
        %sign3A_545 = vector.broadcast %sign3A_544 : i32 to vector<16xi32>
        %sign3A_546 = arith.cmpi sgt, %get3A_534, %sign3A_545 : vector<16xi32>
        %sign3A_547 = arith.extui %sign3A_546 : vector<16xi1> to vector<16xi32>
        %sign3A_548 = arith.constant 0 : i32
        %sign3A_549 = vector.broadcast %sign3A_548 : i32 to vector<16xi32>
        %sign3A_550 = arith.cmpi slt, %get3A_534, %sign3A_549 : vector<16xi32>
        %sign3A_551 = arith.extui %sign3A_550 : vector<16xi1> to vector<16xi32>
        %sign3A_552 = arith.subi %sign3A_547, %sign3A_551 : vector<16xi32>
        %sign3A_553 = arith.constant 0 : i32
        %sign3A_554 = arith.cmpi sgt, %jit3A_541, %sign3A_553 : i32
        %sign3A_555 = arith.extui %sign3A_554 : i1 to i32
        %sign3A_556 = arith.constant 0 : i32
        %sign3A_557 = arith.cmpi slt, %jit3A_541, %sign3A_556 : i32
        %sign3A_558 = arith.extui %sign3A_557 : i1 to i32
        %sign3A_559 = arith.subi %sign3A_555, %sign3A_558 : i32
        %ne3A_560 = vector.broadcast %sign3A_559 : i32 to vector<16xi32>
        %ne3A_561 = arith.cmpi ne, %sign3A_552, %ne3A_560 : vector<16xi32>
        %rem3A_562 = vector.broadcast %jit3A_541 : i32 to vector<16xi32>
        %rem3A_563 = arith.remsi %get3A_534, %rem3A_562 : vector<16xi32>
        %ne3A_564 = arith.constant 0 : i32
        %ne3A_565 = vector.broadcast %ne3A_564 : i32 to vector<16xi32>
        %ne3A_566 = arith.cmpi ne, %rem3A_563, %ne3A_565 : vector<16xi32>
        %and3A_567 = arith.andi %ne3A_561, %ne3A_566 : vector<16xi1>
        %sub3A_568 = arith.constant 1 : i32
        %sub3A_569 = vector.broadcast %sub3A_568 : i32 to vector<16xi32>
        %sub3A_570 = arith.subi %div3A_543, %sub3A_569 : vector<16xi32>
        %select_n3A_571 = arith.select %and3A_567, %sub3A_570, %div3A_543 : vector<16xi1>, vector<16xi32>
        %jit3A_572 = arith.constant 16384 : i32
        %eq3A_573 = arith.constant 0 : i32
        %eq3A_574 = arith.cmpi eq, %jit3A_572, %eq3A_573 : i32
        %jit3A_575 = arith.constant 1 : i32
        %select_n3A_576 = arith.select %eq3A_574, %jit3A_575, %jit3A_572 : i32
        %rem3A_577 = vector.broadcast %select_n3A_576 : i32 to vector<16xi32>
        %rem3A_578 = arith.remsi %get3A_534, %rem3A_577 : vector<16xi32>
        %ne3A_579 = arith.constant 0 : i32
        %ne3A_580 = vector.broadcast %ne3A_579 : i32 to vector<16xi32>
        %ne3A_581 = arith.cmpi ne, %rem3A_578, %ne3A_580 : vector<16xi32>
        %lt3A_582 = arith.constant 0 : i32
        %lt3A_583 = vector.broadcast %lt3A_582 : i32 to vector<16xi32>
        %lt3A_584 = arith.cmpi slt, %rem3A_578, %lt3A_583 : vector<16xi32>
        %lt3A_585 = arith.constant 0 : i32
        %lt3A_586 = arith.cmpi slt, %select_n3A_576, %lt3A_585 : i32
        %ne3A_587 = vector.broadcast %lt3A_586 : i1 to vector<16xi1>
        %ne3A_588 = vector.broadcast %ne3A_587 : vector<16xi1> to vector<16xi1>
        %ne3A_589 = arith.xori %lt3A_584, %ne3A_588 : vector<16xi1>
        %and3A_590 = arith.andi %ne3A_589, %ne3A_581 : vector<16xi1>
        %add3A_591 = vector.broadcast %select_n3A_576 : i32 to vector<16xi32>
        %add3A_592 = arith.addi %rem3A_578, %add3A_591 : vector<16xi32>
        %select_n3A_593 = arith.select %and3A_590, %add3A_592, %rem3A_578 : vector<16xi1>, vector<16xi32>
        %lt3A_594 = arith.constant 512 : i32
        %lt3A_595 = vector.broadcast %lt3A_594 : i32 to vector<16xi32>
        %lt3A_596 = arith.cmpi slt, %select_n3A_571, %lt3A_595 : vector<16xi32>
        %and3A_597 = arith.andi %lt3A_540, %lt3A_596 : vector<16xi1>
        %ge3A_598 = arith.constant 512 : i32
        %ge3A_599 = vector.broadcast %ge3A_598 : i32 to vector<16xi32>
        %ge3A_600 = arith.cmpi sge, %select_n3A_571, %ge3A_599 : vector<16xi32>
        %and3A_601 = arith.andi %lt3A_540, %ge3A_600 : vector<16xi1>
        %gather3A = tpu.vector_load_idx %arg14[%select_n3A_571] masked %and3A_597 : memref<16384xf32, #tpu.memory_space<vmem>>[vector<16xi32>], vector<16xf32>, vector<16xi1>
        %sub3A_602 = arith.constant 512 : i32
        %sub3A_603 = vector.broadcast %sub3A_602 : i32 to vector<16xi32>
        %sub3A_604 = arith.subi %select_n3A_571, %sub3A_603 : vector<16xi32>
        %mul3A_605 = arith.constant 16 : i32
        %mul3A_606 = vector.broadcast %mul3A_605 : i32 to vector<16xi32>
        %mul3A_607 = arith.muli %sub3A_604, %mul3A_606 : vector<16xi32>
        %add3A_608 = vector.broadcast %add3A_30 : i32 to vector<16xi32>
        %add3A_609 = arith.addi %mul3A_607, %add3A_608 : vector<16xi32>
        %gather3A_610 = tpu.vector_load_idx %arg18[%add3A_609] masked %and3A_601 : memref<1024xf32, #tpu.memory_space<vmem>>[vector<16xi32>], vector<16xf32>, vector<16xi1>
        %sub3A_611 = arith.constant 512 : i32
        %sub3A_612 = vector.broadcast %sub3A_611 : i32 to vector<16xi32>
        %sub3A_613 = arith.subi %select_n3A_571, %sub3A_612 : vector<16xi32>
        %mul3A_614 = arith.constant 16 : i32
        %mul3A_615 = vector.broadcast %mul3A_614 : i32 to vector<16xi32>
        %mul3A_616 = arith.muli %sub3A_613, %mul3A_615 : vector<16xi32>
        %add3A_617 = vector.broadcast %add3A_30 : i32 to vector<16xi32>
        %add3A_618 = arith.addi %mul3A_616, %add3A_617 : vector<16xi32>
        %gather3A_619 = tpu.vector_load_idx %arg19[%add3A_618] masked %and3A_601 : memref<1024xf32, #tpu.memory_space<vmem>>[vector<16xi32>], vector<16xf32>, vector<16xi1>
        %select_n3A_620 = arith.select %gt3A_32, %gather3A_619, %gather3A_610 : vector<16xi1>, vector<16xf32>
        %lt3A_621 = arith.constant 512 : i32
        %lt3A_622 = vector.broadcast %lt3A_621 : i32 to vector<16xi32>
        %lt3A_623 = arith.cmpi slt, %select_n3A_571, %lt3A_622 : vector<16xi32>
        %select_n3A_624 = arith.select %lt3A_623, %gather3A, %select_n3A_620 : vector<16xi1>, vector<16xf32>
        %bitcast3A = vector.bitcast %select_n3A_624 : vector<16xf32> to vector<16xi32>
        tpu.vector_store_idx %arg9[%select_n3A_593], %bitcast3A masked %lt3A_540 : memref<16384xi32, #tpu.memory_space<vmem>>[vector<16xi32>], vector<16xi32>, vector<16xi1>
      }
    } else {
    }
    %mul3A_61 = arith.constant 16384 : i32
    %mul3A_62 = arith.muli %arg1, %mul3A_61 : i32
    "tpu.region"() ({
      %run_scoped3A = tpu.sem_alloc : memref<!tpu.dma_semaphore, #tpu.memory_space<semaphore_mem>>
      %dma_start3A_431 = tpu.memref_slice %arg20[%mul3A_62] : memref<262144xi32, #tpu.memory_space<vmem_shared>> -> memref<16384xi32, #tpu.memory_space<vmem_shared>>
      %dma_start3A_432 = tpu.memref_slice %arg20[%mul3A_62] : memref<262144xi32, #tpu.memory_space<vmem_shared>> -> memref<16384xi32, #tpu.memory_space<vmem_shared>>
      tpu.enqueue_dma source(%arg9 : memref<16384xi32, #tpu.memory_space<vmem>>) target(%dma_start3A_432 : memref<16384xi32, #tpu.memory_space<vmem_shared>>) target_semaphore(%run_scoped3A : memref<!tpu.dma_semaphore, #tpu.memory_space<semaphore_mem>>)
      %dma_wait3A_433 = tpu.memref_slice %arg20[%mul3A_62] : memref<262144xi32, #tpu.memory_space<vmem_shared>> -> memref<16384xi32, #tpu.memory_space<vmem_shared>>
      %dma_wait3A_434 = tpu.memref_slice %arg20[%mul3A_62] : memref<262144xi32, #tpu.memory_space<vmem_shared>> -> memref<16384xi32, #tpu.memory_space<vmem_shared>>
      tpu.wait_dma2 semaphore(%run_scoped3A : memref<!tpu.dma_semaphore, #tpu.memory_space<semaphore_mem>>) src(%arg9 : memref<16384xi32, #tpu.memory_space<vmem>>) dst(%dma_wait3A_434 : memref<16384xi32, #tpu.memory_space<vmem_shared>>)
      tpu.yield
    }) : () -> ()
    %barrier3A = arith.constant 0 : index
    tpu.barrier barrier_id(%barrier3A)
    %mul3A_63 = arith.constant 1024 : i32
    %mul3A_64 = arith.muli %arg1, %mul3A_63 : i32
    %scan3A_65 = arith.constant 0 : i32
    %scan3A_66 = arith.constant 64 : i32
    %scan3A_67 = arith.addi %scan3A_65, %scan3A_66 : i32
    %scan3A_68 = arith.constant 1 : i32
    scf.for %scan3A_431 = %scan3A_65 to %scan3A_67 step %scan3A_68  : i32 {
      %broadcast_in_dim3A_432 = arith.constant 0.000000e+00 : f32
      %broadcast_in_dim3A_433 = vector.broadcast %broadcast_in_dim3A_432 : f32 to vector<16xf32>
      %mul3A_434 = arith.constant 16 : i32
      %mul3A_435 = arith.muli %scan3A_431, %mul3A_434 : i32
      %swap3A = arith.index_cast %mul3A_435 : i32 to index
      %swap3A_436 = tpu.vector_load %arg17[%swap3A] {strides = array<i32>} : memref<1024xf32, #tpu.memory_space<vmem>>, vector<16xf32>,
      tpu.vector_store %arg17[%swap3A], %broadcast_in_dim3A_433 {strides = array<i32>} : memref<1024xf32, #tpu.memory_space<vmem>>, vector<16xf32>,
    }
    %scan3A_69 = arith.constant 64 : i32
    %add3A_70 = arith.constant 0 : i32
    %add3A_71 = arith.addi %add3A_70, %mul3A_64 : i32
    %dma_start3A = arith.constant 0 : i32
    %dma_start3A_72 = arith.constant 0 : i32
    %dma_start3A_73 = tpu.memref_slice %arg15[%dma_start3A, %dma_start3A_72] : memref<2x1024xi32, #tpu.memory_space<vmem>> -> memref<1x1024xi32, #tpu.memory_space<vmem>>
    %dma_start3A_74 = tpu.memref_squeeze %dma_start3A_73 : memref<1x1024xi32, #tpu.memory_space<vmem>> -> memref<1024xi32, #tpu.memory_space<vmem>>
    %dma_start3A_75 = tpu.memref_slice %arg20[%add3A_71] : memref<262144xi32, #tpu.memory_space<vmem_shared>> -> memref<1024xi32, #tpu.memory_space<vmem_shared>>
    %dma_start3A_76 = arith.constant 0 : i32
    %dma_start3A_77 = tpu.memref_slice %arg15[%dma_start3A, %dma_start3A_76] : memref<2x1024xi32, #tpu.memory_space<vmem>> -> memref<1x1024xi32, #tpu.memory_space<vmem>>
    %dma_start3A_78 = tpu.memref_squeeze %dma_start3A_77 : memref<1x1024xi32, #tpu.memory_space<vmem>> -> memref<1024xi32, #tpu.memory_space<vmem>>
    %dma_start3A_79 = tpu.memref_slice %arg20[%add3A_71] : memref<262144xi32, #tpu.memory_space<vmem_shared>> -> memref<1024xi32, #tpu.memory_space<vmem_shared>>
    tpu.enqueue_dma source(%dma_start3A_79 : memref<1024xi32, #tpu.memory_space<vmem_shared>>) target(%dma_start3A_78 : memref<1024xi32, #tpu.memory_space<vmem>>) target_semaphore(%arg21 : memref<!tpu.dma_semaphore, #tpu.memory_space<semaphore_mem>>)
    %add3A_80 = arith.constant 131072 : i32
    %add3A_81 = arith.addi %add3A_80, %mul3A_64 : i32
    %dma_start3A_82 = arith.constant 0 : i32
    %dma_start3A_83 = arith.constant 0 : i32
    %dma_start3A_84 = tpu.memref_slice %arg16[%dma_start3A_82, %dma_start3A_83] : memref<2x1024xi32, #tpu.memory_space<vmem>> -> memref<1x1024xi32, #tpu.memory_space<vmem>>
    %dma_start3A_85 = tpu.memref_squeeze %dma_start3A_84 : memref<1x1024xi32, #tpu.memory_space<vmem>> -> memref<1024xi32, #tpu.memory_space<vmem>>
    %dma_start3A_86 = tpu.memref_slice %arg20[%add3A_81] : memref<262144xi32, #tpu.memory_space<vmem_shared>> -> memref<1024xi32, #tpu.memory_space<vmem_shared>>
    %dma_start3A_87 = arith.constant 0 : i32
    %dma_start3A_88 = tpu.memref_slice %arg16[%dma_start3A_82, %dma_start3A_87] : memref<2x1024xi32, #tpu.memory_space<vmem>> -> memref<1x1024xi32, #tpu.memory_space<vmem>>
    %dma_start3A_89 = tpu.memref_squeeze %dma_start3A_88 : memref<1x1024xi32, #tpu.memory_space<vmem>> -> memref<1024xi32, #tpu.memory_space<vmem>>
    %dma_start3A_90 = tpu.memref_slice %arg20[%add3A_81] : memref<262144xi32, #tpu.memory_space<vmem_shared>> -> memref<1024xi32, #tpu.memory_space<vmem_shared>>
    tpu.enqueue_dma source(%dma_start3A_90 : memref<1024xi32, #tpu.memory_space<vmem_shared>>) target(%dma_start3A_89 : memref<1024xi32, #tpu.memory_space<vmem>>) target_semaphore(%arg22 : memref<!tpu.dma_semaphore, #tpu.memory_space<semaphore_mem>>)
    %add3A_91 = arith.constant 16384 : i32
    %add3A_92 = arith.addi %add3A_91, %mul3A_64 : i32
    %dma_start3A_93 = arith.constant 1 : i32
    %dma_start3A_94 = arith.constant 0 : i32
    %dma_start3A_95 = tpu.memref_slice %arg15[%dma_start3A_93, %dma_start3A_94] : memref<2x1024xi32, #tpu.memory_space<vmem>> -> memref<1x1024xi32, #tpu.memory_space<vmem>>
    %dma_start3A_96 = tpu.memref_squeeze %dma_start3A_95 : memref<1x1024xi32, #tpu.memory_space<vmem>> -> memref<1024xi32, #tpu.memory_space<vmem>>
    %dma_start3A_97 = tpu.memref_slice %arg20[%add3A_92] : memref<262144xi32, #tpu.memory_space<vmem_shared>> -> memref<1024xi32, #tpu.memory_space<vmem_shared>>
    %dma_start3A_98 = arith.constant 0 : i32
    %dma_start3A_99 = tpu.memref_slice %arg15[%dma_start3A_93, %dma_start3A_98] : memref<2x1024xi32, #tpu.memory_space<vmem>> -> memref<1x1024xi32, #tpu.memory_space<vmem>>
    %dma_start3A_100 = tpu.memref_squeeze %dma_start3A_99 : memref<1x1024xi32, #tpu.memory_space<vmem>> -> memref<1024xi32, #tpu.memory_space<vmem>>
    %dma_start3A_101 = tpu.memref_slice %arg20[%add3A_92] : memref<262144xi32, #tpu.memory_space<vmem_shared>> -> memref<1024xi32, #tpu.memory_space<vmem_shared>>
    tpu.enqueue_dma source(%dma_start3A_101 : memref<1024xi32, #tpu.memory_space<vmem_shared>>) target(%dma_start3A_100 : memref<1024xi32, #tpu.memory_space<vmem>>) target_semaphore(%arg21 : memref<!tpu.dma_semaphore, #tpu.memory_space<semaphore_mem>>)
    %add3A_102 = arith.constant 147456 : i32
    %add3A_103 = arith.addi %add3A_102, %mul3A_64 : i32
    %dma_start3A_104 = arith.constant 1 : i32
    %dma_start3A_105 = arith.constant 0 : i32
    %dma_start3A_106 = tpu.memref_slice %arg16[%dma_start3A_104, %dma_start3A_105] : memref<2x1024xi32, #tpu.memory_space<vmem>> -> memref<1x1024xi32, #tpu.memory_space<vmem>>
    %dma_start3A_107 = tpu.memref_squeeze %dma_start3A_106 : memref<1x1024xi32, #tpu.memory_space<vmem>> -> memref<1024xi32, #tpu.memory_space<vmem>>
    %dma_start3A_108 = tpu.memref_slice %arg20[%add3A_103] : memref<262144xi32, #tpu.memory_space<vmem_shared>> -> memref<1024xi32, #tpu.memory_space<vmem_shared>>
    %dma_start3A_109 = arith.constant 0 : i32
    %dma_start3A_110 = tpu.memref_slice %arg16[%dma_start3A_104, %dma_start3A_109] : memref<2x1024xi32, #tpu.memory_space<vmem>> -> memref<1x1024xi32, #tpu.memory_space<vmem>>
    %dma_start3A_111 = tpu.memref_squeeze %dma_start3A_110 : memref<1x1024xi32, #tpu.memory_space<vmem>> -> memref<1024xi32, #tpu.memory_space<vmem>>
    %dma_start3A_112 = tpu.memref_slice %arg20[%add3A_103] : memref<262144xi32, #tpu.memory_space<vmem_shared>> -> memref<1024xi32, #tpu.memory_space<vmem_shared>>
    tpu.enqueue_dma source(%dma_start3A_112 : memref<1024xi32, #tpu.memory_space<vmem_shared>>) target(%dma_start3A_111 : memref<1024xi32, #tpu.memory_space<vmem>>) target_semaphore(%arg22 : memref<!tpu.dma_semaphore, #tpu.memory_space<semaphore_mem>>)
    %dma_wait3A = arith.constant 0 : i32
    %dma_wait3A_113 = arith.constant 0 : i32
    %dma_wait3A_114 = tpu.memref_slice %arg15[%dma_wait3A, %dma_wait3A_113] : memref<2x1024xi32, #tpu.memory_space<vmem>> -> memref<1x1024xi32, #tpu.memory_space<vmem>>
    %dma_wait3A_115 = tpu.memref_squeeze %dma_wait3A_114 : memref<1x1024xi32, #tpu.memory_space<vmem>> -> memref<1024xi32, #tpu.memory_space<vmem>>
    %dma_wait3A_116 = tpu.memref_slice %arg20[%mul3A_64] : memref<262144xi32, #tpu.memory_space<vmem_shared>> -> memref<1024xi32, #tpu.memory_space<vmem_shared>>
    %dma_wait3A_117 = arith.constant 0 : i32
    %dma_wait3A_118 = tpu.memref_slice %arg15[%dma_wait3A, %dma_wait3A_117] : memref<2x1024xi32, #tpu.memory_space<vmem>> -> memref<1x1024xi32, #tpu.memory_space<vmem>>
    %dma_wait3A_119 = tpu.memref_squeeze %dma_wait3A_118 : memref<1x1024xi32, #tpu.memory_space<vmem>> -> memref<1024xi32, #tpu.memory_space<vmem>>
    %dma_wait3A_120 = tpu.memref_slice %arg20[%mul3A_64] : memref<262144xi32, #tpu.memory_space<vmem_shared>> -> memref<1024xi32, #tpu.memory_space<vmem_shared>>
    tpu.wait_dma2 semaphore(%arg21 : memref<!tpu.dma_semaphore, #tpu.memory_space<semaphore_mem>>) src(%dma_wait3A_120 : memref<1024xi32, #tpu.memory_space<vmem_shared>>) dst(%dma_wait3A_119 : memref<1024xi32, #tpu.memory_space<vmem>>)
    %dma_wait3A_121 = arith.constant 0 : i32
    %dma_wait3A_122 = arith.constant 0 : i32
    %dma_wait3A_123 = tpu.memref_slice %arg16[%dma_wait3A_121, %dma_wait3A_122] : memref<2x1024xi32, #tpu.memory_space<vmem>> -> memref<1x1024xi32, #tpu.memory_space<vmem>>
    %dma_wait3A_124 = tpu.memref_squeeze %dma_wait3A_123 : memref<1x1024xi32, #tpu.memory_space<vmem>> -> memref<1024xi32, #tpu.memory_space<vmem>>
    %dma_wait3A_125 = tpu.memref_slice %arg20[%mul3A_64] : memref<262144xi32, #tpu.memory_space<vmem_shared>> -> memref<1024xi32, #tpu.memory_space<vmem_shared>>
    %dma_wait3A_126 = arith.constant 0 : i32
    %dma_wait3A_127 = tpu.memref_slice %arg16[%dma_wait3A_121, %dma_wait3A_126] : memref<2x1024xi32, #tpu.memory_space<vmem>> -> memref<1x1024xi32, #tpu.memory_space<vmem>>
    %dma_wait3A_128 = tpu.memref_squeeze %dma_wait3A_127 : memref<1x1024xi32, #tpu.memory_space<vmem>> -> memref<1024xi32, #tpu.memory_space<vmem>>
    %dma_wait3A_129 = tpu.memref_slice %arg20[%mul3A_64] : memref<262144xi32, #tpu.memory_space<vmem_shared>> -> memref<1024xi32, #tpu.memory_space<vmem_shared>>
    tpu.wait_dma2 semaphore(%arg22 : memref<!tpu.dma_semaphore, #tpu.memory_space<semaphore_mem>>) src(%dma_wait3A_129 : memref<1024xi32, #tpu.memory_space<vmem_shared>>) dst(%dma_wait3A_128 : memref<1024xi32, #tpu.memory_space<vmem>>)
    %scan3A_130 = arith.constant 0 : i32
    %scan3A_131 = arith.constant 64 : i32
    %scan3A_132 = arith.addi %scan3A_130, %scan3A_131 : i32
    %scan3A_133 = arith.constant 1 : i32
    scf.for %scan3A_431 = %scan3A_130 to %scan3A_132 step %scan3A_133  : i32 {
      %mul3A_432 = arith.constant 16 : i32
      %mul3A_433 = arith.muli %scan3A_431, %mul3A_432 : i32
      %get3A = arith.constant 0 : i32
      %get3A_434 = arith.index_cast %get3A : i32 to index
      %get3A_435 = arith.index_cast %mul3A_433 : i32 to index
      %get3A_436 = tpu.vector_load %arg15[%get3A_434, %get3A_435] {strides = array<i32>} : memref<2x1024xi32, #tpu.memory_space<vmem>>, vector<16xi32>,
      %bitcast3A = vector.bitcast %get3A_436 : vector<16xi32> to vector<16xf32>
      %get3A_437 = arith.constant 0 : i32
      %get3A_438 = arith.index_cast %get3A_437 : i32 to index
      %get3A_439 = arith.index_cast %mul3A_433 : i32 to index
      %get3A_440 = tpu.vector_load %arg16[%get3A_438, %get3A_439] {strides = array<i32>} : memref<2x1024xi32, #tpu.memory_space<vmem>>, vector<16xi32>,
      %bitcast3A_441 = vector.bitcast %get3A_440 : vector<16xi32> to vector<16xf32>
      %get3A_442 = arith.index_cast %mul3A_433 : i32 to index
      %get3A_443 = tpu.vector_load %arg17[%get3A_442] {strides = array<i32>} : memref<1024xf32, #tpu.memory_space<vmem>>, vector<16xf32>,
      %mul3A_444 = arith.mulf %bitcast3A, %bitcast3A_441 : vector<16xf32>
      %add3A_445 = arith.addf %get3A_443, %mul3A_444 : vector<16xf32>
      %swap3A = arith.index_cast %mul3A_433 : i32 to index
      %swap3A_446 = tpu.vector_load %arg17[%swap3A] {strides = array<i32>} : memref<1024xf32, #tpu.memory_space<vmem>>, vector<16xf32>,
      tpu.vector_store %arg17[%swap3A], %add3A_445 {strides = array<i32>} : memref<1024xf32, #tpu.memory_space<vmem>>, vector<16xf32>,
    }
    %scan3A_134 = arith.constant 64 : i32
    %add3A_135 = arith.constant 32768 : i32
    %add3A_136 = arith.addi %add3A_135, %mul3A_64 : i32
    %dma_start3A_137 = arith.constant 0 : i32
    %dma_start3A_138 = arith.constant 0 : i32
    %dma_start3A_139 = tpu.memref_slice %arg15[%dma_start3A_137, %dma_start3A_138] : memref<2x1024xi32, #tpu.memory_space<vmem>> -> memref<1x1024xi32, #tpu.memory_space<vmem>>
    %dma_start3A_140 = tpu.memref_squeeze %dma_start3A_139 : memref<1x1024xi32, #tpu.memory_space<vmem>> -> memref<1024xi32, #tpu.memory_space<vmem>>
    %dma_start3A_141 = tpu.memref_slice %arg20[%add3A_136] : memref<262144xi32, #tpu.memory_space<vmem_shared>> -> memref<1024xi32, #tpu.memory_space<vmem_shared>>
    %dma_start3A_142 = arith.constant 0 : i32
    %dma_start3A_143 = tpu.memref_slice %arg15[%dma_start3A_137, %dma_start3A_142] : memref<2x1024xi32, #tpu.memory_space<vmem>> -> memref<1x1024xi32, #tpu.memory_space<vmem>>
    %dma_start3A_144 = tpu.memref_squeeze %dma_start3A_143 : memref<1x1024xi32, #tpu.memory_space<vmem>> -> memref<1024xi32, #tpu.memory_space<vmem>>
    %dma_start3A_145 = tpu.memref_slice %arg20[%add3A_136] : memref<262144xi32, #tpu.memory_space<vmem_shared>> -> memref<1024xi32, #tpu.memory_space<vmem_shared>>
    tpu.enqueue_dma source(%dma_start3A_145 : memref<1024xi32, #tpu.memory_space<vmem_shared>>) target(%dma_start3A_144 : memref<1024xi32, #tpu.memory_space<vmem>>) target_semaphore(%arg21 : memref<!tpu.dma_semaphore, #tpu.memory_space<semaphore_mem>>)
    %add3A_146 = arith.constant 163840 : i32
    %add3A_147 = arith.addi %add3A_146, %mul3A_64 : i32
    %dma_start3A_148 = arith.constant 0 : i32
    %dma_start3A_149 = arith.constant 0 : i32
    %dma_start3A_150 = tpu.memref_slice %arg16[%dma_start3A_148, %dma_start3A_149] : memref<2x1024xi32, #tpu.memory_space<vmem>> -> memref<1x1024xi32, #tpu.memory_space<vmem>>
    %dma_start3A_151 = tpu.memref_squeeze %dma_start3A_150 : memref<1x1024xi32, #tpu.memory_space<vmem>> -> memref<1024xi32, #tpu.memory_space<vmem>>
    %dma_start3A_152 = tpu.memref_slice %arg20[%add3A_147] : memref<262144xi32, #tpu.memory_space<vmem_shared>> -> memref<1024xi32, #tpu.memory_space<vmem_shared>>
    %dma_start3A_153 = arith.constant 0 : i32
    %dma_start3A_154 = tpu.memref_slice %arg16[%dma_start3A_148, %dma_start3A_153] : memref<2x1024xi32, #tpu.memory_space<vmem>> -> memref<1x1024xi32, #tpu.memory_space<vmem>>
    %dma_start3A_155 = tpu.memref_squeeze %dma_start3A_154 : memref<1x1024xi32, #tpu.memory_space<vmem>> -> memref<1024xi32, #tpu.memory_space<vmem>>
    %dma_start3A_156 = tpu.memref_slice %arg20[%add3A_147] : memref<262144xi32, #tpu.memory_space<vmem_shared>> -> memref<1024xi32, #tpu.memory_space<vmem_shared>>
    tpu.enqueue_dma source(%dma_start3A_156 : memref<1024xi32, #tpu.memory_space<vmem_shared>>) target(%dma_start3A_155 : memref<1024xi32, #tpu.memory_space<vmem>>) target_semaphore(%arg22 : memref<!tpu.dma_semaphore, #tpu.memory_space<semaphore_mem>>)
    %dma_wait3A_157 = arith.constant 1 : i32
    %dma_wait3A_158 = arith.constant 0 : i32
    %dma_wait3A_159 = tpu.memref_slice %arg15[%dma_wait3A_157, %dma_wait3A_158] : memref<2x1024xi32, #tpu.memory_space<vmem>> -> memref<1x1024xi32, #tpu.memory_space<vmem>>
    %dma_wait3A_160 = tpu.memref_squeeze %dma_wait3A_159 : memref<1x1024xi32, #tpu.memory_space<vmem>> -> memref<1024xi32, #tpu.memory_space<vmem>>
    %dma_wait3A_161 = tpu.memref_slice %arg20[%mul3A_64] : memref<262144xi32, #tpu.memory_space<vmem_shared>> -> memref<1024xi32, #tpu.memory_space<vmem_shared>>
    %dma_wait3A_162 = arith.constant 0 : i32
    %dma_wait3A_163 = tpu.memref_slice %arg15[%dma_wait3A_157, %dma_wait3A_162] : memref<2x1024xi32, #tpu.memory_space<vmem>> -> memref<1x1024xi32, #tpu.memory_space<vmem>>
    %dma_wait3A_164 = tpu.memref_squeeze %dma_wait3A_163 : memref<1x1024xi32, #tpu.memory_space<vmem>> -> memref<1024xi32, #tpu.memory_space<vmem>>
    %dma_wait3A_165 = tpu.memref_slice %arg20[%mul3A_64] : memref<262144xi32, #tpu.memory_space<vmem_shared>> -> memref<1024xi32, #tpu.memory_space<vmem_shared>>
    tpu.wait_dma2 semaphore(%arg21 : memref<!tpu.dma_semaphore, #tpu.memory_space<semaphore_mem>>) src(%dma_wait3A_165 : memref<1024xi32, #tpu.memory_space<vmem_shared>>) dst(%dma_wait3A_164 : memref<1024xi32, #tpu.memory_space<vmem>>)
    %dma_wait3A_166 = arith.constant 1 : i32
    %dma_wait3A_167 = arith.constant 0 : i32
    %dma_wait3A_168 = tpu.memref_slice %arg16[%dma_wait3A_166, %dma_wait3A_167] : memref<2x1024xi32, #tpu.memory_space<vmem>> -> memref<1x1024xi32, #tpu.memory_space<vmem>>
    %dma_wait3A_169 = tpu.memref_squeeze %dma_wait3A_168 : memref<1x1024xi32, #tpu.memory_space<vmem>> -> memref<1024xi32, #tpu.memory_space<vmem>>
    %dma_wait3A_170 = tpu.memref_slice %arg20[%mul3A_64] : memref<262144xi32, #tpu.memory_space<vmem_shared>> -> memref<1024xi32, #tpu.memory_space<vmem_shared>>
    %dma_wait3A_171 = arith.constant 0 : i32
    %dma_wait3A_172 = tpu.memref_slice %arg16[%dma_wait3A_166, %dma_wait3A_171] : memref<2x1024xi32, #tpu.memory_space<vmem>> -> memref<1x1024xi32, #tpu.memory_space<vmem>>
    %dma_wait3A_173 = tpu.memref_squeeze %dma_wait3A_172 : memref<1x1024xi32, #tpu.memory_space<vmem>> -> memref<1024xi32, #tpu.memory_space<vmem>>
    %dma_wait3A_174 = tpu.memref_slice %arg20[%mul3A_64] : memref<262144xi32, #tpu.memory_space<vmem_shared>> -> memref<1024xi32, #tpu.memory_space<vmem_shared>>
    tpu.wait_dma2 semaphore(%arg22 : memref<!tpu.dma_semaphore, #tpu.memory_space<semaphore_mem>>) src(%dma_wait3A_174 : memref<1024xi32, #tpu.memory_space<vmem_shared>>) dst(%dma_wait3A_173 : memref<1024xi32, #tpu.memory_space<vmem>>)
    %scan3A_175 = arith.constant 0 : i32
    %scan3A_176 = arith.constant 64 : i32
    %scan3A_177 = arith.addi %scan3A_175, %scan3A_176 : i32
    %scan3A_178 = arith.constant 1 : i32
    scf.for %scan3A_431 = %scan3A_175 to %scan3A_177 step %scan3A_178  : i32 {
      %mul3A_432 = arith.constant 16 : i32
      %mul3A_433 = arith.muli %scan3A_431, %mul3A_432 : i32
      %get3A = arith.constant 1 : i32
      %get3A_434 = arith.index_cast %get3A : i32 to index
      %get3A_435 = arith.index_cast %mul3A_433 : i32 to index
      %get3A_436 = tpu.vector_load %arg15[%get3A_434, %get3A_435] {strides = array<i32>} : memref<2x1024xi32, #tpu.memory_space<vmem>>, vector<16xi32>,
      %bitcast3A = vector.bitcast %get3A_436 : vector<16xi32> to vector<16xf32>
      %get3A_437 = arith.constant 1 : i32
      %get3A_438 = arith.index_cast %get3A_437 : i32 to index
      %get3A_439 = arith.index_cast %mul3A_433 : i32 to index
      %get3A_440 = tpu.vector_load %arg16[%get3A_438, %get3A_439] {strides = array<i32>} : memref<2x1024xi32, #tpu.memory_space<vmem>>, vector<16xi32>,
      %bitcast3A_441 = vector.bitcast %get3A_440 : vector<16xi32> to vector<16xf32>
      %get3A_442 = arith.index_cast %mul3A_433 : i32 to index
      %get3A_443 = tpu.vector_load %arg17[%get3A_442] {strides = array<i32>} : memref<1024xf32, #tpu.memory_space<vmem>>, vector<16xf32>,
      %mul3A_444 = arith.mulf %bitcast3A, %bitcast3A_441 : vector<16xf32>
      %add3A_445 = arith.addf %get3A_443, %mul3A_444 : vector<16xf32>
      %swap3A = arith.index_cast %mul3A_433 : i32 to index
      %swap3A_446 = tpu.vector_load %arg17[%swap3A] {strides = array<i32>} : memref<1024xf32, #tpu.memory_space<vmem>>, vector<16xf32>,
      tpu.vector_store %arg17[%swap3A], %add3A_445 {strides = array<i32>} : memref<1024xf32, #tpu.memory_space<vmem>>, vector<16xf32>,
    }
    %scan3A_179 = arith.constant 64 : i32
    %add3A_180 = arith.constant 49152 : i32
    %add3A_181 = arith.addi %add3A_180, %mul3A_64 : i32
    %dma_start3A_182 = arith.constant 1 : i32
    %dma_start3A_183 = arith.constant 0 : i32
    %dma_start3A_184 = tpu.memref_slice %arg15[%dma_start3A_182, %dma_start3A_183] : memref<2x1024xi32, #tpu.memory_space<vmem>> -> memref<1x1024xi32, #tpu.memory_space<vmem>>
    %dma_start3A_185 = tpu.memref_squeeze %dma_start3A_184 : memref<1x1024xi32, #tpu.memory_space<vmem>> -> memref<1024xi32, #tpu.memory_space<vmem>>
    %dma_start3A_186 = tpu.memref_slice %arg20[%add3A_181] : memref<262144xi32, #tpu.memory_space<vmem_shared>> -> memref<1024xi32, #tpu.memory_space<vmem_shared>>
    %dma_start3A_187 = arith.constant 0 : i32
    %dma_start3A_188 = tpu.memref_slice %arg15[%dma_start3A_182, %dma_start3A_187] : memref<2x1024xi32, #tpu.memory_space<vmem>> -> memref<1x1024xi32, #tpu.memory_space<vmem>>
    %dma_start3A_189 = tpu.memref_squeeze %dma_start3A_188 : memref<1x1024xi32, #tpu.memory_space<vmem>> -> memref<1024xi32, #tpu.memory_space<vmem>>
    %dma_start3A_190 = tpu.memref_slice %arg20[%add3A_181] : memref<262144xi32, #tpu.memory_space<vmem_shared>> -> memref<1024xi32, #tpu.memory_space<vmem_shared>>
    tpu.enqueue_dma source(%dma_start3A_190 : memref<1024xi32, #tpu.memory_space<vmem_shared>>) target(%dma_start3A_189 : memref<1024xi32, #tpu.memory_space<vmem>>) target_semaphore(%arg21 : memref<!tpu.dma_semaphore, #tpu.memory_space<semaphore_mem>>)
    %add3A_191 = arith.constant 180224 : i32
    %add3A_192 = arith.addi %add3A_191, %mul3A_64 : i32
    %dma_start3A_193 = arith.constant 1 : i32
    %dma_start3A_194 = arith.constant 0 : i32
    %dma_start3A_195 = tpu.memref_slice %arg16[%dma_start3A_193, %dma_start3A_194] : memref<2x1024xi32, #tpu.memory_space<vmem>> -> memref<1x1024xi32, #tpu.memory_space<vmem>>
    %dma_start3A_196 = tpu.memref_squeeze %dma_start3A_195 : memref<1x1024xi32, #tpu.memory_space<vmem>> -> memref<1024xi32, #tpu.memory_space<vmem>>
    %dma_start3A_197 = tpu.memref_slice %arg20[%add3A_192] : memref<262144xi32, #tpu.memory_space<vmem_shared>> -> memref<1024xi32, #tpu.memory_space<vmem_shared>>
    %dma_start3A_198 = arith.constant 0 : i32
    %dma_start3A_199 = tpu.memref_slice %arg16[%dma_start3A_193, %dma_start3A_198] : memref<2x1024xi32, #tpu.memory_space<vmem>> -> memref<1x1024xi32, #tpu.memory_space<vmem>>
    %dma_start3A_200 = tpu.memref_squeeze %dma_start3A_199 : memref<1x1024xi32, #tpu.memory_space<vmem>> -> memref<1024xi32, #tpu.memory_space<vmem>>
    %dma_start3A_201 = tpu.memref_slice %arg20[%add3A_192] : memref<262144xi32, #tpu.memory_space<vmem_shared>> -> memref<1024xi32, #tpu.memory_space<vmem_shared>>
    tpu.enqueue_dma source(%dma_start3A_201 : memref<1024xi32, #tpu.memory_space<vmem_shared>>) target(%dma_start3A_200 : memref<1024xi32, #tpu.memory_space<vmem>>) target_semaphore(%arg22 : memref<!tpu.dma_semaphore, #tpu.memory_space<semaphore_mem>>)
    %dma_wait3A_202 = arith.constant 0 : i32
    %dma_wait3A_203 = arith.constant 0 : i32
    %dma_wait3A_204 = tpu.memref_slice %arg15[%dma_wait3A_202, %dma_wait3A_203] : memref<2x1024xi32, #tpu.memory_space<vmem>> -> memref<1x1024xi32, #tpu.memory_space<vmem>>
    %dma_wait3A_205 = tpu.memref_squeeze %dma_wait3A_204 : memref<1x1024xi32, #tpu.memory_space<vmem>> -> memref<1024xi32, #tpu.memory_space<vmem>>
    %dma_wait3A_206 = tpu.memref_slice %arg20[%mul3A_64] : memref<262144xi32, #tpu.memory_space<vmem_shared>> -> memref<1024xi32, #tpu.memory_space<vmem_shared>>
    %dma_wait3A_207 = arith.constant 0 : i32
    %dma_wait3A_208 = tpu.memref_slice %arg15[%dma_wait3A_202, %dma_wait3A_207] : memref<2x1024xi32, #tpu.memory_space<vmem>> -> memref<1x1024xi32, #tpu.memory_space<vmem>>
    %dma_wait3A_209 = tpu.memref_squeeze %dma_wait3A_208 : memref<1x1024xi32, #tpu.memory_space<vmem>> -> memref<1024xi32, #tpu.memory_space<vmem>>
    %dma_wait3A_210 = tpu.memref_slice %arg20[%mul3A_64] : memref<262144xi32, #tpu.memory_space<vmem_shared>> -> memref<1024xi32, #tpu.memory_space<vmem_shared>>
    tpu.wait_dma2 semaphore(%arg21 : memref<!tpu.dma_semaphore, #tpu.memory_space<semaphore_mem>>) src(%dma_wait3A_210 : memref<1024xi32, #tpu.memory_space<vmem_shared>>) dst(%dma_wait3A_209 : memref<1024xi32, #tpu.memory_space<vmem>>)
    %dma_wait3A_211 = arith.constant 0 : i32
    %dma_wait3A_212 = arith.constant 0 : i32
    %dma_wait3A_213 = tpu.memref_slice %arg16[%dma_wait3A_211, %dma_wait3A_212] : memref<2x1024xi32, #tpu.memory_space<vmem>> -> memref<1x1024xi32, #tpu.memory_space<vmem>>
    %dma_wait3A_214 = tpu.memref_squeeze %dma_wait3A_213 : memref<1x1024xi32, #tpu.memory_space<vmem>> -> memref<1024xi32, #tpu.memory_space<vmem>>
    %dma_wait3A_215 = tpu.memref_slice %arg20[%mul3A_64] : memref<262144xi32, #tpu.memory_space<vmem_shared>> -> memref<1024xi32, #tpu.memory_space<vmem_shared>>
    %dma_wait3A_216 = arith.constant 0 : i32
    %dma_wait3A_217 = tpu.memref_slice %arg16[%dma_wait3A_211, %dma_wait3A_216] : memref<2x1024xi32, #tpu.memory_space<vmem>> -> memref<1x1024xi32, #tpu.memory_space<vmem>>
    %dma_wait3A_218 = tpu.memref_squeeze %dma_wait3A_217 : memref<1x1024xi32, #tpu.memory_space<vmem>> -> memref<1024xi32, #tpu.memory_space<vmem>>
    %dma_wait3A_219 = tpu.memref_slice %arg20[%mul3A_64] : memref<262144xi32, #tpu.memory_space<vmem_shared>> -> memref<1024xi32, #tpu.memory_space<vmem_shared>>
    tpu.wait_dma2 semaphore(%arg22 : memref<!tpu.dma_semaphore, #tpu.memory_space<semaphore_mem>>) src(%dma_wait3A_219 : memref<1024xi32, #tpu.memory_space<vmem_shared>>) dst(%dma_wait3A_218 : memref<1024xi32, #tpu.memory_space<vmem>>)
    %scan3A_220 = arith.constant 0 : i32
    %scan3A_221 = arith.constant 64 : i32
    %scan3A_222 = arith.addi %scan3A_220, %scan3A_221 : i32
    %scan3A_223 = arith.constant 1 : i32
    scf.for %scan3A_431 = %scan3A_220 to %scan3A_222 step %scan3A_223  : i32 {
      %mul3A_432 = arith.constant 16 : i32
      %mul3A_433 = arith.muli %scan3A_431, %mul3A_432 : i32
      %get3A = arith.constant 0 : i32
      %get3A_434 = arith.index_cast %get3A : i32 to index
      %get3A_435 = arith.index_cast %mul3A_433 : i32 to index
      %get3A_436 = tpu.vector_load %arg15[%get3A_434, %get3A_435] {strides = array<i32>} : memref<2x1024xi32, #tpu.memory_space<vmem>>, vector<16xi32>,
      %bitcast3A = vector.bitcast %get3A_436 : vector<16xi32> to vector<16xf32>
      %get3A_437 = arith.constant 0 : i32
      %get3A_438 = arith.index_cast %get3A_437 : i32 to index
      %get3A_439 = arith.index_cast %mul3A_433 : i32 to index
      %get3A_440 = tpu.vector_load %arg16[%get3A_438, %get3A_439] {strides = array<i32>} : memref<2x1024xi32, #tpu.memory_space<vmem>>, vector<16xi32>,
      %bitcast3A_441 = vector.bitcast %get3A_440 : vector<16xi32> to vector<16xf32>
      %get3A_442 = arith.index_cast %mul3A_433 : i32 to index
      %get3A_443 = tpu.vector_load %arg17[%get3A_442] {strides = array<i32>} : memref<1024xf32, #tpu.memory_space<vmem>>, vector<16xf32>,
      %mul3A_444 = arith.mulf %bitcast3A, %bitcast3A_441 : vector<16xf32>
      %add3A_445 = arith.addf %get3A_443, %mul3A_444 : vector<16xf32>
      %swap3A = arith.index_cast %mul3A_433 : i32 to index
      %swap3A_446 = tpu.vector_load %arg17[%swap3A] {strides = array<i32>} : memref<1024xf32, #tpu.memory_space<vmem>>, vector<16xf32>,
      tpu.vector_store %arg17[%swap3A], %add3A_445 {strides = array<i32>} : memref<1024xf32, #tpu.memory_space<vmem>>, vector<16xf32>,
    }
    %scan3A_224 = arith.constant 64 : i32
    %add3A_225 = arith.constant 65536 : i32
    %add3A_226 = arith.addi %add3A_225, %mul3A_64 : i32
    %dma_start3A_227 = arith.constant 0 : i32
    %dma_start3A_228 = arith.constant 0 : i32
    %dma_start3A_229 = tpu.memref_slice %arg15[%dma_start3A_227, %dma_start3A_228] : memref<2x1024xi32, #tpu.memory_space<vmem>> -> memref<1x1024xi32, #tpu.memory_space<vmem>>
    %dma_start3A_230 = tpu.memref_squeeze %dma_start3A_229 : memref<1x1024xi32, #tpu.memory_space<vmem>> -> memref<1024xi32, #tpu.memory_space<vmem>>
    %dma_start3A_231 = tpu.memref_slice %arg20[%add3A_226] : memref<262144xi32, #tpu.memory_space<vmem_shared>> -> memref<1024xi32, #tpu.memory_space<vmem_shared>>
    %dma_start3A_232 = arith.constant 0 : i32
    %dma_start3A_233 = tpu.memref_slice %arg15[%dma_start3A_227, %dma_start3A_232] : memref<2x1024xi32, #tpu.memory_space<vmem>> -> memref<1x1024xi32, #tpu.memory_space<vmem>>
    %dma_start3A_234 = tpu.memref_squeeze %dma_start3A_233 : memref<1x1024xi32, #tpu.memory_space<vmem>> -> memref<1024xi32, #tpu.memory_space<vmem>>
    %dma_start3A_235 = tpu.memref_slice %arg20[%add3A_226] : memref<262144xi32, #tpu.memory_space<vmem_shared>> -> memref<1024xi32, #tpu.memory_space<vmem_shared>>
    tpu.enqueue_dma source(%dma_start3A_235 : memref<1024xi32, #tpu.memory_space<vmem_shared>>) target(%dma_start3A_234 : memref<1024xi32, #tpu.memory_space<vmem>>) target_semaphore(%arg21 : memref<!tpu.dma_semaphore, #tpu.memory_space<semaphore_mem>>)
    %add3A_236 = arith.constant 196608 : i32
    %add3A_237 = arith.addi %add3A_236, %mul3A_64 : i32
    %dma_start3A_238 = arith.constant 0 : i32
    %dma_start3A_239 = arith.constant 0 : i32
    %dma_start3A_240 = tpu.memref_slice %arg16[%dma_start3A_238, %dma_start3A_239] : memref<2x1024xi32, #tpu.memory_space<vmem>> -> memref<1x1024xi32, #tpu.memory_space<vmem>>
    %dma_start3A_241 = tpu.memref_squeeze %dma_start3A_240 : memref<1x1024xi32, #tpu.memory_space<vmem>> -> memref<1024xi32, #tpu.memory_space<vmem>>
    %dma_start3A_242 = tpu.memref_slice %arg20[%add3A_237] : memref<262144xi32, #tpu.memory_space<vmem_shared>> -> memref<1024xi32, #tpu.memory_space<vmem_shared>>
    %dma_start3A_243 = arith.constant 0 : i32
    %dma_start3A_244 = tpu.memref_slice %arg16[%dma_start3A_238, %dma_start3A_243] : memref<2x1024xi32, #tpu.memory_space<vmem>> -> memref<1x1024xi32, #tpu.memory_space<vmem>>
    %dma_start3A_245 = tpu.memref_squeeze %dma_start3A_244 : memref<1x1024xi32, #tpu.memory_space<vmem>> -> memref<1024xi32, #tpu.memory_space<vmem>>
    %dma_start3A_246 = tpu.memref_slice %arg20[%add3A_237] : memref<262144xi32, #tpu.memory_space<vmem_shared>> -> memref<1024xi32, #tpu.memory_space<vmem_shared>>
    tpu.enqueue_dma source(%dma_start3A_246 : memref<1024xi32, #tpu.memory_space<vmem_shared>>) target(%dma_start3A_245 : memref<1024xi32, #tpu.memory_space<vmem>>) target_semaphore(%arg22 : memref<!tpu.dma_semaphore, #tpu.memory_space<semaphore_mem>>)
    %dma_wait3A_247 = arith.constant 1 : i32
    %dma_wait3A_248 = arith.constant 0 : i32
    %dma_wait3A_249 = tpu.memref_slice %arg15[%dma_wait3A_247, %dma_wait3A_248] : memref<2x1024xi32, #tpu.memory_space<vmem>> -> memref<1x1024xi32, #tpu.memory_space<vmem>>
    %dma_wait3A_250 = tpu.memref_squeeze %dma_wait3A_249 : memref<1x1024xi32, #tpu.memory_space<vmem>> -> memref<1024xi32, #tpu.memory_space<vmem>>
    %dma_wait3A_251 = tpu.memref_slice %arg20[%mul3A_64] : memref<262144xi32, #tpu.memory_space<vmem_shared>> -> memref<1024xi32, #tpu.memory_space<vmem_shared>>
    %dma_wait3A_252 = arith.constant 0 : i32
    %dma_wait3A_253 = tpu.memref_slice %arg15[%dma_wait3A_247, %dma_wait3A_252] : memref<2x1024xi32, #tpu.memory_space<vmem>> -> memref<1x1024xi32, #tpu.memory_space<vmem>>
    %dma_wait3A_254 = tpu.memref_squeeze %dma_wait3A_253 : memref<1x1024xi32, #tpu.memory_space<vmem>> -> memref<1024xi32, #tpu.memory_space<vmem>>
    %dma_wait3A_255 = tpu.memref_slice %arg20[%mul3A_64] : memref<262144xi32, #tpu.memory_space<vmem_shared>> -> memref<1024xi32, #tpu.memory_space<vmem_shared>>
    tpu.wait_dma2 semaphore(%arg21 : memref<!tpu.dma_semaphore, #tpu.memory_space<semaphore_mem>>) src(%dma_wait3A_255 : memref<1024xi32, #tpu.memory_space<vmem_shared>>) dst(%dma_wait3A_254 : memref<1024xi32, #tpu.memory_space<vmem>>)
    %dma_wait3A_256 = arith.constant 1 : i32
    %dma_wait3A_257 = arith.constant 0 : i32
    %dma_wait3A_258 = tpu.memref_slice %arg16[%dma_wait3A_256, %dma_wait3A_257] : memref<2x1024xi32, #tpu.memory_space<vmem>> -> memref<1x1024xi32, #tpu.memory_space<vmem>>
    %dma_wait3A_259 = tpu.memref_squeeze %dma_wait3A_258 : memref<1x1024xi32, #tpu.memory_space<vmem>> -> memref<1024xi32, #tpu.memory_space<vmem>>
    %dma_wait3A_260 = tpu.memref_slice %arg20[%mul3A_64] : memref<262144xi32, #tpu.memory_space<vmem_shared>> -> memref<1024xi32, #tpu.memory_space<vmem_shared>>
    %dma_wait3A_261 = arith.constant 0 : i32
    %dma_wait3A_262 = tpu.memref_slice %arg16[%dma_wait3A_256, %dma_wait3A_261] : memref<2x1024xi32, #tpu.memory_space<vmem>> -> memref<1x1024xi32, #tpu.memory_space<vmem>>
    %dma_wait3A_263 = tpu.memref_squeeze %dma_wait3A_262 : memref<1x1024xi32, #tpu.memory_space<vmem>> -> memref<1024xi32, #tpu.memory_space<vmem>>
    %dma_wait3A_264 = tpu.memref_slice %arg20[%mul3A_64] : memref<262144xi32, #tpu.memory_space<vmem_shared>> -> memref<1024xi32, #tpu.memory_space<vmem_shared>>
    tpu.wait_dma2 semaphore(%arg22 : memref<!tpu.dma_semaphore, #tpu.memory_space<semaphore_mem>>) src(%dma_wait3A_264 : memref<1024xi32, #tpu.memory_space<vmem_shared>>) dst(%dma_wait3A_263 : memref<1024xi32, #tpu.memory_space<vmem>>)
    %scan3A_265 = arith.constant 0 : i32
    %scan3A_266 = arith.constant 64 : i32
    %scan3A_267 = arith.addi %scan3A_265, %scan3A_266 : i32
    %scan3A_268 = arith.constant 1 : i32
    scf.for %scan3A_431 = %scan3A_265 to %scan3A_267 step %scan3A_268  : i32 {
      %mul3A_432 = arith.constant 16 : i32
      %mul3A_433 = arith.muli %scan3A_431, %mul3A_432 : i32
      %get3A = arith.constant 1 : i32
      %get3A_434 = arith.index_cast %get3A : i32 to index
      %get3A_435 = arith.index_cast %mul3A_433 : i32 to index
      %get3A_436 = tpu.vector_load %arg15[%get3A_434, %get3A_435] {strides = array<i32>} : memref<2x1024xi32, #tpu.memory_space<vmem>>, vector<16xi32>,
      %bitcast3A = vector.bitcast %get3A_436 : vector<16xi32> to vector<16xf32>
      %get3A_437 = arith.constant 1 : i32
      %get3A_438 = arith.index_cast %get3A_437 : i32 to index
      %get3A_439 = arith.index_cast %mul3A_433 : i32 to index
      %get3A_440 = tpu.vector_load %arg16[%get3A_438, %get3A_439] {strides = array<i32>} : memref<2x1024xi32, #tpu.memory_space<vmem>>, vector<16xi32>,
      %bitcast3A_441 = vector.bitcast %get3A_440 : vector<16xi32> to vector<16xf32>
      %get3A_442 = arith.index_cast %mul3A_433 : i32 to index
      %get3A_443 = tpu.vector_load %arg17[%get3A_442] {strides = array<i32>} : memref<1024xf32, #tpu.memory_space<vmem>>, vector<16xf32>,
      %mul3A_444 = arith.mulf %bitcast3A, %bitcast3A_441 : vector<16xf32>
      %add3A_445 = arith.addf %get3A_443, %mul3A_444 : vector<16xf32>
      %swap3A = arith.index_cast %mul3A_433 : i32 to index
      %swap3A_446 = tpu.vector_load %arg17[%swap3A] {strides = array<i32>} : memref<1024xf32, #tpu.memory_space<vmem>>, vector<16xf32>,
      tpu.vector_store %arg17[%swap3A], %add3A_445 {strides = array<i32>} : memref<1024xf32, #tpu.memory_space<vmem>>, vector<16xf32>,
    }
    %scan3A_269 = arith.constant 64 : i32
    %add3A_270 = arith.constant 81920 : i32
    %add3A_271 = arith.addi %add3A_270, %mul3A_64 : i32
    %dma_start3A_272 = arith.constant 1 : i32
    %dma_start3A_273 = arith.constant 0 : i32
    %dma_start3A_274 = tpu.memref_slice %arg15[%dma_start3A_272, %dma_start3A_273] : memref<2x1024xi32, #tpu.memory_space<vmem>> -> memref<1x1024xi32, #tpu.memory_space<vmem>>
    %dma_start3A_275 = tpu.memref_squeeze %dma_start3A_274 : memref<1x1024xi32, #tpu.memory_space<vmem>> -> memref<1024xi32, #tpu.memory_space<vmem>>
    %dma_start3A_276 = tpu.memref_slice %arg20[%add3A_271] : memref<262144xi32, #tpu.memory_space<vmem_shared>> -> memref<1024xi32, #tpu.memory_space<vmem_shared>>
    %dma_start3A_277 = arith.constant 0 : i32
    %dma_start3A_278 = tpu.memref_slice %arg15[%dma_start3A_272, %dma_start3A_277] : memref<2x1024xi32, #tpu.memory_space<vmem>> -> memref<1x1024xi32, #tpu.memory_space<vmem>>
    %dma_start3A_279 = tpu.memref_squeeze %dma_start3A_278 : memref<1x1024xi32, #tpu.memory_space<vmem>> -> memref<1024xi32, #tpu.memory_space<vmem>>
    %dma_start3A_280 = tpu.memref_slice %arg20[%add3A_271] : memref<262144xi32, #tpu.memory_space<vmem_shared>> -> memref<1024xi32, #tpu.memory_space<vmem_shared>>
    tpu.enqueue_dma source(%dma_start3A_280 : memref<1024xi32, #tpu.memory_space<vmem_shared>>) target(%dma_start3A_279 : memref<1024xi32, #tpu.memory_space<vmem>>) target_semaphore(%arg21 : memref<!tpu.dma_semaphore, #tpu.memory_space<semaphore_mem>>)
    %add3A_281 = arith.constant 212992 : i32
    %add3A_282 = arith.addi %add3A_281, %mul3A_64 : i32
    %dma_start3A_283 = arith.constant 1 : i32
    %dma_start3A_284 = arith.constant 0 : i32
    %dma_start3A_285 = tpu.memref_slice %arg16[%dma_start3A_283, %dma_start3A_284] : memref<2x1024xi32, #tpu.memory_space<vmem>> -> memref<1x1024xi32, #tpu.memory_space<vmem>>
    %dma_start3A_286 = tpu.memref_squeeze %dma_start3A_285 : memref<1x1024xi32, #tpu.memory_space<vmem>> -> memref<1024xi32, #tpu.memory_space<vmem>>
    %dma_start3A_287 = tpu.memref_slice %arg20[%add3A_282] : memref<262144xi32, #tpu.memory_space<vmem_shared>> -> memref<1024xi32, #tpu.memory_space<vmem_shared>>
    %dma_start3A_288 = arith.constant 0 : i32
    %dma_start3A_289 = tpu.memref_slice %arg16[%dma_start3A_283, %dma_start3A_288] : memref<2x1024xi32, #tpu.memory_space<vmem>> -> memref<1x1024xi32, #tpu.memory_space<vmem>>
    %dma_start3A_290 = tpu.memref_squeeze %dma_start3A_289 : memref<1x1024xi32, #tpu.memory_space<vmem>> -> memref<1024xi32, #tpu.memory_space<vmem>>
    %dma_start3A_291 = tpu.memref_slice %arg20[%add3A_282] : memref<262144xi32, #tpu.memory_space<vmem_shared>> -> memref<1024xi32, #tpu.memory_space<vmem_shared>>
    tpu.enqueue_dma source(%dma_start3A_291 : memref<1024xi32, #tpu.memory_space<vmem_shared>>) target(%dma_start3A_290 : memref<1024xi32, #tpu.memory_space<vmem>>) target_semaphore(%arg22 : memref<!tpu.dma_semaphore, #tpu.memory_space<semaphore_mem>>)
    %dma_wait3A_292 = arith.constant 0 : i32
    %dma_wait3A_293 = arith.constant 0 : i32
    %dma_wait3A_294 = tpu.memref_slice %arg15[%dma_wait3A_292, %dma_wait3A_293] : memref<2x1024xi32, #tpu.memory_space<vmem>> -> memref<1x1024xi32, #tpu.memory_space<vmem>>
    %dma_wait3A_295 = tpu.memref_squeeze %dma_wait3A_294 : memref<1x1024xi32, #tpu.memory_space<vmem>> -> memref<1024xi32, #tpu.memory_space<vmem>>
    %dma_wait3A_296 = tpu.memref_slice %arg20[%mul3A_64] : memref<262144xi32, #tpu.memory_space<vmem_shared>> -> memref<1024xi32, #tpu.memory_space<vmem_shared>>
    %dma_wait3A_297 = arith.constant 0 : i32
    %dma_wait3A_298 = tpu.memref_slice %arg15[%dma_wait3A_292, %dma_wait3A_297] : memref<2x1024xi32, #tpu.memory_space<vmem>> -> memref<1x1024xi32, #tpu.memory_space<vmem>>
    %dma_wait3A_299 = tpu.memref_squeeze %dma_wait3A_298 : memref<1x1024xi32, #tpu.memory_space<vmem>> -> memref<1024xi32, #tpu.memory_space<vmem>>
    %dma_wait3A_300 = tpu.memref_slice %arg20[%mul3A_64] : memref<262144xi32, #tpu.memory_space<vmem_shared>> -> memref<1024xi32, #tpu.memory_space<vmem_shared>>
    tpu.wait_dma2 semaphore(%arg21 : memref<!tpu.dma_semaphore, #tpu.memory_space<semaphore_mem>>) src(%dma_wait3A_300 : memref<1024xi32, #tpu.memory_space<vmem_shared>>) dst(%dma_wait3A_299 : memref<1024xi32, #tpu.memory_space<vmem>>)
    %dma_wait3A_301 = arith.constant 0 : i32
    %dma_wait3A_302 = arith.constant 0 : i32
    %dma_wait3A_303 = tpu.memref_slice %arg16[%dma_wait3A_301, %dma_wait3A_302] : memref<2x1024xi32, #tpu.memory_space<vmem>> -> memref<1x1024xi32, #tpu.memory_space<vmem>>
    %dma_wait3A_304 = tpu.memref_squeeze %dma_wait3A_303 : memref<1x1024xi32, #tpu.memory_space<vmem>> -> memref<1024xi32, #tpu.memory_space<vmem>>
    %dma_wait3A_305 = tpu.memref_slice %arg20[%mul3A_64] : memref<262144xi32, #tpu.memory_space<vmem_shared>> -> memref<1024xi32, #tpu.memory_space<vmem_shared>>
    %dma_wait3A_306 = arith.constant 0 : i32
    %dma_wait3A_307 = tpu.memref_slice %arg16[%dma_wait3A_301, %dma_wait3A_306] : memref<2x1024xi32, #tpu.memory_space<vmem>> -> memref<1x1024xi32, #tpu.memory_space<vmem>>
    %dma_wait3A_308 = tpu.memref_squeeze %dma_wait3A_307 : memref<1x1024xi32, #tpu.memory_space<vmem>> -> memref<1024xi32, #tpu.memory_space<vmem>>
    %dma_wait3A_309 = tpu.memref_slice %arg20[%mul3A_64] : memref<262144xi32, #tpu.memory_space<vmem_shared>> -> memref<1024xi32, #tpu.memory_space<vmem_shared>>
    tpu.wait_dma2 semaphore(%arg22 : memref<!tpu.dma_semaphore, #tpu.memory_space<semaphore_mem>>) src(%dma_wait3A_309 : memref<1024xi32, #tpu.memory_space<vmem_shared>>) dst(%dma_wait3A_308 : memref<1024xi32, #tpu.memory_space<vmem>>)
    %scan3A_310 = arith.constant 0 : i32
    %scan3A_311 = arith.constant 64 : i32
    %scan3A_312 = arith.addi %scan3A_310, %scan3A_311 : i32
    %scan3A_313 = arith.constant 1 : i32
    scf.for %scan3A_431 = %scan3A_310 to %scan3A_312 step %scan3A_313  : i32 {
      %mul3A_432 = arith.constant 16 : i32
      %mul3A_433 = arith.muli %scan3A_431, %mul3A_432 : i32
      %get3A = arith.constant 0 : i32
      %get3A_434 = arith.index_cast %get3A : i32 to index
      %get3A_435 = arith.index_cast %mul3A_433 : i32 to index
      %get3A_436 = tpu.vector_load %arg15[%get3A_434, %get3A_435] {strides = array<i32>} : memref<2x1024xi32, #tpu.memory_space<vmem>>, vector<16xi32>,
      %bitcast3A = vector.bitcast %get3A_436 : vector<16xi32> to vector<16xf32>
      %get3A_437 = arith.constant 0 : i32
      %get3A_438 = arith.index_cast %get3A_437 : i32 to index
      %get3A_439 = arith.index_cast %mul3A_433 : i32 to index
      %get3A_440 = tpu.vector_load %arg16[%get3A_438, %get3A_439] {strides = array<i32>} : memref<2x1024xi32, #tpu.memory_space<vmem>>, vector<16xi32>,
      %bitcast3A_441 = vector.bitcast %get3A_440 : vector<16xi32> to vector<16xf32>
      %get3A_442 = arith.index_cast %mul3A_433 : i32 to index
      %get3A_443 = tpu.vector_load %arg17[%get3A_442] {strides = array<i32>} : memref<1024xf32, #tpu.memory_space<vmem>>, vector<16xf32>,
      %mul3A_444 = arith.mulf %bitcast3A, %bitcast3A_441 : vector<16xf32>
      %add3A_445 = arith.addf %get3A_443, %mul3A_444 : vector<16xf32>
      %swap3A = arith.index_cast %mul3A_433 : i32 to index
      %swap3A_446 = tpu.vector_load %arg17[%swap3A] {strides = array<i32>} : memref<1024xf32, #tpu.memory_space<vmem>>, vector<16xf32>,
      tpu.vector_store %arg17[%swap3A], %add3A_445 {strides = array<i32>} : memref<1024xf32, #tpu.memory_space<vmem>>, vector<16xf32>,
    }
    %scan3A_314 = arith.constant 64 : i32
    %add3A_315 = arith.constant 98304 : i32
    %add3A_316 = arith.addi %add3A_315, %mul3A_64 : i32
    %dma_start3A_317 = arith.constant 0 : i32
    %dma_start3A_318 = arith.constant 0 : i32
    %dma_start3A_319 = tpu.memref_slice %arg15[%dma_start3A_317, %dma_start3A_318] : memref<2x1024xi32, #tpu.memory_space<vmem>> -> memref<1x1024xi32, #tpu.memory_space<vmem>>
    %dma_start3A_320 = tpu.memref_squeeze %dma_start3A_319 : memref<1x1024xi32, #tpu.memory_space<vmem>> -> memref<1024xi32, #tpu.memory_space<vmem>>
    %dma_start3A_321 = tpu.memref_slice %arg20[%add3A_316] : memref<262144xi32, #tpu.memory_space<vmem_shared>> -> memref<1024xi32, #tpu.memory_space<vmem_shared>>
    %dma_start3A_322 = arith.constant 0 : i32
    %dma_start3A_323 = tpu.memref_slice %arg15[%dma_start3A_317, %dma_start3A_322] : memref<2x1024xi32, #tpu.memory_space<vmem>> -> memref<1x1024xi32, #tpu.memory_space<vmem>>
    %dma_start3A_324 = tpu.memref_squeeze %dma_start3A_323 : memref<1x1024xi32, #tpu.memory_space<vmem>> -> memref<1024xi32, #tpu.memory_space<vmem>>
    %dma_start3A_325 = tpu.memref_slice %arg20[%add3A_316] : memref<262144xi32, #tpu.memory_space<vmem_shared>> -> memref<1024xi32, #tpu.memory_space<vmem_shared>>
    tpu.enqueue_dma source(%dma_start3A_325 : memref<1024xi32, #tpu.memory_space<vmem_shared>>) target(%dma_start3A_324 : memref<1024xi32, #tpu.memory_space<vmem>>) target_semaphore(%arg21 : memref<!tpu.dma_semaphore, #tpu.memory_space<semaphore_mem>>)
    %add3A_326 = arith.constant 229376 : i32
    %add3A_327 = arith.addi %add3A_326, %mul3A_64 : i32
    %dma_start3A_328 = arith.constant 0 : i32
    %dma_start3A_329 = arith.constant 0 : i32
    %dma_start3A_330 = tpu.memref_slice %arg16[%dma_start3A_328, %dma_start3A_329] : memref<2x1024xi32, #tpu.memory_space<vmem>> -> memref<1x1024xi32, #tpu.memory_space<vmem>>
    %dma_start3A_331 = tpu.memref_squeeze %dma_start3A_330 : memref<1x1024xi32, #tpu.memory_space<vmem>> -> memref<1024xi32, #tpu.memory_space<vmem>>
    %dma_start3A_332 = tpu.memref_slice %arg20[%add3A_327] : memref<262144xi32, #tpu.memory_space<vmem_shared>> -> memref<1024xi32, #tpu.memory_space<vmem_shared>>
    %dma_start3A_333 = arith.constant 0 : i32
    %dma_start3A_334 = tpu.memref_slice %arg16[%dma_start3A_328, %dma_start3A_333] : memref<2x1024xi32, #tpu.memory_space<vmem>> -> memref<1x1024xi32, #tpu.memory_space<vmem>>
    %dma_start3A_335 = tpu.memref_squeeze %dma_start3A_334 : memref<1x1024xi32, #tpu.memory_space<vmem>> -> memref<1024xi32, #tpu.memory_space<vmem>>
    %dma_start3A_336 = tpu.memref_slice %arg20[%add3A_327] : memref<262144xi32, #tpu.memory_space<vmem_shared>> -> memref<1024xi32, #tpu.memory_space<vmem_shared>>
    tpu.enqueue_dma source(%dma_start3A_336 : memref<1024xi32, #tpu.memory_space<vmem_shared>>) target(%dma_start3A_335 : memref<1024xi32, #tpu.memory_space<vmem>>) target_semaphore(%arg22 : memref<!tpu.dma_semaphore, #tpu.memory_space<semaphore_mem>>)
    %dma_wait3A_337 = arith.constant 1 : i32
    %dma_wait3A_338 = arith.constant 0 : i32
    %dma_wait3A_339 = tpu.memref_slice %arg15[%dma_wait3A_337, %dma_wait3A_338] : memref<2x1024xi32, #tpu.memory_space<vmem>> -> memref<1x1024xi32, #tpu.memory_space<vmem>>
    %dma_wait3A_340 = tpu.memref_squeeze %dma_wait3A_339 : memref<1x1024xi32, #tpu.memory_space<vmem>> -> memref<1024xi32, #tpu.memory_space<vmem>>
    %dma_wait3A_341 = tpu.memref_slice %arg20[%mul3A_64] : memref<262144xi32, #tpu.memory_space<vmem_shared>> -> memref<1024xi32, #tpu.memory_space<vmem_shared>>
    %dma_wait3A_342 = arith.constant 0 : i32
    %dma_wait3A_343 = tpu.memref_slice %arg15[%dma_wait3A_337, %dma_wait3A_342] : memref<2x1024xi32, #tpu.memory_space<vmem>> -> memref<1x1024xi32, #tpu.memory_space<vmem>>
    %dma_wait3A_344 = tpu.memref_squeeze %dma_wait3A_343 : memref<1x1024xi32, #tpu.memory_space<vmem>> -> memref<1024xi32, #tpu.memory_space<vmem>>
    %dma_wait3A_345 = tpu.memref_slice %arg20[%mul3A_64] : memref<262144xi32, #tpu.memory_space<vmem_shared>> -> memref<1024xi32, #tpu.memory_space<vmem_shared>>
    tpu.wait_dma2 semaphore(%arg21 : memref<!tpu.dma_semaphore, #tpu.memory_space<semaphore_mem>>) src(%dma_wait3A_345 : memref<1024xi32, #tpu.memory_space<vmem_shared>>) dst(%dma_wait3A_344 : memref<1024xi32, #tpu.memory_space<vmem>>)
    %dma_wait3A_346 = arith.constant 1 : i32
    %dma_wait3A_347 = arith.constant 0 : i32
    %dma_wait3A_348 = tpu.memref_slice %arg16[%dma_wait3A_346, %dma_wait3A_347] : memref<2x1024xi32, #tpu.memory_space<vmem>> -> memref<1x1024xi32, #tpu.memory_space<vmem>>
    %dma_wait3A_349 = tpu.memref_squeeze %dma_wait3A_348 : memref<1x1024xi32, #tpu.memory_space<vmem>> -> memref<1024xi32, #tpu.memory_space<vmem>>
    %dma_wait3A_350 = tpu.memref_slice %arg20[%mul3A_64] : memref<262144xi32, #tpu.memory_space<vmem_shared>> -> memref<1024xi32, #tpu.memory_space<vmem_shared>>
    %dma_wait3A_351 = arith.constant 0 : i32
    %dma_wait3A_352 = tpu.memref_slice %arg16[%dma_wait3A_346, %dma_wait3A_351] : memref<2x1024xi32, #tpu.memory_space<vmem>> -> memref<1x1024xi32, #tpu.memory_space<vmem>>
    %dma_wait3A_353 = tpu.memref_squeeze %dma_wait3A_352 : memref<1x1024xi32, #tpu.memory_space<vmem>> -> memref<1024xi32, #tpu.memory_space<vmem>>
    %dma_wait3A_354 = tpu.memref_slice %arg20[%mul3A_64] : memref<262144xi32, #tpu.memory_space<vmem_shared>> -> memref<1024xi32, #tpu.memory_space<vmem_shared>>
    tpu.wait_dma2 semaphore(%arg22 : memref<!tpu.dma_semaphore, #tpu.memory_space<semaphore_mem>>) src(%dma_wait3A_354 : memref<1024xi32, #tpu.memory_space<vmem_shared>>) dst(%dma_wait3A_353 : memref<1024xi32, #tpu.memory_space<vmem>>)
    %scan3A_355 = arith.constant 0 : i32
    %scan3A_356 = arith.constant 64 : i32
    %scan3A_357 = arith.addi %scan3A_355, %scan3A_356 : i32
    %scan3A_358 = arith.constant 1 : i32
    scf.for %scan3A_431 = %scan3A_355 to %scan3A_357 step %scan3A_358  : i32 {
      %mul3A_432 = arith.constant 16 : i32
      %mul3A_433 = arith.muli %scan3A_431, %mul3A_432 : i32
      %get3A = arith.constant 1 : i32
      %get3A_434 = arith.index_cast %get3A : i32 to index
      %get3A_435 = arith.index_cast %mul3A_433 : i32 to index
      %get3A_436 = tpu.vector_load %arg15[%get3A_434, %get3A_435] {strides = array<i32>} : memref<2x1024xi32, #tpu.memory_space<vmem>>, vector<16xi32>,
      %bitcast3A = vector.bitcast %get3A_436 : vector<16xi32> to vector<16xf32>
      %get3A_437 = arith.constant 1 : i32
      %get3A_438 = arith.index_cast %get3A_437 : i32 to index
      %get3A_439 = arith.index_cast %mul3A_433 : i32 to index
      %get3A_440 = tpu.vector_load %arg16[%get3A_438, %get3A_439] {strides = array<i32>} : memref<2x1024xi32, #tpu.memory_space<vmem>>, vector<16xi32>,
      %bitcast3A_441 = vector.bitcast %get3A_440 : vector<16xi32> to vector<16xf32>
      %get3A_442 = arith.index_cast %mul3A_433 : i32 to index
      %get3A_443 = tpu.vector_load %arg17[%get3A_442] {strides = array<i32>} : memref<1024xf32, #tpu.memory_space<vmem>>, vector<16xf32>,
      %mul3A_444 = arith.mulf %bitcast3A, %bitcast3A_441 : vector<16xf32>
      %add3A_445 = arith.addf %get3A_443, %mul3A_444 : vector<16xf32>
      %swap3A = arith.index_cast %mul3A_433 : i32 to index
      %swap3A_446 = tpu.vector_load %arg17[%swap3A] {strides = array<i32>} : memref<1024xf32, #tpu.memory_space<vmem>>, vector<16xf32>,
      tpu.vector_store %arg17[%swap3A], %add3A_445 {strides = array<i32>} : memref<1024xf32, #tpu.memory_space<vmem>>, vector<16xf32>,
    }
    %scan3A_359 = arith.constant 64 : i32
    %add3A_360 = arith.constant 114688 : i32
    %add3A_361 = arith.addi %add3A_360, %mul3A_64 : i32
    %dma_start3A_362 = arith.constant 1 : i32
    %dma_start3A_363 = arith.constant 0 : i32
    %dma_start3A_364 = tpu.memref_slice %arg15[%dma_start3A_362, %dma_start3A_363] : memref<2x1024xi32, #tpu.memory_space<vmem>> -> memref<1x1024xi32, #tpu.memory_space<vmem>>
    %dma_start3A_365 = tpu.memref_squeeze %dma_start3A_364 : memref<1x1024xi32, #tpu.memory_space<vmem>> -> memref<1024xi32, #tpu.memory_space<vmem>>
    %dma_start3A_366 = tpu.memref_slice %arg20[%add3A_361] : memref<262144xi32, #tpu.memory_space<vmem_shared>> -> memref<1024xi32, #tpu.memory_space<vmem_shared>>
    %dma_start3A_367 = arith.constant 0 : i32
    %dma_start3A_368 = tpu.memref_slice %arg15[%dma_start3A_362, %dma_start3A_367] : memref<2x1024xi32, #tpu.memory_space<vmem>> -> memref<1x1024xi32, #tpu.memory_space<vmem>>
    %dma_start3A_369 = tpu.memref_squeeze %dma_start3A_368 : memref<1x1024xi32, #tpu.memory_space<vmem>> -> memref<1024xi32, #tpu.memory_space<vmem>>
    %dma_start3A_370 = tpu.memref_slice %arg20[%add3A_361] : memref<262144xi32, #tpu.memory_space<vmem_shared>> -> memref<1024xi32, #tpu.memory_space<vmem_shared>>
    tpu.enqueue_dma source(%dma_start3A_370 : memref<1024xi32, #tpu.memory_space<vmem_shared>>) target(%dma_start3A_369 : memref<1024xi32, #tpu.memory_space<vmem>>) target_semaphore(%arg21 : memref<!tpu.dma_semaphore, #tpu.memory_space<semaphore_mem>>)
    %add3A_371 = arith.constant 245760 : i32
    %add3A_372 = arith.addi %add3A_371, %mul3A_64 : i32
    %dma_start3A_373 = arith.constant 1 : i32
    %dma_start3A_374 = arith.constant 0 : i32
    %dma_start3A_375 = tpu.memref_slice %arg16[%dma_start3A_373, %dma_start3A_374] : memref<2x1024xi32, #tpu.memory_space<vmem>> -> memref<1x1024xi32, #tpu.memory_space<vmem>>
    %dma_start3A_376 = tpu.memref_squeeze %dma_start3A_375 : memref<1x1024xi32, #tpu.memory_space<vmem>> -> memref<1024xi32, #tpu.memory_space<vmem>>
    %dma_start3A_377 = tpu.memref_slice %arg20[%add3A_372] : memref<262144xi32, #tpu.memory_space<vmem_shared>> -> memref<1024xi32, #tpu.memory_space<vmem_shared>>
    %dma_start3A_378 = arith.constant 0 : i32
    %dma_start3A_379 = tpu.memref_slice %arg16[%dma_start3A_373, %dma_start3A_378] : memref<2x1024xi32, #tpu.memory_space<vmem>> -> memref<1x1024xi32, #tpu.memory_space<vmem>>
    %dma_start3A_380 = tpu.memref_squeeze %dma_start3A_379 : memref<1x1024xi32, #tpu.memory_space<vmem>> -> memref<1024xi32, #tpu.memory_space<vmem>>
    %dma_start3A_381 = tpu.memref_slice %arg20[%add3A_372] : memref<262144xi32, #tpu.memory_space<vmem_shared>> -> memref<1024xi32, #tpu.memory_space<vmem_shared>>
    tpu.enqueue_dma source(%dma_start3A_381 : memref<1024xi32, #tpu.memory_space<vmem_shared>>) target(%dma_start3A_380 : memref<1024xi32, #tpu.memory_space<vmem>>) target_semaphore(%arg22 : memref<!tpu.dma_semaphore, #tpu.memory_space<semaphore_mem>>)
    %dma_wait3A_382 = arith.constant 0 : i32
    %dma_wait3A_383 = arith.constant 0 : i32
    %dma_wait3A_384 = tpu.memref_slice %arg15[%dma_wait3A_382, %dma_wait3A_383] : memref<2x1024xi32, #tpu.memory_space<vmem>> -> memref<1x1024xi32, #tpu.memory_space<vmem>>
    %dma_wait3A_385 = tpu.memref_squeeze %dma_wait3A_384 : memref<1x1024xi32, #tpu.memory_space<vmem>> -> memref<1024xi32, #tpu.memory_space<vmem>>
    %dma_wait3A_386 = tpu.memref_slice %arg20[%mul3A_64] : memref<262144xi32, #tpu.memory_space<vmem_shared>> -> memref<1024xi32, #tpu.memory_space<vmem_shared>>
    %dma_wait3A_387 = arith.constant 0 : i32
    %dma_wait3A_388 = tpu.memref_slice %arg15[%dma_wait3A_382, %dma_wait3A_387] : memref<2x1024xi32, #tpu.memory_space<vmem>> -> memref<1x1024xi32, #tpu.memory_space<vmem>>
    %dma_wait3A_389 = tpu.memref_squeeze %dma_wait3A_388 : memref<1x1024xi32, #tpu.memory_space<vmem>> -> memref<1024xi32, #tpu.memory_space<vmem>>
    %dma_wait3A_390 = tpu.memref_slice %arg20[%mul3A_64] : memref<262144xi32, #tpu.memory_space<vmem_shared>> -> memref<1024xi32, #tpu.memory_space<vmem_shared>>
    tpu.wait_dma2 semaphore(%arg21 : memref<!tpu.dma_semaphore, #tpu.memory_space<semaphore_mem>>) src(%dma_wait3A_390 : memref<1024xi32, #tpu.memory_space<vmem_shared>>) dst(%dma_wait3A_389 : memref<1024xi32, #tpu.memory_space<vmem>>)
    %dma_wait3A_391 = arith.constant 0 : i32
    %dma_wait3A_392 = arith.constant 0 : i32
    %dma_wait3A_393 = tpu.memref_slice %arg16[%dma_wait3A_391, %dma_wait3A_392] : memref<2x1024xi32, #tpu.memory_space<vmem>> -> memref<1x1024xi32, #tpu.memory_space<vmem>>
    %dma_wait3A_394 = tpu.memref_squeeze %dma_wait3A_393 : memref<1x1024xi32, #tpu.memory_space<vmem>> -> memref<1024xi32, #tpu.memory_space<vmem>>
    %dma_wait3A_395 = tpu.memref_slice %arg20[%mul3A_64] : memref<262144xi32, #tpu.memory_space<vmem_shared>> -> memref<1024xi32, #tpu.memory_space<vmem_shared>>
    %dma_wait3A_396 = arith.constant 0 : i32
    %dma_wait3A_397 = tpu.memref_slice %arg16[%dma_wait3A_391, %dma_wait3A_396] : memref<2x1024xi32, #tpu.memory_space<vmem>> -> memref<1x1024xi32, #tpu.memory_space<vmem>>
    %dma_wait3A_398 = tpu.memref_squeeze %dma_wait3A_397 : memref<1x1024xi32, #tpu.memory_space<vmem>> -> memref<1024xi32, #tpu.memory_space<vmem>>
    %dma_wait3A_399 = tpu.memref_slice %arg20[%mul3A_64] : memref<262144xi32, #tpu.memory_space<vmem_shared>> -> memref<1024xi32, #tpu.memory_space<vmem_shared>>
    tpu.wait_dma2 semaphore(%arg22 : memref<!tpu.dma_semaphore, #tpu.memory_space<semaphore_mem>>) src(%dma_wait3A_399 : memref<1024xi32, #tpu.memory_space<vmem_shared>>) dst(%dma_wait3A_398 : memref<1024xi32, #tpu.memory_space<vmem>>)
    %scan3A_400 = arith.constant 0 : i32
    %scan3A_401 = arith.constant 64 : i32
    %scan3A_402 = arith.addi %scan3A_400, %scan3A_401 : i32
    %scan3A_403 = arith.constant 1 : i32
    scf.for %scan3A_431 = %scan3A_400 to %scan3A_402 step %scan3A_403  : i32 {
      %mul3A_432 = arith.constant 16 : i32
      %mul3A_433 = arith.muli %scan3A_431, %mul3A_432 : i32
      %get3A = arith.constant 0 : i32
      %get3A_434 = arith.index_cast %get3A : i32 to index
      %get3A_435 = arith.index_cast %mul3A_433 : i32 to index
      %get3A_436 = tpu.vector_load %arg15[%get3A_434, %get3A_435] {strides = array<i32>} : memref<2x1024xi32, #tpu.memory_space<vmem>>, vector<16xi32>,
      %bitcast3A = vector.bitcast %get3A_436 : vector<16xi32> to vector<16xf32>
      %get3A_437 = arith.constant 0 : i32
      %get3A_438 = arith.index_cast %get3A_437 : i32 to index
      %get3A_439 = arith.index_cast %mul3A_433 : i32 to index
      %get3A_440 = tpu.vector_load %arg16[%get3A_438, %get3A_439] {strides = array<i32>} : memref<2x1024xi32, #tpu.memory_space<vmem>>, vector<16xi32>,
      %bitcast3A_441 = vector.bitcast %get3A_440 : vector<16xi32> to vector<16xf32>
      %get3A_442 = arith.index_cast %mul3A_433 : i32 to index
      %get3A_443 = tpu.vector_load %arg17[%get3A_442] {strides = array<i32>} : memref<1024xf32, #tpu.memory_space<vmem>>, vector<16xf32>,
      %mul3A_444 = arith.mulf %bitcast3A, %bitcast3A_441 : vector<16xf32>
      %add3A_445 = arith.addf %get3A_443, %mul3A_444 : vector<16xf32>
      %swap3A = arith.index_cast %mul3A_433 : i32 to index
      %swap3A_446 = tpu.vector_load %arg17[%swap3A] {strides = array<i32>} : memref<1024xf32, #tpu.memory_space<vmem>>, vector<16xf32>,
      tpu.vector_store %arg17[%swap3A], %add3A_445 {strides = array<i32>} : memref<1024xf32, #tpu.memory_space<vmem>>, vector<16xf32>,
    }
    %scan3A_404 = arith.constant 64 : i32
    %dma_wait3A_405 = arith.constant 1 : i32
    %dma_wait3A_406 = arith.constant 0 : i32
    %dma_wait3A_407 = tpu.memref_slice %arg15[%dma_wait3A_405, %dma_wait3A_406] : memref<2x1024xi32, #tpu.memory_space<vmem>> -> memref<1x1024xi32, #tpu.memory_space<vmem>>
    %dma_wait3A_408 = tpu.memref_squeeze %dma_wait3A_407 : memref<1x1024xi32, #tpu.memory_space<vmem>> -> memref<1024xi32, #tpu.memory_space<vmem>>
    %dma_wait3A_409 = tpu.memref_slice %arg20[%mul3A_64] : memref<262144xi32, #tpu.memory_space<vmem_shared>> -> memref<1024xi32, #tpu.memory_space<vmem_shared>>
    %dma_wait3A_410 = arith.constant 0 : i32
    %dma_wait3A_411 = tpu.memref_slice %arg15[%dma_wait3A_405, %dma_wait3A_410] : memref<2x1024xi32, #tpu.memory_space<vmem>> -> memref<1x1024xi32, #tpu.memory_space<vmem>>
    %dma_wait3A_412 = tpu.memref_squeeze %dma_wait3A_411 : memref<1x1024xi32, #tpu.memory_space<vmem>> -> memref<1024xi32, #tpu.memory_space<vmem>>
    %dma_wait3A_413 = tpu.memref_slice %arg20[%mul3A_64] : memref<262144xi32, #tpu.memory_space<vmem_shared>> -> memref<1024xi32, #tpu.memory_space<vmem_shared>>
    tpu.wait_dma2 semaphore(%arg21 : memref<!tpu.dma_semaphore, #tpu.memory_space<semaphore_mem>>) src(%dma_wait3A_413 : memref<1024xi32, #tpu.memory_space<vmem_shared>>) dst(%dma_wait3A_412 : memref<1024xi32, #tpu.memory_space<vmem>>)
    %dma_wait3A_414 = arith.constant 1 : i32
    %dma_wait3A_415 = arith.constant 0 : i32
    %dma_wait3A_416 = tpu.memref_slice %arg16[%dma_wait3A_414, %dma_wait3A_415] : memref<2x1024xi32, #tpu.memory_space<vmem>> -> memref<1x1024xi32, #tpu.memory_space<vmem>>
    %dma_wait3A_417 = tpu.memref_squeeze %dma_wait3A_416 : memref<1x1024xi32, #tpu.memory_space<vmem>> -> memref<1024xi32, #tpu.memory_space<vmem>>
    %dma_wait3A_418 = tpu.memref_slice %arg20[%mul3A_64] : memref<262144xi32, #tpu.memory_space<vmem_shared>> -> memref<1024xi32, #tpu.memory_space<vmem_shared>>
    %dma_wait3A_419 = arith.constant 0 : i32
    %dma_wait3A_420 = tpu.memref_slice %arg16[%dma_wait3A_414, %dma_wait3A_419] : memref<2x1024xi32, #tpu.memory_space<vmem>> -> memref<1x1024xi32, #tpu.memory_space<vmem>>
    %dma_wait3A_421 = tpu.memref_squeeze %dma_wait3A_420 : memref<1x1024xi32, #tpu.memory_space<vmem>> -> memref<1024xi32, #tpu.memory_space<vmem>>
    %dma_wait3A_422 = tpu.memref_slice %arg20[%mul3A_64] : memref<262144xi32, #tpu.memory_space<vmem_shared>> -> memref<1024xi32, #tpu.memory_space<vmem_shared>>
    tpu.wait_dma2 semaphore(%arg22 : memref<!tpu.dma_semaphore, #tpu.memory_space<semaphore_mem>>) src(%dma_wait3A_422 : memref<1024xi32, #tpu.memory_space<vmem_shared>>) dst(%dma_wait3A_421 : memref<1024xi32, #tpu.memory_space<vmem>>)
    %scan3A_423 = arith.constant 0 : i32
    %scan3A_424 = arith.constant 64 : i32
    %scan3A_425 = arith.addi %scan3A_423, %scan3A_424 : i32
    %scan3A_426 = arith.constant 1 : i32
    scf.for %scan3A_431 = %scan3A_423 to %scan3A_425 step %scan3A_426  : i32 {
      %mul3A_432 = arith.constant 16 : i32
      %mul3A_433 = arith.muli %scan3A_431, %mul3A_432 : i32
      %get3A = arith.constant 1 : i32
      %get3A_434 = arith.index_cast %get3A : i32 to index
      %get3A_435 = arith.index_cast %mul3A_433 : i32 to index
      %get3A_436 = tpu.vector_load %arg15[%get3A_434, %get3A_435] {strides = array<i32>} : memref<2x1024xi32, #tpu.memory_space<vmem>>, vector<16xi32>,
      %bitcast3A = vector.bitcast %get3A_436 : vector<16xi32> to vector<16xf32>
      %get3A_437 = arith.constant 1 : i32
      %get3A_438 = arith.index_cast %get3A_437 : i32 to index
      %get3A_439 = arith.index_cast %mul3A_433 : i32 to index
      %get3A_440 = tpu.vector_load %arg16[%get3A_438, %get3A_439] {strides = array<i32>} : memref<2x1024xi32, #tpu.memory_space<vmem>>, vector<16xi32>,
      %bitcast3A_441 = vector.bitcast %get3A_440 : vector<16xi32> to vector<16xf32>
      %get3A_442 = arith.index_cast %mul3A_433 : i32 to index
      %get3A_443 = tpu.vector_load %arg17[%get3A_442] {strides = array<i32>} : memref<1024xf32, #tpu.memory_space<vmem>>, vector<16xf32>,
      %mul3A_444 = arith.mulf %bitcast3A, %bitcast3A_441 : vector<16xf32>
      %add3A_445 = arith.addf %get3A_443, %mul3A_444 : vector<16xf32>
      %swap3A = arith.index_cast %mul3A_433 : i32 to index
      %swap3A_446 = tpu.vector_load %arg17[%swap3A] {strides = array<i32>} : memref<1024xf32, #tpu.memory_space<vmem>>, vector<16xf32>,
      tpu.vector_store %arg17[%swap3A], %add3A_445 {strides = array<i32>} : memref<1024xf32, #tpu.memory_space<vmem>>, vector<16xf32>,
    }
    %scan3A_427 = arith.constant 64 : i32
    %mul3A_428 = arith.constant 16384 : i32
    %mul3A_429 = arith.muli %arg0, %mul3A_428 : i32
    %add3A_430 = arith.addi %mul3A_429, %mul3A_64 : i32
    "tpu.region"() ({
      %run_scoped3A = tpu.sem_alloc : memref<!tpu.dma_semaphore, #tpu.memory_space<semaphore_mem>>
      %dma_start3A_431 = tpu.memref_slice %arg8[%add3A_430] : memref<32768xf32, #tpu.memory_space<hbm>> -> memref<1024xf32, #tpu.memory_space<hbm>>
      %dma_start3A_432 = tpu.memref_slice %arg8[%add3A_430] : memref<32768xf32, #tpu.memory_space<hbm>> -> memref<1024xf32, #tpu.memory_space<hbm>>
      tpu.enqueue_dma source(%arg17 : memref<1024xf32, #tpu.memory_space<vmem>>) target(%dma_start3A_432 : memref<1024xf32, #tpu.memory_space<hbm>>) target_semaphore(%run_scoped3A : memref<!tpu.dma_semaphore, #tpu.memory_space<semaphore_mem>>)
      %dma_wait3A_433 = tpu.memref_slice %arg8[%add3A_430] : memref<32768xf32, #tpu.memory_space<hbm>> -> memref<1024xf32, #tpu.memory_space<hbm>>
      %dma_wait3A_434 = tpu.memref_slice %arg8[%add3A_430] : memref<32768xf32, #tpu.memory_space<hbm>> -> memref<1024xf32, #tpu.memory_space<hbm>>
      tpu.wait_dma2 semaphore(%run_scoped3A : memref<!tpu.dma_semaphore, #tpu.memory_space<semaphore_mem>>) src(%arg17 : memref<1024xf32, #tpu.memory_space<vmem>>) dst(%dma_wait3A_434 : memref<1024xf32, #tpu.memory_space<hbm>>)
      tpu.yield
    }) : () -> ()
    return
  }
}

</mosaic_0001>

<sc_bundles>
// kernel: kernel.3.cloned.1.call-start
scs
__scs_entry_jumppad:
0x0: {  	(pc) =	sbr.rel $0x88, $3  }
0x1: {  	(tag) =	ssettag $0x0;
	lr =	simm.s32 $0x1  }
0x2: {  	[smem:$0x3F9D] =	sst lr;
	_ =	strace $0xD0000000  }
0x3: {  	_ = 	snop  }
0x4: {  	_ = 	snop  }
0x5: {  	_ = 	snop  }
0x6: {  	_ = 	snop  }
0x7: {  	_ = 	snop  }
__scs_overlays_trampoline_lowered:
0x8: {  	[smem:$0x3FAC] =	sst s0  }
0x9: {  	[smem:$0x3FAD] =	sst s1  }
0xa: {  	[smem:$0x3FAE] =	sst s2  }
0xb: {  	[smem:$0x3FAF] =	sst s3  }
0xc: {  	[smem:$0x3FB0] =	sst s4  }
0xd: {  	[smem:$0x3FB1] =	sst s5  }
0xe: {  	[smem:$0x3FB2] =	sst s6  }
0xf: {  	[smem:$0x3FB3] =	sst s7  }
0x10: {  	[smem:$0x3FB4] =	sst s8  }
0x11: {  	[smem:$0x3FB5] =	sst s9;
	s0 =	simm.s32 @!p0 $0x0  }
0x12: {  	s1 =	sld [smem:$0x3F9B];
	s0 =	simm.s32 @p0 $0x1  }
0x13: {  	[smem:$0x3FB6] =	sst s0;
	s0 =	simm.s32 @!p1 $0x0  }
0x14: {  	s2 =	sld [smem:$0x3F9A];
	s0 =	simm.s32 @p1 $0x1  }
0x15: {  	[smem:$0x3FB7] =	sst s0;
	s0 =	simm.s32 @!p2 $0x0  }
0x16: {  	s3 =	sld [smem:$0x3FDB];
	s0 =	simm.s32 @p2 $0x1  }
0x17: {  	s4 =	simm.s32 $0x1BF5;
	[smem:$0x3FB9] =	sst s0  }
0x18: {  	s0 =	sld [smem:$0x3F9C];
	_ =	swait.ge [sflag:s4], $0x0  }
0x19: {  	s7 =	sld [smem:$0x3F9D]  }
0x1a: {  	s8 =	sadd.s32 $0xFFFFE003, lr  }
0x1b: {  	s9 =	sadd.s32 $0xFFFFFEF7, lr;
	s5 =	simm.s32 $0xFFFFFFFF;
	p2 =	slt.u32 s8, $0xFFFFF086  }
0x1c: {  	p1 =	slt.u32 s9, $0xF7A;
	s5 =	simm.s32 @!p2 $0x0  }
0x1d: {  	s5 =	simm.s32 @p1 $0x1;
	p0 =	seq.s32 s7, s2  }
0x1e: {  	s7 =	smul.u32 @!p0 $0xF7A, s2;
	p2 =	seq.s32 @!p0 s5, $0x0  }
0x1f: {  	s9 =	smul.u32 $0xF7A, s1;
	s8 =	simm.s32 @!p0 $0x1BF5;
	p2 =	por !p2, p0  }
0x20: {  	[sflag:s8] =	ssyncset.s32 @!p0 $0xFFFFF086;
	s6 =	sadd.s32 @!p0 s3, s7;
	s7 =	simm.s32 @!p0 $0x108  }
0x21: {  	s3 =	sadd.s32 s3, s9;
	s6 =	sadd.s32 @!p0 $0x88, s6;
	s7 =	simm.s32 @p2 $0x1082  }
0x22: {  	[simem:s7], [sflag:s8] =	dma.local @!p0 [hbm:s6], $0xF7A  }
0x23: {  	s9 =	sor.u32 $0xD0000000, s2;
	s6 =	simm.s32 $0x108;
	_ =	swait.ge @!p0 [sflag:s8], $0x0  }
0x24: {  	s3 =	sadd.s32 $0x88, s3;
	s6 =	simm.s32 @!p1 $0x1082;
	[sflag:s4] =	ssyncset.s32 $0xFFFFF086  }
0x25: {  	[simem:s6], [sflag:s4] =	dma.local [hbm:s3], $0xF7A  }
0x26: {  	[smem:$0x3F9D] =	sst s1;
	(tag) =	ssettag s2;
	_ =	strace s9  }
0x27: {  	s1 =	sld [smem:$0x3FAD]  }
0x28: {  	s2 =	sld [smem:$0x3FAE]  }
0x29: {  	s4 =	sld [smem:$0x3FB0]  }
0x2a: {  	p0 =	seq.s32 s5, $0x0;
	s5 =	sld [smem:$0x3FB1]  }
0x2b: {  	s6 =	sld [smem:$0x3FB2]  }
0x2c: {  	s7 =	sld [smem:$0x3FB3]  }
0x2d: {  	s3 =	simm.s32 $0x108;
	s8 =	sld [smem:$0x3FB4]  }
0x2e: {  	s3 =	simm.s32 @!p0 $0x1082;
	s9 =	sld [smem:$0x3FB5]  }
0x2f: {  	lr =	sadd.s32 s0, s3;
	s0 =	sld [smem:$0x3FAC]  }
0x30: {  	s3 =	sld [smem:$0x3FAF]  }
0x31: {  	[smem:$0x3FB8] =	sst s10  }
0x32: {  	s10 =	sld [smem:$0x3FB6];
	_ =	sdelay $0x3  }
0x33: {  	p0 =	seq.s32 s10, $0x1;
	s10 =	sld [smem:$0x3FB8];
	_ =	sdelay $0x3  }
0x34: {  	[smem:$0x3FB8] =	sst s10  }
0x35: {  	s10 =	sld [smem:$0x3FB7];
	_ =	sdelay $0x3  }
0x36: {  	p1 =	seq.s32 s10, $0x1;
	s10 =	sld [smem:$0x3FB8];
	_ =	sdelay $0x3  }
0x37: {  	[smem:$0x3FB8] =	sst s10  }
0x38: {  	s10 =	sld [smem:$0x3FB9]  }
0x39: {  	_ = 	snop;
	(pc) =	sbr.ind lr, $3  }
0x3a: {  	_ = 	snop  }
0x3b: {  	_ = 	snop  }
0x3c: {  	p2 =	seq.s32 s10, $0x1;
	s10 =	sld [smem:$0x3FB8]  }
0x3d: {  	_ =	shalt  }
0x3e: {  	_ =	shalt  }
0x3f: {  	_ =	shalt  }
0x40: {  	_ =	shalt  }
0x41: {  	_ =	shalt  }
0x42: {  	_ =	shalt  }
0x43: {  	_ =	shalt  }
0x44: {  	_ =	shalt  }
0x45: {  	_ =	shalt  }
0x46: {  	_ =	shalt  }
0x47: {  	_ =	shalt  }
0x48: {  	_ =	shalt  }
0x49: {  	_ =	shalt  }
0x4a: {  	_ =	shalt  }
0x4b: {  	_ =	shalt  }
0x4c: {  	_ =	shalt  }
0x4d: {  	_ =	shalt  }
0x4e: {  	_ =	shalt  }
0x4f: {  	_ =	shalt  }
0x50: {  	_ =	shalt  }
0x51: {  	_ =	shalt  }
0x52: {  	_ =	shalt  }
0x53: {  	_ =	shalt  }
0x54: {  	_ =	shalt  }
0x55: {  	_ =	shalt  }
0x56: {  	_ =	shalt  }
0x57: {  	_ =	shalt  }
0x58: {  	_ =	shalt  }
0x59: {  	_ =	shalt  }
0x5a: {  	_ =	shalt  }
0x5b: {  	_ =	shalt  }
0x5c: {  	_ =	shalt  }
0x5d: {  	_ =	shalt  }
0x5e: {  	_ =	shalt  }
0x5f: {  	_ =	shalt  }
0x60: {  	_ =	shalt  }
0x61: {  	_ =	shalt  }
0x62: {  	_ =	shalt  }
0x63: {  	_ =	shalt  }
0x64: {  	_ =	shalt  }
0x65: {  	_ =	shalt  }
0x66: {  	_ =	shalt  }
0x67: {  	_ =	shalt  }
0x68: {  	_ =	shalt  }
0x69: {  	_ =	shalt  }
0x6a: {  	_ =	shalt  }
0x6b: {  	_ =	shalt  }
0x6c: {  	_ =	shalt  }
0x6d: {  	_ =	shalt  }
0x6e: {  	_ =	shalt  }
0x6f: {  	_ =	shalt  }
0x70: {  	_ =	shalt  }
0x71: {  	_ =	shalt  }
0x72: {  	_ =	shalt  }
0x73: {  	_ =	shalt  }
0x74: {  	_ =	shalt  }
0x75: {  	_ =	shalt  }
0x76: {  	_ =	shalt  }
0x77: {  	_ =	shalt  }
0x78: {  	_ =	shalt  }
0x79: {  	_ =	shalt  }
0x7a: {  	_ =	shalt  }
0x7b: {  	_ =	shalt  }
0x7c: {  	_ =	shalt  }
0x7d: {  	_ =	shalt  }
0x7e: {  	_ =	shalt  }
0x7f: {  	_ =	shalt  }
0x80: {  	_ =	shalt  }
0x81: {  	_ =	shalt  }
0x82: {  	_ =	shalt  }
0x83: {  	_ =	shalt  }
0x84: {  	_ =	shalt  }
0x85: {  	_ =	shalt  }
0x86: {  	_ =	shalt  }
0x87: {  	_ =	shalt  }
.Lfunc_end0:
.L_simem_size_0:
called_computation_lowered:
.L_overlay_start_0:
0x88: {  	s2 =	sld [smem:$0x3FD9]  }
0x89: {  	s3 =	sld [smem:$0x3FFE];
	_ =	sdelay $0x1  }
0x8a: {  	s1 =	srdreg.scid  }
0x8b: {  	s0 =	sand.u32 $0x1, s1  }
0x8c: {  	s17 =	sshll.u32 s0, $0xA;
	s2 =	sadd.s32 s3, s2  }
0x8d: {  	s2 =	sadd.s32 s2, s17  }
0x8e: {  	[smem:$0x3FC4] =	sst s2  }
0x8f: {  	_ = 	snop  }
0x90: {  	s2 =	sld [smem:$0x3FC9]  }
0x91: {  	s18 =	sld [smem:$0x3FC8]  }
0x92: {  	s4 =	sld [smem:$0x3FC7]  }
0x93: {  	s5 =	sld [smem:$0x3FC6]  }
0x94: {  	s6 =	sld [smem:$0x3FD0];
	(tm) =	ssettm $0x1  }
0x95: {  	s7 =	sld [smem:$0x3FFB];
	_ =	sdelay $0x3  }
0x96: {  	_ =	strace s7  }
0x97: {  	s7 =	sld [smem:$0x3FFC];
	_ =	sdelay $0x3  }
0x98: {  	_ =	strace s7  }
0x99: {  	s7 =	sld [smem:$0x3FFD];
	_ =	sdelay $0x3  }
0x9a: {  	_ =	strace s7  }
0x9b: {  	_ =	strace $0x8FFFFFFF  }
0x9c: {  	s19 =	sld [smem:$0x3FDB];
	_ =	sdelay $0x1  }
0x9d: {  	s8 =	simm.s32 $_scs_section_size  }
0x9e: {  	s9 =	simm.s32 $_size__tile_overlayer_lowered;
	s10 =	simm.s32 $_tile_overlayer_lowered  }
0x9f: {  	s22 =	simm.s32 $0x1BFF;
	s21 =	sshll.u32 s10, $0x1;
	s7 =	sadd.s32 s8, s19  }
0xa0: {  	s11 =	simm.s32 $0x0;
	s20 =	sshll.u32 s9, $0x1;
	s9 =	sadd.s32 s21, s7  }
0xa1: {  	[timem:s11], [sflag:s22] =	dma.local [hbm:s9], s20  }
0xa2: {  	_ =	swait.ge [sflag:s22], s20  }
0xa3: {  	s8 =	ssub.s32 $0x0, s20;
	[sflag:s22] =	ssyncset.done $0x0  }
0xa4: {  	[sflag:s22] =	ssyncadd.s32 s8;
	_ =	sdelay $0x1  }
0xa5: {  	s23 =	simm.s32 $0x1B8B  }
0xa6: {  	_ =	swait.ge [sflag:s23], $0x1  }
0xa7: {  	[sflag:s23] =	ssyncset.done $0x0  }
0xa8: {  	s25 =	simm.s32 $0x1B8E;
	s24 =	sld [smem:$0x3FFE];
	[sflag:s23] =	ssyncadd.s32 $0xFFFFFFFF  }
0xa9: {  	s26 =	simm.s32 $execute0_lowered;
	[smem:$0x3FD2] =	sst s25  }
0xaa: {  	s9 =	sshll.u32 s26, $0x1;
	_ =	strace $0x80000046;
	[dreg:$0x1] =	wrdreg $0xFFFFFFFF  }
0xab: {  	s28 =	simm.s32 $_size_execute0_lowered;
	s7 =	sadd.s32 s7, s9;
	[dreg:$0x0] =	wrdreg $0x0  }
0xac: {  	s9 =	sshll.u32 s28, $0x1;
	[dreg:$0x2] =	wrdreg s7  }
0xad: {  	[dreg:$0x3] =	wrdreg s9  }
0xae: {  	[dreg:$0x4] =	wrdreg $0xC0  }
0xaf: {  	_ =	task [dreg:s11], $0x5FFFF  }
0xb0: {  	[dreg:$0x1] =	wrdreg $0xFFFFFFFF  }
0xb1: {  	[dreg:$0x0] =	wrdreg $0x60  }
0xb2: {  	[dreg:$0x2] =	wrdreg s2  }
0xb3: {  	[dreg:$0x3] =	wrdreg s18  }
0xb4: {  	[dreg:$0x4] =	wrdreg s4  }
0xb5: {  	[dreg:$0x5] =	wrdreg s5  }
0xb6: {  	[dreg:$0x6] =	wrdreg s6  }
0xb7: {  	[dreg:$0x7] =	wrdreg s24  }
0xb8: {  	[dreg:$0x8] =	wrdreg $0x134000  }
0xb9: {  	[dreg:$0x9] =	wrdreg $0x9  }
0xba: {  	_ =	task.clear_ibuf [dreg:s11], $0xAFFFF;
	_ =	strace $0x90000046  }
0xbb: {  	s29 =	simm.s32 $0x9;
	_ =	strace $0x80000048  }
0xbc: {  	_ =	swait.ge [sflag:s29], $0x1  }
0xbd: {  	[sflag:s29] =	ssyncadd.s32 $0xFFFFFFFF  }
0xbe: {  	_ =	strace $0x90000048  }
0xbf: {  	_ =	sfence  }
0xc0: {  	s30 =	sld [smem:$0x0];
	_ =	sdelay $0x2  }
0xc1: {  	s31 =	sshll.u32 s1, $0xD;
	s1 =	sshrl.u32 s1, $0x2  }
0xc2: {  	s3 =	sand.u32 $0x4000, s31;
	s1 =	sadd.s32 s1, s30  }
0xc3: {  	s0 =	sor.u32 s3, s0;
	s1 =	sshll.u32 s1, $0x11  }
0xc4: {  	s0 =	sor.u32 s1, s0  }
0xc5: {  	s0 =	sadd.s32 $0x8F2B, s0  }
0xc6: {  	[sflag:s0] =	ssyncadd.remote.s32 $0x1  }
0xc7: {  	_ =	sfence.sel $0xFFFF  }
0xc8: {  	[dreg:$0x0] =	wrdreg $0xFFFFFFFF;
	(pc) =	sbr.abs _section_cstart, $3  }
0xc9: {  	[dreg:$0x1] =	wrdreg $0xFFFFFFFF  }
0xca: {  	_ =	task.clear_ibuf [dreg:s11], $0x2FFFF;
	_ =	strace $0x9FFFFFFF  }
0xcb: {  	(tm) =	ssettm $0x7FFFFFFF  }
tec
execute0_lowered:
.L_overlay_start_1:
0x0: {  	(tag) =	ssettag $0x1  }
0x1: {  	s2 =	rddreg [dreg:$0x2]  }
0x2: {  	s3 =	rddreg [dreg:$0x3]  }
0x3: {  	s4 =	rddreg [dreg:$0x5]  }
0x4: {  	s0 =	srdreg.scid;
	s5 =	rddreg [dreg:$0x6]  }
0x5: {  	s23 =	stileid.u32;
	s6 =	simm.s32 $0x0;
	s1 =	sand.u32 $0x1, s0  }
0x6: {  	s24 =	sshrl.u32 s23, $0x3;
	s8 =	sand.u32 $0x7, s23;
	s21 =	sshll.u32 s23, $0x7  }
0x7: {  	s26 =	sshll.u32 s23, $0xA;
	[smem:$0x7FF] =	sst s6;
	s0 =	ssub.s32 $0x2, s1  }
0x8: {  	s9 =	sshll.u32 s1, $0x3;
	s10 =	smul.u32 $0x7A1400, s1;
	p0 =	sgt.s32 s24, $0x0  }
0x9: {  	s25 =	sshll.u32 s8, $0x7;
	s1 =	sshll.u32 s1, $0xE;
	s24 =	sshll.u32 s23, $0xE  }
0xa: {  	s7 =	sshrl.u32 s0, $0x1;
	s15 =	sor.u32 s8, s9;
	s1 =	sor.u32 s26, s1  }
0xb: {  	s0 =	ssub.s32 s0, s7;
	s7 =	sor.u32 s10, s25;
	s11 =	sadd.s32 $0x8000, s10  }
0xc: {  	s12 =	sadd.s32 $0x10000, s10;
	s14 =	sadd.s32 $0x18000, s10;
	s17 =	sadd.s32 $0x7A0000, s10  }
0xd: {  	s18 =	sadd.s32 $0x7A0800, s10;
	s22 =	sor.u32 s21, s10;
	s10 =	sadd.s32 s21, s10  }
0xe: {  	s1 =	sshrl.u32 s1, $0x3;
	s8 =	sor.u32 s25, s11;
	s13 =	sor.u32 s25, s12  }
0xf: {  	s16 =	sor.u32 s25, s14;
	s19 =	sor.u32 s25, s17;
	s20 =	sor.u32 s25, s18  }
0x10: {  	s9 =	sadd.s32 s21, s11;
	s11 =	sadd.s32 s21, s12;
	s12 =	sadd.s32 s21, s14  }
0x11: {  	s14 =	sadd.s32 s21, s17;
	s17 =	sadd.s32 s21, s18;
	s21 =	sadd.s32 s24, s5  }
0x12: {  	s1 =	sadd.s32 s1, s4;
	s4 =	sadd.s32 $0x400, s4;
	[dreg:$0x8] =	wrdreg s21  }
0x13: {  	s1 =	sadd.s32 $0x600, s1;
	_ =	strace $0x80000047;
	[dreg:$0xa] =	wrdreg s4  }
0x14: {  	s18 =	sadd.s32 s26, s5;
	s0 =	smax.u32 s0, $0x1;
	[dreg:$0x16] =	wrdreg s1  }
0x15: {  	s21 =	sshrl.u32 s20, $0x3;
	s20 =	sadd.s32 $0x24000, s18;
	[dreg:$0x17] =	wrdreg s0  }
0x16: {  	s24 =	sshrl.u32 s22, $0x3;
	s22 =	sadd.s32 $0x28000, s18;
	[dreg:$0x1a] =	wrdreg s20  }
0x17: {  	p1 =	sgt.u32 s23, $0x7;
	s23 =	sadd.s32 $0xC000, s18;
	[dreg:$0x1c] =	wrdreg s22  }
0x18: {  	s25 =	sshrl.u32 s7, $0x3;
	[dreg:$0x1d] =	wrdreg s23  }
0x19: {  	s26 =	sshrl.u32 s8, $0x3;
	s4 =	sadd.s32 s3, s25;
	[dreg:$0x9] =	wrdreg s18  }
0x1a: {  	s19 =	sshrl.u32 s19, $0x3;
	s5 =	sadd.s32 s3, s26;
	[dreg:$0xb] =	wrdreg s4  }
0x1b: {  	s25 =	sadd.s32 s3, s19;
	s19 =	sadd.s32 $0x4000, s18;
	[dreg:$0xc] =	wrdreg s5  }
0x1c: {  	s1 =	sadd.s32 $0x10000, s18;
	[dreg:$0x19] =	wrdreg s19  }
0x1d: {  	s20 =	sadd.s32 $0x180, s18;
	[dreg:$0x1f] =	wrdreg s1  }
0x1e: {  	s22 =	sadd.s32 $0x280, s18;
	[smem:$0x790] =	sst s20  }
0x1f: {  	s23 =	sadd.s32 $0x300, s18;
	[smem:$0x792] =	sst s22  }
0x20: {  	s13 =	sshrl.u32 s13, $0x3;
	[smem:$0x793] =	sst s23  }
0x21: {  	s26 =	sshrl.u32 s9, $0x3;
	s4 =	sadd.s32 s3, s13;
	[dreg:$0xf] =	wrdreg s25  }
0x22: {  	s5 =	sadd.s32 s2, s26;
	[dreg:$0xd] =	wrdreg s4  }
0x23: {  	s19 =	sadd.s32 $0x100, s18;
	[dreg:$0x12] =	wrdreg s5  }
0x24: {  	s1 =	sadd.s32 $0x20080, s18;
	[smem:$0x78F] =	sst s19  }
0x25: {  	s20 =	sadd.s32 $0x4200, s18;
	[smem:$0x795] =	sst s1  }
0x26: {  	s22 =	sadd.s32 $0x4300, s18;
	[smem:$0x79F] =	sst s20  }
0x27: {  	s16 =	sshrl.u32 s16, $0x3;
	s23 =	sadd.s32 $0x4380, s18;
	[smem:$0x7A1] =	sst s22  }
0x28: {  	s13 =	sshrl.u32 s14, $0x3;
	s4 =	sadd.s32 s3, s16;
	[smem:$0x7A2] =	sst s23  }
0x29: {  	s14 =	sadd.s32 s2, s13;
	[dreg:$0xe] =	wrdreg s4  }
0x2a: {  	s16 =	sshrl.u32 s17, $0x3;
	s17 =	sadd.s32 $0x20000, s18;
	[dreg:$0x15] =	wrdreg s14  }
0x2b: {  	s5 =	sadd.s32 $0x14000, s18;
	[dreg:$0x18] =	wrdreg s17  }
0x2c: {  	s13 =	sadd.s32 $0x38000, s18;
	[smem:$0x788] =	sst s5  }
0x2d: {  	s19 =	sadd.s32 $0x4180, s18;
	[smem:$0x78B] =	sst s13  }
0x2e: {  	s1 =	sadd.s32 $0x24100, s18;
	[smem:$0x79E] =	sst s19  }
0x2f: {  	s20 =	sadd.s32 $0x8280, s18;
	[smem:$0x7A4] =	sst s1  }
0x30: {  	s22 =	sadd.s32 $0x8380, s18;
	[smem:$0x7AE] =	sst s20  }
0x31: {  	s23 =	sadd.s32 $0x28080, s18;
	[smem:$0x7B0] =	sst s22  }
0x32: {  	s4 =	sadd.s32 s3, s21;
	[smem:$0x7B1] =	sst s23  }
0x33: {  	s21 =	sadd.s32 $0x8000, s18;
	[dreg:$0x10] =	wrdreg s4  }
0x34: {  	s14 =	sadd.s32 $0x1C000, s18;
	[dreg:$0x1b] =	wrdreg s21  }
0x35: {  	s26 =	sadd.s32 s2, s16;
	s16 =	sadd.s32 $0x3C000, s18;
	[smem:$0x78C] =	sst s14  }
0x36: {  	s17 =	sadd.s32 $0x80, s18;
	[smem:$0x78D] =	sst s16  }
0x37: {  	s5 =	sadd.s32 $0x20180, s18;
	[smem:$0x78E] =	sst s17  }
0x38: {  	s13 =	sadd.s32 $0x20300, s18;
	[smem:$0x797] =	sst s5  }
0x39: {  	s19 =	sadd.s32 $0x8200, s18;
	[smem:$0x79A] =	sst s13  }
0x3a: {  	s1 =	sadd.s32 $0x28180, s18;
	[smem:$0x7AD] =	sst s19  }
0x3b: {  	s20 =	sadd.s32 $0xC300, s18;
	[smem:$0x7B3] =	sst s1  }
0x3c: {  	s22 =	sadd.s32 $0x2C080, s18;
	[smem:$0x7BD] =	sst s20  }
0x3d: {  	s23 =	sadd.s32 $0x2C100, s18;
	[smem:$0x7BF] =	sst s22  }
0x3e: {  	s4 =	sadd.s32 s2, s24;
	[smem:$0x7C0] =	sst s23  }
0x3f: {  	s24 =	sadd.s32 $0x2C000, s18;
	[dreg:$0x11] =	wrdreg s4  }
0x40: {  	s21 =	sadd.s32 $0x200, s18;
	[dreg:$0x1e] =	wrdreg s24  }
0x41: {  	s14 =	sadd.s32 $0x20380, s18;
	[smem:$0x791] =	sst s21  }
0x42: {  	s16 =	sadd.s32 $0x4080, s18;
	[smem:$0x79B] =	sst s14  }
0x43: {  	s17 =	sadd.s32 $0x4100, s18;
	[smem:$0x79C] =	sst s16  }
0x44: {  	s5 =	sadd.s32 $0x24200, s18;
	[smem:$0x79D] =	sst s17  }
0x45: {  	s13 =	sadd.s32 $0x24380, s18;
	[smem:$0x7A6] =	sst s5  }
0x46: {  	s19 =	sadd.s32 $0xC280, s18;
	[smem:$0x7A9] =	sst s13  }
0x47: {  	s1 =	sadd.s32 $0x2C200, s18;
	[smem:$0x7BC] =	sst s19  }
0x48: {  	s20 =	sadd.s32 $0x10380, s18;
	[smem:$0x7C2] =	sst s1  }
0x49: {  	s22 =	sadd.s32 $0x30100, s18;
	[smem:$0x7CC] =	sst s20  }
0x4a: {  	s11 =	sshrl.u32 s11, $0x3;
	s23 =	sadd.s32 $0x30180, s18;
	[smem:$0x7CE] =	sst s22  }
0x4b: {  	s4 =	sadd.s32 s2, s11;
	[smem:$0x7CF] =	sst s23  }
0x4c: {  	s11 =	sadd.s32 $0x34000, s18;
	[dreg:$0x13] =	wrdreg s4  }
0x4d: {  	s24 =	sadd.s32 $0x380, s18;
	[smem:$0x789] =	sst s11  }
0x4e: {  	s21 =	sadd.s32 $0x4280, s18;
	[smem:$0x794] =	sst s24  }
0x4f: {  	s14 =	sadd.s32 $0x8080, s18;
	[smem:$0x7A0] =	sst s21  }
0x50: {  	s16 =	sadd.s32 $0x8100, s18;
	[smem:$0x7AA] =	sst s14  }
0x51: {  	s17 =	sadd.s32 $0x8180, s18;
	[smem:$0x7AB] =	sst s16  }
0x52: {  	s5 =	sadd.s32 $0x28280, s18;
	[smem:$0x7AC] =	sst s17  }
0x53: {  	s13 =	sadd.s32 $0xC080, s18;
	[smem:$0x7B5] =	sst s5  }
0x54: {  	s19 =	sadd.s32 $0x10300, s18;
	[smem:$0x7B8] =	sst s13  }
0x55: {  	s1 =	sadd.s32 $0x30280, s18;
	[smem:$0x7CB] =	sst s19  }
0x56: {  	s20 =	sadd.s32 $0x34080, s18;
	[smem:$0x7D1] =	sst s1  }
0x57: {  	s22 =	sadd.s32 $0x34180, s18;
	[smem:$0x7DB] =	sst s20  }
0x58: {  	s12 =	sshrl.u32 s12, $0x3;
	s23 =	sadd.s32 $0x34200, s18;
	[smem:$0x7DD] =	sst s22  }
0x59: {  	s4 =	sadd.s32 s2, s12;
	[smem:$0x7DE] =	sst s23  }
0x5a: {  	s12 =	sadd.s32 $0x18000, s18;
	[dreg:$0x14] =	wrdreg s4  }
0x5b: {  	s11 =	sadd.s32 $0x20200, s18;
	[smem:$0x78A] =	sst s12  }
0x5c: {  	s24 =	sadd.s32 $0x24080, s18;
	[smem:$0x798] =	sst s11  }
0x5d: {  	s21 =	sadd.s32 $0x8300, s18;
	[smem:$0x7A3] =	sst s24  }
0x5e: {  	s14 =	sadd.s32 $0xC100, s18;
	[smem:$0x7AF] =	sst s21  }
0x5f: {  	s16 =	sadd.s32 $0xC180, s18;
	[smem:$0x7B9] =	sst s14  }
0x60: {  	s17 =	sadd.s32 $0xC200, s18;
	[smem:$0x7BA] =	sst s16  }
0x61: {  	s5 =	sadd.s32 $0x2C300, s18;
	[smem:$0x7BB] =	sst s17  }
0x62: {  	s13 =	sadd.s32 $0x10100, s18;
	[smem:$0x7C4] =	sst s5  }
0x63: {  	s19 =	sadd.s32 $0x14380, s18;
	[smem:$0x7C7] =	sst s13  }
0x64: {  	s1 =	sadd.s32 $0x34300, s18;
	[smem:$0x7DA] =	sst s19  }
0x65: {  	s20 =	sadd.s32 $0x38100, s18;
	[smem:$0x7E0] =	sst s1  }
0x66: {  	s22 =	sadd.s32 $0x38200, s18;
	[smem:$0x7EA] =	sst s20  }
0x67: {  	s23 =	sadd.s32 $0x38280, s18;
	[smem:$0x7EC] =	sst s22  }
0x68: {  	s4 =	sadd.s32 $0x30000, s18;
	[smem:$0x7ED] =	sst s23  }
0x69: {  	s12 =	sadd.s32 $0x20280, s18;
	[smem:$0x787] =	sst s4  }
0x6a: {  	s11 =	sadd.s32 $0x24280, s18;
	[smem:$0x799] =	sst s12  }
0x6b: {  	s24 =	sadd.s32 $0x28100, s18;
	[smem:$0x7A7] =	sst s11  }
0x6c: {  	s21 =	sadd.s32 $0xC380, s18;
	[smem:$0x7B2] =	sst s24  }
0x6d: {  	s14 =	sadd.s32 $0x10180, s18;
	[smem:$0x7BE] =	sst s21  }
0x6e: {  	s16 =	sadd.s32 $0x10200, s18;
	[smem:$0x7C8] =	sst s14  }
0x6f: {  	s17 =	sadd.s32 $0x10280, s18;
	[smem:$0x7C9] =	sst s16  }
0x70: {  	s5 =	sadd.s32 $0x30380, s18;
	[smem:$0x7CA] =	sst s17  }
0x71: {  	s13 =	sadd.s32 $0x14180, s18;
	[smem:$0x7D3] =	sst s5  }
0x72: {  	s19 =	sadd.s32 $0x38080, s18;
	[smem:$0x7D6] =	sst s13  }
0x73: {  	s1 =	sadd.s32 $0x38380, s18;
	[smem:$0x7E9] =	sst s19  }
0x74: {  	s20 =	sadd.s32 $0x3C180, s18;
	[smem:$0x7EF] =	sst s1  }
0x75: {  	s22 =	sadd.s32 $0x3C280, s18;
	[smem:$0x7F9] =	sst s20  }
0x76: {  	s23 =	sadd.s32 $0x3C300, s18;
	[smem:$0x7FB] =	sst s22  }
0x77: {  	s4 =	sadd.s32 $0x20100, s18;
	[smem:$0x7FC] =	sst s23  }
0x78: {  	s12 =	sadd.s32 $0x24300, s18;
	[smem:$0x796] =	sst s4  }
0x79: {  	s11 =	sadd.s32 $0x28300, s18;
	[smem:$0x7A8] =	sst s12  }
0x7a: {  	s24 =	sadd.s32 $0x2C180, s18;
	[smem:$0x7B6] =	sst s11  }
0x7b: {  	s21 =	sadd.s32 $0x30080, s18;
	[smem:$0x7C1] =	sst s24  }
0x7c: {  	s14 =	sadd.s32 $0x14200, s18;
	[smem:$0x7CD] =	sst s21  }
0x7d: {  	s16 =	sadd.s32 $0x14280, s18;
	[smem:$0x7D7] =	sst s14  }
0x7e: {  	s17 =	sadd.s32 $0x14300, s18;
	[smem:$0x7D8] =	sst s16  }
0x7f: {  	s5 =	sadd.s32 $0x18080, s18;
	[smem:$0x7D9] =	sst s17  }
0x80: {  	s13 =	sadd.s32 $0x18200, s18;
	[smem:$0x7E2] =	sst s5  }
0x81: {  	s19 =	sadd.s32 $0x3C100, s18;
	[smem:$0x7E5] =	sst s13  }
0x82: {  	s4 =	sadd.s32 $0x24180, s18;
	[smem:$0x7F8] =	sst s19  }
0x83: {  	s12 =	sadd.s32 $0x28380, s18;
	[smem:$0x7A5] =	sst s4  }
0x84: {  	s11 =	sadd.s32 $0x2C380, s18;
	[smem:$0x7B7] =	sst s12  }
0x85: {  	s24 =	sadd.s32 $0x30200, s18;
	[smem:$0x7C5] =	sst s11  }
0x86: {  	s21 =	sadd.s32 $0x34100, s18;
	[smem:$0x7D0] =	sst s24  }
0x87: {  	s14 =	sadd.s32 $0x18280, s18;
	[smem:$0x7DC] =	sst s21  }
0x88: {  	s16 =	sadd.s32 $0x18300, s18;
	[smem:$0x7E6] =	sst s14  }
0x89: {  	s17 =	sadd.s32 $0x18380, s18;
	[smem:$0x7E7] =	sst s16  }
0x8a: {  	s5 =	sadd.s32 $0x1C100, s18;
	[smem:$0x7E8] =	sst s17  }
0x8b: {  	s13 =	sadd.s32 $0x1C280, s18;
	[smem:$0x7F1] =	sst s5  }
0x8c: {  	s4 =	sadd.s32 $0x28200, s18;
	[smem:$0x7F4] =	sst s13  }
0x8d: {  	s12 =	sadd.s32 $0x10080, s18;
	[smem:$0x7B4] =	sst s4  }
0x8e: {  	s11 =	sadd.s32 $0x14080, s18;
	[smem:$0x7C6] =	sst s12  }
0x8f: {  	s24 =	sadd.s32 $0x34280, s18;
	[smem:$0x7D4] =	sst s11  }
0x90: {  	s21 =	sadd.s32 $0x38180, s18;
	[smem:$0x7DF] =	sst s24  }
0x91: {  	s14 =	sadd.s32 $0x1C300, s18;
	[smem:$0x7EB] =	sst s21  }
0x92: {  	s16 =	sadd.s32 $0x1C380, s18;
	[smem:$0x7F5] =	sst s14  }
0x93: {  	s17 =	sadd.s32 $0x3C080, s18;
	[smem:$0x7F6] =	sst s16  }
0x94: {  	s28 =	simm.s32 $0x1;
	s4 =	sadd.s32 $0x2C280, s18;
	[smem:$0x7F7] =	sst s17  }
0x95: {  	s29 =	simm.s32 $0xD000;
	s12 =	sadd.s32 $0x14100, s18;
	[smem:$0x7C3] =	sst s4  }
0x96: {  	s30 =	simm.s32 $0x8000;
	s11 =	sadd.s32 $0x18100, s18;
	[smem:$0x7D5] =	sst s12  }
0x97: {  	s31 =	simm.s32 $0x80;
	s24 =	sadd.s32 $0x38300, s18;
	[smem:$0x7E3] =	sst s11  }
0x98: {  	v0 =	vmov s15;
	s15 =	simm.s32 $0x0;
	s21 =	sadd.s32 $0x3C200, s18;
	[smem:$0x7EE] =	sst s24  }
0x99: {  	s0 =	simm.s32 $0xF800;
	s4 =	sadd.s32 $0x30300, s18;
	[smem:$0x7FA] =	sst s21  }
0x9a: {  	s1 =	simm.s32 $0x10800;
	s12 =	sadd.s32 $0x18180, s18;
	[smem:$0x7D2] =	sst s4  }
0x9b: {  	s19 =	simm.s32 $0x3;
	s11 =	sadd.s32 $0x1C180, s18;
	[smem:$0x7E4] =	sst s12  }
0x9c: {  	s5 =	simm.s32 $0xD800;
	s24 =	sadd.s32 $0x3C380, s18;
	[smem:$0x7F2] =	sst s11  }
0x9d: {  	s14 =	simm.s32 $0xC800;
	s4 =	sadd.s32 $0x34380, s18;
	[smem:$0x7FD] =	sst s24  }
0x9e: {  	s12 =	sadd.s32 $0x1C200, s18;
	s24 =	simm.s32 $0x12C00;
	[smem:$0x7E1] =	sst s4  }
0x9f: {  	v1 =	vimm.s32 $0x0;
	v2 =	vimm.s32 $0x1;
	v0 =	vor.u32 $0xFFFFE000, v0;
	s11 =	simm.s32 $0x400;
	s4 =	sadd.s32 $0x1C080, s18;
	[smem:$0x7F3] =	sst s12  }
0xa0: {  	v3 =	vlaneseq.u32;
	v4 =	vimm.f32 $0.0e+00;
	v0 =	vbroadcast v0, $0x0;
	s12 =	simm.s32 $0x13000;
	[smem:$0x7F0] =	sst s4;
	s4 =	simm.s32 $0x2  }
.LBB2_1:
0xa1: {  	[smem:$0x786] =	sst s15  }
0xa2: {  	s13 =	rddreg [dreg:$0x0]  }
0xa3: {  	[tilespmem:s6], [sflag:$0x3] =	stream.linear.gather [hbm4b:s13+s6], $0x4000, $0x38;
	[tilespmem:$0x17400] =	vst v63  }
0xa4: {  	_ =	swait.ge [sflag:s19], $0x4000  }
0xa5: {  	[sflag:s19] =	ssyncset.done $0x0  }
0xa6: {  	[sflag:s19] =	ssyncadd.s32 $0xFFFFC000  }
0xa7: {  	s22 =	simm.s32 $0x4000;
	s21 =	rddreg [dreg:$0x1]  }
0xa8: {  	[tilespmem:s22], [sflag:$0x3] =	stream.linear.gather [hbm4b:s21+s6], $0x4000, $0x38;
	[tilespmem:$0x17400] =	vst v63  }
0xa9: {  	_ =	swait.ge [sflag:s19], $0x4000  }
0xaa: {  	[sflag:s19] =	ssyncset.done $0x0  }
0xab: {  	[sflag:s19] =	ssyncadd.s32 $0xFFFFC000  }
0xac: {  	s23 =	rddreg [dreg:$0x4]  }
0xad: {  	[tilespmem:s24], [sflag:$0x3] =	stream.linear.gather [hbm4b:s23+s6], $0x400, $0x38;
	[tilespmem:$0x17400] =	vst v63  }
0xae: {  	_ =	swait.ge [sflag:s19], $0x400  }
0xaf: {  	[sflag:s19] =	ssyncset.done $0x0  }
0xb0: {  	s25 =	rddreg [dreg:$0xa];
	[sflag:s19] =	ssyncadd.s32 $0xFFFFFC00  }
0xb1: {  	[tilespmem:s12], [sflag:$0x3] =	stream.linear.gather [hbm4b:s25+s6], $0x400, $0x38;
	[tilespmem:$0x17400] =	vst v63  }
0xb2: {  	_ =	swait.ge [sflag:s19], $0x400  }
0xb3: {  	[sflag:s19] =	ssyncset.done $0x0  }
0xb4: {  	s15 =	simm.s32 $0x0;
	s13 =	simm.s32 $0x40;
	[sflag:s19] =	ssyncadd.s32 $0xFFFFFC00  }
.LBB2_2:
0xb5: {  	p2 =	sne.s32 s13, $0x1FC0;
	[tilespmem:s15+$0xC800] =	vst v1;
	s15 =	smov.u32 s13;
	s13 =	sadd.s32 $0x40, s13  }
.Ltmp0:
0xb6: {  	(pc) =	sbr.rel @p2 .LBB2_2-.Ltmp0, $2  }
0xb7: {  	_ =	sdelay $0x2  }
0xb8: {  	s15 =	sshra.s32 s15, $0x2  }
0xb9: {  	s13 =	simm.s32 $0x4000;
	s16 =	simm.s32 $0x0  }
0xba: {  	[tilespmem:s15+$0xC800] =	vst v1;
	s16 =	smov.u32 @p0 s13  }
0xbb: {  	v5 =	vld [tilespmem:s16+$0x0];
	_ =	sdelay $0x4  }
0xbc: {  	v6 =	vshra.s32 v5, $0x1F;
	v7 =	vand.u32 $0x1FFF, v5  }
0xbd: {  	vm0 =	vlt.s32 v5, $0x1;
	v6 =	vshrl.u32 v6, $0x13;
	vm1 =	vne.s32 v7, $0x0  }
0xbe: {  	v5 =	vadd.s32 v6, v5;
	vm0 =	vmand vm0, vm1  }
0xbf: {  	v5 =	vshra.s32 v5, $0xD;
	v6 =	vsel vm0, $0xFFFFFFFF, v1  }
0xc0: {  	v5 =	vadd.s32 v6, v5  }
0xc1: {  	v5 =	vshll.u32 v5, $0x4  }
0xc2: {  	v5 =	vor.u32 v3, v5;
	_ =	sdelay $0x1  }
0xc3: {  	s18 =	simm.s32 $0x0  }
0xc4: {  	s17 =	simm.s32 $0x0;
	s15 =	simm.s32 $0x10;
	s13 =	simm.s32 $0x80  }
.LBB2_4:
0xc5: {  	p2 =	sne.s32 s13, $0xFFC0;
	s16 =	sadd.s32 $0x4000, s15  }
0xc6: {  	s15 =	smov.u32 @p0 s16;
	[tilespmem:v5+s14+$0x0] =	vst.idx.add.s32.msk $0xffff, v2  }
0xc7: {  	v5 =	vld [tilespmem:s15+$0x0];
	_ =	sdelay $0x4  }
0xc8: {  	v6 =	vshra.s32 v5, $0x1F;
	v7 =	vand.u32 $0x1FFF, v5  }
0xc9: {  	vm0 =	vlt.s32 v5, $0x1;
	v6 =	vshrl.u32 v6, $0x13;
	vm1 =	vne.s32 v7, $0x0  }
0xca: {  	v5 =	vadd.s32 v6, v5;
	vm0 =	vmand vm0, vm1  }
0xcb: {  	v5 =	vshra.s32 v5, $0xD;
	v6 =	vsel vm0, $0xFFFFFFFF, v1  }
0xcc: {  	v5 =	vadd.s32 v6, v5  }
.Ltmp1:
0xcd: {  	v5 =	vshll.u32 v5, $0x4;
	(pc) =	sbr.rel @p2 .LBB2_4-.Ltmp1, $2  }
0xce: {  	v5 =	vor.u32 v3, v5;
	_ =	sdelay $0x2  }
0xcf: {  	s15 =	sshra.s32 s13, $0x2;
	s13 =	sadd.s32 $0x40, s13  }
0xd0: {  	_ =	sdelay $0x2  }
0xd1: {  	s13 =	sadd.s32 $0x4000, s15  }
0xd2: {  	[tilespmem:v5+s14+$0x0] =	vst.idx.add.s32.msk $0xffff, v2;
	s15 =	smov.u32 @p0 s13  }
0xd3: {  	v5 =	vld [tilespmem:s15+$0x0];
	_ =	sdelay $0x4  }
0xd4: {  	v6 =	vshra.s32 v5, $0x1F;
	v7 =	vand.u32 $0x1FFF, v5  }
0xd5: {  	vm0 =	vlt.s32 v5, $0x1;
	v6 =	vshrl.u32 v6, $0x13;
	vm1 =	vne.s32 v7, $0x0  }
0xd6: {  	v5 =	vadd.s32 v6, v5;
	vm0 =	vmand vm0, vm1  }
0xd7: {  	v5 =	vshra.s32 v5, $0xD;
	v6 =	vsel vm0, $0xFFFFFFFF, v1  }
0xd8: {  	v5 =	vadd.s32 v6, v5  }
0xd9: {  	v5 =	vshll.u32 v5, $0x4  }
0xda: {  	v5 =	vor.u32 v3, v5;
	_ =	sdelay $0x4  }
0xdb: {  	[tilespmem:v5+s14+$0x0] =	vst.idx.add.s32.msk $0xffff, v2  }
0xdc: {  	v10 =	vld [tilespmem:s17+$0xC800];
	_ =	sdelay $0x4  }
0xdd: {  	(xrf0) =	vadd.scan.msk.s32 $0xffff, v10  }
0xde: {  	s16 =	simm.s32 $0x10  }
0xdf: {  	v8 =	vld [tilespmem:s16+$0xC800];
	_ =	sdelay $0x3  }
0xe0: {  	v12, _, _ =	vpop (xrf0)  }
0xe1: {  	(xrf0) =	vadd.scan.msk.s32 $0xffff, v8;
	(v2sf) =	vpush v12, $0xF;
	_ =	sdelay $0x2  }
0xe2: {  	s22 =	simm.s32 $0x20  }
0xe3: {  	s21 =	simm.s32 $0x30;
	v7 =	vld [tilespmem:s22+$0xC800]  }
0xe4: {  	v5 =	vld [tilespmem:s21+$0xC800]  }
0xe5: {  	v6, _, _ =	vpop (xrf0)  }
0xe6: {  	(v2sf) =	vpush v6, $0xF;
	_ =	sdelay $0x1  }
0xe7: {  	(xrf0) =	vadd.scan.msk.s32 $0xffff, v7  }
0xe8: {  	(xrf0) =	vadd.scan.msk.s32 $0xffff, v5;
	_ =	sdelay $0x2  }
0xe9: {  	v10 =	vsub.s32 s18, v10;
	_ =	sdelay $0x1  }
0xea: {  	v11, _, _ =	vpop (xrf0);
	s23 =	spop (v2sf)  }
0xeb: {  	s15 =	simm.s32 $0x40;
	v12 =	vadd.s32 v12, v10;
	v10, _, _ =	vpop (xrf0);
	(v2sf) =	vpush v11, $0xF;
	s13 =	sadd.s32 $0xF, s23  }
0xec: {  	v9 =	vld [tilespmem:s15+$0xC800];
	(v2sf) =	vpush v10, $0xF;
	s19 =	sand.u32 $0xF, s13  }
0xed: {  	s23 =	sshra.s32 s13, $0x1F;
	p2 =	slt.s32 s13, $0x1;
	p3 =	sne.s32 s19, $0x0  }
0xee: {  	s25 =	sshrl.u32 s23, $0x1C;
	p2 =	por !p2, !p3  }
0xef: {  	s23 =	simm.s32 $0x1;
	s19 =	sadd.s32 s25, s13;
	p2 =	por !p2, !p2  }
0xf0: {  	[tilespmem:s17+$0xD000] =	vst v12;
	s17 =	simm.s32 $0x180;
	s20 =	sshrl.u32 s19, $0x4;
	s23 =	simm.s32 @!p2 $0x0  }
0xf1: {  	(xrf0) =	vadd.scan.msk.s32 $0xffff, v9;
	s13 =	simm.s32 $0x50;
	s19 =	spop (v2sf);
	s23 =	ssub.s32 s20, s23  }
.LBB2_6:
0xf2: {  	p2 =	sne.s32 s17, $0x1E80;
	s19 =	sadd.s32 $0xF, s19  }
0xf3: {  	s20 =	sshll.u32 s23, $0x4;
	s23 =	smov.u32 s22;
	s22 =	smov.u32 s21  }
0xf4: {  	v12 =	vld [tilespmem:s13+$0xC800];
	s21 =	smov.u32 s15;
	s15 =	smov.u32 s13;
	s25 =	sand.u32 $0xF, s19  }
0xf5: {  	s18 =	sadd.s32 s18, s20;
	s13 =	sshra.s32 s19, $0x1F;
	p3 =	slt.s32 s19, $0x1  }
.Ltmp2:
0xf6: {  	v14 =	vsub.s32 s18, v8;
	p4 =	sne.s32 s25, $0x0;
	s13 =	sshrl.u32 s13, $0x1C;
	(pc) =	sbr.rel @p2 .LBB2_6-.Ltmp2, $4  }
0xf7: {  	v8 =	vmovc v7;
	v7 =	vmovc v5;
	v5 =	vmov v9;
	v13 =	vadd.s32 v6, v14;
	p3 =	por !p3, !p4;
	v6 =	vmov v11;
	s19 =	sadd.s32 s13, s19  }
0xf8: {  	v11 =	vmov v10;
	[tilespmem:s16+$0xD000] =	vst v13;
	p3 =	por !p3, !p3;
	v10, _, _ =	vpop (xrf0);
	s16 =	smov.u32 s23;
	s23 =	simm.s32 $0x1  }
0xf9: {  	s13 =	sshra.s32 s17, $0x2;
	s20 =	sshrl.u32 s19, $0x4;
	(xrf0) =	vadd.scan.msk.s32 $0xffff, v12;
	(v2sf) =	vpush v10, $0xF;
	s23 =	simm.s32 @!p3 $0x0;
	v9 =	vmov v12  }
0xfa: {  	s17 =	sadd.s32 $0x40, s17;
	s19 =	spop (v2sf);
	s23 =	ssub.s32 s20, s23  }
0xfb: {  	_ = 	snop  }
0xfc: {  	_ =	sdelay $0x2  }
0xfd: {  	v12 =	vld [tilespmem:s13+$0xC800];
	v13, _, _ =	vpop (xrf0)  }
0xfe: {  	(v2sf) =	vpush v13, $0xF;
	_ =	sdelay $0x1  }
0xff: {  	s17 =	sadd.s32 $0xF, s19;
	s23 =	sshll.u32 s23, $0x4  }
0x100: {  	s25 =	spop (v2sf);
	s19 =	sand.u32 $0xF, s17;
	s20 =	sshra.s32 s17, $0x1F  }
0x101: {  	p2 =	slt.s32 s17, $0x1;
	s18 =	sadd.s32 s18, s23;
	p3 =	sne.s32 s19, $0x0;
	(xrf0) =	vadd.scan.msk.s32 $0xffff, v12  }
0x102: {  	s20 =	sshrl.u32 s20, $0x1C;
	s19 =	sadd.s32 $0xF, s25;
	p2 =	por !p2, !p3  }
0x103: {  	s17 =	sadd.s32 s20, s17;
	s20 =	simm.s32 $0x1;
	s25 =	sand.u32 $0xF, s19  }
0x104: {  	s23 =	sshra.s32 s19, $0x1F;
	p4 =	slt.s32 s19, $0x1;
	p2 =	por !p2, !p2  }
0x105: {  	s17 =	sshrl.u32 s17, $0x4;
	p5 =	sne.s32 s25, $0x0;
	s23 =	sshrl.u32 s23, $0x1C  }
0x106: {  	s20 =	simm.s32 @!p2 $0x0;
	p2 =	por !p4, !p5;
	s25 =	spop (v2sf)  }
0x107: {  	s19 =	sadd.s32 s23, s19;
	s17 =	ssub.s32 s17, s20;
	v14, _, _ =	vpop (xrf0);
	s20 =	sadd.s32 $0xF, s25  }
0x108: {  	p2 =	por !p2, !p2;
	s19 =	sshrl.u32 s19, $0x4;
	(v2sf) =	vpush v14, $0xF;
	s23 =	sand.u32 $0xF, s20  }
0x109: {  	s25 =	simm.s32 $0x1;
	p6 =	sne.s32 s23, $0x0;
	s23 =	sshra.s32 s20, $0x1F  }
0x10a: {  	s25 =	simm.s32 @!p2 $0x0;
	p4 =	slt.s32 s20, $0x1;
	s23 =	sshrl.u32 s23, $0x1C  }
0x10b: {  	s19 =	ssub.s32 s19, s25;
	p2 =	por !p4, !p6;
	s20 =	sadd.s32 s23, s20  }
0x10c: {  	p2 =	por !p2, !p2;
	s23 =	simm.s32 $0x1;
	s25 =	spop (v2sf)  }
0x10d: {  	s20 =	sshrl.u32 s20, $0x4;
	s23 =	simm.s32 @!p2 $0x0;
	s25 =	sadd.s32 $0xF, s25  }
0x10e: {  	s17 =	sshll.u32 s17, $0x4;
	s20 =	ssub.s32 s20, s23;
	s23 =	sand.u32 $0xF, s25  }
0x10f: {  	p6 =	slt.s32 s25, $0x1;
	p5 =	sne.s32 s23, $0x0;
	s23 =	sshra.s32 s25, $0x1F  }
0x110: {  	s17 =	sadd.s32 s18, s17;
	s23 =	sshrl.u32 s23, $0x1C;
	p2 =	por !p6, !p5  }
0x111: {  	s23 =	sadd.s32 s23, s25;
	p2 =	por !p2, !p2;
	s25 =	simm.s32 $0x1  }
0x112: {  	v8 =	vsub.s32 s18, v8;
	s18 =	sshll.u32 s19, $0x4;
	s19 =	sshrl.u32 s23, $0x4;
	s25 =	simm.s32 @!p2 $0x0  }
0x113: {  	v6 =	vadd.s32 v6, v8;
	v7 =	vsub.s32 s17, v7;
	s17 =	sadd.s32 s17, s18;
	s23 =	sshll.u32 s20, $0x4;
	s19 =	ssub.s32 s19, s25  }
0x114: {  	[tilespmem:s16+$0xD000] =	vst v6;
	v6 =	vadd.s32 v11, v7;
	v5 =	vsub.s32 s17, v5;
	s20 =	sadd.s32 s17, s23;
	s23 =	sshll.u32 s19, $0x4  }
0x115: {  	[tilespmem:s22+$0xD000] =	vst v6;
	v5 =	vadd.s32 v10, v5;
	v6 =	vsub.s32 s20, v9;
	s16 =	sadd.s32 s20, s23  }
0x116: {  	s18 =	simm.s32 $0x0;
	[tilespmem:s21+$0xD000] =	vst v5;
	v5 =	vadd.s32 v13, v6;
	v6 =	vsub.s32 s16, v12  }
0x117: {  	s17 =	simm.s32 $0x10;
	s25 =	spop (v2sf);
	[tilespmem:s15+$0xD000] =	vst v5;
	s16 =	simm.s32 $0x4000;
	v5 =	vadd.s32 v14, v6  }
0x118: {  	s15 =	simm.s32 $0x0;
	s18 =	smov.u32 @p0 s16;
	[tilespmem:s13+$0xD000] =	vst v5;
	s13 =	simm.s32 $0x0  }
.LBB2_8:
0x119: {  	p2 =	sne.s32 s17, $0x3FF0;
	v5 =	vld [tilespmem:s18+$0x0];
	_ =	sdelay $0x4  }
0x11a: {  	v6 =	vshra.s32 v5, $0x1F  }
0x11b: {  	v6 =	vshrl.u32 v6, $0x13  }
0x11c: {  	v6 =	vadd.s32 v6, v5  }
0x11d: {  	v6 =	vshra.s32 v6, $0xD  }
0x11e: {  	v7 =	vshll.u32 v6, $0xD  }
0x11f: {  	vm0 =	vlt.s32 v5, $0x1;
	v8 =	vsub.s32 v5, v7;
	vm1 =	vne.s32 v5, v7  }
0x120: {  	vm0 =	vmand vm0, vm1  }
0x121: {  	v5 =	vsel vm0, $0xFFFFFFFF, v1  }
0x122: {  	v5 =	vadd.s32 v5, v6  }
0x123: {  	v5 =	vshll.u32 v5, $0x4  }
0x124: {  	v5 =	vor.u32 v3, v5;
	_ =	sdelay $0x4  }
0x125: {  	v6 =	vld.idx.msk [tilespmem:v5+s29+$0x0], $0xffff;
	_ =	sdelay $0x3  }
.Ltmp3:
0x126: {  	v7 =	vshll.u32 v8, $0xE;
	(pc) =	sbr.rel @p2 .LBB2_8-.Ltmp3, $4  }
0x127: {  	v7 =	vand.u32 $0x7FFC000, v7  }
0x128: {  	s15 =	sadd.s32 $0x10, s15;
	v7 =	vor.u32 s13, v7;
	s13 =	smov.u32 s17;
	v8 =	vadd.s32 $0x1, v6  }
0x129: {  	s16 =	sadd.s32 $0x10, s16;
	s18 =	smov.u32 s15;
	[tilespmem:v5+s29+$0x0] =	vst.idx.msk $0xffff, v8;
	v5 =	vor.u32 v3, v7  }
0x12a: {  	s18 =	smov.u32 @p0 s16;
	s17 =	sadd.s32 $0x10, s17;
	[tilespmem:v6+s30+$0x0] =	vst.idx.msk $0xffff, v5  }
0x12b: {  	v5 =	vld [tilespmem:s18+$0x0];
	_ =	sdelay $0x4  }
0x12c: {  	v6 =	vshra.s32 v5, $0x1F  }
0x12d: {  	v6 =	vshrl.u32 v6, $0x13  }
0x12e: {  	v6 =	vadd.s32 v6, v5  }
0x12f: {  	v6 =	vshra.s32 v6, $0xD  }
0x130: {  	v7 =	vshll.u32 v6, $0xD  }
0x131: {  	vm0 =	vlt.s32 v5, $0x1;
	vm1 =	vne.s32 v5, v7  }
0x132: {  	vm0 =	vmand vm0, vm1  }
0x133: {  	v8 =	vsel vm0, $0xFFFFFFFF, v1  }
0x134: {  	v6 =	vadd.s32 v8, v6  }
0x135: {  	v6 =	vshll.u32 v6, $0x4  }
0x136: {  	v6 =	vor.u32 v3, v6;
	_ =	sdelay $0x4  }
0x137: {  	v63 =	vld.idx.msk [tilespmem:v6+s29+$0x0], $0xffff;
	_ =	sdelay $0x2  }
0x138: {  	v5 =	vsub.s32 v5, v7  }
.Ltmp4:
0x139: {  	v5 =	vshll.u32 v5, $0xE;
	(pc) =	sbr.rel @p1 .LBB2_31-.Ltmp4, $4  }
0x13a: {  	v5 =	vand.u32 $0x7FFC000, v5  }
0x13b: {  	v5 =	vor.u32 s13, v5;
	v7 =	vadd.s32 $0x1, v63  }
0x13c: {  	v5 =	vor.u32 v3, v5;
	[tilespmem:v6+s29+$0x0] =	vst.idx.msk $0xffff, v7  }
0x13d: {  	s25 =	rddreg [dreg:$0xf];
	[tilespmem:v63+s30+$0x0] =	vst.idx.msk $0xffff, v5  }
0x13e: {  	s13 =	rddreg [dreg:$0x11]  }
0x13f: {  	[tilespmem:s5], [sflag:$0x1] =	stream.strided.gather [hbm4b:s13+s31], $0x1000, s11, s31, $0x38;
	[tilespmem:$0x17400] =	vst v63  }
0x140: {  	s22 =	rddreg [dreg:$0x12];
	s15 =	simm.s32 $0xE800  }
0x141: {  	[tilespmem:s15], [sflag:$0x1] =	stream.strided.gather [hbm4b:s22+s31], $0x1000, s11, s31, $0x38;
	[tilespmem:$0x17400] =	vst v63  }
0x142: {  	s23 =	rddreg [dreg:$0x13]  }
0x143: {  	[tilespmem:s0], [sflag:$0x2] =	stream.strided.gather [hbm4b:s23+s31], $0x1000, s11, s31, $0x38;
	[tilespmem:$0x17400] =	vst v63  }
0x144: {  	s25 =	rddreg [dreg:$0x14];
	s21 =	simm.s32 $0x0;
	s18 =	simm.s32 $0x0  }
0x145: {  	[tilespmem:s1], [sflag:$0x2] =	stream.strided.gather [hbm4b:s25+s31], $0x1000, s11, s31, $0x38;
	[tilespmem:$0x17400] =	vst v63  }
.LBB2_11:
0x146: {  	_ =	swait.ge [sflag:s28], $0x2000  }
0x147: {  	s13 =	sshll.u32 s18, $0x5;
	[sflag:s28] =	ssyncset.done $0x0  }
0x148: {  	s15 =	sand.u32 $0x3FFFFFE0, s13;
	[sflag:s28] =	ssyncadd.s32 $0xFFFFE000  }
0x149: {  	v5 =	vld [tilespmem:s15+$0xC800];
	_ =	sdelay $0x4  }
0x14a: {  	(xrf0) =	vadd.scan.msk.s32 $0xffff, v5;
	_ =	sdelay $0x5  }
0x14b: {  	v5, _, _ =	vpop (xrf0)  }
0x14c: {  	(v2sf) =	vpush v5, $0xF;
	_ =	sdelay $0xe  }
0x14d: {  	s23 =	spop (v2sf)  }
0x14e: {  	s13 =	sadd.s32 $0xF, s23  }
0x14f: {  	s16 =	sand.u32 $0xF, s13  }
0x150: {  	s25 =	sshra.s32 s13, $0x1F;
	p3 =	slt.s32 s13, $0x1;
	p2 =	sne.s32 s16, $0x0  }
0x151: {  	s16 =	sshrl.u32 s25, $0x1C;
	p2 =	por !p3, !p2  }
0x152: {  	s13 =	sadd.s32 s16, s13;
	s16 =	simm.s32 $0x1;
	p2 =	por !p2, !p2  }
0x153: {  	s13 =	sshra.s32 s13, $0x4;
	s16 =	simm.s32 @!p2 $0x0  }
0x154: {  	s16 =	ssub.s32 s13, s16  }
0x155: {  	p2 =	slt.s32 s16, $0x1  }
.Ltmp5:
0x156: {  	_ = 	snop;
	(pc) =	sbr.rel @p2 .LBB2_18-.Ltmp5, $1  }
0x157: {  	_ =	sdelay $0x3  }
0x158: {  	p3 =	sne.s32 s16, $0x1  }
.Ltmp6:
0x159: {  	_ = 	snop;
	(pc) =	sbr.rel @!p3 .LBB2_13-.Ltmp6, $3  }
0x15a: {  	_ =	sdelay $0x1  }
0x15b: {  	s17 =	sadd.s32 $0x8000, s21  }
0x15c: {  	v5 =	vbroadcast v5, $0xF;
	s13 =	simm.s32 $0x0;
	s23 =	sadd.s32 $0xFFFFFFFF, s16;
	p2 =	por $0x0, $0x0;
	v6 =	vld [tilespmem:s17+$0x0]  }
0x15d: {  	_ =	sdelay $0x3  }
0x15e: {  	v7 =	vshra.s32 v6, $0x1F  }
0x15f: {  	v7 =	vshrl.u32 v7, $0x12  }
0x160: {  	v7 =	vadd.s32 v7, v6  }
0x161: {  	v7 =	vshra.s32 v7, $0xE  }
0x162: {  	v8 =	vshll.u32 v7, $0xE  }
0x163: {  	vm0 =	vlt.s32 v6, $0x1;
	vm1 =	vne.s32 v6, v8  }
0x164: {  	v8 =	vor.u32 s13, v3;
	vm0 =	vmand vm0, vm1  }
0x165: {  	vm15 =	vlt.s32 v8, v5;
	v8 =	vsel vm0, $0xFFFFFFFF, v1  }
0x166: {  	v7 =	vadd.s32 v8, v7;
	_ =	sdelay $0x4  }
0x167: {  	v6 =	vand.u32 $0x3FFF, v6;
	v7 =	vld.idx.msk [tilespmem:v7+s5+$0x0], vm15  }
0x168: {  	p3 =	sne.s32 s23, $0x1  }
.Ltmp7:
0x169: {  	_ = 	snop;
	(pc) =	sbr.rel @!p3 .LBB2_15-.Ltmp7, $3  }
0x16a: {  	_ =	sdelay $0x1  }
0x16b: {  	s22 =	sadd.s32 $0x10, s17;
	[tilespmem:v6+s6+$0x0] =	vst.idx.msk vm15, v7  }
0x16c: {  	s23 =	sadd.s32 $0xFFFFFFFF, s23;
	p2 =	por $0x1, $0x1;
	s17 =	simm.s32 $0x0;
	v6 =	vld [tilespmem:s22+$0x0]  }
.LBB2_16:
0x16d: {  	p3 =	sne.s32 s23, $0x1;
	_ =	sdelay $0x3  }
0x16e: {  	v7 =	vshra.s32 v6, $0x1F  }
0x16f: {  	v7 =	vshrl.u32 v7, $0x12  }
0x170: {  	v7 =	vadd.s32 v7, v6  }
0x171: {  	v7 =	vshra.s32 v7, $0xE  }
0x172: {  	v8 =	vshll.u32 v7, $0xE  }
0x173: {  	s17 =	sadd.s32 $0x10, s17;
	vm0 =	vlt.s32 v6, $0x1;
	vm1 =	vne.s32 v6, v8  }
0x174: {  	v8 =	vor.u32 s17, v3;
	vm0 =	vmand vm0, vm1  }
0x175: {  	vm1 =	vlt.s32 v8, v5;
	v8 =	vsel vm0, $0xFFFFFFFF, v1  }
0x176: {  	v7 =	vadd.s32 v8, v7;
	_ =	sdelay $0x4  }
0x177: {  	v7 =	vld.idx.msk [tilespmem:v7+s5+$0x0], vm1  }
0x178: {  	v6 =	vand.u32 $0x3FFF, v6;
	_ =	sdelay $0x1  }
.Ltmp8:
0x179: {  	(pc) =	sbr.rel @p3 .LBB2_16-.Ltmp8, $3  }
0x17a: {  	_ =	sdelay $0x1  }
0x17b: {  	s22 =	sadd.s32 $0x10, s22;
	[tilespmem:v6+s6+$0x0] =	vst.idx.msk vm1, v7  }
0x17c: {  	s23 =	sadd.s32 $0xFFFFFFFF, s23;
	v6 =	vld [tilespmem:s22+$0x0]  }
.LBB2_17:
0x17d: {  	_ =	sdelay $0x3  }
0x17e: {  	v7 =	vshra.s32 v6, $0x1F  }
0x17f: {  	v7 =	vshrl.u32 v7, $0x12  }
0x180: {  	v7 =	vadd.s32 v7, v6  }
0x181: {  	v7 =	vshra.s32 v7, $0xE  }
0x182: {  	s17 =	sadd.s32 @p2 $0x10, s17;
	v8 =	vshll.u32 v7, $0xE  }
0x183: {  	s13 =	smov.u32 @p2 s17;
	vm0 =	vlt.s32 v6, $0x1;
	vm1 =	vne.s32 v6, v8  }
0x184: {  	v63 =	vor.u32 s13, v3;
	vm0 =	vmand vm0, vm1  }
0x185: {  	vm15 =	vlt.s32 v63, v5;
	v5 =	vsel vm0, $0xFFFFFFFF, v1  }
0x186: {  	v5 =	vadd.s32 v5, v7;
	_ =	sdelay $0x4  }
0x187: {  	v6 =	vand.u32 $0x3FFF, v6;
	v5 =	vld.idx.msk [tilespmem:v5+s5+$0x0], vm15;
	_ =	sdelay $0x4  }
0x188: {  	[tilespmem:v6+s6+$0x0] =	vst.idx.msk vm15, v5  }
.LBB2_18:
0x189: {  	s13 =	sshll.u32 s18, $0x1  }
0x18a: {  	p2 =	seq.s32 s18, $0x3C;
	s13 =	sadd.s32 $0x2, s13  }
0x18b: {  	s17 =	sshll.u32 @!p2 s13, $0x10  }
0x18c: {  	s20 =	simm.s32 @!p2 $0x80;
	s22 =	simm.s32 @!p2 $0x400;
	s19 =	sadd.s32 @!p2 s10, s17  }
0x18d: {  	s23 =	simm.s32 @!p2 $0xD800;
	s17 =	sadd.s32 @!p2 s17, s9;
	s19 =	sshrl.u32 @!p2 s19, $0x3  }
0x18e: {  	p3 =	sne.s32 s13, $0x7A;
	s17 =	sshrl.u32 @!p2 s17, $0x3;
	s19 =	sadd.s32 @!p2 s2, s19  }
0x18f: {  	[tilespmem:s23], [sflag:$0x1] =	stream.strided.gather @!p2 [hbm4b:s19+s20], $0x1000, s22, s20, $0x38;
	[tilespmem:$0x17400] =	vst v63  }
0x190: {  	s13 =	simm.s32 @!p3 $0x80;
	s17 =	sadd.s32 @!p2 s2, s17;
	s19 =	simm.s32 @!p2 $0xE800  }
0x191: {  	[tilespmem:s19], [sflag:$0x1] =	stream.strided.gather @!p2 [hbm4b:s17+s20], $0x1000, s22, s20, $0x38;
	[tilespmem:$0x17400] =	vst v63  }
0x192: {  	s17 =	simm.s32 @!p3 $0x400;
	s19 =	simm.s32 @!p3 $0xD800;
	s20 =	rddreg [dreg:$0x15]  }
0x193: {  	[tilespmem:s19], [sflag:$0x1] =	stream.strided.gather @!p3 [hbm4b:s20+s13], $0x100, s17, s13, $0x38;
	[tilespmem:$0x17400] =	vst v63  }
0x194: {  	s19 =	simm.s32 @!p3 $0xD900  }
0x195: {  	[tilespmem:s19], [sflag:$0x1] =	stream.strided.gather @!p3 [hbm4b:s26+s13], $0x100, s17, s13, $0x38;
	[tilespmem:$0x17400] =	vst v63  }
0x196: {  	_ =	swait.ge [sflag:s4], $0x2000  }
0x197: {  	[sflag:s4] =	ssyncset.done $0x0  }
0x198: {  	[sflag:s4] =	ssyncadd.s32 $0xFFFFE000  }
0x199: {  	v5 =	vld [tilespmem:s15+$0xC810];
	_ =	sdelay $0x4  }
0x19a: {  	(xrf0) =	vadd.scan.msk.s32 $0xffff, v5;
	_ =	sdelay $0x5  }
0x19b: {  	v5, _, _ =	vpop (xrf0)  }
0x19c: {  	(v2sf) =	vpush v5, $0xF;
	_ =	sdelay $0xe  }
0x19d: {  	s19 =	spop (v2sf)  }
0x19e: {  	s13 =	sadd.s32 $0xF, s19  }
0x19f: {  	s20 =	sand.u32 $0xF, s13  }
0x1a0: {  	s22 =	sshra.s32 s13, $0x1F;
	p6 =	slt.s32 s13, $0x1;
	p4 =	sne.s32 s20, $0x0  }
0x1a1: {  	s23 =	sshrl.u32 s22, $0x1C;
	p3 =	por !p6, !p4  }
0x1a2: {  	s15 =	simm.s32 $0x1;
	s13 =	sadd.s32 s23, s13;
	p3 =	por !p3, !p3  }
0x1a3: {  	s13 =	sshra.s32 s13, $0x4;
	s15 =	simm.s32 @!p3 $0x0  }
0x1a4: {  	s13 =	ssub.s32 s13, s15  }
0x1a5: {  	p3 =	slt.s32 s13, $0x1  }
.Ltmp9:
0x1a6: {  	_ = 	snop;
	(pc) =	sbr.rel @p3 .LBB2_25-.Ltmp9, $3  }
0x1a7: {  	_ =	sdelay $0x1  }
0x1a8: {  	s25 =	sshll.u32 s16, $0x4  }
0x1a9: {  	s15 =	sadd.s32 s21, s25  }
0x1aa: {  	p4 =	sne.s32 s13, $0x1  }
.Ltmp10:
0x1ab: {  	_ = 	snop;
	(pc) =	sbr.rel @!p4 .LBB2_20-.Ltmp10, $3  }
0x1ac: {  	_ =	sdelay $0x1  }
0x1ad: {  	s17 =	sadd.s32 $0x8000, s15  }
0x1ae: {  	v5 =	vbroadcast v5, $0xF;
	s16 =	simm.s32 $0x0;
	s22 =	sadd.s32 $0xFFFFFFFF, s13;
	p3 =	por $0x0, $0x0;
	v6 =	vld [tilespmem:s17+$0x0]  }
0x1af: {  	_ =	sdelay $0x3  }
0x1b0: {  	v7 =	vshra.s32 v6, $0x1F  }
0x1b1: {  	v7 =	vshrl.u32 v7, $0x12  }
0x1b2: {  	v7 =	vadd.s32 v7, v6  }
0x1b3: {  	v7 =	vshra.s32 v7, $0xE  }
0x1b4: {  	v8 =	vshll.u32 v7, $0xE  }
0x1b5: {  	vm0 =	vlt.s32 v6, $0x1;
	vm1 =	vne.s32 v6, v8  }
0x1b6: {  	vm0 =	vmand vm0, vm1  }
0x1b7: {  	v8 =	vor.u32 s16, v3;
	v9 =	vsel vm0, $0xFFFFFFFF, v1  }
0x1b8: {  	vm15 =	vlt.s32 v8, v5;
	v7 =	vadd.s32 v9, v7  }
0x1b9: {  	v7 =	vadd.s32 $0x2000, v7;
	_ =	sdelay $0x4  }
0x1ba: {  	v6 =	vand.u32 $0x3FFF, v6;
	v7 =	vld.idx.msk [tilespmem:v7+s5+$0x0], vm15  }
0x1bb: {  	p4 =	sne.s32 s22, $0x1  }
.Ltmp11:
0x1bc: {  	_ = 	snop;
	(pc) =	sbr.rel @!p4 .LBB2_22-.Ltmp11, $3  }
0x1bd: {  	_ =	sdelay $0x1  }
0x1be: {  	s21 =	sadd.s32 $0x10, s17;
	[tilespmem:v6+s6+$0x0] =	vst.idx.msk vm15, v7  }
0x1bf: {  	s22 =	sadd.s32 $0xFFFFFFFF, s22;
	p3 =	por $0x1, $0x1;
	s17 =	simm.s32 $0x0;
	v6 =	vld [tilespmem:s21+$0x0]  }
.LBB2_23:
0x1c0: {  	p4 =	sne.s32 s22, $0x1;
	_ =	sdelay $0x3  }
0x1c1: {  	v7 =	vshra.s32 v6, $0x1F  }
0x1c2: {  	v7 =	vshrl.u32 v7, $0x12  }
0x1c3: {  	v7 =	vadd.s32 v7, v6  }
0x1c4: {  	v7 =	vshra.s32 v7, $0xE  }
0x1c5: {  	v8 =	vshll.u32 v7, $0xE  }
0x1c6: {  	vm0 =	vlt.s32 v6, $0x1;
	vm1 =	vne.s32 v6, v8  }
0x1c7: {  	s17 =	sadd.s32 $0x10, s17;
	vm0 =	vmand vm0, vm1  }
0x1c8: {  	v8 =	vor.u32 s17, v3;
	v9 =	vsel vm0, $0xFFFFFFFF, v1  }
0x1c9: {  	vm0 =	vlt.s32 v8, v5;
	v7 =	vadd.s32 v9, v7  }
0x1ca: {  	v7 =	vadd.s32 $0x2000, v7;
	_ =	sdelay $0x4  }
0x1cb: {  	v7 =	vld.idx.msk [tilespmem:v7+s5+$0x0], vm0  }
0x1cc: {  	v6 =	vand.u32 $0x3FFF, v6;
	_ =	sdelay $0x1  }
.Ltmp12:
0x1cd: {  	(pc) =	sbr.rel @p4 .LBB2_23-.Ltmp12, $3  }
0x1ce: {  	_ =	sdelay $0x1  }
0x1cf: {  	s21 =	sadd.s32 $0x10, s21;
	[tilespmem:v6+s6+$0x0] =	vst.idx.msk vm0, v7  }
0x1d0: {  	s22 =	sadd.s32 $0xFFFFFFFF, s22;
	v6 =	vld [tilespmem:s21+$0x0]  }
.LBB2_24:
0x1d1: {  	_ =	sdelay $0x3  }
0x1d2: {  	v7 =	vshra.s32 v6, $0x1F  }
0x1d3: {  	v7 =	vshrl.u32 v7, $0x12  }
0x1d4: {  	v7 =	vadd.s32 v7, v6  }
0x1d5: {  	v7 =	vshra.s32 v7, $0xE  }
0x1d6: {  	v8 =	vshll.u32 v7, $0xE  }
0x1d7: {  	s17 =	sadd.s32 @p3 $0x10, s17;
	vm0 =	vlt.s32 v6, $0x1;
	vm1 =	vne.s32 v6, v8  }
0x1d8: {  	s16 =	smov.u32 @p3 s17;
	vm0 =	vmand vm0, vm1  }
0x1d9: {  	v63 =	vor.u32 s16, v3;
	v9 =	vsel vm0, $0xFFFFFFFF, v1  }
0x1da: {  	vm15 =	vlt.s32 v63, v5;
	v5 =	vadd.s32 v9, v7  }
0x1db: {  	v5 =	vadd.s32 $0x2000, v5;
	_ =	sdelay $0x4  }
0x1dc: {  	v6 =	vand.u32 $0x3FFF, v6;
	v5 =	vld.idx.msk [tilespmem:v5+s5+$0x0], vm15;
	_ =	sdelay $0x4  }
0x1dd: {  	[tilespmem:v6+s6+$0x0] =	vst.idx.msk vm15, v5  }
.LBB2_25:
.Ltmp13:
0x1de: {  	(pc) =	sbr.rel @p2 .LBB2_27-.Ltmp13, $3  }
0x1df: {  	_ =	sdelay $0x1  }
0x1e0: {  	s13 =	sshll.u32 s13, $0x4  }
0x1e1: {  	s21 =	sadd.s32 s15, s13  }
0x1e2: {  	s13 =	sshll.u32 s18, $0x11  }
0x1e3: {  	s13 =	sadd.s32 $0x30000, s13  }
0x1e4: {  	s15 =	sadd.s32 s10, s13  }
.Ltmp14:
0x1e5: {  	s13 =	sadd.s32 s13, s9;
	s15 =	sshrl.u32 s15, $0x3;
	(pc) =	sbr.rel .LBB2_11-.Ltmp14, $4  }
0x1e6: {  	s13 =	sshrl.u32 s13, $0x3;
	s15 =	sadd.s32 s2, s15  }
0x1e7: {  	[tilespmem:s0], [sflag:$0x2] =	stream.strided.gather [hbm4b:s15+s31], $0x1000, s11, s31, $0x38;
	[tilespmem:$0x17400] =	vst v63  }
0x1e8: {  	s18 =	sadd.s32 $0x1, s18;
	s13 =	sadd.s32 s2, s13  }
0x1e9: {  	[tilespmem:s1], [sflag:$0x2] =	stream.strided.gather [hbm4b:s13+s31], $0x1000, s11, s31, $0x38;
	[tilespmem:$0x17400] =	vst v63  }
.LBB2_13:
.Ltmp15:
0x1ea: {  	(pc) =	sbr.rel .LBB2_17-.Ltmp15, $2  }
0x1eb: {  	_ =	sdelay $0x2  }
0x1ec: {  	s17 =	simm.s32 $0x0  }
.LBB2_20:
.Ltmp16:
0x1ed: {  	(pc) =	sbr.rel .LBB2_24-.Ltmp16, $2  }
0x1ee: {  	_ =	sdelay $0x2  }
0x1ef: {  	s17 =	simm.s32 $0x0  }
.LBB2_15:
.Ltmp17:
0x1f0: {  	(pc) =	sbr.rel .LBB2_17-.Ltmp17, $2  }
0x1f1: {  	_ =	sdelay $0x2  }
0x1f2: {  	s17 =	simm.s32 $0x0  }
.LBB2_22:
.Ltmp18:
0x1f3: {  	(pc) =	sbr.rel .LBB2_24-.Ltmp18, $2  }
0x1f4: {  	_ =	sdelay $0x2  }
0x1f5: {  	s17 =	simm.s32 $0x0  }
.LBB2_31:
0x1f6: {  	s13 =	rddreg [dreg:$0xb]  }
0x1f7: {  	[tilespmem:s5], [sflag:$0x1] =	stream.strided.gather [hbm4b:s13+s31], $0x1000, s11, s31, $0x38;
	[tilespmem:$0x17400] =	vst v63  }
0x1f8: {  	s21 =	rddreg [dreg:$0xc];
	s15 =	simm.s32 $0xE800  }
0x1f9: {  	[tilespmem:s15], [sflag:$0x1] =	stream.strided.gather [hbm4b:s21+s31], $0x1000, s11, s31, $0x38;
	[tilespmem:$0x17400] =	vst v63  }
0x1fa: {  	s22 =	rddreg [dreg:$0xd]  }
0x1fb: {  	[tilespmem:s0], [sflag:$0x2] =	stream.strided.gather [hbm4b:s22+s31], $0x1000, s11, s31, $0x38;
	[tilespmem:$0x17400] =	vst v63  }
0x1fc: {  	s23 =	rddreg [dreg:$0xe];
	s18 =	simm.s32 $0x0;
	s21 =	simm.s32 $0x0  }
0x1fd: {  	[tilespmem:s1], [sflag:$0x2] =	stream.strided.gather [hbm4b:s23+s31], $0x1000, s11, s31, $0x38;
	[tilespmem:$0x17400] =	vst v63  }
.LBB2_32:
0x1fe: {  	_ =	swait.ge [sflag:s28], $0x2000  }
0x1ff: {  	s13 =	sshll.u32 s18, $0x5;
	[sflag:s28] =	ssyncset.done $0x0  }
0x200: {  	s15 =	sand.u32 $0x3FFFFFE0, s13;
	[sflag:s28] =	ssyncadd.s32 $0xFFFFE000  }
0x201: {  	v5 =	vld [tilespmem:s15+$0xC800];
	_ =	sdelay $0x4  }
0x202: {  	(xrf0) =	vadd.scan.msk.s32 $0xffff, v5;
	_ =	sdelay $0x5  }
0x203: {  	v5, _, _ =	vpop (xrf0)  }
0x204: {  	(v2sf) =	vpush v5, $0xF;
	_ =	sdelay $0xe  }
0x205: {  	s22 =	spop (v2sf)  }
0x206: {  	s13 =	sadd.s32 $0xF, s22  }
0x207: {  	s16 =	sand.u32 $0xF, s13  }
0x208: {  	s23 =	sshra.s32 s13, $0x1F;
	p3 =	slt.s32 s13, $0x1;
	p2 =	sne.s32 s16, $0x0  }
0x209: {  	s16 =	sshrl.u32 s23, $0x1C;
	p2 =	por !p3, !p2  }
0x20a: {  	s13 =	sadd.s32 s16, s13;
	s16 =	simm.s32 $0x1;
	p2 =	por !p2, !p2  }
0x20b: {  	s13 =	sshra.s32 s13, $0x4;
	s16 =	simm.s32 @!p2 $0x0  }
0x20c: {  	s16 =	ssub.s32 s13, s16  }
0x20d: {  	p2 =	slt.s32 s16, $0x1  }
.Ltmp19:
0x20e: {  	_ = 	snop;
	(pc) =	sbr.rel @p2 .LBB2_39-.Ltmp19, $1  }
0x20f: {  	_ =	sdelay $0x3  }
0x210: {  	p3 =	sne.s32 s16, $0x1  }
.Ltmp20:
0x211: {  	_ = 	snop;
	(pc) =	sbr.rel @!p3 .LBB2_34-.Ltmp20, $3  }
0x212: {  	_ =	sdelay $0x1  }
0x213: {  	s17 =	sadd.s32 $0x8000, s21  }
0x214: {  	v5 =	vbroadcast v5, $0xF;
	s13 =	simm.s32 $0x0;
	s23 =	sadd.s32 $0xFFFFFFFF, s16;
	p2 =	por $0x0, $0x0;
	v6 =	vld [tilespmem:s17+$0x0]  }
0x215: {  	_ =	sdelay $0x3  }
0x216: {  	v7 =	vshra.s32 v6, $0x1F  }
0x217: {  	v7 =	vshrl.u32 v7, $0x12  }
0x218: {  	v7 =	vadd.s32 v7, v6  }
0x219: {  	v7 =	vshra.s32 v7, $0xE  }
0x21a: {  	v8 =	vshll.u32 v7, $0xE  }
0x21b: {  	vm0 =	vlt.s32 v6, $0x1;
	vm1 =	vne.s32 v6, v8  }
0x21c: {  	v8 =	vor.u32 s13, v3;
	vm0 =	vmand vm0, vm1  }
0x21d: {  	vm15 =	vlt.s32 v8, v5;
	v8 =	vsel vm0, $0xFFFFFFFF, v1  }
0x21e: {  	v7 =	vadd.s32 v8, v7;
	_ =	sdelay $0x4  }
0x21f: {  	v6 =	vand.u32 $0x3FFF, v6;
	v7 =	vld.idx.msk [tilespmem:v7+s5+$0x0], vm15  }
0x220: {  	p3 =	sne.s32 s23, $0x1  }
.Ltmp21:
0x221: {  	_ = 	snop;
	(pc) =	sbr.rel @!p3 .LBB2_36-.Ltmp21, $3  }
0x222: {  	_ =	sdelay $0x1  }
0x223: {  	s22 =	sadd.s32 $0x10, s17;
	[tilespmem:v6+s6+$0x0] =	vst.idx.msk vm15, v7  }
0x224: {  	s23 =	sadd.s32 $0xFFFFFFFF, s23;
	p2 =	por $0x1, $0x1;
	s17 =	simm.s32 $0x0;
	v6 =	vld [tilespmem:s22+$0x0]  }
.LBB2_37:
0x225: {  	p3 =	sne.s32 s23, $0x1;
	_ =	sdelay $0x3  }
0x226: {  	v7 =	vshra.s32 v6, $0x1F  }
0x227: {  	v7 =	vshrl.u32 v7, $0x12  }
0x228: {  	v7 =	vadd.s32 v7, v6  }
0x229: {  	v7 =	vshra.s32 v7, $0xE  }
0x22a: {  	v8 =	vshll.u32 v7, $0xE  }
0x22b: {  	s17 =	sadd.s32 $0x10, s17;
	vm0 =	vlt.s32 v6, $0x1;
	vm1 =	vne.s32 v6, v8  }
0x22c: {  	v8 =	vor.u32 s17, v3;
	vm0 =	vmand vm0, vm1  }
0x22d: {  	vm1 =	vlt.s32 v8, v5;
	v8 =	vsel vm0, $0xFFFFFFFF, v1  }
0x22e: {  	v7 =	vadd.s32 v8, v7;
	_ =	sdelay $0x4  }
0x22f: {  	v7 =	vld.idx.msk [tilespmem:v7+s5+$0x0], vm1  }
0x230: {  	v6 =	vand.u32 $0x3FFF, v6;
	_ =	sdelay $0x1  }
.Ltmp22:
0x231: {  	(pc) =	sbr.rel @p3 .LBB2_37-.Ltmp22, $3  }
0x232: {  	_ =	sdelay $0x1  }
0x233: {  	s22 =	sadd.s32 $0x10, s22;
	[tilespmem:v6+s6+$0x0] =	vst.idx.msk vm1, v7  }
0x234: {  	s23 =	sadd.s32 $0xFFFFFFFF, s23;
	v6 =	vld [tilespmem:s22+$0x0]  }
.LBB2_38:
0x235: {  	_ =	sdelay $0x3  }
0x236: {  	v7 =	vshra.s32 v6, $0x1F  }
0x237: {  	v7 =	vshrl.u32 v7, $0x12  }
0x238: {  	v7 =	vadd.s32 v7, v6  }
0x239: {  	v7 =	vshra.s32 v7, $0xE  }
0x23a: {  	s17 =	sadd.s32 @p2 $0x10, s17;
	v8 =	vshll.u32 v7, $0xE  }
0x23b: {  	s13 =	smov.u32 @p2 s17;
	vm0 =	vlt.s32 v6, $0x1;
	vm1 =	vne.s32 v6, v8  }
0x23c: {  	v63 =	vor.u32 s13, v3;
	vm0 =	vmand vm0, vm1  }
0x23d: {  	vm15 =	vlt.s32 v63, v5;
	v5 =	vsel vm0, $0xFFFFFFFF, v1  }
0x23e: {  	v5 =	vadd.s32 v5, v7;
	_ =	sdelay $0x4  }
0x23f: {  	v6 =	vand.u32 $0x3FFF, v6;
	v5 =	vld.idx.msk [tilespmem:v5+s5+$0x0], vm15;
	_ =	sdelay $0x4  }
0x240: {  	[tilespmem:v6+s6+$0x0] =	vst.idx.msk vm15, v5  }
.LBB2_39:
0x241: {  	s13 =	sshll.u32 s18, $0x1  }
0x242: {  	p2 =	seq.s32 s18, $0x3C;
	s13 =	sadd.s32 $0x2, s13  }
0x243: {  	s17 =	sshll.u32 @!p2 s13, $0x10  }
0x244: {  	s20 =	simm.s32 @!p2 $0x80;
	s19 =	sadd.s32 @!p2 s7, s17  }
0x245: {  	s22 =	simm.s32 @!p2 $0x400;
	s17 =	sadd.s32 @!p2 s17, s8;
	s19 =	sshrl.u32 @!p2 s19, $0x3  }
0x246: {  	s23 =	simm.s32 @!p2 $0xD800;
	s17 =	sshrl.u32 @!p2 s17, $0x3;
	s19 =	sadd.s32 @!p2 s3, s19  }
0x247: {  	[tilespmem:s23], [sflag:$0x1] =	stream.strided.gather @!p2 [hbm4b:s19+s20], $0x1000, s22, s20, $0x38;
	[tilespmem:$0x17400] =	vst v63  }
0x248: {  	p3 =	sne.s32 s13, $0x7A;
	s17 =	sadd.s32 @!p2 s3, s17;
	s19 =	simm.s32 @!p2 $0xE800  }
0x249: {  	[tilespmem:s19], [sflag:$0x1] =	stream.strided.gather @!p2 [hbm4b:s17+s20], $0x1000, s22, s20, $0x38;
	[tilespmem:$0x17400] =	vst v63  }
0x24a: {  	s13 =	simm.s32 @!p3 $0x80;
	s17 =	simm.s32 @!p3 $0x400;
	s19 =	simm.s32 @!p3 $0xD800  }
0x24b: {  	[tilespmem:s19], [sflag:$0x1] =	stream.strided.gather @!p3 [hbm4b:s25+s13], $0x100, s17, s13, $0x38;
	[tilespmem:$0x17400] =	vst v63  }
0x24c: {  	s20 =	rddreg [dreg:$0x10];
	s19 =	simm.s32 @!p3 $0xD900  }
0x24d: {  	[tilespmem:s19], [sflag:$0x1] =	stream.strided.gather @!p3 [hbm4b:s20+s13], $0x100, s17, s13, $0x38;
	[tilespmem:$0x17400] =	vst v63  }
0x24e: {  	_ =	swait.ge [sflag:s4], $0x2000  }
0x24f: {  	[sflag:s4] =	ssyncset.done $0x0  }
0x250: {  	[sflag:s4] =	ssyncadd.s32 $0xFFFFE000  }
0x251: {  	v5 =	vld [tilespmem:s15+$0xC810];
	_ =	sdelay $0x4  }
0x252: {  	(xrf0) =	vadd.scan.msk.s32 $0xffff, v5;
	_ =	sdelay $0x5  }
0x253: {  	v5, _, _ =	vpop (xrf0)  }
0x254: {  	(v2sf) =	vpush v5, $0xF;
	_ =	sdelay $0xe  }
0x255: {  	s17 =	spop (v2sf)  }
0x256: {  	s13 =	sadd.s32 $0xF, s17  }
0x257: {  	s19 =	sand.u32 $0xF, s13  }
0x258: {  	s20 =	sshra.s32 s13, $0x1F;
	p6 =	slt.s32 s13, $0x1;
	p4 =	sne.s32 s19, $0x0  }
0x259: {  	s22 =	sshrl.u32 s20, $0x1C;
	p3 =	por !p6, !p4  }
0x25a: {  	s15 =	simm.s32 $0x1;
	s13 =	sadd.s32 s22, s13;
	p3 =	por !p3, !p3  }
0x25b: {  	s13 =	sshra.s32 s13, $0x4;
	s15 =	simm.s32 @!p3 $0x0  }
0x25c: {  	s13 =	ssub.s32 s13, s15  }
0x25d: {  	p3 =	slt.s32 s13, $0x1  }
.Ltmp23:
0x25e: {  	_ = 	snop;
	(pc) =	sbr.rel @p3 .LBB2_46-.Ltmp23, $3  }
0x25f: {  	_ =	sdelay $0x1  }
0x260: {  	s23 =	sshll.u32 s16, $0x4  }
0x261: {  	s15 =	sadd.s32 s21, s23  }
0x262: {  	p4 =	sne.s32 s13, $0x1  }
.Ltmp24:
0x263: {  	_ = 	snop;
	(pc) =	sbr.rel @!p4 .LBB2_41-.Ltmp24, $3  }
0x264: {  	_ =	sdelay $0x1  }
0x265: {  	s17 =	sadd.s32 $0x8000, s15  }
0x266: {  	v5 =	vbroadcast v5, $0xF;
	s16 =	simm.s32 $0x0;
	s22 =	sadd.s32 $0xFFFFFFFF, s13;
	p3 =	por $0x0, $0x0;
	v6 =	vld [tilespmem:s17+$0x0]  }
0x267: {  	_ =	sdelay $0x3  }
0x268: {  	v7 =	vshra.s32 v6, $0x1F  }
0x269: {  	v7 =	vshrl.u32 v7, $0x12  }
0x26a: {  	v7 =	vadd.s32 v7, v6  }
0x26b: {  	v7 =	vshra.s32 v7, $0xE  }
0x26c: {  	v8 =	vshll.u32 v7, $0xE  }
0x26d: {  	vm0 =	vlt.s32 v6, $0x1;
	vm1 =	vne.s32 v6, v8  }
0x26e: {  	vm0 =	vmand vm0, vm1  }
0x26f: {  	v8 =	vor.u32 s16, v3;
	v9 =	vsel vm0, $0xFFFFFFFF, v1  }
0x270: {  	vm15 =	vlt.s32 v8, v5;
	v7 =	vadd.s32 v9, v7  }
0x271: {  	v7 =	vadd.s32 $0x2000, v7;
	_ =	sdelay $0x4  }
0x272: {  	v6 =	vand.u32 $0x3FFF, v6;
	v7 =	vld.idx.msk [tilespmem:v7+s5+$0x0], vm15  }
0x273: {  	p4 =	sne.s32 s22, $0x1  }
.Ltmp25:
0x274: {  	_ = 	snop;
	(pc) =	sbr.rel @!p4 .LBB2_43-.Ltmp25, $3  }
0x275: {  	_ =	sdelay $0x1  }
0x276: {  	s21 =	sadd.s32 $0x10, s17;
	[tilespmem:v6+s6+$0x0] =	vst.idx.msk vm15, v7  }
0x277: {  	s22 =	sadd.s32 $0xFFFFFFFF, s22;
	p3 =	por $0x1, $0x1;
	s17 =	simm.s32 $0x0;
	v6 =	vld [tilespmem:s21+$0x0]  }
.LBB2_44:
0x278: {  	p4 =	sne.s32 s22, $0x1;
	_ =	sdelay $0x3  }
0x279: {  	v7 =	vshra.s32 v6, $0x1F  }
0x27a: {  	v7 =	vshrl.u32 v7, $0x12  }
0x27b: {  	v7 =	vadd.s32 v7, v6  }
0x27c: {  	v7 =	vshra.s32 v7, $0xE  }
0x27d: {  	v8 =	vshll.u32 v7, $0xE  }
0x27e: {  	vm0 =	vlt.s32 v6, $0x1;
	vm1 =	vne.s32 v6, v8  }
0x27f: {  	s17 =	sadd.s32 $0x10, s17;
	vm0 =	vmand vm0, vm1  }
0x280: {  	v8 =	vor.u32 s17, v3;
	v9 =	vsel vm0, $0xFFFFFFFF, v1  }
0x281: {  	vm0 =	vlt.s32 v8, v5;
	v7 =	vadd.s32 v9, v7  }
0x282: {  	v7 =	vadd.s32 $0x2000, v7;
	_ =	sdelay $0x4  }
0x283: {  	v7 =	vld.idx.msk [tilespmem:v7+s5+$0x0], vm0  }
0x284: {  	v6 =	vand.u32 $0x3FFF, v6;
	_ =	sdelay $0x1  }
.Ltmp26:
0x285: {  	(pc) =	sbr.rel @p4 .LBB2_44-.Ltmp26, $3  }
0x286: {  	_ =	sdelay $0x1  }
0x287: {  	s21 =	sadd.s32 $0x10, s21;
	[tilespmem:v6+s6+$0x0] =	vst.idx.msk vm0, v7  }
0x288: {  	s22 =	sadd.s32 $0xFFFFFFFF, s22;
	v6 =	vld [tilespmem:s21+$0x0]  }
.LBB2_45:
0x289: {  	_ =	sdelay $0x3  }
0x28a: {  	v7 =	vshra.s32 v6, $0x1F  }
0x28b: {  	v7 =	vshrl.u32 v7, $0x12  }
0x28c: {  	v7 =	vadd.s32 v7, v6  }
0x28d: {  	v7 =	vshra.s32 v7, $0xE  }
0x28e: {  	v8 =	vshll.u32 v7, $0xE  }
0x28f: {  	s17 =	sadd.s32 @p3 $0x10, s17;
	vm0 =	vlt.s32 v6, $0x1;
	vm1 =	vne.s32 v6, v8  }
0x290: {  	s16 =	smov.u32 @p3 s17;
	vm0 =	vmand vm0, vm1  }
0x291: {  	v63 =	vor.u32 s16, v3;
	v9 =	vsel vm0, $0xFFFFFFFF, v1  }
0x292: {  	vm15 =	vlt.s32 v63, v5;
	v5 =	vadd.s32 v9, v7  }
0x293: {  	v5 =	vadd.s32 $0x2000, v5;
	_ =	sdelay $0x4  }
0x294: {  	v6 =	vand.u32 $0x3FFF, v6;
	v5 =	vld.idx.msk [tilespmem:v5+s5+$0x0], vm15;
	_ =	sdelay $0x4  }
0x295: {  	[tilespmem:v6+s6+$0x0] =	vst.idx.msk vm15, v5  }
.LBB2_46:
.Ltmp27:
0x296: {  	(pc) =	sbr.rel @p2 .LBB2_48-.Ltmp27, $3  }
0x297: {  	_ =	sdelay $0x1  }
0x298: {  	s13 =	sshll.u32 s13, $0x4  }
0x299: {  	s21 =	sadd.s32 s15, s13  }
0x29a: {  	s13 =	sshll.u32 s18, $0x11  }
0x29b: {  	s13 =	sadd.s32 $0x30000, s13  }
0x29c: {  	s15 =	sadd.s32 s7, s13  }
.Ltmp28:
0x29d: {  	s13 =	sadd.s32 s13, s8;
	s15 =	sshrl.u32 s15, $0x3;
	(pc) =	sbr.rel .LBB2_32-.Ltmp28, $4  }
0x29e: {  	s13 =	sshrl.u32 s13, $0x3;
	s15 =	sadd.s32 s3, s15  }
0x29f: {  	[tilespmem:s0], [sflag:$0x2] =	stream.strided.gather [hbm4b:s15+s31], $0x1000, s11, s31, $0x38;
	[tilespmem:$0x17400] =	vst v63  }
0x2a0: {  	s18 =	sadd.s32 $0x1, s18;
	s13 =	sadd.s32 s3, s13  }
0x2a1: {  	[tilespmem:s1], [sflag:$0x2] =	stream.strided.gather [hbm4b:s13+s31], $0x1000, s11, s31, $0x38;
	[tilespmem:$0x17400] =	vst v63  }
.LBB2_34:
.Ltmp29:
0x2a2: {  	(pc) =	sbr.rel .LBB2_38-.Ltmp29, $2  }
0x2a3: {  	_ =	sdelay $0x2  }
0x2a4: {  	s17 =	simm.s32 $0x0  }
.LBB2_41:
.Ltmp30:
0x2a5: {  	(pc) =	sbr.rel .LBB2_45-.Ltmp30, $2  }
0x2a6: {  	_ =	sdelay $0x2  }
0x2a7: {  	s17 =	simm.s32 $0x0  }
.LBB2_36:
.Ltmp31:
0x2a8: {  	(pc) =	sbr.rel .LBB2_38-.Ltmp31, $2  }
0x2a9: {  	_ =	sdelay $0x2  }
0x2aa: {  	s17 =	simm.s32 $0x0  }
.LBB2_43:
.Ltmp32:
0x2ab: {  	(pc) =	sbr.rel .LBB2_45-.Ltmp32, $2  }
0x2ac: {  	_ =	sdelay $0x2  }
0x2ad: {  	s17 =	simm.s32 $0x0  }
.LBB2_27:
0x2ae: {  	_ =	swait.ge [sflag:s28], $0x200  }
0x2af: {  	[sflag:s28] =	ssyncset.done $0x0  }
0x2b0: {  	[sflag:s28] =	ssyncadd.s32 $0xFFFFFE00  }
0x2b1: {  	v5 =	vld [tilespmem:$0xCFA0];
	_ =	sdelay $0x4  }
0x2b2: {  	(xrf0) =	vadd.scan.msk.s32 $0xffff, v5;
	_ =	sdelay $0x5  }
0x2b3: {  	v5, _, _ =	vpop (xrf0)  }
0x2b4: {  	(v2sf) =	vpush v5, $0xF;
	_ =	sdelay $0xe  }
0x2b5: {  	s13 =	spop (v2sf)  }
0x2b6: {  	s13 =	sadd.s32 $0xF, s13  }
0x2b7: {  	s15 =	sand.u32 $0xF, s13  }
0x2b8: {  	s25 =	sshra.s32 s13, $0x1F;
	p3 =	slt.s32 s13, $0x1;
	p2 =	sne.s32 s15, $0x0  }
0x2b9: {  	s15 =	sshrl.u32 s25, $0x1C;
	p2 =	por !p3, !p2  }
0x2ba: {  	s13 =	sadd.s32 s15, s13;
	s15 =	simm.s32 $0x1;
	p2 =	por !p2, !p2  }
0x2bb: {  	s13 =	sshra.s32 s13, $0x4;
	s15 =	simm.s32 @!p2 $0x0  }
0x2bc: {  	s16 =	ssub.s32 s13, s15  }
0x2bd: {  	p2 =	slt.s32 s16, $0x1  }
.Ltmp33:
0x2be: {  	_ = 	snop;
	(pc) =	sbr.rel @p2 .LBB2_52-.Ltmp33, $2  }
0x2bf: {  	_ =	sdelay $0x2  }
0x2c0: {  	s19 =	simm.s32 $0x3  }
0x2c1: {  	s13 =	sadd.s32 $0x8000, s21  }
0x2c2: {  	v9 =	vld [tilespmem:s13+$0x0];
	_ =	sdelay $0x4  }
0x2c3: {  	v6 =	vshra.s32 v9, $0x1F  }
0x2c4: {  	v6 =	vshrl.u32 v6, $0x12  }
0x2c5: {  	v6 =	vadd.s32 v6, v9  }
0x2c6: {  	v6 =	vshra.s32 v6, $0xE  }
0x2c7: {  	v7 =	vshll.u32 v6, $0xE  }
0x2c8: {  	vm0 =	vlt.s32 v9, $0x1;
	vm1 =	vne.s32 v9, v7  }
0x2c9: {  	vm0 =	vmand vm0, vm1  }
0x2ca: {  	v5 =	vbroadcast v5, $0xF;
	s15 =	simm.s32 $0x0;
	v7 =	vsel vm0, $0xFFFFFFFF, v1  }
0x2cb: {  	v8 =	vor.u32 s15, v3;
	v10 =	vadd.s32 v7, v6  }
0x2cc: {  	vm0 =	vlt.s32 v8, v5;
	vm1 =	vgt.s32 v10, $0x1FF  }
0x2cd: {  	v6 =	vshll.u32 v10, $0x4;
	vm2 =	vmand vm0, vm1  }
0x2ce: {  	vm1 =	vlt.s32 v10, $0x200;
	v7 =	vadd.s32 v0, v6  }
0x2cf: {  	vm3 =	vmand vm0, vm1;
	_ =	sdelay $0x1  }
0x2d0: {  	p2 =	seq.s32 s16, $0x1  }
.Ltmp34:
0x2d1: {  	_ = 	snop;
	(pc) =	sbr.rel @p2 .LBB2_30-.Ltmp34, $4  }
0x2d2: {  	v6 =	vld.idx.msk [tilespmem:v7+s24+$0x0], vm2  }
0x2d3: {  	v7 =	vld.idx.msk [tilespmem:v7+s12+$0x0], vm2  }
0x2d4: {  	v8 =	vld.idx.msk [tilespmem:v10+s5+$0x0], vm3  }
0x2d5: {  	s16 =	sadd.s32 $0xFFFFFFFF, s16;
	v9 =	vand.u32 $0x3FFF, v9  }
.LBB2_29:
0x2d6: {  	_ = 	snop  }
0x2d7: {  	p2 =	seq.s32 s16, $0x1;
	s13 =	sadd.s32 $0x10, s13;
	s15 =	sadd.s32 $0x10, s15  }
0x2d8: {  	s16 =	sadd.s32 $0xFFFFFFFF, s16;
	v6 =	vpsel p0, v7, v6  }
0x2d9: {  	v6 =	vsel vm1, v8, v6  }
0x2da: {  	[tilespmem:v9+s6+$0x0] =	vst.idx.msk vm0, v6  }
0x2db: {  	v9 =	vld [tilespmem:s13+$0x0];
	_ =	sdelay $0x4  }
0x2dc: {  	v6 =	vshra.s32 v9, $0x1F  }
0x2dd: {  	v6 =	vshrl.u32 v6, $0x12  }
0x2de: {  	v6 =	vadd.s32 v6, v9  }
0x2df: {  	v6 =	vshra.s32 v6, $0xE  }
0x2e0: {  	v7 =	vshll.u32 v6, $0xE  }
0x2e1: {  	vm0 =	vlt.s32 v9, $0x1;
	vm1 =	vne.s32 v9, v7  }
0x2e2: {  	vm0 =	vmand vm0, vm1  }
0x2e3: {  	v7 =	vsel vm0, $0xFFFFFFFF, v1  }
0x2e4: {  	v8 =	vor.u32 s15, v3;
	v10 =	vadd.s32 v7, v6  }
0x2e5: {  	vm0 =	vlt.s32 v8, v5;
	vm1 =	vgt.s32 v10, $0x1FF;
	v6 =	vshll.u32 v10, $0x4  }
0x2e6: {  	vm2 =	vmand vm0, vm1  }
0x2e7: {  	vm1 =	vlt.s32 v10, $0x200;
	v7 =	vadd.s32 v0, v6  }
0x2e8: {  	vm3 =	vmand vm0, vm1;
	_ =	sdelay $0x2  }
.Ltmp35:
0x2e9: {  	(pc) =	sbr.rel @!p2 .LBB2_29-.Ltmp35, $4  }
0x2ea: {  	v6 =	vld.idx.msk [tilespmem:v7+s24+$0x0], vm2  }
0x2eb: {  	v7 =	vld.idx.msk [tilespmem:v7+s12+$0x0], vm2  }
0x2ec: {  	v8 =	vld.idx.msk [tilespmem:v10+s5+$0x0], vm3  }
0x2ed: {  	v9 =	vand.u32 $0x3FFF, v9  }
.LBB2_30:
0x2ee: {  	_ = 	snop  }
.Ltmp36:
0x2ef: {  	_ = 	snop;
	(pc) =	sbr.rel .LBB2_52-.Ltmp36, $4  }
0x2f0: {  	_ = 	snop  }
0x2f1: {  	v5 =	vpsel p0, v7, v6  }
0x2f2: {  	v5 =	vsel vm1, v8, v5  }
0x2f3: {  	[tilespmem:v9+s6+$0x0] =	vst.idx.msk vm0, v5  }
.LBB2_48:
0x2f4: {  	_ =	swait.ge [sflag:s28], $0x200  }
0x2f5: {  	[sflag:s28] =	ssyncset.done $0x0  }
0x2f6: {  	[sflag:s28] =	ssyncadd.s32 $0xFFFFFE00  }
0x2f7: {  	v5 =	vld [tilespmem:$0xCFA0];
	_ =	sdelay $0x4  }
0x2f8: {  	(xrf0) =	vadd.scan.msk.s32 $0xffff, v5;
	_ =	sdelay $0x5  }
0x2f9: {  	v5, _, _ =	vpop (xrf0)  }
0x2fa: {  	(v2sf) =	vpush v5, $0xF;
	_ =	sdelay $0xe  }
0x2fb: {  	s13 =	spop (v2sf)  }
0x2fc: {  	s13 =	sadd.s32 $0xF, s13  }
0x2fd: {  	s15 =	sand.u32 $0xF, s13  }
0x2fe: {  	s25 =	sshra.s32 s13, $0x1F;
	p3 =	slt.s32 s13, $0x1;
	p2 =	sne.s32 s15, $0x0  }
0x2ff: {  	s15 =	sshrl.u32 s25, $0x1C;
	p2 =	por !p3, !p2  }
0x300: {  	s13 =	sadd.s32 s15, s13;
	s15 =	simm.s32 $0x1;
	p2 =	por !p2, !p2  }
0x301: {  	s13 =	sshra.s32 s13, $0x4;
	s15 =	simm.s32 @!p2 $0x0  }
0x302: {  	s16 =	ssub.s32 s13, s15  }
0x303: {  	p2 =	slt.s32 s16, $0x1  }
.Ltmp37:
0x304: {  	_ = 	snop;
	(pc) =	sbr.rel @p2 .LBB2_52-.Ltmp37, $2  }
0x305: {  	_ =	sdelay $0x2  }
0x306: {  	s19 =	simm.s32 $0x3  }
0x307: {  	s13 =	sadd.s32 $0x8000, s21  }
0x308: {  	v9 =	vld [tilespmem:s13+$0x0];
	_ =	sdelay $0x4  }
0x309: {  	v6 =	vshra.s32 v9, $0x1F  }
0x30a: {  	v6 =	vshrl.u32 v6, $0x12  }
0x30b: {  	v6 =	vadd.s32 v6, v9  }
0x30c: {  	v6 =	vshra.s32 v6, $0xE  }
0x30d: {  	v7 =	vshll.u32 v6, $0xE  }
0x30e: {  	vm0 =	vlt.s32 v9, $0x1;
	vm1 =	vne.s32 v9, v7  }
0x30f: {  	vm0 =	vmand vm0, vm1  }
0x310: {  	v5 =	vbroadcast v5, $0xF;
	s15 =	simm.s32 $0x0;
	v7 =	vsel vm0, $0xFFFFFFFF, v1  }
0x311: {  	v8 =	vor.u32 s15, v3;
	v10 =	vadd.s32 v7, v6  }
0x312: {  	vm0 =	vlt.s32 v8, v5;
	vm1 =	vgt.s32 v10, $0x1FF  }
0x313: {  	v6 =	vshll.u32 v10, $0x4;
	vm2 =	vmand vm0, vm1  }
0x314: {  	vm1 =	vlt.s32 v10, $0x200;
	v7 =	vadd.s32 v0, v6  }
0x315: {  	vm3 =	vmand vm0, vm1;
	_ =	sdelay $0x1  }
0x316: {  	p2 =	sne.s32 s16, $0x1  }
.Ltmp38:
0x317: {  	_ = 	snop;
	(pc) =	sbr.rel @!p2 .LBB2_51-.Ltmp38, $4  }
0x318: {  	v6 =	vld.idx.msk [tilespmem:v7+s24+$0x0], vm2  }
0x319: {  	v7 =	vld.idx.msk [tilespmem:v7+s12+$0x0], vm2  }
0x31a: {  	v8 =	vld.idx.msk [tilespmem:v10+s5+$0x0], vm3  }
0x31b: {  	s16 =	sadd.s32 $0xFFFFFFFF, s16;
	v9 =	vand.u32 $0x3FFF, v9  }
.LBB2_50:
0x31c: {  	_ = 	snop  }
0x31d: {  	p2 =	sne.s32 s16, $0x1;
	s13 =	sadd.s32 $0x10, s13;
	s15 =	sadd.s32 $0x10, s15  }
0x31e: {  	s16 =	sadd.s32 $0xFFFFFFFF, s16;
	v6 =	vpsel p0, v7, v6  }
0x31f: {  	v6 =	vsel vm1, v8, v6  }
0x320: {  	[tilespmem:v9+s6+$0x0] =	vst.idx.msk vm0, v6  }
0x321: {  	v9 =	vld [tilespmem:s13+$0x0];
	_ =	sdelay $0x4  }
0x322: {  	v6 =	vshra.s32 v9, $0x1F  }
0x323: {  	v6 =	vshrl.u32 v6, $0x12  }
0x324: {  	v6 =	vadd.s32 v6, v9  }
0x325: {  	v6 =	vshra.s32 v6, $0xE  }
0x326: {  	v7 =	vshll.u32 v6, $0xE  }
0x327: {  	vm0 =	vlt.s32 v9, $0x1;
	vm1 =	vne.s32 v9, v7  }
0x328: {  	vm0 =	vmand vm0, vm1  }
0x329: {  	v7 =	vsel vm0, $0xFFFFFFFF, v1  }
0x32a: {  	v8 =	vor.u32 s15, v3;
	v10 =	vadd.s32 v7, v6  }
0x32b: {  	vm0 =	vlt.s32 v8, v5;
	vm1 =	vgt.s32 v10, $0x1FF;
	v6 =	vshll.u32 v10, $0x4  }
0x32c: {  	vm2 =	vmand vm0, vm1  }
0x32d: {  	vm1 =	vlt.s32 v10, $0x200;
	v7 =	vadd.s32 v0, v6  }
0x32e: {  	vm3 =	vmand vm0, vm1;
	_ =	sdelay $0x2  }
.Ltmp39:
0x32f: {  	(pc) =	sbr.rel @p2 .LBB2_50-.Ltmp39, $4  }
0x330: {  	v6 =	vld.idx.msk [tilespmem:v7+s24+$0x0], vm2  }
0x331: {  	v7 =	vld.idx.msk [tilespmem:v7+s12+$0x0], vm2  }
0x332: {  	v8 =	vld.idx.msk [tilespmem:v10+s5+$0x0], vm3  }
0x333: {  	v9 =	vand.u32 $0x3FFF, v9  }
.LBB2_51:
0x334: {  	_ =	sdelay $0x2  }
0x335: {  	v5 =	vpsel p0, v7, v6  }
0x336: {  	v5 =	vsel vm1, v8, v5  }
0x337: {  	[tilespmem:v9+s6+$0x0] =	vst.idx.msk vm0, v5  }
.LBB2_52:
0x338: {  	s13 =	simm.s32 $0x0;
	s15 =	rddreg [dreg:$0x8]  }
0x339: {  	[spmem:s15] =	stream.linear.scatter [tilespmem:s13], [sflag:$0x3], $0x4000, $0x38;
	[tilespmem:$0x17400] =	vst v63  }
0x33a: {  	_ =	swait.ge [sflag:s19], $0x4000  }
0x33b: {  	[sflag:s19] =	ssyncset.done $0x0  }
0x33c: {  	[sflag:s19] =	ssyncadd.s32 $0xFFFFC000  }
0x33d: {  	s13 =	simm.s32 $0x40;
	s15 =	simm.s32 $0x0;
	[bflag:$0x0] =	sbarrier.arrive $0xFFFF  }
.LBB2_53:
0x33e: {  	p2 =	sne.s32 s13, $0xFC0;
	[tilespmem:s15+$0x12800] =	vst v4;
	s15 =	smov.u32 s13;
	s13 =	sadd.s32 $0x40, s13  }
.Ltmp40:
0x33f: {  	(pc) =	sbr.rel @p2 .LBB2_53-.Ltmp40, $2  }
0x340: {  	_ =	sdelay $0x2  }
0x341: {  	s15 =	sshra.s32 s15, $0x2  }
0x342: {  	s13 =	rddreg [dreg:$0x9]  }
0x343: {  	[tilespmem:s15+$0x12800] =	vst v4;
	s20 =	simm.s32 $0x11800;
	s22 =	sld [smem:$0x78E]  }
0x344: {  	[tilespmem:s20], [sflag:$0x1] =	stream.linear.gather [spmem:s13], $0x80, $0x38;
	[tilespmem:$0x17400] =	vst v63  }
0x345: {  	s21 =	simm.s32 $0x11900;
	s23 =	sld [smem:$0x78F]  }
0x346: {  	[tilespmem:s21], [sflag:$0x1] =	stream.linear.gather [spmem:s22], $0x80, $0x38;
	[tilespmem:$0x17400] =	vst v63  }
0x347: {  	s25 =	simm.s32 $0x11A00;
	s16 =	sld [smem:$0x790]  }
0x348: {  	[tilespmem:s25], [sflag:$0x1] =	stream.linear.gather [spmem:s23], $0x80, $0x38;
	[tilespmem:$0x17400] =	vst v63  }
0x349: {  	s17 =	simm.s32 $0x11B00;
	s18 =	sld [smem:$0x791]  }
0x34a: {  	[tilespmem:s17], [sflag:$0x1] =	stream.linear.gather [spmem:s16], $0x80, $0x38;
	[tilespmem:$0x17400] =	vst v63  }
0x34b: {  	s22 =	simm.s32 $0x11C00;
	s23 =	sld [smem:$0x792]  }
0x34c: {  	[tilespmem:s22], [sflag:$0x1] =	stream.linear.gather [spmem:s18], $0x80, $0x38;
	[tilespmem:$0x17400] =	vst v63  }
0x34d: {  	s25 =	simm.s32 $0x11D00;
	s16 =	sld [smem:$0x793]  }
0x34e: {  	[tilespmem:s25], [sflag:$0x1] =	stream.linear.gather [spmem:s23], $0x80, $0x38;
	[tilespmem:$0x17400] =	vst v63  }
0x34f: {  	s17 =	simm.s32 $0x11E00;
	s18 =	sld [smem:$0x794]  }
0x350: {  	[tilespmem:s17], [sflag:$0x1] =	stream.linear.gather [spmem:s16], $0x80, $0x38;
	[tilespmem:$0x17400] =	vst v63  }
0x351: {  	s22 =	simm.s32 $0x11F00;
	s23 =	rddreg [dreg:$0x18]  }
0x352: {  	[tilespmem:s22], [sflag:$0x1] =	stream.linear.gather [spmem:s18], $0x80, $0x38;
	[tilespmem:$0x17400] =	vst v63  }
0x353: {  	s25 =	simm.s32 $0x12000;
	s16 =	sld [smem:$0x795]  }
0x354: {  	[tilespmem:s25], [sflag:$0x2] =	stream.linear.gather [spmem:s23], $0x80, $0x38;
	[tilespmem:$0x17400] =	vst v63  }
0x355: {  	s17 =	simm.s32 $0x12100;
	s18 =	sld [smem:$0x796]  }
0x356: {  	[tilespmem:s17], [sflag:$0x2] =	stream.linear.gather [spmem:s16], $0x80, $0x38;
	[tilespmem:$0x17400] =	vst v63  }
0x357: {  	s22 =	simm.s32 $0x12200;
	s23 =	sld [smem:$0x797]  }
0x358: {  	[tilespmem:s22], [sflag:$0x2] =	stream.linear.gather [spmem:s18], $0x80, $0x38;
	[tilespmem:$0x17400] =	vst v63  }
0x359: {  	s25 =	simm.s32 $0x12300;
	s16 =	sld [smem:$0x798]  }
0x35a: {  	[tilespmem:s25], [sflag:$0x2] =	stream.linear.gather [spmem:s23], $0x80, $0x38;
	[tilespmem:$0x17400] =	vst v63  }
0x35b: {  	s17 =	simm.s32 $0x12400;
	s18 =	sld [smem:$0x799]  }
0x35c: {  	[tilespmem:s17], [sflag:$0x2] =	stream.linear.gather [spmem:s16], $0x80, $0x38;
	[tilespmem:$0x17400] =	vst v63  }
0x35d: {  	s22 =	simm.s32 $0x12500;
	s23 =	sld [smem:$0x79A]  }
0x35e: {  	[tilespmem:s22], [sflag:$0x2] =	stream.linear.gather [spmem:s18], $0x80, $0x38;
	[tilespmem:$0x17400] =	vst v63  }
0x35f: {  	s25 =	simm.s32 $0x12600;
	s16 =	sld [smem:$0x79B]  }
0x360: {  	[tilespmem:s25], [sflag:$0x2] =	stream.linear.gather [spmem:s23], $0x80, $0x38;
	[tilespmem:$0x17400] =	vst v63  }
0x361: {  	s17 =	simm.s32 $0x12700;
	s18 =	rddreg [dreg:$0x19]  }
0x362: {  	[tilespmem:s17], [sflag:$0x2] =	stream.linear.gather [spmem:s16], $0x80, $0x38;
	[tilespmem:$0x17400] =	vst v63  }
0x363: {  	s22 =	simm.s32 $0x11880;
	s23 =	sld [smem:$0x79C]  }
0x364: {  	[tilespmem:s22], [sflag:$0x1] =	stream.linear.gather [spmem:s18], $0x80, $0x38;
	[tilespmem:$0x17400] =	vst v63  }
0x365: {  	s25 =	simm.s32 $0x11980;
	s16 =	sld [smem:$0x79D]  }
0x366: {  	[tilespmem:s25], [sflag:$0x1] =	stream.linear.gather [spmem:s23], $0x80, $0x38;
	[tilespmem:$0x17400] =	vst v63  }
0x367: {  	s17 =	simm.s32 $0x11A80;
	s18 =	sld [smem:$0x79E]  }
0x368: {  	[tilespmem:s17], [sflag:$0x1] =	stream.linear.gather [spmem:s16], $0x80, $0x38;
	[tilespmem:$0x17400] =	vst v63  }
0x369: {  	s22 =	simm.s32 $0x11B80;
	s23 =	sld [smem:$0x79F]  }
0x36a: {  	[tilespmem:s22], [sflag:$0x1] =	stream.linear.gather [spmem:s18], $0x80, $0x38;
	[tilespmem:$0x17400] =	vst v63  }
0x36b: {  	s25 =	simm.s32 $0x11C80;
	s16 =	sld [smem:$0x7A0]  }
0x36c: {  	[tilespmem:s25], [sflag:$0x1] =	stream.linear.gather [spmem:s23], $0x80, $0x38;
	[tilespmem:$0x17400] =	vst v63  }
0x36d: {  	s17 =	simm.s32 $0x11D80;
	s18 =	sld [smem:$0x7A1]  }
0x36e: {  	[tilespmem:s17], [sflag:$0x1] =	stream.linear.gather [spmem:s16], $0x80, $0x38;
	[tilespmem:$0x17400] =	vst v63  }
0x36f: {  	s22 =	simm.s32 $0x11E80;
	s23 =	sld [smem:$0x7A2]  }
0x370: {  	[tilespmem:s22], [sflag:$0x1] =	stream.linear.gather [spmem:s18], $0x80, $0x38;
	[tilespmem:$0x17400] =	vst v63  }
0x371: {  	s25 =	simm.s32 $0x11F80;
	s16 =	rddreg [dreg:$0x1a]  }
0x372: {  	[tilespmem:s25], [sflag:$0x1] =	stream.linear.gather [spmem:s23], $0x80, $0x38;
	[tilespmem:$0x17400] =	vst v63  }
0x373: {  	s17 =	simm.s32 $0x12080;
	s18 =	sld [smem:$0x7A3]  }
0x374: {  	[tilespmem:s17], [sflag:$0x2] =	stream.linear.gather [spmem:s16], $0x80, $0x38;
	[tilespmem:$0x17400] =	vst v63  }
0x375: {  	s22 =	simm.s32 $0x12180;
	s23 =	sld [smem:$0x7A4]  }
0x376: {  	[tilespmem:s22], [sflag:$0x2] =	stream.linear.gather [spmem:s18], $0x80, $0x38;
	[tilespmem:$0x17400] =	vst v63  }
0x377: {  	s25 =	simm.s32 $0x12280;
	s16 =	sld [smem:$0x7A5]  }
0x378: {  	[tilespmem:s25], [sflag:$0x2] =	stream.linear.gather [spmem:s23], $0x80, $0x38;
	[tilespmem:$0x17400] =	vst v63  }
0x379: {  	s17 =	simm.s32 $0x12380;
	s18 =	sld [smem:$0x7A6]  }
0x37a: {  	[tilespmem:s17], [sflag:$0x2] =	stream.linear.gather [spmem:s16], $0x80, $0x38;
	[tilespmem:$0x17400] =	vst v63  }
0x37b: {  	s22 =	simm.s32 $0x12480;
	s23 =	sld [smem:$0x7A7]  }
0x37c: {  	[tilespmem:s22], [sflag:$0x2] =	stream.linear.gather [spmem:s18], $0x80, $0x38;
	[tilespmem:$0x17400] =	vst v63  }
0x37d: {  	s25 =	simm.s32 $0x12580;
	s16 =	sld [smem:$0x7A8]  }
0x37e: {  	[tilespmem:s25], [sflag:$0x2] =	stream.linear.gather [spmem:s23], $0x80, $0x38;
	[tilespmem:$0x17400] =	vst v63  }
0x37f: {  	s17 =	simm.s32 $0x12680;
	s18 =	sld [smem:$0x7A9]  }
0x380: {  	[tilespmem:s17], [sflag:$0x2] =	stream.linear.gather [spmem:s16], $0x80, $0x38;
	[tilespmem:$0x17400] =	vst v63  }
0x381: {  	s22 =	simm.s32 $0x12780  }
0x382: {  	[tilespmem:s22], [sflag:$0x2] =	stream.linear.gather [spmem:s18], $0x80, $0x38;
	[tilespmem:$0x17400] =	vst v63  }
0x383: {  	_ =	swait.ge [sflag:s28], $0x400  }
0x384: {  	[sflag:s28] =	ssyncset.done $0x0  }
0x385: {  	[sflag:s28] =	ssyncadd.s32 $0xFFFFFC00  }
0x386: {  	s23 =	simm.s32 $0x0;
	_ =	swait.ge [sflag:s4], $0x400  }
0x387: {  	s25 =	sand.u32 $0x70, s23;
	s13 =	sand.u32 $0x700, s23;
	[sflag:s4] =	ssyncset.done $0x0  }
0x388: {  	s13 =	sor.u32 s25, s13;
	[sflag:s4] =	ssyncadd.s32 $0xFFFFFC00  }
0x389: {  	v5 =	vld [tilespmem:s13+$0x12000]  }
0x38a: {  	v6 =	vld [tilespmem:s13+$0x11800]  }
0x38b: {  	s13 =	simm.s32 $0x12800  }
0x38c: {  	v7 =	vld [tilespmem:s13+$0x0];
	_ =	sdelay $0x2  }
0x38d: {  	v5 =	vmul.f32 v5, v6;
	_ =	sdelay $0x1  }
0x38e: {  	s15 =	simm.s32 $0x20;
	s16 =	simm.s32 $0x10;
	v5 =	vadd.f32 v5, v7  }
0x38f: {  	s17 =	sand.u32 $0x700, s15;
	s16 =	sand.u32 $0x70, s16  }
0x390: {  	s17 =	sor.u32 s16, s17;
	s16 =	simm.s32 $0x20;
	[tilespmem:s13+$0x0] =	vst v5  }
.LBB2_55:
0x391: {  	p2 =	sne.s32 s16, $0x3F0;
	v5 =	vld [tilespmem:s17+$0x12000]  }
0x392: {  	v6 =	vld [tilespmem:s17+$0x11800]  }
0x393: {  	s13 =	sadd.s32 $0x10, s13  }
0x394: {  	v7 =	vld [tilespmem:s13+$0x0];
	_ =	sdelay $0x2  }
.Ltmp41:
0x395: {  	v5 =	vmul.f32 v5, v6;
	(pc) =	sbr.rel @p2 .LBB2_55-.Ltmp41, $4  }
0x396: {  	_ = 	snop  }
0x397: {  	s15 =	sadd.s32 $0x20, s15;
	v5 =	vadd.f32 v5, v7  }
0x398: {  	s17 =	sand.u32 $0x70, s16;
	s18 =	sand.u32 $0x700, s15  }
0x399: {  	s16 =	sadd.s32 $0x10, s16;
	s17 =	sor.u32 s17, s18;
	[tilespmem:s13+$0x0] =	vst v5  }
0x39a: {  	v5 =	vld [tilespmem:s17+$0x12000]  }
0x39b: {  	v6 =	vld [tilespmem:s17+$0x11800]  }
0x39c: {  	s13 =	sadd.s32 $0x10, s13  }
0x39d: {  	v7 =	vld [tilespmem:s13+$0x0];
	_ =	sdelay $0x2  }
0x39e: {  	v5 =	vmul.f32 v5, v6;
	_ =	sdelay $0x1  }
0x39f: {  	v5 =	vadd.f32 v5, v7  }
0x3a0: {  	s15 =	rddreg [dreg:$0x1b]  }
0x3a1: {  	s16 =	sld [smem:$0x7AA];
	[tilespmem:s13+$0x0] =	vst v5  }
0x3a2: {  	[tilespmem:s20], [sflag:$0x1] =	stream.linear.gather [spmem:s15], $0x80, $0x38;
	[tilespmem:$0x17400] =	vst v63  }
0x3a3: {  	s17 =	sld [smem:$0x7AB]  }
0x3a4: {  	[tilespmem:s21], [sflag:$0x1] =	stream.linear.gather [spmem:s16], $0x80, $0x38;
	[tilespmem:$0x17400] =	vst v63  }
0x3a5: {  	s18 =	sld [smem:$0x7AC];
	s15 =	simm.s32 $0x11A00  }
0x3a6: {  	[tilespmem:s15], [sflag:$0x1] =	stream.linear.gather [spmem:s17], $0x80, $0x38;
	[tilespmem:$0x17400] =	vst v63  }
0x3a7: {  	s22 =	simm.s32 $0x11B00;
	s23 =	sld [smem:$0x7AD]  }
0x3a8: {  	[tilespmem:s22], [sflag:$0x1] =	stream.linear.gather [spmem:s18], $0x80, $0x38;
	[tilespmem:$0x17400] =	vst v63  }
0x3a9: {  	s25 =	simm.s32 $0x11C00;
	s16 =	sld [smem:$0x7AE]  }
0x3aa: {  	[tilespmem:s25], [sflag:$0x1] =	stream.linear.gather [spmem:s23], $0x80, $0x38;
	[tilespmem:$0x17400] =	vst v63  }
0x3ab: {  	s17 =	simm.s32 $0x11D00;
	s18 =	sld [smem:$0x7AF]  }
0x3ac: {  	[tilespmem:s17], [sflag:$0x1] =	stream.linear.gather [spmem:s16], $0x80, $0x38;
	[tilespmem:$0x17400] =	vst v63  }
0x3ad: {  	s22 =	simm.s32 $0x11E00;
	s23 =	sld [smem:$0x7B0]  }
0x3ae: {  	[tilespmem:s22], [sflag:$0x1] =	stream.linear.gather [spmem:s18], $0x80, $0x38;
	[tilespmem:$0x17400] =	vst v63  }
0x3af: {  	s25 =	simm.s32 $0x11F00;
	s16 =	rddreg [dreg:$0x1c]  }
0x3b0: {  	[tilespmem:s25], [sflag:$0x1] =	stream.linear.gather [spmem:s23], $0x80, $0x38;
	[tilespmem:$0x17400] =	vst v63  }
0x3b1: {  	s17 =	simm.s32 $0x12000;
	s18 =	sld [smem:$0x7B1]  }
0x3b2: {  	[tilespmem:s17], [sflag:$0x2] =	stream.linear.gather [spmem:s16], $0x80, $0x38;
	[tilespmem:$0x17400] =	vst v63  }
0x3b3: {  	s22 =	simm.s32 $0x12100;
	s23 =	sld [smem:$0x7B2]  }
0x3b4: {  	[tilespmem:s22], [sflag:$0x2] =	stream.linear.gather [spmem:s18], $0x80, $0x38;
	[tilespmem:$0x17400] =	vst v63  }
0x3b5: {  	s25 =	simm.s32 $0x12200;
	s16 =	sld [smem:$0x7B3]  }
0x3b6: {  	[tilespmem:s25], [sflag:$0x2] =	stream.linear.gather [spmem:s23], $0x80, $0x38;
	[tilespmem:$0x17400] =	vst v63  }
0x3b7: {  	s17 =	simm.s32 $0x12300;
	s18 =	sld [smem:$0x7B4]  }
0x3b8: {  	[tilespmem:s17], [sflag:$0x2] =	stream.linear.gather [spmem:s16], $0x80, $0x38;
	[tilespmem:$0x17400] =	vst v63  }
0x3b9: {  	s22 =	simm.s32 $0x12400;
	s23 =	sld [smem:$0x7B5]  }
0x3ba: {  	[tilespmem:s22], [sflag:$0x2] =	stream.linear.gather [spmem:s18], $0x80, $0x38;
	[tilespmem:$0x17400] =	vst v63  }
0x3bb: {  	s15 =	sld [smem:$0x7B6];
	s25 =	simm.s32 $0x12500  }
0x3bc: {  	[tilespmem:s25], [sflag:$0x2] =	stream.linear.gather [spmem:s23], $0x80, $0x38;
	[tilespmem:$0x17400] =	vst v63  }
0x3bd: {  	s16 =	simm.s32 $0x12600;
	s17 =	sld [smem:$0x7B7]  }
0x3be: {  	[tilespmem:s16], [sflag:$0x2] =	stream.linear.gather [spmem:s15], $0x80, $0x38;
	[tilespmem:$0x17400] =	vst v63  }
0x3bf: {  	s18 =	simm.s32 $0x12700  }
0x3c0: {  	[tilespmem:s18], [sflag:$0x2] =	stream.linear.gather [spmem:s17], $0x80, $0x38;
	[tilespmem:$0x17400] =	vst v63  }
0x3c1: {  	_ =	swait.ge [sflag:s28], $0x400  }
0x3c2: {  	[sflag:s28] =	ssyncset.done $0x0  }
0x3c3: {  	[sflag:s28] =	ssyncadd.s32 $0xFFFFFC00  }
0x3c4: {  	s22 =	simm.s32 $0x0;
	_ =	swait.ge [sflag:s4], $0x400  }
0x3c5: {  	s13 =	sand.u32 $0x700, s22;
	s23 =	sand.u32 $0x70, s22;
	[sflag:s4] =	ssyncset.done $0x0  }
0x3c6: {  	s13 =	sor.u32 s13, s23;
	[sflag:s4] =	ssyncadd.s32 $0xFFFFFC00  }
0x3c7: {  	v5 =	vld [tilespmem:s13+$0x12080]  }
0x3c8: {  	v6 =	vld [tilespmem:s13+$0x11880]  }
0x3c9: {  	s13 =	simm.s32 $0x12800  }
0x3ca: {  	v7 =	vld [tilespmem:s13+$0x0];
	_ =	sdelay $0x2  }
0x3cb: {  	v5 =	vmul.f32 v5, v6;
	_ =	sdelay $0x1  }
0x3cc: {  	s16 =	simm.s32 $0x10;
	s15 =	simm.s32 $0x20;
	v5 =	vadd.f32 v5, v7  }
0x3cd: {  	s16 =	sand.u32 $0x70, s16;
	s25 =	sand.u32 $0x700, s15  }
0x3ce: {  	s17 =	sor.u32 s25, s16;
	s16 =	simm.s32 $0x20;
	[tilespmem:s13+$0x0] =	vst v5  }
.LBB2_57:
0x3cf: {  	p2 =	sne.s32 s16, $0x3F0;
	v5 =	vld [tilespmem:s17+$0x12080]  }
0x3d0: {  	v6 =	vld [tilespmem:s17+$0x11880]  }
0x3d1: {  	s13 =	sadd.s32 $0x10, s13  }
0x3d2: {  	v7 =	vld [tilespmem:s13+$0x0];
	_ =	sdelay $0x2  }
.Ltmp42:
0x3d3: {  	v5 =	vmul.f32 v5, v6;
	(pc) =	sbr.rel @p2 .LBB2_57-.Ltmp42, $4  }
0x3d4: {  	_ = 	snop  }
0x3d5: {  	s15 =	sadd.s32 $0x20, s15;
	v5 =	vadd.f32 v5, v7  }
0x3d6: {  	s17 =	sand.u32 $0x70, s16;
	s18 =	sand.u32 $0x700, s15  }
0x3d7: {  	s16 =	sadd.s32 $0x10, s16;
	s17 =	sor.u32 s18, s17;
	[tilespmem:s13+$0x0] =	vst v5  }
0x3d8: {  	v5 =	vld [tilespmem:s17+$0x12080]  }
0x3d9: {  	v6 =	vld [tilespmem:s17+$0x11880]  }
0x3da: {  	s13 =	sadd.s32 $0x10, s13  }
0x3db: {  	v7 =	vld [tilespmem:s13+$0x0];
	_ =	sdelay $0x2  }
0x3dc: {  	v5 =	vmul.f32 v5, v6;
	_ =	sdelay $0x1  }
0x3dd: {  	v5 =	vadd.f32 v5, v7  }
0x3de: {  	s22 =	rddreg [dreg:$0x1d]  }
0x3df: {  	s15 =	simm.s32 $0x11880;
	s23 =	sld [smem:$0x7B8];
	[tilespmem:s13+$0x0] =	vst v5  }
0x3e0: {  	[tilespmem:s15], [sflag:$0x1] =	stream.linear.gather [spmem:s22], $0x80, $0x38;
	[tilespmem:$0x17400] =	vst v63  }
0x3e1: {  	s25 =	simm.s32 $0x11980;
	s16 =	sld [smem:$0x7B9]  }
0x3e2: {  	[tilespmem:s25], [sflag:$0x1] =	stream.linear.gather [spmem:s23], $0x80, $0x38;
	[tilespmem:$0x17400] =	vst v63  }
0x3e3: {  	s17 =	simm.s32 $0x11A80;
	s18 =	sld [smem:$0x7BA]  }
0x3e4: {  	[tilespmem:s17], [sflag:$0x1] =	stream.linear.gather [spmem:s16], $0x80, $0x38;
	[tilespmem:$0x17400] =	vst v63  }
0x3e5: {  	s22 =	simm.s32 $0x11B80;
	s23 =	sld [smem:$0x7BB]  }
0x3e6: {  	[tilespmem:s22], [sflag:$0x1] =	stream.linear.gather [spmem:s18], $0x80, $0x38;
	[tilespmem:$0x17400] =	vst v63  }
0x3e7: {  	s25 =	simm.s32 $0x11C80;
	s16 =	sld [smem:$0x7BC]  }
0x3e8: {  	[tilespmem:s25], [sflag:$0x1] =	stream.linear.gather [spmem:s23], $0x80, $0x38;
	[tilespmem:$0x17400] =	vst v63  }
0x3e9: {  	s17 =	simm.s32 $0x11D80;
	s18 =	sld [smem:$0x7BD]  }
0x3ea: {  	[tilespmem:s17], [sflag:$0x1] =	stream.linear.gather [spmem:s16], $0x80, $0x38;
	[tilespmem:$0x17400] =	vst v63  }
0x3eb: {  	s22 =	simm.s32 $0x11E80;
	s23 =	sld [smem:$0x7BE]  }
0x3ec: {  	[tilespmem:s22], [sflag:$0x1] =	stream.linear.gather [spmem:s18], $0x80, $0x38;
	[tilespmem:$0x17400] =	vst v63  }
0x3ed: {  	s25 =	simm.s32 $0x11F80;
	s16 =	rddreg [dreg:$0x1e]  }
0x3ee: {  	[tilespmem:s25], [sflag:$0x1] =	stream.linear.gather [spmem:s23], $0x80, $0x38;
	[tilespmem:$0x17400] =	vst v63  }
0x3ef: {  	s17 =	simm.s32 $0x12080;
	s18 =	sld [smem:$0x7BF]  }
0x3f0: {  	[tilespmem:s17], [sflag:$0x2] =	stream.linear.gather [spmem:s16], $0x80, $0x38;
	[tilespmem:$0x17400] =	vst v63  }
0x3f1: {  	s22 =	simm.s32 $0x12180;
	s23 =	sld [smem:$0x7C0]  }
0x3f2: {  	[tilespmem:s22], [sflag:$0x2] =	stream.linear.gather [spmem:s18], $0x80, $0x38;
	[tilespmem:$0x17400] =	vst v63  }
0x3f3: {  	s25 =	simm.s32 $0x12280;
	s16 =	sld [smem:$0x7C1]  }
0x3f4: {  	[tilespmem:s25], [sflag:$0x2] =	stream.linear.gather [spmem:s23], $0x80, $0x38;
	[tilespmem:$0x17400] =	vst v63  }
0x3f5: {  	s17 =	simm.s32 $0x12380;
	s18 =	sld [smem:$0x7C2]  }
0x3f6: {  	[tilespmem:s17], [sflag:$0x2] =	stream.linear.gather [spmem:s16], $0x80, $0x38;
	[tilespmem:$0x17400] =	vst v63  }
0x3f7: {  	s22 =	simm.s32 $0x12480;
	s23 =	sld [smem:$0x7C3]  }
0x3f8: {  	[tilespmem:s22], [sflag:$0x2] =	stream.linear.gather [spmem:s18], $0x80, $0x38;
	[tilespmem:$0x17400] =	vst v63  }
0x3f9: {  	s15 =	sld [smem:$0x7C4];
	s25 =	simm.s32 $0x12580  }
0x3fa: {  	[tilespmem:s25], [sflag:$0x2] =	stream.linear.gather [spmem:s23], $0x80, $0x38;
	[tilespmem:$0x17400] =	vst v63  }
0x3fb: {  	s16 =	simm.s32 $0x12680;
	s17 =	sld [smem:$0x7C5]  }
0x3fc: {  	[tilespmem:s16], [sflag:$0x2] =	stream.linear.gather [spmem:s15], $0x80, $0x38;
	[tilespmem:$0x17400] =	vst v63  }
0x3fd: {  	s18 =	simm.s32 $0x12780  }
0x3fe: {  	[tilespmem:s18], [sflag:$0x2] =	stream.linear.gather [spmem:s17], $0x80, $0x38;
	[tilespmem:$0x17400] =	vst v63  }
0x3ff: {  	_ =	swait.ge [sflag:s28], $0x400  }
0x400: {  	[sflag:s28] =	ssyncset.done $0x0  }
0x401: {  	[sflag:s28] =	ssyncadd.s32 $0xFFFFFC00  }
0x402: {  	s22 =	simm.s32 $0x0;
	_ =	swait.ge [sflag:s4], $0x400  }
0x403: {  	s13 =	sand.u32 $0x700, s22;
	s23 =	sand.u32 $0x70, s22;
	[sflag:s4] =	ssyncset.done $0x0  }
0x404: {  	s13 =	sor.u32 s23, s13;
	[sflag:s4] =	ssyncadd.s32 $0xFFFFFC00  }
0x405: {  	v5 =	vld [tilespmem:s13+$0x12000]  }
0x406: {  	v6 =	vld [tilespmem:s13+$0x11800]  }
0x407: {  	s13 =	simm.s32 $0x12800  }
0x408: {  	v7 =	vld [tilespmem:s13+$0x0];
	_ =	sdelay $0x2  }
0x409: {  	v5 =	vmul.f32 v5, v6;
	_ =	sdelay $0x1  }
0x40a: {  	s16 =	simm.s32 $0x10;
	s15 =	simm.s32 $0x20;
	v5 =	vadd.f32 v5, v7  }
0x40b: {  	s16 =	sand.u32 $0x70, s16;
	s25 =	sand.u32 $0x700, s15  }
0x40c: {  	s17 =	sor.u32 s16, s25;
	s16 =	simm.s32 $0x20;
	[tilespmem:s13+$0x0] =	vst v5  }
.LBB2_59:
0x40d: {  	p2 =	sne.s32 s16, $0x3F0;
	v5 =	vld [tilespmem:s17+$0x12000]  }
0x40e: {  	v6 =	vld [tilespmem:s17+$0x11800]  }
0x40f: {  	s13 =	sadd.s32 $0x10, s13  }
0x410: {  	v7 =	vld [tilespmem:s13+$0x0];
	_ =	sdelay $0x2  }
.Ltmp43:
0x411: {  	v5 =	vmul.f32 v5, v6;
	(pc) =	sbr.rel @p2 .LBB2_59-.Ltmp43, $4  }
0x412: {  	_ = 	snop  }
0x413: {  	s15 =	sadd.s32 $0x20, s15;
	v5 =	vadd.f32 v5, v7  }
0x414: {  	s17 =	sand.u32 $0x70, s16;
	s18 =	sand.u32 $0x700, s15  }
0x415: {  	s16 =	sadd.s32 $0x10, s16;
	s17 =	sor.u32 s17, s18;
	[tilespmem:s13+$0x0] =	vst v5  }
0x416: {  	v5 =	vld [tilespmem:s17+$0x12000]  }
0x417: {  	v6 =	vld [tilespmem:s17+$0x11800]  }
0x418: {  	s13 =	sadd.s32 $0x10, s13  }
0x419: {  	v7 =	vld [tilespmem:s13+$0x0];
	_ =	sdelay $0x2  }
0x41a: {  	v5 =	vmul.f32 v5, v6;
	_ =	sdelay $0x1  }
0x41b: {  	v5 =	vadd.f32 v5, v7  }
0x41c: {  	s15 =	rddreg [dreg:$0x1f]  }
0x41d: {  	s16 =	sld [smem:$0x7C6];
	[tilespmem:s13+$0x0] =	vst v5  }
0x41e: {  	[tilespmem:s20], [sflag:$0x1] =	stream.linear.gather [spmem:s15], $0x80, $0x38;
	[tilespmem:$0x17400] =	vst v63  }
0x41f: {  	s17 =	sld [smem:$0x7C7]  }
0x420: {  	[tilespmem:s21], [sflag:$0x1] =	stream.linear.gather [spmem:s16], $0x80, $0x38;
	[tilespmem:$0x17400] =	vst v63  }
0x421: {  	s18 =	sld [smem:$0x7C8];
	s15 =	simm.s32 $0x11A00  }
0x422: {  	[tilespmem:s15], [sflag:$0x1] =	stream.linear.gather [spmem:s17], $0x80, $0x38;
	[tilespmem:$0x17400] =	vst v63  }
0x423: {  	s22 =	simm.s32 $0x11B00;
	s23 =	sld [smem:$0x7C9]  }
0x424: {  	[tilespmem:s22], [sflag:$0x1] =	stream.linear.gather [spmem:s18], $0x80, $0x38;
	[tilespmem:$0x17400] =	vst v63  }
0x425: {  	s25 =	simm.s32 $0x11C00;
	s16 =	sld [smem:$0x7CA]  }
0x426: {  	[tilespmem:s25], [sflag:$0x1] =	stream.linear.gather [spmem:s23], $0x80, $0x38;
	[tilespmem:$0x17400] =	vst v63  }
0x427: {  	s17 =	simm.s32 $0x11D00;
	s18 =	sld [smem:$0x7CB]  }
0x428: {  	[tilespmem:s17], [sflag:$0x1] =	stream.linear.gather [spmem:s16], $0x80, $0x38;
	[tilespmem:$0x17400] =	vst v63  }
0x429: {  	s22 =	simm.s32 $0x11E00;
	s23 =	sld [smem:$0x7CC]  }
0x42a: {  	[tilespmem:s22], [sflag:$0x1] =	stream.linear.gather [spmem:s18], $0x80, $0x38;
	[tilespmem:$0x17400] =	vst v63  }
0x42b: {  	s25 =	simm.s32 $0x11F00;
	s16 =	sld [smem:$0x787]  }
0x42c: {  	[tilespmem:s25], [sflag:$0x1] =	stream.linear.gather [spmem:s23], $0x80, $0x38;
	[tilespmem:$0x17400] =	vst v63  }
0x42d: {  	s17 =	simm.s32 $0x12000;
	s18 =	sld [smem:$0x7CD]  }
0x42e: {  	[tilespmem:s17], [sflag:$0x2] =	stream.linear.gather [spmem:s16], $0x80, $0x38;
	[tilespmem:$0x17400] =	vst v63  }
0x42f: {  	s22 =	simm.s32 $0x12100;
	s23 =	sld [smem:$0x7CE]  }
0x430: {  	[tilespmem:s22], [sflag:$0x2] =	stream.linear.gather [spmem:s18], $0x80, $0x38;
	[tilespmem:$0x17400] =	vst v63  }
0x431: {  	s25 =	simm.s32 $0x12200;
	s16 =	sld [smem:$0x7CF]  }
0x432: {  	[tilespmem:s25], [sflag:$0x2] =	stream.linear.gather [spmem:s23], $0x80, $0x38;
	[tilespmem:$0x17400] =	vst v63  }
0x433: {  	s17 =	simm.s32 $0x12300;
	s18 =	sld [smem:$0x7D0]  }
0x434: {  	[tilespmem:s17], [sflag:$0x2] =	stream.linear.gather [spmem:s16], $0x80, $0x38;
	[tilespmem:$0x17400] =	vst v63  }
0x435: {  	s22 =	simm.s32 $0x12400;
	s23 =	sld [smem:$0x7D1]  }
0x436: {  	[tilespmem:s22], [sflag:$0x2] =	stream.linear.gather [spmem:s18], $0x80, $0x38;
	[tilespmem:$0x17400] =	vst v63  }
0x437: {  	s15 =	sld [smem:$0x7D2];
	s25 =	simm.s32 $0x12500  }
0x438: {  	[tilespmem:s25], [sflag:$0x2] =	stream.linear.gather [spmem:s23], $0x80, $0x38;
	[tilespmem:$0x17400] =	vst v63  }
0x439: {  	s16 =	simm.s32 $0x12600;
	s17 =	sld [smem:$0x7D3]  }
0x43a: {  	[tilespmem:s16], [sflag:$0x2] =	stream.linear.gather [spmem:s15], $0x80, $0x38;
	[tilespmem:$0x17400] =	vst v63  }
0x43b: {  	s18 =	simm.s32 $0x12700  }
0x43c: {  	[tilespmem:s18], [sflag:$0x2] =	stream.linear.gather [spmem:s17], $0x80, $0x38;
	[tilespmem:$0x17400] =	vst v63  }
0x43d: {  	_ =	swait.ge [sflag:s28], $0x400  }
0x43e: {  	[sflag:s28] =	ssyncset.done $0x0  }
0x43f: {  	[sflag:s28] =	ssyncadd.s32 $0xFFFFFC00  }
0x440: {  	s22 =	simm.s32 $0x0;
	_ =	swait.ge [sflag:s4], $0x400  }
0x441: {  	s13 =	sand.u32 $0x700, s22;
	s23 =	sand.u32 $0x70, s22;
	[sflag:s4] =	ssyncset.done $0x0  }
0x442: {  	s13 =	sor.u32 s13, s23;
	[sflag:s4] =	ssyncadd.s32 $0xFFFFFC00  }
0x443: {  	v5 =	vld [tilespmem:s13+$0x12080]  }
0x444: {  	v6 =	vld [tilespmem:s13+$0x11880]  }
0x445: {  	s13 =	simm.s32 $0x12800  }
0x446: {  	v7 =	vld [tilespmem:s13+$0x0];
	_ =	sdelay $0x2  }
0x447: {  	v5 =	vmul.f32 v5, v6;
	_ =	sdelay $0x1  }
0x448: {  	s16 =	simm.s32 $0x10;
	s15 =	simm.s32 $0x20;
	v5 =	vadd.f32 v5, v7  }
0x449: {  	s16 =	sand.u32 $0x70, s16;
	s25 =	sand.u32 $0x700, s15  }
0x44a: {  	s17 =	sor.u32 s25, s16;
	s16 =	simm.s32 $0x20;
	[tilespmem:s13+$0x0] =	vst v5  }
.LBB2_61:
0x44b: {  	p2 =	sne.s32 s16, $0x3F0;
	v5 =	vld [tilespmem:s17+$0x12080]  }
0x44c: {  	v6 =	vld [tilespmem:s17+$0x11880]  }
0x44d: {  	s13 =	sadd.s32 $0x10, s13  }
0x44e: {  	v7 =	vld [tilespmem:s13+$0x0];
	_ =	sdelay $0x2  }
.Ltmp44:
0x44f: {  	v5 =	vmul.f32 v5, v6;
	(pc) =	sbr.rel @p2 .LBB2_61-.Ltmp44, $4  }
0x450: {  	_ = 	snop  }
0x451: {  	s15 =	sadd.s32 $0x20, s15;
	v5 =	vadd.f32 v5, v7  }
0x452: {  	s17 =	sand.u32 $0x70, s16;
	s18 =	sand.u32 $0x700, s15  }
0x453: {  	s16 =	sadd.s32 $0x10, s16;
	s17 =	sor.u32 s18, s17;
	[tilespmem:s13+$0x0] =	vst v5  }
0x454: {  	v5 =	vld [tilespmem:s17+$0x12080]  }
0x455: {  	v6 =	vld [tilespmem:s17+$0x11880]  }
0x456: {  	s13 =	sadd.s32 $0x10, s13  }
0x457: {  	v7 =	vld [tilespmem:s13+$0x0];
	_ =	sdelay $0x2  }
0x458: {  	v5 =	vmul.f32 v5, v6;
	_ =	sdelay $0x1  }
0x459: {  	s22 =	sld [smem:$0x788];
	v5 =	vadd.f32 v5, v7;
	_ =	sdelay $0x1  }
0x45a: {  	s15 =	simm.s32 $0x11880;
	s23 =	sld [smem:$0x7D4];
	[tilespmem:s13+$0x0] =	vst v5  }
0x45b: {  	[tilespmem:s15], [sflag:$0x1] =	stream.linear.gather [spmem:s22], $0x80, $0x38;
	[tilespmem:$0x17400] =	vst v63  }
0x45c: {  	s25 =	simm.s32 $0x11980;
	s16 =	sld [smem:$0x7D5]  }
0x45d: {  	[tilespmem:s25], [sflag:$0x1] =	stream.linear.gather [spmem:s23], $0x80, $0x38;
	[tilespmem:$0x17400] =	vst v63  }
0x45e: {  	s17 =	simm.s32 $0x11A80;
	s18 =	sld [smem:$0x7D6]  }
0x45f: {  	[tilespmem:s17], [sflag:$0x1] =	stream.linear.gather [spmem:s16], $0x80, $0x38;
	[tilespmem:$0x17400] =	vst v63  }
0x460: {  	s22 =	simm.s32 $0x11B80;
	s23 =	sld [smem:$0x7D7]  }
0x461: {  	[tilespmem:s22], [sflag:$0x1] =	stream.linear.gather [spmem:s18], $0x80, $0x38;
	[tilespmem:$0x17400] =	vst v63  }
0x462: {  	s25 =	simm.s32 $0x11C80;
	s16 =	sld [smem:$0x7D8]  }
0x463: {  	[tilespmem:s25], [sflag:$0x1] =	stream.linear.gather [spmem:s23], $0x80, $0x38;
	[tilespmem:$0x17400] =	vst v63  }
0x464: {  	s17 =	simm.s32 $0x11D80;
	s18 =	sld [smem:$0x7D9]  }
0x465: {  	[tilespmem:s17], [sflag:$0x1] =	stream.linear.gather [spmem:s16], $0x80, $0x38;
	[tilespmem:$0x17400] =	vst v63  }
0x466: {  	s22 =	simm.s32 $0x11E80;
	s23 =	sld [smem:$0x7DA]  }
0x467: {  	[tilespmem:s22], [sflag:$0x1] =	stream.linear.gather [spmem:s18], $0x80, $0x38;
	[tilespmem:$0x17400] =	vst v63  }
0x468: {  	s25 =	simm.s32 $0x11F80;
	s16 =	sld [smem:$0x789]  }
0x469: {  	[tilespmem:s25], [sflag:$0x1] =	stream.linear.gather [spmem:s23], $0x80, $0x38;
	[tilespmem:$0x17400] =	vst v63  }
0x46a: {  	s17 =	simm.s32 $0x12080;
	s18 =	sld [smem:$0x7DB]  }
0x46b: {  	[tilespmem:s17], [sflag:$0x2] =	stream.linear.gather [spmem:s16], $0x80, $0x38;
	[tilespmem:$0x17400] =	vst v63  }
0x46c: {  	s22 =	simm.s32 $0x12180;
	s23 =	sld [smem:$0x7DC]  }
0x46d: {  	[tilespmem:s22], [sflag:$0x2] =	stream.linear.gather [spmem:s18], $0x80, $0x38;
	[tilespmem:$0x17400] =	vst v63  }
0x46e: {  	s25 =	simm.s32 $0x12280;
	s16 =	sld [smem:$0x7DD]  }
0x46f: {  	[tilespmem:s25], [sflag:$0x2] =	stream.linear.gather [spmem:s23], $0x80, $0x38;
	[tilespmem:$0x17400] =	vst v63  }
0x470: {  	s17 =	simm.s32 $0x12380;
	s18 =	sld [smem:$0x7DE]  }
0x471: {  	[tilespmem:s17], [sflag:$0x2] =	stream.linear.gather [spmem:s16], $0x80, $0x38;
	[tilespmem:$0x17400] =	vst v63  }
0x472: {  	s22 =	simm.s32 $0x12480;
	s23 =	sld [smem:$0x7DF]  }
0x473: {  	[tilespmem:s22], [sflag:$0x2] =	stream.linear.gather [spmem:s18], $0x80, $0x38;
	[tilespmem:$0x17400] =	vst v63  }
0x474: {  	s15 =	sld [smem:$0x7E0];
	s25 =	simm.s32 $0x12580  }
0x475: {  	[tilespmem:s25], [sflag:$0x2] =	stream.linear.gather [spmem:s23], $0x80, $0x38;
	[tilespmem:$0x17400] =	vst v63  }
0x476: {  	s16 =	simm.s32 $0x12680;
	s17 =	sld [smem:$0x7E1]  }
0x477: {  	[tilespmem:s16], [sflag:$0x2] =	stream.linear.gather [spmem:s15], $0x80, $0x38;
	[tilespmem:$0x17400] =	vst v63  }
0x478: {  	s18 =	simm.s32 $0x12780  }
0x479: {  	[tilespmem:s18], [sflag:$0x2] =	stream.linear.gather [spmem:s17], $0x80, $0x38;
	[tilespmem:$0x17400] =	vst v63  }
0x47a: {  	_ =	swait.ge [sflag:s28], $0x400  }
0x47b: {  	[sflag:s28] =	ssyncset.done $0x0  }
0x47c: {  	[sflag:s28] =	ssyncadd.s32 $0xFFFFFC00  }
0x47d: {  	s22 =	simm.s32 $0x0;
	_ =	swait.ge [sflag:s4], $0x400  }
0x47e: {  	s13 =	sand.u32 $0x700, s22;
	s23 =	sand.u32 $0x70, s22;
	[sflag:s4] =	ssyncset.done $0x0  }
0x47f: {  	s13 =	sor.u32 s23, s13;
	[sflag:s4] =	ssyncadd.s32 $0xFFFFFC00  }
0x480: {  	v5 =	vld [tilespmem:s13+$0x12000]  }
0x481: {  	v6 =	vld [tilespmem:s13+$0x11800]  }
0x482: {  	s13 =	simm.s32 $0x12800  }
0x483: {  	v7 =	vld [tilespmem:s13+$0x0];
	_ =	sdelay $0x2  }
0x484: {  	v5 =	vmul.f32 v5, v6;
	_ =	sdelay $0x1  }
0x485: {  	s16 =	simm.s32 $0x10;
	s15 =	simm.s32 $0x20;
	v5 =	vadd.f32 v5, v7  }
0x486: {  	s16 =	sand.u32 $0x70, s16;
	s25 =	sand.u32 $0x700, s15  }
0x487: {  	s17 =	sor.u32 s16, s25;
	s16 =	simm.s32 $0x20;
	[tilespmem:s13+$0x0] =	vst v5  }
.LBB2_63:
0x488: {  	p2 =	sne.s32 s16, $0x3F0;
	v5 =	vld [tilespmem:s17+$0x12000]  }
0x489: {  	v6 =	vld [tilespmem:s17+$0x11800]  }
0x48a: {  	s13 =	sadd.s32 $0x10, s13  }
0x48b: {  	v7 =	vld [tilespmem:s13+$0x0];
	_ =	sdelay $0x2  }
.Ltmp45:
0x48c: {  	v5 =	vmul.f32 v5, v6;
	(pc) =	sbr.rel @p2 .LBB2_63-.Ltmp45, $4  }
0x48d: {  	_ = 	snop  }
0x48e: {  	s15 =	sadd.s32 $0x20, s15;
	v5 =	vadd.f32 v5, v7  }
0x48f: {  	s17 =	sand.u32 $0x70, s16;
	s18 =	sand.u32 $0x700, s15  }
0x490: {  	s16 =	sadd.s32 $0x10, s16;
	s17 =	sor.u32 s17, s18;
	[tilespmem:s13+$0x0] =	vst v5  }
0x491: {  	v5 =	vld [tilespmem:s17+$0x12000]  }
0x492: {  	v6 =	vld [tilespmem:s17+$0x11800]  }
0x493: {  	s13 =	sadd.s32 $0x10, s13  }
0x494: {  	v7 =	vld [tilespmem:s13+$0x0];
	_ =	sdelay $0x2  }
0x495: {  	v5 =	vmul.f32 v5, v6;
	_ =	sdelay $0x1  }
0x496: {  	s17 =	sld [smem:$0x78A];
	v5 =	vadd.f32 v5, v7;
	_ =	sdelay $0x1  }
0x497: {  	s18 =	sld [smem:$0x7E2];
	[tilespmem:s13+$0x0] =	vst v5  }
0x498: {  	[tilespmem:s20], [sflag:$0x1] =	stream.linear.gather [spmem:s17], $0x80, $0x38;
	[tilespmem:$0x17400] =	vst v63  }
0x499: {  	s20 =	sld [smem:$0x7E3]  }
0x49a: {  	[tilespmem:s21], [sflag:$0x1] =	stream.linear.gather [spmem:s18], $0x80, $0x38;
	[tilespmem:$0x17400] =	vst v63  }
0x49b: {  	s15 =	simm.s32 $0x11A00;
	s21 =	sld [smem:$0x7E4]  }
0x49c: {  	[tilespmem:s15], [sflag:$0x1] =	stream.linear.gather [spmem:s20], $0x80, $0x38;
	[tilespmem:$0x17400] =	vst v63  }
0x49d: {  	s22 =	simm.s32 $0x11B00;
	s23 =	sld [smem:$0x7E5]  }
0x49e: {  	[tilespmem:s22], [sflag:$0x1] =	stream.linear.gather [spmem:s21], $0x80, $0x38;
	[tilespmem:$0x17400] =	vst v63  }
0x49f: {  	s25 =	simm.s32 $0x11C00;
	s16 =	sld [smem:$0x7E6]  }
0x4a0: {  	[tilespmem:s25], [sflag:$0x1] =	stream.linear.gather [spmem:s23], $0x80, $0x38;
	[tilespmem:$0x17400] =	vst v63  }
0x4a1: {  	s17 =	simm.s32 $0x11D00;
	s18 =	sld [smem:$0x7E7]  }
0x4a2: {  	[tilespmem:s17], [sflag:$0x1] =	stream.linear.gather [spmem:s16], $0x80, $0x38;
	[tilespmem:$0x17400] =	vst v63  }
0x4a3: {  	s20 =	simm.s32 $0x11E00;
	s21 =	sld [smem:$0x7E8]  }
0x4a4: {  	[tilespmem:s20], [sflag:$0x1] =	stream.linear.gather [spmem:s18], $0x80, $0x38;
	[tilespmem:$0x17400] =	vst v63  }
0x4a5: {  	s22 =	simm.s32 $0x11F00;
	s23 =	sld [smem:$0x78B]  }
0x4a6: {  	[tilespmem:s22], [sflag:$0x1] =	stream.linear.gather [spmem:s21], $0x80, $0x38;
	[tilespmem:$0x17400] =	vst v63  }
0x4a7: {  	s25 =	simm.s32 $0x12000;
	s16 =	sld [smem:$0x7E9]  }
0x4a8: {  	[tilespmem:s25], [sflag:$0x2] =	stream.linear.gather [spmem:s23], $0x80, $0x38;
	[tilespmem:$0x17400] =	vst v63  }
0x4a9: {  	s17 =	simm.s32 $0x12100;
	s18 =	sld [smem:$0x7EA]  }
0x4aa: {  	[tilespmem:s17], [sflag:$0x2] =	stream.linear.gather [spmem:s16], $0x80, $0x38;
	[tilespmem:$0x17400] =	vst v63  }
0x4ab: {  	s20 =	simm.s32 $0x12200;
	s21 =	sld [smem:$0x7EB]  }
0x4ac: {  	[tilespmem:s20], [sflag:$0x2] =	stream.linear.gather [spmem:s18], $0x80, $0x38;
	[tilespmem:$0x17400] =	vst v63  }
0x4ad: {  	s22 =	simm.s32 $0x12300;
	s23 =	sld [smem:$0x7EC]  }
0x4ae: {  	[tilespmem:s22], [sflag:$0x2] =	stream.linear.gather [spmem:s21], $0x80, $0x38;
	[tilespmem:$0x17400] =	vst v63  }
0x4af: {  	s15 =	sld [smem:$0x7ED];
	s25 =	simm.s32 $0x12400  }
0x4b0: {  	[tilespmem:s25], [sflag:$0x2] =	stream.linear.gather [spmem:s23], $0x80, $0x38;
	[tilespmem:$0x17400] =	vst v63  }
0x4b1: {  	s16 =	simm.s32 $0x12500;
	s17 =	sld [smem:$0x7EE]  }
0x4b2: {  	[tilespmem:s16], [sflag:$0x2] =	stream.linear.gather [spmem:s15], $0x80, $0x38;
	[tilespmem:$0x17400] =	vst v63  }
0x4b3: {  	s18 =	simm.s32 $0x12600;
	s20 =	sld [smem:$0x7EF]  }
0x4b4: {  	[tilespmem:s18], [sflag:$0x2] =	stream.linear.gather [spmem:s17], $0x80, $0x38;
	[tilespmem:$0x17400] =	vst v63  }
0x4b5: {  	s21 =	simm.s32 $0x12700  }
0x4b6: {  	[tilespmem:s21], [sflag:$0x2] =	stream.linear.gather [spmem:s20], $0x80, $0x38;
	[tilespmem:$0x17400] =	vst v63  }
0x4b7: {  	_ =	swait.ge [sflag:s28], $0x400  }
0x4b8: {  	[sflag:s28] =	ssyncset.done $0x0  }
0x4b9: {  	[sflag:s28] =	ssyncadd.s32 $0xFFFFFC00  }
0x4ba: {  	s22 =	simm.s32 $0x0;
	_ =	swait.ge [sflag:s4], $0x400  }
0x4bb: {  	s13 =	sand.u32 $0x700, s22;
	s23 =	sand.u32 $0x70, s22;
	[sflag:s4] =	ssyncset.done $0x0  }
0x4bc: {  	s13 =	sor.u32 s13, s23;
	[sflag:s4] =	ssyncadd.s32 $0xFFFFFC00  }
0x4bd: {  	v5 =	vld [tilespmem:s13+$0x12080]  }
0x4be: {  	v6 =	vld [tilespmem:s13+$0x11880]  }
0x4bf: {  	s13 =	simm.s32 $0x12800  }
0x4c0: {  	v7 =	vld [tilespmem:s13+$0x0];
	_ =	sdelay $0x2  }
0x4c1: {  	v5 =	vmul.f32 v5, v6;
	_ =	sdelay $0x1  }
0x4c2: {  	s16 =	simm.s32 $0x10;
	s15 =	simm.s32 $0x20;
	v5 =	vadd.f32 v5, v7  }
0x4c3: {  	s16 =	sand.u32 $0x70, s16;
	s25 =	sand.u32 $0x700, s15  }
0x4c4: {  	s17 =	sor.u32 s25, s16;
	s16 =	simm.s32 $0x20;
	[tilespmem:s13+$0x0] =	vst v5  }
.LBB2_65:
0x4c5: {  	p2 =	sne.s32 s16, $0x3F0;
	v5 =	vld [tilespmem:s17+$0x12080]  }
0x4c6: {  	v6 =	vld [tilespmem:s17+$0x11880]  }
0x4c7: {  	s13 =	sadd.s32 $0x10, s13  }
0x4c8: {  	v7 =	vld [tilespmem:s13+$0x0];
	_ =	sdelay $0x2  }
.Ltmp46:
0x4c9: {  	v5 =	vmul.f32 v5, v6;
	(pc) =	sbr.rel @p2 .LBB2_65-.Ltmp46, $4  }
0x4ca: {  	_ = 	snop  }
0x4cb: {  	s15 =	sadd.s32 $0x20, s15;
	v5 =	vadd.f32 v5, v7  }
0x4cc: {  	s17 =	sand.u32 $0x70, s16;
	s18 =	sand.u32 $0x700, s15  }
0x4cd: {  	s16 =	sadd.s32 $0x10, s16;
	s17 =	sor.u32 s18, s17;
	[tilespmem:s13+$0x0] =	vst v5  }
0x4ce: {  	v5 =	vld [tilespmem:s17+$0x12080]  }
0x4cf: {  	v6 =	vld [tilespmem:s17+$0x11880]  }
0x4d0: {  	s13 =	sadd.s32 $0x10, s13  }
0x4d1: {  	v7 =	vld [tilespmem:s13+$0x0];
	_ =	sdelay $0x2  }
0x4d2: {  	v5 =	vmul.f32 v5, v6;
	_ =	sdelay $0x1  }
0x4d3: {  	s25 =	sld [smem:$0x78C];
	v5 =	vadd.f32 v5, v7;
	_ =	sdelay $0x1  }
0x4d4: {  	s15 =	simm.s32 $0x11880;
	s16 =	sld [smem:$0x7F0];
	[tilespmem:s13+$0x0] =	vst v5  }
0x4d5: {  	[tilespmem:s15], [sflag:$0x1] =	stream.linear.gather [spmem:s25], $0x80, $0x38;
	[tilespmem:$0x17400] =	vst v63  }
0x4d6: {  	s17 =	simm.s32 $0x11980;
	s18 =	sld [smem:$0x7F1]  }
0x4d7: {  	[tilespmem:s17], [sflag:$0x1] =	stream.linear.gather [spmem:s16], $0x80, $0x38;
	[tilespmem:$0x17400] =	vst v63  }
0x4d8: {  	s20 =	simm.s32 $0x11A80;
	s21 =	sld [smem:$0x7F2]  }
0x4d9: {  	[tilespmem:s20], [sflag:$0x1] =	stream.linear.gather [spmem:s18], $0x80, $0x38;
	[tilespmem:$0x17400] =	vst v63  }
0x4da: {  	s22 =	simm.s32 $0x11B80;
	s23 =	sld [smem:$0x7F3]  }
0x4db: {  	[tilespmem:s22], [sflag:$0x1] =	stream.linear.gather [spmem:s21], $0x80, $0x38;
	[tilespmem:$0x17400] =	vst v63  }
0x4dc: {  	s25 =	simm.s32 $0x11C80;
	s16 =	sld [smem:$0x7F4]  }
0x4dd: {  	[tilespmem:s25], [sflag:$0x1] =	stream.linear.gather [spmem:s23], $0x80, $0x38;
	[tilespmem:$0x17400] =	vst v63  }
0x4de: {  	s17 =	simm.s32 $0x11D80;
	s18 =	sld [smem:$0x7F5]  }
0x4df: {  	[tilespmem:s17], [sflag:$0x1] =	stream.linear.gather [spmem:s16], $0x80, $0x38;
	[tilespmem:$0x17400] =	vst v63  }
0x4e0: {  	s20 =	simm.s32 $0x11E80;
	s21 =	sld [smem:$0x7F6]  }
0x4e1: {  	[tilespmem:s20], [sflag:$0x1] =	stream.linear.gather [spmem:s18], $0x80, $0x38;
	[tilespmem:$0x17400] =	vst v63  }
0x4e2: {  	s22 =	simm.s32 $0x11F80;
	s23 =	sld [smem:$0x78D]  }
0x4e3: {  	[tilespmem:s22], [sflag:$0x1] =	stream.linear.gather [spmem:s21], $0x80, $0x38;
	[tilespmem:$0x17400] =	vst v63  }
0x4e4: {  	s25 =	simm.s32 $0x12080;
	s16 =	sld [smem:$0x7F7]  }
0x4e5: {  	[tilespmem:s25], [sflag:$0x2] =	stream.linear.gather [spmem:s23], $0x80, $0x38;
	[tilespmem:$0x17400] =	vst v63  }
0x4e6: {  	s17 =	simm.s32 $0x12180;
	s18 =	sld [smem:$0x7F8]  }
0x4e7: {  	[tilespmem:s17], [sflag:$0x2] =	stream.linear.gather [spmem:s16], $0x80, $0x38;
	[tilespmem:$0x17400] =	vst v63  }
0x4e8: {  	s20 =	simm.s32 $0x12280;
	s21 =	sld [smem:$0x7F9]  }
0x4e9: {  	[tilespmem:s20], [sflag:$0x2] =	stream.linear.gather [spmem:s18], $0x80, $0x38;
	[tilespmem:$0x17400] =	vst v63  }
0x4ea: {  	s22 =	simm.s32 $0x12380;
	s23 =	sld [smem:$0x7FA]  }
0x4eb: {  	[tilespmem:s22], [sflag:$0x2] =	stream.linear.gather [spmem:s21], $0x80, $0x38;
	[tilespmem:$0x17400] =	vst v63  }
0x4ec: {  	s15 =	sld [smem:$0x7FB];
	s25 =	simm.s32 $0x12480  }
0x4ed: {  	[tilespmem:s25], [sflag:$0x2] =	stream.linear.gather [spmem:s23], $0x80, $0x38;
	[tilespmem:$0x17400] =	vst v63  }
0x4ee: {  	s16 =	simm.s32 $0x12580;
	s17 =	sld [smem:$0x7FC]  }
0x4ef: {  	[tilespmem:s16], [sflag:$0x2] =	stream.linear.gather [spmem:s15], $0x80, $0x38;
	[tilespmem:$0x17400] =	vst v63  }
0x4f0: {  	s18 =	simm.s32 $0x12680;
	s20 =	sld [smem:$0x7FD]  }
0x4f1: {  	[tilespmem:s18], [sflag:$0x2] =	stream.linear.gather [spmem:s17], $0x80, $0x38;
	[tilespmem:$0x17400] =	vst v63  }
0x4f2: {  	s21 =	simm.s32 $0x12780  }
0x4f3: {  	[tilespmem:s21], [sflag:$0x2] =	stream.linear.gather [spmem:s20], $0x80, $0x38;
	[tilespmem:$0x17400] =	vst v63  }
0x4f4: {  	_ =	swait.ge [sflag:s28], $0x400  }
0x4f5: {  	[sflag:s28] =	ssyncset.done $0x0  }
0x4f6: {  	[sflag:s28] =	ssyncadd.s32 $0xFFFFFC00  }
0x4f7: {  	s22 =	simm.s32 $0x0;
	_ =	swait.ge [sflag:s4], $0x400  }
0x4f8: {  	s13 =	sand.u32 $0x700, s22;
	s23 =	sand.u32 $0x70, s22;
	[sflag:s4] =	ssyncset.done $0x0  }
0x4f9: {  	s13 =	sor.u32 s23, s13;
	[sflag:s4] =	ssyncadd.s32 $0xFFFFFC00  }
0x4fa: {  	v5 =	vld [tilespmem:s13+$0x12000]  }
0x4fb: {  	v6 =	vld [tilespmem:s13+$0x11800]  }
0x4fc: {  	s13 =	simm.s32 $0x12800  }
0x4fd: {  	v7 =	vld [tilespmem:s13+$0x0];
	_ =	sdelay $0x2  }
0x4fe: {  	v5 =	vmul.f32 v5, v6;
	_ =	sdelay $0x1  }
0x4ff: {  	s16 =	simm.s32 $0x10;
	s15 =	simm.s32 $0x20;
	v5 =	vadd.f32 v5, v7  }
0x500: {  	s16 =	sand.u32 $0x70, s16;
	s25 =	sand.u32 $0x700, s15  }
0x501: {  	s17 =	sor.u32 s16, s25;
	s16 =	simm.s32 $0x20;
	[tilespmem:s13+$0x0] =	vst v5  }
.LBB2_67:
0x502: {  	p2 =	sne.s32 s16, $0x3F0;
	v5 =	vld [tilespmem:s17+$0x12000]  }
0x503: {  	v6 =	vld [tilespmem:s17+$0x11800]  }
0x504: {  	s13 =	sadd.s32 $0x10, s13  }
0x505: {  	v7 =	vld [tilespmem:s13+$0x0];
	_ =	sdelay $0x2  }
.Ltmp47:
0x506: {  	v5 =	vmul.f32 v5, v6;
	(pc) =	sbr.rel @p2 .LBB2_67-.Ltmp47, $4  }
0x507: {  	_ = 	snop  }
0x508: {  	s15 =	sadd.s32 $0x20, s15;
	v5 =	vadd.f32 v5, v7  }
0x509: {  	s17 =	sand.u32 $0x70, s16;
	s18 =	sand.u32 $0x700, s15  }
0x50a: {  	s16 =	sadd.s32 $0x10, s16;
	s17 =	sor.u32 s17, s18;
	[tilespmem:s13+$0x0] =	vst v5  }
0x50b: {  	v5 =	vld [tilespmem:s17+$0x12000]  }
0x50c: {  	v6 =	vld [tilespmem:s17+$0x11800]  }
0x50d: {  	s13 =	sadd.s32 $0x10, s13  }
0x50e: {  	v7 =	vld [tilespmem:s13+$0x0];
	_ =	sdelay $0x2  }
0x50f: {  	v5 =	vmul.f32 v5, v6;
	_ =	sdelay $0x1  }
0x510: {  	v5 =	vadd.f32 v5, v7;
	_ =	sdelay $0x1  }
0x511: {  	[tilespmem:s13+$0x0] =	vst v5  }
0x512: {  	_ =	swait.ge [sflag:s28], $0x400  }
0x513: {  	[sflag:s28] =	ssyncset.done $0x0  }
0x514: {  	[sflag:s28] =	ssyncadd.s32 $0xFFFFFC00  }
0x515: {  	s23 =	simm.s32 $0x0;
	_ =	swait.ge [sflag:s4], $0x400  }
0x516: {  	s15 =	sand.u32 $0x70, s23;
	s13 =	sand.u32 $0x700, s23;
	[sflag:s4] =	ssyncset.done $0x0  }
0x517: {  	s13 =	sor.u32 s13, s15;
	[sflag:s4] =	ssyncadd.s32 $0xFFFFFC00  }
0x518: {  	v5 =	vld [tilespmem:s13+$0x12080]  }
0x519: {  	v6 =	vld [tilespmem:s13+$0x11880]  }
0x51a: {  	s13 =	simm.s32 $0x12800  }
0x51b: {  	v7 =	vld [tilespmem:s13+$0x0];
	_ =	sdelay $0x2  }
0x51c: {  	v5 =	vmul.f32 v5, v6;
	_ =	sdelay $0x1  }
0x51d: {  	s16 =	simm.s32 $0x10;
	s15 =	simm.s32 $0x20;
	v5 =	vadd.f32 v5, v7  }
0x51e: {  	s16 =	sand.u32 $0x70, s16;
	s25 =	sand.u32 $0x700, s15  }
0x51f: {  	s17 =	sor.u32 s25, s16;
	s16 =	simm.s32 $0x20;
	[tilespmem:s13+$0x0] =	vst v5  }
.LBB2_69:
0x520: {  	p2 =	sne.s32 s16, $0x3F0;
	v5 =	vld [tilespmem:s17+$0x12080]  }
0x521: {  	v6 =	vld [tilespmem:s17+$0x11880]  }
0x522: {  	s13 =	sadd.s32 $0x10, s13  }
0x523: {  	v7 =	vld [tilespmem:s13+$0x0];
	_ =	sdelay $0x2  }
.Ltmp48:
0x524: {  	v5 =	vmul.f32 v5, v6;
	(pc) =	sbr.rel @p2 .LBB2_69-.Ltmp48, $4  }
0x525: {  	_ = 	snop  }
0x526: {  	s15 =	sadd.s32 $0x20, s15;
	v5 =	vadd.f32 v5, v7  }
0x527: {  	s17 =	sand.u32 $0x70, s16;
	s18 =	sand.u32 $0x700, s15  }
0x528: {  	s16 =	sadd.s32 $0x10, s16;
	s17 =	sor.u32 s18, s17;
	[tilespmem:s13+$0x0] =	vst v5  }
0x529: {  	v5 =	vld [tilespmem:s17+$0x12080]  }
0x52a: {  	v6 =	vld [tilespmem:s17+$0x11880]  }
0x52b: {  	s13 =	sadd.s32 $0x10, s13  }
0x52c: {  	v7 =	vld [tilespmem:s13+$0x0];
	_ =	sdelay $0x2  }
0x52d: {  	v5 =	vmul.f32 v5, v6;
	_ =	sdelay $0x1  }
0x52e: {  	v5 =	vadd.f32 v5, v7;
	_ =	sdelay $0x1  }
0x52f: {  	s22 =	rddreg [dreg:$0x16];
	s15 =	simm.s32 $0x12800;
	[tilespmem:s13+$0x0] =	vst v5  }
0x530: {  	[hbm4b:s22+s6] =	stream.linear.scatter [tilespmem:s15], [sflag:$0x3], $0x400, $0x38;
	[tilespmem:$0x17400] =	vst v63  }
0x531: {  	_ =	swait.ge [sflag:s19], $0x400  }
0x532: {  	s23 =	sld [smem:$0x786];
	_ =	sdelay $0x2  }
0x533: {  	s25 =	rddreg [dreg:$0x17];
	s15 =	sadd.s32 $0x1, s23  }
0x534: {  	p2 =	sne.s32 s15, s25  }
.Ltmp49:
0x535: {  	_ = 	snop;
	(pc) =	sbr.rel @p2 .LBB2_1-.Ltmp49, $3  }
0x536: {  	_ =	sdelay $0x1  }
0x537: {  	[sflag:s19] =	ssyncset.done $0x0  }
0x538: {  	[sflag:s19] =	ssyncadd.s32 $0xFFFFFC00  }
0x539: {  	_ =	sfence.sel $0x180000  }
0x53a: {  	[bflag:$0x0] =	sbarrier.arrive $0xFFFF  }
0x53b: {  	_ =	strace $0x90000047  }
0x53c: {  	s0 =	stileid.u32;
	[bflag:$0x2] =	sbarrier.arrive $0xFFFF  }
0x53d: {  	p0 =	sne.s32 s0, $0x0;
	s0 =	rddreg [dreg:$0x7]  }
0x53e: {  	s0 =	sadd.s32 @!p0 $0x100000, s0  }
0x53f: {  	[sflag:s0] =	ssyncadd.tile.s32 @!p0 $0x1;
	_ =	shalt  }
.Lfunc_end2:
_tile_overlayer_lowered:
.L_overlay_start_2:
0x540: {  	(tag) =	ssettag $0x2  }
0x541: {  	s0 =	rddreg [dreg:$0x0];
	s2 =	stileid.u32  }
0x542: {  	s1 =	rddreg [dreg:$0x1];
	p0 =	sne.s32 s2, $0x0  }
0x543: {  	s3 =	rddreg [dreg:$0x2];
	[bflag:$0x3] =	sbarrier.arrive $0xFFFF;
	s2 =	simm.s32 @!p0 $0x1C03  }
0x544: {  	[timem:s3], [sflag:s2] =	dma.local @!p0 [hbm:s0], s1  }
0x545: {  	s0 =	simm.s32 @!p0 $0x3  }
0x546: {  	_ =	swait.ge @!p0 [sflag:s0], s1  }
0x547: {  	s1 =	ssub.s32 @!p0 $0x0, s1;
	[sflag:s0] =	ssyncset.done @!p0 $0x0  }
0x548: {  	[sflag:s0] =	ssyncadd.s32 @!p0 s1  }
0x549: {  	[bflag:$0x3] =	sbarrier.arrive $0xFFFF  }
0x54a: {  	_ =	shalt  }

</sc_bundles>
